<compile_context>
chip_gen: v7x
topology: tpu7x:2x2x1
jax: 0.10.2.dev20260603
libtpu: 0.0.44.dev20260713+nightly
codegen_flags: <defaults>
</compile_context>

<pallas_src>
import functools

import jax
import jax.numpy as jnp
from jax import lax
from jax.experimental import pallas as pl
from jax.experimental.pallas import tpu as pltpu
from jax.experimental.pallas import tpu_sc as plsc

CHUNK = 128
NBUF = 6
LAG = 2


@functools.lru_cache(maxsize=None)
def _make_kernel(n, v, d):
    info = plsc.get_sparse_core_info()
    nc, ns = info.num_cores, info.num_subcores
    nw = nc * ns
    assert n % 8 == 0 and n >= CHUNK and d % 16 == 0
    n_chunks = -(-n // CHUNK)
    trips = -(-n_chunks // nw)
    vrows = -(-v // ns)
    mesh = plsc.VectorSubcoreMesh(core_axis_name="c", subcore_axis_name="s")

    @functools.partial(
        pl.kernel,
        out_type=jax.ShapeDtypeStruct((n, d), jnp.float32),
        mesh=mesh,
        scratch_types=[
            pltpu.VMEM((v, d), jnp.float32),
            pltpu.VMEM((NBUF, CHUNK), jnp.int32),
            pltpu.VMEM((NBUF, CHUNK, d), jnp.float32),
            pltpu.VMEM_SHARED((v, d), jnp.float32),
            pltpu.SemaphoreType.DMA,
            [pltpu.SemaphoreType.DMA] * NBUF,
            [pltpu.SemaphoreType.DMA] * NBUF,
            [pltpu.SemaphoreType.DMA] * NBUF,
        ],
    )
    def gather_kernel(w_hbm, idx_hbm, out_hbm, tab_v, idx_v, rows_v,
                      spm_tab, tsem, isems, gsems, osems):
        sid = lax.axis_index("s")
        wid = sid * nc + lax.axis_index("c")

        def base(t):
            j = wid + t * nw
            if (t + 1) * nw > n_chunks:
                j = jnp.where(j < n_chunks, j, wid)
            b = j * CHUNK
            if n % CHUNK != 0:
                b = jnp.minimum(b, n - CHUNK)
            return pl.multiple_of(b, 8)

        def start_i(t):
            b = t % NBUF
            return pltpu.async_copy(
                idx_hbm.at[pl.ds(base(t), CHUNK)], idx_v.at[b], isems[b])

        def start_g(t):
            b = t % NBUF
            return pltpu.async_copy(
                spm_tab.at[idx_v.at[b]], rows_v.at[b], gsems[b])

        def start_o(t):
            b = t % NBUF
            return pltpu.async_copy(
                rows_v.at[b], out_hbm.at[pl.ds(base(t), CHUNK)], osems[b])

        icopies = [start_i(t) for t in range(min(NBUF, trips))]
        tcopy = pltpu.async_copy(w_hbm, tab_v, tsem)
        r0 = jnp.minimum(sid * vrows, v - vrows)
        tcopy.wait()
        for r in range(vrows):
            rr = r0 + r
            for c in range(0, d, 16):
                x = tab_v[rr, pl.ds(c, 16)]
                tab_v[rr, pl.ds(c, 16)] = x / (1.0 + jnp.exp(-x))
        pltpu.sync_copy(tab_v.at[pl.ds(r0, vrows)],
                        spm_tab.at[pl.ds(r0, vrows)])
        plsc.subcore_barrier()

        gcopies = [None] * trips
        ocopies = [None] * trips
        for t in range(trips):
            if t >= NBUF:
                ocopies[t - NBUF].wait()
            icopies[t].wait()
            gcopies[t] = start_g(t)
            if t >= LAG:
                gcopies[t - LAG].wait()
                ocopies[t - LAG] = start_o(t - LAG)
                if t - LAG + NBUF < trips:
                    icopies.append(start_i(t - LAG + NBUF))
        for t in range(max(0, trips - LAG), trips):
            gcopies[t].wait()
            ocopies[t] = start_o(t)
        for t in range(max(0, trips - NBUF), trips):
            ocopies[t].wait()

    return gather_kernel


def kernel(x, emb_weight):
    idx = x.astype(jnp.int32)
    v, d = emb_weight.shape
    return _make_kernel(idx.shape[0], v, d)(emb_weight, idx)

# --- scband reference (transcript-rebuilt; emitter-appended) ---
"""Pipeline reference for scband-embedding-block-46394236731776 (READ-ONLY COPY).

The authoritative reference and input builder live on the scoring server;
editing this copy changes nothing except your own understanding.
"""

import jax, jax.numpy as jnp
import numpy as np
import math

HIDDEN = 128
VOCAB = 55
N = 100000

def setup_inputs(seed: int = 0) -> dict:
    key = jax.random.key(seed)
    k1, k2 = jax.random.split(key)
    x = jax.random.randint(k1, (N,), 0, VOCAB, dtype=jnp.int64)
    s = math.sqrt(3.0)
    emb_weight = jax.random.uniform(k2, (VOCAB, HIDDEN), dtype=jnp.float32, minval=-s, maxval=s)
    return {"x": x, "emb_weight": emb_weight}

def swish(x):
    return x * jax.nn.sigmoid(x)

def reference(x, emb_weight):
    # embedding lookup (gather) followed by swish activation
    h = jnp.take(emb_weight, x, axis=0)
    return swish(h)

if __name__ == "__main__":
    import jax
    _d = setup_inputs()
    print(jax.jit(kernel)(*tuple(_d.values())))

</pallas_src>

<mosaic_0001>
#map = affine_map<(d0, d1) -> (0, 0)>
#map1 = affine_map<(d0, d1) -> (0)>
module attributes {stable_mosaic.version = 14 : i64} {
  func.func @gather_kernel(%arg0: i32, %arg1: i32, %arg2: memref<55x128xf32, #tpu.memory_space<hbm>>, %arg3: memref<100000xi32, #tpu.memory_space<hbm>>, %arg4: memref<100000x128xf32, #tpu.memory_space<hbm>>, %arg5: memref<55x128xf32, #tpu.memory_space<vmem>>, %arg6: memref<6x128xi32, #tpu.memory_space<vmem>>, %arg7: memref<6x128x128xf32, #tpu.memory_space<vmem>>, %arg8: memref<55x128xf32, #tpu.memory_space<vmem_shared>>, %arg9: memref<!tpu.dma_semaphore, #tpu.memory_space<semaphore_mem>>, %arg10: memref<!tpu.dma_semaphore, #tpu.memory_space<semaphore_mem>>, %arg11: memref<!tpu.dma_semaphore, #tpu.memory_space<semaphore_mem>>, %arg12: memref<!tpu.dma_semaphore, #tpu.memory_space<semaphore_mem>>, %arg13: memref<!tpu.dma_semaphore, #tpu.memory_space<semaphore_mem>>, %arg14: memref<!tpu.dma_semaphore, #tpu.memory_space<semaphore_mem>>, %arg15: memref<!tpu.dma_semaphore, #tpu.memory_space<semaphore_mem>>, %arg16: memref<!tpu.dma_semaphore, #tpu.memory_space<semaphore_mem>>, %arg17: memref<!tpu.dma_semaphore, #tpu.memory_space<semaphore_mem>>, %arg18: memref<!tpu.dma_semaphore, #tpu.memory_space<semaphore_mem>>, %arg19: memref<!tpu.dma_semaphore, #tpu.memory_space<semaphore_mem>>, %arg20: memref<!tpu.dma_semaphore, #tpu.memory_space<semaphore_mem>>, %arg21: memref<!tpu.dma_semaphore, #tpu.memory_space<semaphore_mem>>, %arg22: memref<!tpu.dma_semaphore, #tpu.memory_space<semaphore_mem>>, %arg23: memref<!tpu.dma_semaphore, #tpu.memory_space<semaphore_mem>>, %arg24: memref<!tpu.dma_semaphore, #tpu.memory_space<semaphore_mem>>, %arg25: memref<!tpu.dma_semaphore, #tpu.memory_space<semaphore_mem>>, %arg26: memref<!tpu.dma_semaphore, #tpu.memory_space<semaphore_mem>>, %arg27: memref<!tpu.dma_semaphore, #tpu.memory_space<semaphore_mem>>) attributes {dimension_semantics = [#tpu.dimension_semantics<core_parallel>, #tpu.dimension_semantics<subcore_parallel>], iteration_bounds = array<i64: 2, 16>, scalar_prefetch = 0 : i64, scratch_operands = 23 : i64, tpu.core_type = #tpu.core_type<sc_vector_subcore>, window_params = [{transform_indices = #map}, {transform_indices = #map1}, {transform_indices = #map}]} {
    %mul3A = arith.constant 2 : i32
    %mul3A_0 = arith.muli %arg1, %mul3A : i32
    %add3A = arith.addi %mul3A_0, %arg0 : i32
    %add3A_1 = arith.constant 0 : i32
    %add3A_2 = arith.addi %add3A, %add3A_1 : i32
    %mul3A_3 = arith.constant 128 : i32
    %mul3A_4 = arith.muli %add3A_2, %mul3A_3 : i32
    %min3A = arith.constant 99872 : i32
    %min3A_5 = arith.minsi %mul3A_4, %min3A : i32
    %multiple_of3A = tpu.assume_multiple %min3A_5, 8 : i32
    %dma_start3A = arith.constant 0 : i32
    %dma_start3A_6 = arith.constant 0 : i32
    %dma_start3A_7 = tpu.memref_slice %arg6[%dma_start3A, %dma_start3A_6] : memref<6x128xi32, #tpu.memory_space<vmem>> -> memref<1x128xi32, #tpu.memory_space<vmem>>
    %dma_start3A_8 = tpu.memref_squeeze %dma_start3A_7 : memref<1x128xi32, #tpu.memory_space<vmem>> -> memref<128xi32, #tpu.memory_space<vmem>>
    %dma_start3A_9 = tpu.memref_slice %arg3[%multiple_of3A] : memref<100000xi32, #tpu.memory_space<hbm>> -> memref<128xi32, #tpu.memory_space<hbm>>
    %dma_start3A_10 = arith.constant 0 : i32
    %dma_start3A_11 = tpu.memref_slice %arg6[%dma_start3A, %dma_start3A_10] : memref<6x128xi32, #tpu.memory_space<vmem>> -> memref<1x128xi32, #tpu.memory_space<vmem>>
    %dma_start3A_12 = tpu.memref_squeeze %dma_start3A_11 : memref<1x128xi32, #tpu.memory_space<vmem>> -> memref<128xi32, #tpu.memory_space<vmem>>
    %dma_start3A_13 = tpu.memref_slice %arg3[%multiple_of3A] : memref<100000xi32, #tpu.memory_space<hbm>> -> memref<128xi32, #tpu.memory_space<hbm>>
    tpu.enqueue_dma source(%dma_start3A_13 : memref<128xi32, #tpu.memory_space<hbm>>) target(%dma_start3A_12 : memref<128xi32, #tpu.memory_space<vmem>>) target_semaphore(%arg10 : memref<!tpu.dma_semaphore, #tpu.memory_space<semaphore_mem>>)
    %add3A_14 = arith.constant 32 : i32
    %add3A_15 = arith.addi %add3A, %add3A_14 : i32
    %mul3A_16 = arith.constant 128 : i32
    %mul3A_17 = arith.muli %add3A_15, %mul3A_16 : i32
    %min3A_18 = arith.constant 99872 : i32
    %min3A_19 = arith.minsi %mul3A_17, %min3A_18 : i32
    %multiple_of3A_20 = tpu.assume_multiple %min3A_19, 8 : i32
    %dma_start3A_21 = arith.constant 1 : i32
    %dma_start3A_22 = arith.constant 0 : i32
    %dma_start3A_23 = tpu.memref_slice %arg6[%dma_start3A_21, %dma_start3A_22] : memref<6x128xi32, #tpu.memory_space<vmem>> -> memref<1x128xi32, #tpu.memory_space<vmem>>
    %dma_start3A_24 = tpu.memref_squeeze %dma_start3A_23 : memref<1x128xi32, #tpu.memory_space<vmem>> -> memref<128xi32, #tpu.memory_space<vmem>>
    %dma_start3A_25 = tpu.memref_slice %arg3[%multiple_of3A_20] : memref<100000xi32, #tpu.memory_space<hbm>> -> memref<128xi32, #tpu.memory_space<hbm>>
    %dma_start3A_26 = arith.constant 0 : i32
    %dma_start3A_27 = tpu.memref_slice %arg6[%dma_start3A_21, %dma_start3A_26] : memref<6x128xi32, #tpu.memory_space<vmem>> -> memref<1x128xi32, #tpu.memory_space<vmem>>
    %dma_start3A_28 = tpu.memref_squeeze %dma_start3A_27 : memref<1x128xi32, #tpu.memory_space<vmem>> -> memref<128xi32, #tpu.memory_space<vmem>>
    %dma_start3A_29 = tpu.memref_slice %arg3[%multiple_of3A_20] : memref<100000xi32, #tpu.memory_space<hbm>> -> memref<128xi32, #tpu.memory_space<hbm>>
    tpu.enqueue_dma source(%dma_start3A_29 : memref<128xi32, #tpu.memory_space<hbm>>) target(%dma_start3A_28 : memref<128xi32, #tpu.memory_space<vmem>>) target_semaphore(%arg11 : memref<!tpu.dma_semaphore, #tpu.memory_space<semaphore_mem>>)
    %add3A_30 = arith.constant 64 : i32
    %add3A_31 = arith.addi %add3A, %add3A_30 : i32
    %mul3A_32 = arith.constant 128 : i32
    %mul3A_33 = arith.muli %add3A_31, %mul3A_32 : i32
    %min3A_34 = arith.constant 99872 : i32
    %min3A_35 = arith.minsi %mul3A_33, %min3A_34 : i32
    %multiple_of3A_36 = tpu.assume_multiple %min3A_35, 8 : i32
    %dma_start3A_37 = arith.constant 2 : i32
    %dma_start3A_38 = arith.constant 0 : i32
    %dma_start3A_39 = tpu.memref_slice %arg6[%dma_start3A_37, %dma_start3A_38] : memref<6x128xi32, #tpu.memory_space<vmem>> -> memref<1x128xi32, #tpu.memory_space<vmem>>
    %dma_start3A_40 = tpu.memref_squeeze %dma_start3A_39 : memref<1x128xi32, #tpu.memory_space<vmem>> -> memref<128xi32, #tpu.memory_space<vmem>>
    %dma_start3A_41 = tpu.memref_slice %arg3[%multiple_of3A_36] : memref<100000xi32, #tpu.memory_space<hbm>> -> memref<128xi32, #tpu.memory_space<hbm>>
    %dma_start3A_42 = arith.constant 0 : i32
    %dma_start3A_43 = tpu.memref_slice %arg6[%dma_start3A_37, %dma_start3A_42] : memref<6x128xi32, #tpu.memory_space<vmem>> -> memref<1x128xi32, #tpu.memory_space<vmem>>
    %dma_start3A_44 = tpu.memref_squeeze %dma_start3A_43 : memref<1x128xi32, #tpu.memory_space<vmem>> -> memref<128xi32, #tpu.memory_space<vmem>>
    %dma_start3A_45 = tpu.memref_slice %arg3[%multiple_of3A_36] : memref<100000xi32, #tpu.memory_space<hbm>> -> memref<128xi32, #tpu.memory_space<hbm>>
    tpu.enqueue_dma source(%dma_start3A_45 : memref<128xi32, #tpu.memory_space<hbm>>) target(%dma_start3A_44 : memref<128xi32, #tpu.memory_space<vmem>>) target_semaphore(%arg12 : memref<!tpu.dma_semaphore, #tpu.memory_space<semaphore_mem>>)
    %add3A_46 = arith.constant 96 : i32
    %add3A_47 = arith.addi %add3A, %add3A_46 : i32
    %mul3A_48 = arith.constant 128 : i32
    %mul3A_49 = arith.muli %add3A_47, %mul3A_48 : i32
    %min3A_50 = arith.constant 99872 : i32
    %min3A_51 = arith.minsi %mul3A_49, %min3A_50 : i32
    %multiple_of3A_52 = tpu.assume_multiple %min3A_51, 8 : i32
    %dma_start3A_53 = arith.constant 3 : i32
    %dma_start3A_54 = arith.constant 0 : i32
    %dma_start3A_55 = tpu.memref_slice %arg6[%dma_start3A_53, %dma_start3A_54] : memref<6x128xi32, #tpu.memory_space<vmem>> -> memref<1x128xi32, #tpu.memory_space<vmem>>
    %dma_start3A_56 = tpu.memref_squeeze %dma_start3A_55 : memref<1x128xi32, #tpu.memory_space<vmem>> -> memref<128xi32, #tpu.memory_space<vmem>>
    %dma_start3A_57 = tpu.memref_slice %arg3[%multiple_of3A_52] : memref<100000xi32, #tpu.memory_space<hbm>> -> memref<128xi32, #tpu.memory_space<hbm>>
    %dma_start3A_58 = arith.constant 0 : i32
    %dma_start3A_59 = tpu.memref_slice %arg6[%dma_start3A_53, %dma_start3A_58] : memref<6x128xi32, #tpu.memory_space<vmem>> -> memref<1x128xi32, #tpu.memory_space<vmem>>
    %dma_start3A_60 = tpu.memref_squeeze %dma_start3A_59 : memref<1x128xi32, #tpu.memory_space<vmem>> -> memref<128xi32, #tpu.memory_space<vmem>>
    %dma_start3A_61 = tpu.memref_slice %arg3[%multiple_of3A_52] : memref<100000xi32, #tpu.memory_space<hbm>> -> memref<128xi32, #tpu.memory_space<hbm>>
    tpu.enqueue_dma source(%dma_start3A_61 : memref<128xi32, #tpu.memory_space<hbm>>) target(%dma_start3A_60 : memref<128xi32, #tpu.memory_space<vmem>>) target_semaphore(%arg13 : memref<!tpu.dma_semaphore, #tpu.memory_space<semaphore_mem>>)
    %add3A_62 = arith.constant 128 : i32
    %add3A_63 = arith.addi %add3A, %add3A_62 : i32
    %mul3A_64 = arith.constant 128 : i32
    %mul3A_65 = arith.muli %add3A_63, %mul3A_64 : i32
    %min3A_66 = arith.constant 99872 : i32
    %min3A_67 = arith.minsi %mul3A_65, %min3A_66 : i32
    %multiple_of3A_68 = tpu.assume_multiple %min3A_67, 8 : i32
    %dma_start3A_69 = arith.constant 4 : i32
    %dma_start3A_70 = arith.constant 0 : i32
    %dma_start3A_71 = tpu.memref_slice %arg6[%dma_start3A_69, %dma_start3A_70] : memref<6x128xi32, #tpu.memory_space<vmem>> -> memref<1x128xi32, #tpu.memory_space<vmem>>
    %dma_start3A_72 = tpu.memref_squeeze %dma_start3A_71 : memref<1x128xi32, #tpu.memory_space<vmem>> -> memref<128xi32, #tpu.memory_space<vmem>>
    %dma_start3A_73 = tpu.memref_slice %arg3[%multiple_of3A_68] : memref<100000xi32, #tpu.memory_space<hbm>> -> memref<128xi32, #tpu.memory_space<hbm>>
    %dma_start3A_74 = arith.constant 0 : i32
    %dma_start3A_75 = tpu.memref_slice %arg6[%dma_start3A_69, %dma_start3A_74] : memref<6x128xi32, #tpu.memory_space<vmem>> -> memref<1x128xi32, #tpu.memory_space<vmem>>
    %dma_start3A_76 = tpu.memref_squeeze %dma_start3A_75 : memref<1x128xi32, #tpu.memory_space<vmem>> -> memref<128xi32, #tpu.memory_space<vmem>>
    %dma_start3A_77 = tpu.memref_slice %arg3[%multiple_of3A_68] : memref<100000xi32, #tpu.memory_space<hbm>> -> memref<128xi32, #tpu.memory_space<hbm>>
    tpu.enqueue_dma source(%dma_start3A_77 : memref<128xi32, #tpu.memory_space<hbm>>) target(%dma_start3A_76 : memref<128xi32, #tpu.memory_space<vmem>>) target_semaphore(%arg14 : memref<!tpu.dma_semaphore, #tpu.memory_space<semaphore_mem>>)
    %add3A_78 = arith.constant 160 : i32
    %add3A_79 = arith.addi %add3A, %add3A_78 : i32
    %mul3A_80 = arith.constant 128 : i32
    %mul3A_81 = arith.muli %add3A_79, %mul3A_80 : i32
    %min3A_82 = arith.constant 99872 : i32
    %min3A_83 = arith.minsi %mul3A_81, %min3A_82 : i32
    %multiple_of3A_84 = tpu.assume_multiple %min3A_83, 8 : i32
    %dma_start3A_85 = arith.constant 5 : i32
    %dma_start3A_86 = arith.constant 0 : i32
    %dma_start3A_87 = tpu.memref_slice %arg6[%dma_start3A_85, %dma_start3A_86] : memref<6x128xi32, #tpu.memory_space<vmem>> -> memref<1x128xi32, #tpu.memory_space<vmem>>
    %dma_start3A_88 = tpu.memref_squeeze %dma_start3A_87 : memref<1x128xi32, #tpu.memory_space<vmem>> -> memref<128xi32, #tpu.memory_space<vmem>>
    %dma_start3A_89 = tpu.memref_slice %arg3[%multiple_of3A_84] : memref<100000xi32, #tpu.memory_space<hbm>> -> memref<128xi32, #tpu.memory_space<hbm>>
    %dma_start3A_90 = arith.constant 0 : i32
    %dma_start3A_91 = tpu.memref_slice %arg6[%dma_start3A_85, %dma_start3A_90] : memref<6x128xi32, #tpu.memory_space<vmem>> -> memref<1x128xi32, #tpu.memory_space<vmem>>
    %dma_start3A_92 = tpu.memref_squeeze %dma_start3A_91 : memref<1x128xi32, #tpu.memory_space<vmem>> -> memref<128xi32, #tpu.memory_space<vmem>>
    %dma_start3A_93 = tpu.memref_slice %arg3[%multiple_of3A_84] : memref<100000xi32, #tpu.memory_space<hbm>> -> memref<128xi32, #tpu.memory_space<hbm>>
    tpu.enqueue_dma source(%dma_start3A_93 : memref<128xi32, #tpu.memory_space<hbm>>) target(%dma_start3A_92 : memref<128xi32, #tpu.memory_space<vmem>>) target_semaphore(%arg15 : memref<!tpu.dma_semaphore, #tpu.memory_space<semaphore_mem>>)
    tpu.enqueue_dma source(%arg2 : memref<55x128xf32, #tpu.memory_space<hbm>>) target(%arg5 : memref<55x128xf32, #tpu.memory_space<vmem>>) target_semaphore(%arg9 : memref<!tpu.dma_semaphore, #tpu.memory_space<semaphore_mem>>)
    %mul3A_94 = arith.constant 4 : i32
    %mul3A_95 = arith.muli %arg1, %mul3A_94 : i32
    %min3A_96 = arith.constant 51 : i32
    %min3A_97 = arith.minsi %mul3A_95, %min3A_96 : i32
    tpu.wait_dma2 semaphore(%arg9 : memref<!tpu.dma_semaphore, #tpu.memory_space<semaphore_mem>>) src(%arg2 : memref<55x128xf32, #tpu.memory_space<hbm>>) dst(%arg5 : memref<55x128xf32, #tpu.memory_space<vmem>>)
    %add3A_98 = arith.constant 0 : i32
    %add3A_99 = arith.addi %min3A_97, %add3A_98 : i32
    %get3A = arith.index_cast %add3A_99 : i32 to index
    %get3A_100 = arith.constant 0 : index
    %get3A_101 = tpu.vector_load %arg5[%get3A, %get3A_100] {strides = array<i32>} : memref<55x128xf32, #tpu.memory_space<vmem>>, vector<1x16xf32>,
    %get3A_102 = vector.shape_cast %get3A_101 : vector<1x16xf32> to vector<16xf32>
    %neg3A = arith.constant 0.000000e+00 : f32
    %neg3A_103 = vector.broadcast %neg3A : f32 to vector<16xf32>
    %neg3A_104 = arith.subf %neg3A_103, %get3A_102 : vector<16xf32>
    %exp3A = math.exp %neg3A_104 : vector<16xf32>
    %add3A_105 = arith.constant 1.000000e+00 : f32
    %add3A_106 = vector.broadcast %add3A_105 : f32 to vector<16xf32>
    %add3A_107 = arith.addf %add3A_106, %exp3A : vector<16xf32>
    %div3A = arith.divf %get3A_102, %add3A_107 : vector<16xf32>
    %swap3A = arith.index_cast %add3A_99 : i32 to index
    %swap3A_108 = arith.constant 0 : index
    %swap3A_109 = tpu.vector_load %arg5[%swap3A, %swap3A_108] {strides = array<i32>} : memref<55x128xf32, #tpu.memory_space<vmem>>, vector<1x16xf32>,
    %swap3A_110 = vector.shape_cast %swap3A_109 : vector<1x16xf32> to vector<16xf32>
    %swap3A_111 = vector.shape_cast %div3A : vector<16xf32> to vector<1x16xf32>
    tpu.vector_store %arg5[%swap3A, %swap3A_108], %swap3A_111 {strides = array<i32>} : memref<55x128xf32, #tpu.memory_space<vmem>>, vector<1x16xf32>,
    %get3A_112 = arith.index_cast %add3A_99 : i32 to index
    %get3A_113 = arith.constant 16 : index
    %get3A_114 = tpu.vector_load %arg5[%get3A_112, %get3A_113] {strides = array<i32>} : memref<55x128xf32, #tpu.memory_space<vmem>>, vector<1x16xf32>,
    %get3A_115 = vector.shape_cast %get3A_114 : vector<1x16xf32> to vector<16xf32>
    %neg3A_116 = arith.constant 0.000000e+00 : f32
    %neg3A_117 = vector.broadcast %neg3A_116 : f32 to vector<16xf32>
    %neg3A_118 = arith.subf %neg3A_117, %get3A_115 : vector<16xf32>
    %exp3A_119 = math.exp %neg3A_118 : vector<16xf32>
    %add3A_120 = arith.constant 1.000000e+00 : f32
    %add3A_121 = vector.broadcast %add3A_120 : f32 to vector<16xf32>
    %add3A_122 = arith.addf %add3A_121, %exp3A_119 : vector<16xf32>
    %div3A_123 = arith.divf %get3A_115, %add3A_122 : vector<16xf32>
    %swap3A_124 = arith.index_cast %add3A_99 : i32 to index
    %swap3A_125 = arith.constant 16 : index
    %swap3A_126 = tpu.vector_load %arg5[%swap3A_124, %swap3A_125] {strides = array<i32>} : memref<55x128xf32, #tpu.memory_space<vmem>>, vector<1x16xf32>,
    %swap3A_127 = vector.shape_cast %swap3A_126 : vector<1x16xf32> to vector<16xf32>
    %swap3A_128 = vector.shape_cast %div3A_123 : vector<16xf32> to vector<1x16xf32>
    tpu.vector_store %arg5[%swap3A_124, %swap3A_125], %swap3A_128 {strides = array<i32>} : memref<55x128xf32, #tpu.memory_space<vmem>>, vector<1x16xf32>,
    %get3A_129 = arith.index_cast %add3A_99 : i32 to index
    %get3A_130 = arith.constant 32 : index
    %get3A_131 = tpu.vector_load %arg5[%get3A_129, %get3A_130] {strides = array<i32>} : memref<55x128xf32, #tpu.memory_space<vmem>>, vector<1x16xf32>,
    %get3A_132 = vector.shape_cast %get3A_131 : vector<1x16xf32> to vector<16xf32>
    %neg3A_133 = arith.constant 0.000000e+00 : f32
    %neg3A_134 = vector.broadcast %neg3A_133 : f32 to vector<16xf32>
    %neg3A_135 = arith.subf %neg3A_134, %get3A_132 : vector<16xf32>
    %exp3A_136 = math.exp %neg3A_135 : vector<16xf32>
    %add3A_137 = arith.constant 1.000000e+00 : f32
    %add3A_138 = vector.broadcast %add3A_137 : f32 to vector<16xf32>
    %add3A_139 = arith.addf %add3A_138, %exp3A_136 : vector<16xf32>
    %div3A_140 = arith.divf %get3A_132, %add3A_139 : vector<16xf32>
    %swap3A_141 = arith.index_cast %add3A_99 : i32 to index
    %swap3A_142 = arith.constant 32 : index
    %swap3A_143 = tpu.vector_load %arg5[%swap3A_141, %swap3A_142] {strides = array<i32>} : memref<55x128xf32, #tpu.memory_space<vmem>>, vector<1x16xf32>,
    %swap3A_144 = vector.shape_cast %swap3A_143 : vector<1x16xf32> to vector<16xf32>
    %swap3A_145 = vector.shape_cast %div3A_140 : vector<16xf32> to vector<1x16xf32>
    tpu.vector_store %arg5[%swap3A_141, %swap3A_142], %swap3A_145 {strides = array<i32>} : memref<55x128xf32, #tpu.memory_space<vmem>>, vector<1x16xf32>,
    %get3A_146 = arith.index_cast %add3A_99 : i32 to index
    %get3A_147 = arith.constant 48 : index
    %get3A_148 = tpu.vector_load %arg5[%get3A_146, %get3A_147] {strides = array<i32>} : memref<55x128xf32, #tpu.memory_space<vmem>>, vector<1x16xf32>,
    %get3A_149 = vector.shape_cast %get3A_148 : vector<1x16xf32> to vector<16xf32>
    %neg3A_150 = arith.constant 0.000000e+00 : f32
    %neg3A_151 = vector.broadcast %neg3A_150 : f32 to vector<16xf32>
    %neg3A_152 = arith.subf %neg3A_151, %get3A_149 : vector<16xf32>
    %exp3A_153 = math.exp %neg3A_152 : vector<16xf32>
    %add3A_154 = arith.constant 1.000000e+00 : f32
    %add3A_155 = vector.broadcast %add3A_154 : f32 to vector<16xf32>
    %add3A_156 = arith.addf %add3A_155, %exp3A_153 : vector<16xf32>
    %div3A_157 = arith.divf %get3A_149, %add3A_156 : vector<16xf32>
    %swap3A_158 = arith.index_cast %add3A_99 : i32 to index
    %swap3A_159 = arith.constant 48 : index
    %swap3A_160 = tpu.vector_load %arg5[%swap3A_158, %swap3A_159] {strides = array<i32>} : memref<55x128xf32, #tpu.memory_space<vmem>>, vector<1x16xf32>,
    %swap3A_161 = vector.shape_cast %swap3A_160 : vector<1x16xf32> to vector<16xf32>
    %swap3A_162 = vector.shape_cast %div3A_157 : vector<16xf32> to vector<1x16xf32>
    tpu.vector_store %arg5[%swap3A_158, %swap3A_159], %swap3A_162 {strides = array<i32>} : memref<55x128xf32, #tpu.memory_space<vmem>>, vector<1x16xf32>,
    %get3A_163 = arith.index_cast %add3A_99 : i32 to index
    %get3A_164 = arith.constant 64 : index
    %get3A_165 = tpu.vector_load %arg5[%get3A_163, %get3A_164] {strides = array<i32>} : memref<55x128xf32, #tpu.memory_space<vmem>>, vector<1x16xf32>,
    %get3A_166 = vector.shape_cast %get3A_165 : vector<1x16xf32> to vector<16xf32>
    %neg3A_167 = arith.constant 0.000000e+00 : f32
    %neg3A_168 = vector.broadcast %neg3A_167 : f32 to vector<16xf32>
    %neg3A_169 = arith.subf %neg3A_168, %get3A_166 : vector<16xf32>
    %exp3A_170 = math.exp %neg3A_169 : vector<16xf32>
    %add3A_171 = arith.constant 1.000000e+00 : f32
    %add3A_172 = vector.broadcast %add3A_171 : f32 to vector<16xf32>
    %add3A_173 = arith.addf %add3A_172, %exp3A_170 : vector<16xf32>
    %div3A_174 = arith.divf %get3A_166, %add3A_173 : vector<16xf32>
    %swap3A_175 = arith.index_cast %add3A_99 : i32 to index
    %swap3A_176 = arith.constant 64 : index
    %swap3A_177 = tpu.vector_load %arg5[%swap3A_175, %swap3A_176] {strides = array<i32>} : memref<55x128xf32, #tpu.memory_space<vmem>>, vector<1x16xf32>,
    %swap3A_178 = vector.shape_cast %swap3A_177 : vector<1x16xf32> to vector<16xf32>
    %swap3A_179 = vector.shape_cast %div3A_174 : vector<16xf32> to vector<1x16xf32>
    tpu.vector_store %arg5[%swap3A_175, %swap3A_176], %swap3A_179 {strides = array<i32>} : memref<55x128xf32, #tpu.memory_space<vmem>>, vector<1x16xf32>,
    %get3A_180 = arith.index_cast %add3A_99 : i32 to index
    %get3A_181 = arith.constant 80 : index
    %get3A_182 = tpu.vector_load %arg5[%get3A_180, %get3A_181] {strides = array<i32>} : memref<55x128xf32, #tpu.memory_space<vmem>>, vector<1x16xf32>,
    %get3A_183 = vector.shape_cast %get3A_182 : vector<1x16xf32> to vector<16xf32>
    %neg3A_184 = arith.constant 0.000000e+00 : f32
    %neg3A_185 = vector.broadcast %neg3A_184 : f32 to vector<16xf32>
    %neg3A_186 = arith.subf %neg3A_185, %get3A_183 : vector<16xf32>
    %exp3A_187 = math.exp %neg3A_186 : vector<16xf32>
    %add3A_188 = arith.constant 1.000000e+00 : f32
    %add3A_189 = vector.broadcast %add3A_188 : f32 to vector<16xf32>
    %add3A_190 = arith.addf %add3A_189, %exp3A_187 : vector<16xf32>
    %div3A_191 = arith.divf %get3A_183, %add3A_190 : vector<16xf32>
    %swap3A_192 = arith.index_cast %add3A_99 : i32 to index
    %swap3A_193 = arith.constant 80 : index
    %swap3A_194 = tpu.vector_load %arg5[%swap3A_192, %swap3A_193] {strides = array<i32>} : memref<55x128xf32, #tpu.memory_space<vmem>>, vector<1x16xf32>,
    %swap3A_195 = vector.shape_cast %swap3A_194 : vector<1x16xf32> to vector<16xf32>
    %swap3A_196 = vector.shape_cast %div3A_191 : vector<16xf32> to vector<1x16xf32>
    tpu.vector_store %arg5[%swap3A_192, %swap3A_193], %swap3A_196 {strides = array<i32>} : memref<55x128xf32, #tpu.memory_space<vmem>>, vector<1x16xf32>,
    %get3A_197 = arith.index_cast %add3A_99 : i32 to index
    %get3A_198 = arith.constant 96 : index
    %get3A_199 = tpu.vector_load %arg5[%get3A_197, %get3A_198] {strides = array<i32>} : memref<55x128xf32, #tpu.memory_space<vmem>>, vector<1x16xf32>,
    %get3A_200 = vector.shape_cast %get3A_199 : vector<1x16xf32> to vector<16xf32>
    %neg3A_201 = arith.constant 0.000000e+00 : f32
    %neg3A_202 = vector.broadcast %neg3A_201 : f32 to vector<16xf32>
    %neg3A_203 = arith.subf %neg3A_202, %get3A_200 : vector<16xf32>
    %exp3A_204 = math.exp %neg3A_203 : vector<16xf32>
    %add3A_205 = arith.constant 1.000000e+00 : f32
    %add3A_206 = vector.broadcast %add3A_205 : f32 to vector<16xf32>
    %add3A_207 = arith.addf %add3A_206, %exp3A_204 : vector<16xf32>
    %div3A_208 = arith.divf %get3A_200, %add3A_207 : vector<16xf32>
    %swap3A_209 = arith.index_cast %add3A_99 : i32 to index
    %swap3A_210 = arith.constant 96 : index
    %swap3A_211 = tpu.vector_load %arg5[%swap3A_209, %swap3A_210] {strides = array<i32>} : memref<55x128xf32, #tpu.memory_space<vmem>>, vector<1x16xf32>,
    %swap3A_212 = vector.shape_cast %swap3A_211 : vector<1x16xf32> to vector<16xf32>
    %swap3A_213 = vector.shape_cast %div3A_208 : vector<16xf32> to vector<1x16xf32>
    tpu.vector_store %arg5[%swap3A_209, %swap3A_210], %swap3A_213 {strides = array<i32>} : memref<55x128xf32, #tpu.memory_space<vmem>>, vector<1x16xf32>,
    %get3A_214 = arith.index_cast %add3A_99 : i32 to index
    %get3A_215 = arith.constant 112 : index
    %get3A_216 = tpu.vector_load %arg5[%get3A_214, %get3A_215] {strides = array<i32>} : memref<55x128xf32, #tpu.memory_space<vmem>>, vector<1x16xf32>,
    %get3A_217 = vector.shape_cast %get3A_216 : vector<1x16xf32> to vector<16xf32>
    %neg3A_218 = arith.constant 0.000000e+00 : f32
    %neg3A_219 = vector.broadcast %neg3A_218 : f32 to vector<16xf32>
    %neg3A_220 = arith.subf %neg3A_219, %get3A_217 : vector<16xf32>
    %exp3A_221 = math.exp %neg3A_220 : vector<16xf32>
    %add3A_222 = arith.constant 1.000000e+00 : f32
    %add3A_223 = vector.broadcast %add3A_222 : f32 to vector<16xf32>
    %add3A_224 = arith.addf %add3A_223, %exp3A_221 : vector<16xf32>
    %div3A_225 = arith.divf %get3A_217, %add3A_224 : vector<16xf32>
    %swap3A_226 = arith.index_cast %add3A_99 : i32 to index
    %swap3A_227 = arith.constant 112 : index
    %swap3A_228 = tpu.vector_load %arg5[%swap3A_226, %swap3A_227] {strides = array<i32>} : memref<55x128xf32, #tpu.memory_space<vmem>>, vector<1x16xf32>,
    %swap3A_229 = vector.shape_cast %swap3A_228 : vector<1x16xf32> to vector<16xf32>
    %swap3A_230 = vector.shape_cast %div3A_225 : vector<16xf32> to vector<1x16xf32>
    tpu.vector_store %arg5[%swap3A_226, %swap3A_227], %swap3A_230 {strides = array<i32>} : memref<55x128xf32, #tpu.memory_space<vmem>>, vector<1x16xf32>,
    %add3A_231 = arith.constant 1 : i32
    %add3A_232 = arith.addi %min3A_97, %add3A_231 : i32
    %get3A_233 = arith.index_cast %add3A_232 : i32 to index
    %get3A_234 = arith.constant 0 : index
    %get3A_235 = tpu.vector_load %arg5[%get3A_233, %get3A_234] {strides = array<i32>} : memref<55x128xf32, #tpu.memory_space<vmem>>, vector<1x16xf32>,
    %get3A_236 = vector.shape_cast %get3A_235 : vector<1x16xf32> to vector<16xf32>
    %neg3A_237 = arith.constant 0.000000e+00 : f32
    %neg3A_238 = vector.broadcast %neg3A_237 : f32 to vector<16xf32>
    %neg3A_239 = arith.subf %neg3A_238, %get3A_236 : vector<16xf32>
    %exp3A_240 = math.exp %neg3A_239 : vector<16xf32>
    %add3A_241 = arith.constant 1.000000e+00 : f32
    %add3A_242 = vector.broadcast %add3A_241 : f32 to vector<16xf32>
    %add3A_243 = arith.addf %add3A_242, %exp3A_240 : vector<16xf32>
    %div3A_244 = arith.divf %get3A_236, %add3A_243 : vector<16xf32>
    %swap3A_245 = arith.index_cast %add3A_232 : i32 to index
    %swap3A_246 = arith.constant 0 : index
    %swap3A_247 = tpu.vector_load %arg5[%swap3A_245, %swap3A_246] {strides = array<i32>} : memref<55x128xf32, #tpu.memory_space<vmem>>, vector<1x16xf32>,
    %swap3A_248 = vector.shape_cast %swap3A_247 : vector<1x16xf32> to vector<16xf32>
    %swap3A_249 = vector.shape_cast %div3A_244 : vector<16xf32> to vector<1x16xf32>
    tpu.vector_store %arg5[%swap3A_245, %swap3A_246], %swap3A_249 {strides = array<i32>} : memref<55x128xf32, #tpu.memory_space<vmem>>, vector<1x16xf32>,
    %get3A_250 = arith.index_cast %add3A_232 : i32 to index
    %get3A_251 = arith.constant 16 : index
    %get3A_252 = tpu.vector_load %arg5[%get3A_250, %get3A_251] {strides = array<i32>} : memref<55x128xf32, #tpu.memory_space<vmem>>, vector<1x16xf32>,
    %get3A_253 = vector.shape_cast %get3A_252 : vector<1x16xf32> to vector<16xf32>
    %neg3A_254 = arith.constant 0.000000e+00 : f32
    %neg3A_255 = vector.broadcast %neg3A_254 : f32 to vector<16xf32>
    %neg3A_256 = arith.subf %neg3A_255, %get3A_253 : vector<16xf32>
    %exp3A_257 = math.exp %neg3A_256 : vector<16xf32>
    %add3A_258 = arith.constant 1.000000e+00 : f32
    %add3A_259 = vector.broadcast %add3A_258 : f32 to vector<16xf32>
    %add3A_260 = arith.addf %add3A_259, %exp3A_257 : vector<16xf32>
    %div3A_261 = arith.divf %get3A_253, %add3A_260 : vector<16xf32>
    %swap3A_262 = arith.index_cast %add3A_232 : i32 to index
    %swap3A_263 = arith.constant 16 : index
    %swap3A_264 = tpu.vector_load %arg5[%swap3A_262, %swap3A_263] {strides = array<i32>} : memref<55x128xf32, #tpu.memory_space<vmem>>, vector<1x16xf32>,
    %swap3A_265 = vector.shape_cast %swap3A_264 : vector<1x16xf32> to vector<16xf32>
    %swap3A_266 = vector.shape_cast %div3A_261 : vector<16xf32> to vector<1x16xf32>
    tpu.vector_store %arg5[%swap3A_262, %swap3A_263], %swap3A_266 {strides = array<i32>} : memref<55x128xf32, #tpu.memory_space<vmem>>, vector<1x16xf32>,
    %get3A_267 = arith.index_cast %add3A_232 : i32 to index
    %get3A_268 = arith.constant 32 : index
    %get3A_269 = tpu.vector_load %arg5[%get3A_267, %get3A_268] {strides = array<i32>} : memref<55x128xf32, #tpu.memory_space<vmem>>, vector<1x16xf32>,
    %get3A_270 = vector.shape_cast %get3A_269 : vector<1x16xf32> to vector<16xf32>
    %neg3A_271 = arith.constant 0.000000e+00 : f32
    %neg3A_272 = vector.broadcast %neg3A_271 : f32 to vector<16xf32>
    %neg3A_273 = arith.subf %neg3A_272, %get3A_270 : vector<16xf32>
    %exp3A_274 = math.exp %neg3A_273 : vector<16xf32>
    %add3A_275 = arith.constant 1.000000e+00 : f32
    %add3A_276 = vector.broadcast %add3A_275 : f32 to vector<16xf32>
    %add3A_277 = arith.addf %add3A_276, %exp3A_274 : vector<16xf32>
    %div3A_278 = arith.divf %get3A_270, %add3A_277 : vector<16xf32>
    %swap3A_279 = arith.index_cast %add3A_232 : i32 to index
    %swap3A_280 = arith.constant 32 : index
    %swap3A_281 = tpu.vector_load %arg5[%swap3A_279, %swap3A_280] {strides = array<i32>} : memref<55x128xf32, #tpu.memory_space<vmem>>, vector<1x16xf32>,
    %swap3A_282 = vector.shape_cast %swap3A_281 : vector<1x16xf32> to vector<16xf32>
    %swap3A_283 = vector.shape_cast %div3A_278 : vector<16xf32> to vector<1x16xf32>
    tpu.vector_store %arg5[%swap3A_279, %swap3A_280], %swap3A_283 {strides = array<i32>} : memref<55x128xf32, #tpu.memory_space<vmem>>, vector<1x16xf32>,
    %get3A_284 = arith.index_cast %add3A_232 : i32 to index
    %get3A_285 = arith.constant 48 : index
    %get3A_286 = tpu.vector_load %arg5[%get3A_284, %get3A_285] {strides = array<i32>} : memref<55x128xf32, #tpu.memory_space<vmem>>, vector<1x16xf32>,
    %get3A_287 = vector.shape_cast %get3A_286 : vector<1x16xf32> to vector<16xf32>
    %neg3A_288 = arith.constant 0.000000e+00 : f32
    %neg3A_289 = vector.broadcast %neg3A_288 : f32 to vector<16xf32>
    %neg3A_290 = arith.subf %neg3A_289, %get3A_287 : vector<16xf32>
    %exp3A_291 = math.exp %neg3A_290 : vector<16xf32>
    %add3A_292 = arith.constant 1.000000e+00 : f32
    %add3A_293 = vector.broadcast %add3A_292 : f32 to vector<16xf32>
    %add3A_294 = arith.addf %add3A_293, %exp3A_291 : vector<16xf32>
    %div3A_295 = arith.divf %get3A_287, %add3A_294 : vector<16xf32>
    %swap3A_296 = arith.index_cast %add3A_232 : i32 to index
    %swap3A_297 = arith.constant 48 : index
    %swap3A_298 = tpu.vector_load %arg5[%swap3A_296, %swap3A_297] {strides = array<i32>} : memref<55x128xf32, #tpu.memory_space<vmem>>, vector<1x16xf32>,
    %swap3A_299 = vector.shape_cast %swap3A_298 : vector<1x16xf32> to vector<16xf32>
    %swap3A_300 = vector.shape_cast %div3A_295 : vector<16xf32> to vector<1x16xf32>
    tpu.vector_store %arg5[%swap3A_296, %swap3A_297], %swap3A_300 {strides = array<i32>} : memref<55x128xf32, #tpu.memory_space<vmem>>, vector<1x16xf32>,
    %get3A_301 = arith.index_cast %add3A_232 : i32 to index
    %get3A_302 = arith.constant 64 : index
    %get3A_303 = tpu.vector_load %arg5[%get3A_301, %get3A_302] {strides = array<i32>} : memref<55x128xf32, #tpu.memory_space<vmem>>, vector<1x16xf32>,
    %get3A_304 = vector.shape_cast %get3A_303 : vector<1x16xf32> to vector<16xf32>
    %neg3A_305 = arith.constant 0.000000e+00 : f32
    %neg3A_306 = vector.broadcast %neg3A_305 : f32 to vector<16xf32>
    %neg3A_307 = arith.subf %neg3A_306, %get3A_304 : vector<16xf32>
    %exp3A_308 = math.exp %neg3A_307 : vector<16xf32>
    %add3A_309 = arith.constant 1.000000e+00 : f32
    %add3A_310 = vector.broadcast %add3A_309 : f32 to vector<16xf32>
    %add3A_311 = arith.addf %add3A_310, %exp3A_308 : vector<16xf32>
    %div3A_312 = arith.divf %get3A_304, %add3A_311 : vector<16xf32>
    %swap3A_313 = arith.index_cast %add3A_232 : i32 to index
    %swap3A_314 = arith.constant 64 : index
    %swap3A_315 = tpu.vector_load %arg5[%swap3A_313, %swap3A_314] {strides = array<i32>} : memref<55x128xf32, #tpu.memory_space<vmem>>, vector<1x16xf32>,
    %swap3A_316 = vector.shape_cast %swap3A_315 : vector<1x16xf32> to vector<16xf32>
    %swap3A_317 = vector.shape_cast %div3A_312 : vector<16xf32> to vector<1x16xf32>
    tpu.vector_store %arg5[%swap3A_313, %swap3A_314], %swap3A_317 {strides = array<i32>} : memref<55x128xf32, #tpu.memory_space<vmem>>, vector<1x16xf32>,
    %get3A_318 = arith.index_cast %add3A_232 : i32 to index
    %get3A_319 = arith.constant 80 : index
    %get3A_320 = tpu.vector_load %arg5[%get3A_318, %get3A_319] {strides = array<i32>} : memref<55x128xf32, #tpu.memory_space<vmem>>, vector<1x16xf32>,
    %get3A_321 = vector.shape_cast %get3A_320 : vector<1x16xf32> to vector<16xf32>
    %neg3A_322 = arith.constant 0.000000e+00 : f32
    %neg3A_323 = vector.broadcast %neg3A_322 : f32 to vector<16xf32>
    %neg3A_324 = arith.subf %neg3A_323, %get3A_321 : vector<16xf32>
    %exp3A_325 = math.exp %neg3A_324 : vector<16xf32>
    %add3A_326 = arith.constant 1.000000e+00 : f32
    %add3A_327 = vector.broadcast %add3A_326 : f32 to vector<16xf32>
    %add3A_328 = arith.addf %add3A_327, %exp3A_325 : vector<16xf32>
    %div3A_329 = arith.divf %get3A_321, %add3A_328 : vector<16xf32>
    %swap3A_330 = arith.index_cast %add3A_232 : i32 to index
    %swap3A_331 = arith.constant 80 : index
    %swap3A_332 = tpu.vector_load %arg5[%swap3A_330, %swap3A_331] {strides = array<i32>} : memref<55x128xf32, #tpu.memory_space<vmem>>, vector<1x16xf32>,
    %swap3A_333 = vector.shape_cast %swap3A_332 : vector<1x16xf32> to vector<16xf32>
    %swap3A_334 = vector.shape_cast %div3A_329 : vector<16xf32> to vector<1x16xf32>
    tpu.vector_store %arg5[%swap3A_330, %swap3A_331], %swap3A_334 {strides = array<i32>} : memref<55x128xf32, #tpu.memory_space<vmem>>, vector<1x16xf32>,
    %get3A_335 = arith.index_cast %add3A_232 : i32 to index
    %get3A_336 = arith.constant 96 : index
    %get3A_337 = tpu.vector_load %arg5[%get3A_335, %get3A_336] {strides = array<i32>} : memref<55x128xf32, #tpu.memory_space<vmem>>, vector<1x16xf32>,
    %get3A_338 = vector.shape_cast %get3A_337 : vector<1x16xf32> to vector<16xf32>
    %neg3A_339 = arith.constant 0.000000e+00 : f32
    %neg3A_340 = vector.broadcast %neg3A_339 : f32 to vector<16xf32>
    %neg3A_341 = arith.subf %neg3A_340, %get3A_338 : vector<16xf32>
    %exp3A_342 = math.exp %neg3A_341 : vector<16xf32>
    %add3A_343 = arith.constant 1.000000e+00 : f32
    %add3A_344 = vector.broadcast %add3A_343 : f32 to vector<16xf32>
    %add3A_345 = arith.addf %add3A_344, %exp3A_342 : vector<16xf32>
    %div3A_346 = arith.divf %get3A_338, %add3A_345 : vector<16xf32>
    %swap3A_347 = arith.index_cast %add3A_232 : i32 to index
    %swap3A_348 = arith.constant 96 : index
    %swap3A_349 = tpu.vector_load %arg5[%swap3A_347, %swap3A_348] {strides = array<i32>} : memref<55x128xf32, #tpu.memory_space<vmem>>, vector<1x16xf32>,
    %swap3A_350 = vector.shape_cast %swap3A_349 : vector<1x16xf32> to vector<16xf32>
    %swap3A_351 = vector.shape_cast %div3A_346 : vector<16xf32> to vector<1x16xf32>
    tpu.vector_store %arg5[%swap3A_347, %swap3A_348], %swap3A_351 {strides = array<i32>} : memref<55x128xf32, #tpu.memory_space<vmem>>, vector<1x16xf32>,
    %get3A_352 = arith.index_cast %add3A_232 : i32 to index
    %get3A_353 = arith.constant 112 : index
    %get3A_354 = tpu.vector_load %arg5[%get3A_352, %get3A_353] {strides = array<i32>} : memref<55x128xf32, #tpu.memory_space<vmem>>, vector<1x16xf32>,
    %get3A_355 = vector.shape_cast %get3A_354 : vector<1x16xf32> to vector<16xf32>
    %neg3A_356 = arith.constant 0.000000e+00 : f32
    %neg3A_357 = vector.broadcast %neg3A_356 : f32 to vector<16xf32>
    %neg3A_358 = arith.subf %neg3A_357, %get3A_355 : vector<16xf32>
    %exp3A_359 = math.exp %neg3A_358 : vector<16xf32>
    %add3A_360 = arith.constant 1.000000e+00 : f32
    %add3A_361 = vector.broadcast %add3A_360 : f32 to vector<16xf32>
    %add3A_362 = arith.addf %add3A_361, %exp3A_359 : vector<16xf32>
    %div3A_363 = arith.divf %get3A_355, %add3A_362 : vector<16xf32>
    %swap3A_364 = arith.index_cast %add3A_232 : i32 to index
    %swap3A_365 = arith.constant 112 : index
    %swap3A_366 = tpu.vector_load %arg5[%swap3A_364, %swap3A_365] {strides = array<i32>} : memref<55x128xf32, #tpu.memory_space<vmem>>, vector<1x16xf32>,
    %swap3A_367 = vector.shape_cast %swap3A_366 : vector<1x16xf32> to vector<16xf32>
    %swap3A_368 = vector.shape_cast %div3A_363 : vector<16xf32> to vector<1x16xf32>
    tpu.vector_store %arg5[%swap3A_364, %swap3A_365], %swap3A_368 {strides = array<i32>} : memref<55x128xf32, #tpu.memory_space<vmem>>, vector<1x16xf32>,
    %add3A_369 = arith.constant 2 : i32
    %add3A_370 = arith.addi %min3A_97, %add3A_369 : i32
    %get3A_371 = arith.index_cast %add3A_370 : i32 to index
    %get3A_372 = arith.constant 0 : index
    %get3A_373 = tpu.vector_load %arg5[%get3A_371, %get3A_372] {strides = array<i32>} : memref<55x128xf32, #tpu.memory_space<vmem>>, vector<1x16xf32>,
    %get3A_374 = vector.shape_cast %get3A_373 : vector<1x16xf32> to vector<16xf32>
    %neg3A_375 = arith.constant 0.000000e+00 : f32
    %neg3A_376 = vector.broadcast %neg3A_375 : f32 to vector<16xf32>
    %neg3A_377 = arith.subf %neg3A_376, %get3A_374 : vector<16xf32>
    %exp3A_378 = math.exp %neg3A_377 : vector<16xf32>
    %add3A_379 = arith.constant 1.000000e+00 : f32
    %add3A_380 = vector.broadcast %add3A_379 : f32 to vector<16xf32>
    %add3A_381 = arith.addf %add3A_380, %exp3A_378 : vector<16xf32>
    %div3A_382 = arith.divf %get3A_374, %add3A_381 : vector<16xf32>
    %swap3A_383 = arith.index_cast %add3A_370 : i32 to index
    %swap3A_384 = arith.constant 0 : index
    %swap3A_385 = tpu.vector_load %arg5[%swap3A_383, %swap3A_384] {strides = array<i32>} : memref<55x128xf32, #tpu.memory_space<vmem>>, vector<1x16xf32>,
    %swap3A_386 = vector.shape_cast %swap3A_385 : vector<1x16xf32> to vector<16xf32>
    %swap3A_387 = vector.shape_cast %div3A_382 : vector<16xf32> to vector<1x16xf32>
    tpu.vector_store %arg5[%swap3A_383, %swap3A_384], %swap3A_387 {strides = array<i32>} : memref<55x128xf32, #tpu.memory_space<vmem>>, vector<1x16xf32>,
    %get3A_388 = arith.index_cast %add3A_370 : i32 to index
    %get3A_389 = arith.constant 16 : index
    %get3A_390 = tpu.vector_load %arg5[%get3A_388, %get3A_389] {strides = array<i32>} : memref<55x128xf32, #tpu.memory_space<vmem>>, vector<1x16xf32>,
    %get3A_391 = vector.shape_cast %get3A_390 : vector<1x16xf32> to vector<16xf32>
    %neg3A_392 = arith.constant 0.000000e+00 : f32
    %neg3A_393 = vector.broadcast %neg3A_392 : f32 to vector<16xf32>
    %neg3A_394 = arith.subf %neg3A_393, %get3A_391 : vector<16xf32>
    %exp3A_395 = math.exp %neg3A_394 : vector<16xf32>
    %add3A_396 = arith.constant 1.000000e+00 : f32
    %add3A_397 = vector.broadcast %add3A_396 : f32 to vector<16xf32>
    %add3A_398 = arith.addf %add3A_397, %exp3A_395 : vector<16xf32>
    %div3A_399 = arith.divf %get3A_391, %add3A_398 : vector<16xf32>
    %swap3A_400 = arith.index_cast %add3A_370 : i32 to index
    %swap3A_401 = arith.constant 16 : index
    %swap3A_402 = tpu.vector_load %arg5[%swap3A_400, %swap3A_401] {strides = array<i32>} : memref<55x128xf32, #tpu.memory_space<vmem>>, vector<1x16xf32>,
    %swap3A_403 = vector.shape_cast %swap3A_402 : vector<1x16xf32> to vector<16xf32>
    %swap3A_404 = vector.shape_cast %div3A_399 : vector<16xf32> to vector<1x16xf32>
    tpu.vector_store %arg5[%swap3A_400, %swap3A_401], %swap3A_404 {strides = array<i32>} : memref<55x128xf32, #tpu.memory_space<vmem>>, vector<1x16xf32>,
    %get3A_405 = arith.index_cast %add3A_370 : i32 to index
    %get3A_406 = arith.constant 32 : index
    %get3A_407 = tpu.vector_load %arg5[%get3A_405, %get3A_406] {strides = array<i32>} : memref<55x128xf32, #tpu.memory_space<vmem>>, vector<1x16xf32>,
    %get3A_408 = vector.shape_cast %get3A_407 : vector<1x16xf32> to vector<16xf32>
    %neg3A_409 = arith.constant 0.000000e+00 : f32
    %neg3A_410 = vector.broadcast %neg3A_409 : f32 to vector<16xf32>
    %neg3A_411 = arith.subf %neg3A_410, %get3A_408 : vector<16xf32>
    %exp3A_412 = math.exp %neg3A_411 : vector<16xf32>
    %add3A_413 = arith.constant 1.000000e+00 : f32
    %add3A_414 = vector.broadcast %add3A_413 : f32 to vector<16xf32>
    %add3A_415 = arith.addf %add3A_414, %exp3A_412 : vector<16xf32>
    %div3A_416 = arith.divf %get3A_408, %add3A_415 : vector<16xf32>
    %swap3A_417 = arith.index_cast %add3A_370 : i32 to index
    %swap3A_418 = arith.constant 32 : index
    %swap3A_419 = tpu.vector_load %arg5[%swap3A_417, %swap3A_418] {strides = array<i32>} : memref<55x128xf32, #tpu.memory_space<vmem>>, vector<1x16xf32>,
    %swap3A_420 = vector.shape_cast %swap3A_419 : vector<1x16xf32> to vector<16xf32>
    %swap3A_421 = vector.shape_cast %div3A_416 : vector<16xf32> to vector<1x16xf32>
    tpu.vector_store %arg5[%swap3A_417, %swap3A_418], %swap3A_421 {strides = array<i32>} : memref<55x128xf32, #tpu.memory_space<vmem>>, vector<1x16xf32>,
    %get3A_422 = arith.index_cast %add3A_370 : i32 to index
    %get3A_423 = arith.constant 48 : index
    %get3A_424 = tpu.vector_load %arg5[%get3A_422, %get3A_423] {strides = array<i32>} : memref<55x128xf32, #tpu.memory_space<vmem>>, vector<1x16xf32>,
    %get3A_425 = vector.shape_cast %get3A_424 : vector<1x16xf32> to vector<16xf32>
    %neg3A_426 = arith.constant 0.000000e+00 : f32
    %neg3A_427 = vector.broadcast %neg3A_426 : f32 to vector<16xf32>
    %neg3A_428 = arith.subf %neg3A_427, %get3A_425 : vector<16xf32>
    %exp3A_429 = math.exp %neg3A_428 : vector<16xf32>
    %add3A_430 = arith.constant 1.000000e+00 : f32
    %add3A_431 = vector.broadcast %add3A_430 : f32 to vector<16xf32>
    %add3A_432 = arith.addf %add3A_431, %exp3A_429 : vector<16xf32>
    %div3A_433 = arith.divf %get3A_425, %add3A_432 : vector<16xf32>
    %swap3A_434 = arith.index_cast %add3A_370 : i32 to index
    %swap3A_435 = arith.constant 48 : index
    %swap3A_436 = tpu.vector_load %arg5[%swap3A_434, %swap3A_435] {strides = array<i32>} : memref<55x128xf32, #tpu.memory_space<vmem>>, vector<1x16xf32>,
    %swap3A_437 = vector.shape_cast %swap3A_436 : vector<1x16xf32> to vector<16xf32>
    %swap3A_438 = vector.shape_cast %div3A_433 : vector<16xf32> to vector<1x16xf32>
    tpu.vector_store %arg5[%swap3A_434, %swap3A_435], %swap3A_438 {strides = array<i32>} : memref<55x128xf32, #tpu.memory_space<vmem>>, vector<1x16xf32>,
    %get3A_439 = arith.index_cast %add3A_370 : i32 to index
    %get3A_440 = arith.constant 64 : index
    %get3A_441 = tpu.vector_load %arg5[%get3A_439, %get3A_440] {strides = array<i32>} : memref<55x128xf32, #tpu.memory_space<vmem>>, vector<1x16xf32>,
    %get3A_442 = vector.shape_cast %get3A_441 : vector<1x16xf32> to vector<16xf32>
    %neg3A_443 = arith.constant 0.000000e+00 : f32
    %neg3A_444 = vector.broadcast %neg3A_443 : f32 to vector<16xf32>
    %neg3A_445 = arith.subf %neg3A_444, %get3A_442 : vector<16xf32>
    %exp3A_446 = math.exp %neg3A_445 : vector<16xf32>
    %add3A_447 = arith.constant 1.000000e+00 : f32
    %add3A_448 = vector.broadcast %add3A_447 : f32 to vector<16xf32>
    %add3A_449 = arith.addf %add3A_448, %exp3A_446 : vector<16xf32>
    %div3A_450 = arith.divf %get3A_442, %add3A_449 : vector<16xf32>
    %swap3A_451 = arith.index_cast %add3A_370 : i32 to index
    %swap3A_452 = arith.constant 64 : index
    %swap3A_453 = tpu.vector_load %arg5[%swap3A_451, %swap3A_452] {strides = array<i32>} : memref<55x128xf32, #tpu.memory_space<vmem>>, vector<1x16xf32>,
    %swap3A_454 = vector.shape_cast %swap3A_453 : vector<1x16xf32> to vector<16xf32>
    %swap3A_455 = vector.shape_cast %div3A_450 : vector<16xf32> to vector<1x16xf32>
    tpu.vector_store %arg5[%swap3A_451, %swap3A_452], %swap3A_455 {strides = array<i32>} : memref<55x128xf32, #tpu.memory_space<vmem>>, vector<1x16xf32>,
    %get3A_456 = arith.index_cast %add3A_370 : i32 to index
    %get3A_457 = arith.constant 80 : index
    %get3A_458 = tpu.vector_load %arg5[%get3A_456, %get3A_457] {strides = array<i32>} : memref<55x128xf32, #tpu.memory_space<vmem>>, vector<1x16xf32>,
    %get3A_459 = vector.shape_cast %get3A_458 : vector<1x16xf32> to vector<16xf32>
    %neg3A_460 = arith.constant 0.000000e+00 : f32
    %neg3A_461 = vector.broadcast %neg3A_460 : f32 to vector<16xf32>
    %neg3A_462 = arith.subf %neg3A_461, %get3A_459 : vector<16xf32>
    %exp3A_463 = math.exp %neg3A_462 : vector<16xf32>
    %add3A_464 = arith.constant 1.000000e+00 : f32
    %add3A_465 = vector.broadcast %add3A_464 : f32 to vector<16xf32>
    %add3A_466 = arith.addf %add3A_465, %exp3A_463 : vector<16xf32>
    %div3A_467 = arith.divf %get3A_459, %add3A_466 : vector<16xf32>
    %swap3A_468 = arith.index_cast %add3A_370 : i32 to index
    %swap3A_469 = arith.constant 80 : index
    %swap3A_470 = tpu.vector_load %arg5[%swap3A_468, %swap3A_469] {strides = array<i32>} : memref<55x128xf32, #tpu.memory_space<vmem>>, vector<1x16xf32>,
    %swap3A_471 = vector.shape_cast %swap3A_470 : vector<1x16xf32> to vector<16xf32>
    %swap3A_472 = vector.shape_cast %div3A_467 : vector<16xf32> to vector<1x16xf32>
    tpu.vector_store %arg5[%swap3A_468, %swap3A_469], %swap3A_472 {strides = array<i32>} : memref<55x128xf32, #tpu.memory_space<vmem>>, vector<1x16xf32>,
    %get3A_473 = arith.index_cast %add3A_370 : i32 to index
    %get3A_474 = arith.constant 96 : index
    %get3A_475 = tpu.vector_load %arg5[%get3A_473, %get3A_474] {strides = array<i32>} : memref<55x128xf32, #tpu.memory_space<vmem>>, vector<1x16xf32>,
    %get3A_476 = vector.shape_cast %get3A_475 : vector<1x16xf32> to vector<16xf32>
    %neg3A_477 = arith.constant 0.000000e+00 : f32
    %neg3A_478 = vector.broadcast %neg3A_477 : f32 to vector<16xf32>
    %neg3A_479 = arith.subf %neg3A_478, %get3A_476 : vector<16xf32>
    %exp3A_480 = math.exp %neg3A_479 : vector<16xf32>
    %add3A_481 = arith.constant 1.000000e+00 : f32
    %add3A_482 = vector.broadcast %add3A_481 : f32 to vector<16xf32>
    %add3A_483 = arith.addf %add3A_482, %exp3A_480 : vector<16xf32>
    %div3A_484 = arith.divf %get3A_476, %add3A_483 : vector<16xf32>
    %swap3A_485 = arith.index_cast %add3A_370 : i32 to index
    %swap3A_486 = arith.constant 96 : index
    %swap3A_487 = tpu.vector_load %arg5[%swap3A_485, %swap3A_486] {strides = array<i32>} : memref<55x128xf32, #tpu.memory_space<vmem>>, vector<1x16xf32>,
    %swap3A_488 = vector.shape_cast %swap3A_487 : vector<1x16xf32> to vector<16xf32>
    %swap3A_489 = vector.shape_cast %div3A_484 : vector<16xf32> to vector<1x16xf32>
    tpu.vector_store %arg5[%swap3A_485, %swap3A_486], %swap3A_489 {strides = array<i32>} : memref<55x128xf32, #tpu.memory_space<vmem>>, vector<1x16xf32>,
    %get3A_490 = arith.index_cast %add3A_370 : i32 to index
    %get3A_491 = arith.constant 112 : index
    %get3A_492 = tpu.vector_load %arg5[%get3A_490, %get3A_491] {strides = array<i32>} : memref<55x128xf32, #tpu.memory_space<vmem>>, vector<1x16xf32>,
    %get3A_493 = vector.shape_cast %get3A_492 : vector<1x16xf32> to vector<16xf32>
    %neg3A_494 = arith.constant 0.000000e+00 : f32
    %neg3A_495 = vector.broadcast %neg3A_494 : f32 to vector<16xf32>
    %neg3A_496 = arith.subf %neg3A_495, %get3A_493 : vector<16xf32>
    %exp3A_497 = math.exp %neg3A_496 : vector<16xf32>
    %add3A_498 = arith.constant 1.000000e+00 : f32
    %add3A_499 = vector.broadcast %add3A_498 : f32 to vector<16xf32>
    %add3A_500 = arith.addf %add3A_499, %exp3A_497 : vector<16xf32>
    %div3A_501 = arith.divf %get3A_493, %add3A_500 : vector<16xf32>
    %swap3A_502 = arith.index_cast %add3A_370 : i32 to index
    %swap3A_503 = arith.constant 112 : index
    %swap3A_504 = tpu.vector_load %arg5[%swap3A_502, %swap3A_503] {strides = array<i32>} : memref<55x128xf32, #tpu.memory_space<vmem>>, vector<1x16xf32>,
    %swap3A_505 = vector.shape_cast %swap3A_504 : vector<1x16xf32> to vector<16xf32>
    %swap3A_506 = vector.shape_cast %div3A_501 : vector<16xf32> to vector<1x16xf32>
    tpu.vector_store %arg5[%swap3A_502, %swap3A_503], %swap3A_506 {strides = array<i32>} : memref<55x128xf32, #tpu.memory_space<vmem>>, vector<1x16xf32>,
    %add3A_507 = arith.constant 3 : i32
    %add3A_508 = arith.addi %min3A_97, %add3A_507 : i32
    %get3A_509 = arith.index_cast %add3A_508 : i32 to index
    %get3A_510 = arith.constant 0 : index
    %get3A_511 = tpu.vector_load %arg5[%get3A_509, %get3A_510] {strides = array<i32>} : memref<55x128xf32, #tpu.memory_space<vmem>>, vector<1x16xf32>,
    %get3A_512 = vector.shape_cast %get3A_511 : vector<1x16xf32> to vector<16xf32>
    %neg3A_513 = arith.constant 0.000000e+00 : f32
    %neg3A_514 = vector.broadcast %neg3A_513 : f32 to vector<16xf32>
    %neg3A_515 = arith.subf %neg3A_514, %get3A_512 : vector<16xf32>
    %exp3A_516 = math.exp %neg3A_515 : vector<16xf32>
    %add3A_517 = arith.constant 1.000000e+00 : f32
    %add3A_518 = vector.broadcast %add3A_517 : f32 to vector<16xf32>
    %add3A_519 = arith.addf %add3A_518, %exp3A_516 : vector<16xf32>
    %div3A_520 = arith.divf %get3A_512, %add3A_519 : vector<16xf32>
    %swap3A_521 = arith.index_cast %add3A_508 : i32 to index
    %swap3A_522 = arith.constant 0 : index
    %swap3A_523 = tpu.vector_load %arg5[%swap3A_521, %swap3A_522] {strides = array<i32>} : memref<55x128xf32, #tpu.memory_space<vmem>>, vector<1x16xf32>,
    %swap3A_524 = vector.shape_cast %swap3A_523 : vector<1x16xf32> to vector<16xf32>
    %swap3A_525 = vector.shape_cast %div3A_520 : vector<16xf32> to vector<1x16xf32>
    tpu.vector_store %arg5[%swap3A_521, %swap3A_522], %swap3A_525 {strides = array<i32>} : memref<55x128xf32, #tpu.memory_space<vmem>>, vector<1x16xf32>,
    %get3A_526 = arith.index_cast %add3A_508 : i32 to index
    %get3A_527 = arith.constant 16 : index
    %get3A_528 = tpu.vector_load %arg5[%get3A_526, %get3A_527] {strides = array<i32>} : memref<55x128xf32, #tpu.memory_space<vmem>>, vector<1x16xf32>,
    %get3A_529 = vector.shape_cast %get3A_528 : vector<1x16xf32> to vector<16xf32>
    %neg3A_530 = arith.constant 0.000000e+00 : f32
    %neg3A_531 = vector.broadcast %neg3A_530 : f32 to vector<16xf32>
    %neg3A_532 = arith.subf %neg3A_531, %get3A_529 : vector<16xf32>
    %exp3A_533 = math.exp %neg3A_532 : vector<16xf32>
    %add3A_534 = arith.constant 1.000000e+00 : f32
    %add3A_535 = vector.broadcast %add3A_534 : f32 to vector<16xf32>
    %add3A_536 = arith.addf %add3A_535, %exp3A_533 : vector<16xf32>
    %div3A_537 = arith.divf %get3A_529, %add3A_536 : vector<16xf32>
    %swap3A_538 = arith.index_cast %add3A_508 : i32 to index
    %swap3A_539 = arith.constant 16 : index
    %swap3A_540 = tpu.vector_load %arg5[%swap3A_538, %swap3A_539] {strides = array<i32>} : memref<55x128xf32, #tpu.memory_space<vmem>>, vector<1x16xf32>,
    %swap3A_541 = vector.shape_cast %swap3A_540 : vector<1x16xf32> to vector<16xf32>
    %swap3A_542 = vector.shape_cast %div3A_537 : vector<16xf32> to vector<1x16xf32>
    tpu.vector_store %arg5[%swap3A_538, %swap3A_539], %swap3A_542 {strides = array<i32>} : memref<55x128xf32, #tpu.memory_space<vmem>>, vector<1x16xf32>,
    %get3A_543 = arith.index_cast %add3A_508 : i32 to index
    %get3A_544 = arith.constant 32 : index
    %get3A_545 = tpu.vector_load %arg5[%get3A_543, %get3A_544] {strides = array<i32>} : memref<55x128xf32, #tpu.memory_space<vmem>>, vector<1x16xf32>,
    %get3A_546 = vector.shape_cast %get3A_545 : vector<1x16xf32> to vector<16xf32>
    %neg3A_547 = arith.constant 0.000000e+00 : f32
    %neg3A_548 = vector.broadcast %neg3A_547 : f32 to vector<16xf32>
    %neg3A_549 = arith.subf %neg3A_548, %get3A_546 : vector<16xf32>
    %exp3A_550 = math.exp %neg3A_549 : vector<16xf32>
    %add3A_551 = arith.constant 1.000000e+00 : f32
    %add3A_552 = vector.broadcast %add3A_551 : f32 to vector<16xf32>
    %add3A_553 = arith.addf %add3A_552, %exp3A_550 : vector<16xf32>
    %div3A_554 = arith.divf %get3A_546, %add3A_553 : vector<16xf32>
    %swap3A_555 = arith.index_cast %add3A_508 : i32 to index
    %swap3A_556 = arith.constant 32 : index
    %swap3A_557 = tpu.vector_load %arg5[%swap3A_555, %swap3A_556] {strides = array<i32>} : memref<55x128xf32, #tpu.memory_space<vmem>>, vector<1x16xf32>,
    %swap3A_558 = vector.shape_cast %swap3A_557 : vector<1x16xf32> to vector<16xf32>
    %swap3A_559 = vector.shape_cast %div3A_554 : vector<16xf32> to vector<1x16xf32>
    tpu.vector_store %arg5[%swap3A_555, %swap3A_556], %swap3A_559 {strides = array<i32>} : memref<55x128xf32, #tpu.memory_space<vmem>>, vector<1x16xf32>,
    %get3A_560 = arith.index_cast %add3A_508 : i32 to index
    %get3A_561 = arith.constant 48 : index
    %get3A_562 = tpu.vector_load %arg5[%get3A_560, %get3A_561] {strides = array<i32>} : memref<55x128xf32, #tpu.memory_space<vmem>>, vector<1x16xf32>,
    %get3A_563 = vector.shape_cast %get3A_562 : vector<1x16xf32> to vector<16xf32>
    %neg3A_564 = arith.constant 0.000000e+00 : f32
    %neg3A_565 = vector.broadcast %neg3A_564 : f32 to vector<16xf32>
    %neg3A_566 = arith.subf %neg3A_565, %get3A_563 : vector<16xf32>
    %exp3A_567 = math.exp %neg3A_566 : vector<16xf32>
    %add3A_568 = arith.constant 1.000000e+00 : f32
    %add3A_569 = vector.broadcast %add3A_568 : f32 to vector<16xf32>
    %add3A_570 = arith.addf %add3A_569, %exp3A_567 : vector<16xf32>
    %div3A_571 = arith.divf %get3A_563, %add3A_570 : vector<16xf32>
    %swap3A_572 = arith.index_cast %add3A_508 : i32 to index
    %swap3A_573 = arith.constant 48 : index
    %swap3A_574 = tpu.vector_load %arg5[%swap3A_572, %swap3A_573] {strides = array<i32>} : memref<55x128xf32, #tpu.memory_space<vmem>>, vector<1x16xf32>,
    %swap3A_575 = vector.shape_cast %swap3A_574 : vector<1x16xf32> to vector<16xf32>
    %swap3A_576 = vector.shape_cast %div3A_571 : vector<16xf32> to vector<1x16xf32>
    tpu.vector_store %arg5[%swap3A_572, %swap3A_573], %swap3A_576 {strides = array<i32>} : memref<55x128xf32, #tpu.memory_space<vmem>>, vector<1x16xf32>,
    %get3A_577 = arith.index_cast %add3A_508 : i32 to index
    %get3A_578 = arith.constant 64 : index
    %get3A_579 = tpu.vector_load %arg5[%get3A_577, %get3A_578] {strides = array<i32>} : memref<55x128xf32, #tpu.memory_space<vmem>>, vector<1x16xf32>,
    %get3A_580 = vector.shape_cast %get3A_579 : vector<1x16xf32> to vector<16xf32>
    %neg3A_581 = arith.constant 0.000000e+00 : f32
    %neg3A_582 = vector.broadcast %neg3A_581 : f32 to vector<16xf32>
    %neg3A_583 = arith.subf %neg3A_582, %get3A_580 : vector<16xf32>
    %exp3A_584 = math.exp %neg3A_583 : vector<16xf32>
    %add3A_585 = arith.constant 1.000000e+00 : f32
    %add3A_586 = vector.broadcast %add3A_585 : f32 to vector<16xf32>
    %add3A_587 = arith.addf %add3A_586, %exp3A_584 : vector<16xf32>
    %div3A_588 = arith.divf %get3A_580, %add3A_587 : vector<16xf32>
    %swap3A_589 = arith.index_cast %add3A_508 : i32 to index
    %swap3A_590 = arith.constant 64 : index
    %swap3A_591 = tpu.vector_load %arg5[%swap3A_589, %swap3A_590] {strides = array<i32>} : memref<55x128xf32, #tpu.memory_space<vmem>>, vector<1x16xf32>,
    %swap3A_592 = vector.shape_cast %swap3A_591 : vector<1x16xf32> to vector<16xf32>
    %swap3A_593 = vector.shape_cast %div3A_588 : vector<16xf32> to vector<1x16xf32>
    tpu.vector_store %arg5[%swap3A_589, %swap3A_590], %swap3A_593 {strides = array<i32>} : memref<55x128xf32, #tpu.memory_space<vmem>>, vector<1x16xf32>,
    %get3A_594 = arith.index_cast %add3A_508 : i32 to index
    %get3A_595 = arith.constant 80 : index
    %get3A_596 = tpu.vector_load %arg5[%get3A_594, %get3A_595] {strides = array<i32>} : memref<55x128xf32, #tpu.memory_space<vmem>>, vector<1x16xf32>,
    %get3A_597 = vector.shape_cast %get3A_596 : vector<1x16xf32> to vector<16xf32>
    %neg3A_598 = arith.constant 0.000000e+00 : f32
    %neg3A_599 = vector.broadcast %neg3A_598 : f32 to vector<16xf32>
    %neg3A_600 = arith.subf %neg3A_599, %get3A_597 : vector<16xf32>
    %exp3A_601 = math.exp %neg3A_600 : vector<16xf32>
    %add3A_602 = arith.constant 1.000000e+00 : f32
    %add3A_603 = vector.broadcast %add3A_602 : f32 to vector<16xf32>
    %add3A_604 = arith.addf %add3A_603, %exp3A_601 : vector<16xf32>
    %div3A_605 = arith.divf %get3A_597, %add3A_604 : vector<16xf32>
    %swap3A_606 = arith.index_cast %add3A_508 : i32 to index
    %swap3A_607 = arith.constant 80 : index
    %swap3A_608 = tpu.vector_load %arg5[%swap3A_606, %swap3A_607] {strides = array<i32>} : memref<55x128xf32, #tpu.memory_space<vmem>>, vector<1x16xf32>,
    %swap3A_609 = vector.shape_cast %swap3A_608 : vector<1x16xf32> to vector<16xf32>
    %swap3A_610 = vector.shape_cast %div3A_605 : vector<16xf32> to vector<1x16xf32>
    tpu.vector_store %arg5[%swap3A_606, %swap3A_607], %swap3A_610 {strides = array<i32>} : memref<55x128xf32, #tpu.memory_space<vmem>>, vector<1x16xf32>,
    %get3A_611 = arith.index_cast %add3A_508 : i32 to index
    %get3A_612 = arith.constant 96 : index
    %get3A_613 = tpu.vector_load %arg5[%get3A_611, %get3A_612] {strides = array<i32>} : memref<55x128xf32, #tpu.memory_space<vmem>>, vector<1x16xf32>,
    %get3A_614 = vector.shape_cast %get3A_613 : vector<1x16xf32> to vector<16xf32>
    %neg3A_615 = arith.constant 0.000000e+00 : f32
    %neg3A_616 = vector.broadcast %neg3A_615 : f32 to vector<16xf32>
    %neg3A_617 = arith.subf %neg3A_616, %get3A_614 : vector<16xf32>
    %exp3A_618 = math.exp %neg3A_617 : vector<16xf32>
    %add3A_619 = arith.constant 1.000000e+00 : f32
    %add3A_620 = vector.broadcast %add3A_619 : f32 to vector<16xf32>
    %add3A_621 = arith.addf %add3A_620, %exp3A_618 : vector<16xf32>
    %div3A_622 = arith.divf %get3A_614, %add3A_621 : vector<16xf32>
    %swap3A_623 = arith.index_cast %add3A_508 : i32 to index
    %swap3A_624 = arith.constant 96 : index
    %swap3A_625 = tpu.vector_load %arg5[%swap3A_623, %swap3A_624] {strides = array<i32>} : memref<55x128xf32, #tpu.memory_space<vmem>>, vector<1x16xf32>,
    %swap3A_626 = vector.shape_cast %swap3A_625 : vector<1x16xf32> to vector<16xf32>
    %swap3A_627 = vector.shape_cast %div3A_622 : vector<16xf32> to vector<1x16xf32>
    tpu.vector_store %arg5[%swap3A_623, %swap3A_624], %swap3A_627 {strides = array<i32>} : memref<55x128xf32, #tpu.memory_space<vmem>>, vector<1x16xf32>,
    %get3A_628 = arith.index_cast %add3A_508 : i32 to index
    %get3A_629 = arith.constant 112 : index
    %get3A_630 = tpu.vector_load %arg5[%get3A_628, %get3A_629] {strides = array<i32>} : memref<55x128xf32, #tpu.memory_space<vmem>>, vector<1x16xf32>,
    %get3A_631 = vector.shape_cast %get3A_630 : vector<1x16xf32> to vector<16xf32>
    %neg3A_632 = arith.constant 0.000000e+00 : f32
    %neg3A_633 = vector.broadcast %neg3A_632 : f32 to vector<16xf32>
    %neg3A_634 = arith.subf %neg3A_633, %get3A_631 : vector<16xf32>
    %exp3A_635 = math.exp %neg3A_634 : vector<16xf32>
    %add3A_636 = arith.constant 1.000000e+00 : f32
    %add3A_637 = vector.broadcast %add3A_636 : f32 to vector<16xf32>
    %add3A_638 = arith.addf %add3A_637, %exp3A_635 : vector<16xf32>
    %div3A_639 = arith.divf %get3A_631, %add3A_638 : vector<16xf32>
    %swap3A_640 = arith.index_cast %add3A_508 : i32 to index
    %swap3A_641 = arith.constant 112 : index
    %swap3A_642 = tpu.vector_load %arg5[%swap3A_640, %swap3A_641] {strides = array<i32>} : memref<55x128xf32, #tpu.memory_space<vmem>>, vector<1x16xf32>,
    %swap3A_643 = vector.shape_cast %swap3A_642 : vector<1x16xf32> to vector<16xf32>
    %swap3A_644 = vector.shape_cast %div3A_639 : vector<16xf32> to vector<1x16xf32>
    tpu.vector_store %arg5[%swap3A_640, %swap3A_641], %swap3A_644 {strides = array<i32>} : memref<55x128xf32, #tpu.memory_space<vmem>>, vector<1x16xf32>,
    "tpu.region"() ({
      %run_scoped3A = tpu.sem_alloc : memref<!tpu.dma_semaphore, #tpu.memory_space<semaphore_mem>>
      %dma_start3A_2602 = arith.constant 0 : i32
      %dma_start3A_2603 = tpu.memref_slice %arg5[%min3A_97, %dma_start3A_2602] : memref<55x128xf32, #tpu.memory_space<vmem>> -> memref<4x128xf32, #tpu.memory_space<vmem>>
      %dma_start3A_2604 = arith.constant 0 : i32
      %dma_start3A_2605 = tpu.memref_slice %arg8[%min3A_97, %dma_start3A_2604] : memref<55x128xf32, #tpu.memory_space<vmem_shared>> -> memref<4x128xf32, #tpu.memory_space<vmem_shared>>
      %dma_start3A_2606 = arith.constant 0 : i32
      %dma_start3A_2607 = tpu.memref_slice %arg8[%min3A_97, %dma_start3A_2606] : memref<55x128xf32, #tpu.memory_space<vmem_shared>> -> memref<4x128xf32, #tpu.memory_space<vmem_shared>>
      %dma_start3A_2608 = arith.constant 0 : i32
      %dma_start3A_2609 = tpu.memref_slice %arg5[%min3A_97, %dma_start3A_2608] : memref<55x128xf32, #tpu.memory_space<vmem>> -> memref<4x128xf32, #tpu.memory_space<vmem>>
      tpu.enqueue_dma source(%dma_start3A_2609 : memref<4x128xf32, #tpu.memory_space<vmem>>) target(%dma_start3A_2607 : memref<4x128xf32, #tpu.memory_space<vmem_shared>>) target_semaphore(%run_scoped3A : memref<!tpu.dma_semaphore, #tpu.memory_space<semaphore_mem>>)
      %dma_wait3A_2610 = arith.constant 0 : i32
      %dma_wait3A_2611 = tpu.memref_slice %arg5[%min3A_97, %dma_wait3A_2610] : memref<55x128xf32, #tpu.memory_space<vmem>> -> memref<4x128xf32, #tpu.memory_space<vmem>>
      %dma_wait3A_2612 = arith.constant 0 : i32
      %dma_wait3A_2613 = tpu.memref_slice %arg8[%min3A_97, %dma_wait3A_2612] : memref<55x128xf32, #tpu.memory_space<vmem_shared>> -> memref<4x128xf32, #tpu.memory_space<vmem_shared>>
      %dma_wait3A_2614 = arith.constant 0 : i32
      %dma_wait3A_2615 = tpu.memref_slice %arg8[%min3A_97, %dma_wait3A_2614] : memref<55x128xf32, #tpu.memory_space<vmem_shared>> -> memref<4x128xf32, #tpu.memory_space<vmem_shared>>
      %dma_wait3A_2616 = arith.constant 0 : i32
      %dma_wait3A_2617 = tpu.memref_slice %arg5[%min3A_97, %dma_wait3A_2616] : memref<55x128xf32, #tpu.memory_space<vmem>> -> memref<4x128xf32, #tpu.memory_space<vmem>>
      tpu.wait_dma2 semaphore(%run_scoped3A : memref<!tpu.dma_semaphore, #tpu.memory_space<semaphore_mem>>) src(%dma_wait3A_2617 : memref<4x128xf32, #tpu.memory_space<vmem>>) dst(%dma_wait3A_2615 : memref<4x128xf32, #tpu.memory_space<vmem_shared>>)
      tpu.yield
    }) : () -> ()
    %barrier3A = arith.constant 0 : index
    tpu.barrier barrier_id(%barrier3A)
    %dma_wait3A = arith.constant 0 : i32
    %dma_wait3A_645 = arith.constant 0 : i32
    %dma_wait3A_646 = tpu.memref_slice %arg6[%dma_wait3A, %dma_wait3A_645] : memref<6x128xi32, #tpu.memory_space<vmem>> -> memref<1x128xi32, #tpu.memory_space<vmem>>
    %dma_wait3A_647 = tpu.memref_squeeze %dma_wait3A_646 : memref<1x128xi32, #tpu.memory_space<vmem>> -> memref<128xi32, #tpu.memory_space<vmem>>
    %dma_wait3A_648 = tpu.memref_slice %arg3[%multiple_of3A] : memref<100000xi32, #tpu.memory_space<hbm>> -> memref<128xi32, #tpu.memory_space<hbm>>
    %dma_wait3A_649 = arith.constant 0 : i32
    %dma_wait3A_650 = tpu.memref_slice %arg6[%dma_wait3A, %dma_wait3A_649] : memref<6x128xi32, #tpu.memory_space<vmem>> -> memref<1x128xi32, #tpu.memory_space<vmem>>
    %dma_wait3A_651 = tpu.memref_squeeze %dma_wait3A_650 : memref<1x128xi32, #tpu.memory_space<vmem>> -> memref<128xi32, #tpu.memory_space<vmem>>
    %dma_wait3A_652 = tpu.memref_slice %arg3[%multiple_of3A] : memref<100000xi32, #tpu.memory_space<hbm>> -> memref<128xi32, #tpu.memory_space<hbm>>
    tpu.wait_dma2 semaphore(%arg10 : memref<!tpu.dma_semaphore, #tpu.memory_space<semaphore_mem>>) src(%dma_wait3A_652 : memref<128xi32, #tpu.memory_space<hbm>>) dst(%dma_wait3A_651 : memref<128xi32, #tpu.memory_space<vmem>>)
    %dma_start3A_653 = arith.constant 0 : i32
    %dma_start3A_654 = arith.constant 0 : i32
    %dma_start3A_655 = arith.constant 0 : i32
    %dma_start3A_656 = arith.constant 0 : i32
    %dma_start3A_657 = tpu.memref_slice %arg7[%dma_start3A_654, %dma_start3A_655, %dma_start3A_656] : memref<6x128x128xf32, #tpu.memory_space<vmem>> -> memref<1x128x128xf32, #tpu.memory_space<vmem>>
    %dma_start3A_658 = tpu.memref_squeeze %dma_start3A_657 : memref<1x128x128xf32, #tpu.memory_space<vmem>> -> memref<128x128xf32, #tpu.memory_space<vmem>>
    %dma_start3A_659 = arith.constant 0 : i32
    %dma_start3A_660 = tpu.memref_slice %arg6[%dma_start3A_653, %dma_start3A_659] : memref<6x128xi32, #tpu.memory_space<vmem>> -> memref<1x128xi32, #tpu.memory_space<vmem>>
    %dma_start3A_661 = tpu.memref_squeeze %dma_start3A_660 : memref<1x128xi32, #tpu.memory_space<vmem>> -> memref<128xi32, #tpu.memory_space<vmem>>
    %dma_start3A_662 = arith.constant 0 : i32
    %dma_start3A_663 = arith.constant 0 : i32
    %dma_start3A_664 = tpu.memref_slice %arg8[%dma_start3A_662, %dma_start3A_663] : memref<55x128xf32, #tpu.memory_space<vmem_shared>> -> memref<55x128xf32, #tpu.memory_space<vmem_shared>>
    tpu.enqueue_indirect_dma source(%dma_start3A_664 : memref<55x128xf32, #tpu.memory_space<vmem_shared>>) target(%dma_start3A_658 : memref<128x128xf32, #tpu.memory_space<vmem>>) offsets(%dma_start3A_661 : memref<128xi32, #tpu.memory_space<vmem>>) semaphore(%arg16 : memref<!tpu.dma_semaphore, #tpu.memory_space<semaphore_mem>>)
    %dma_wait3A_665 = arith.constant 1 : i32
    %dma_wait3A_666 = arith.constant 0 : i32
    %dma_wait3A_667 = tpu.memref_slice %arg6[%dma_wait3A_665, %dma_wait3A_666] : memref<6x128xi32, #tpu.memory_space<vmem>> -> memref<1x128xi32, #tpu.memory_space<vmem>>
    %dma_wait3A_668 = tpu.memref_squeeze %dma_wait3A_667 : memref<1x128xi32, #tpu.memory_space<vmem>> -> memref<128xi32, #tpu.memory_space<vmem>>
    %dma_wait3A_669 = tpu.memref_slice %arg3[%multiple_of3A_20] : memref<100000xi32, #tpu.memory_space<hbm>> -> memref<128xi32, #tpu.memory_space<hbm>>
    %dma_wait3A_670 = arith.constant 0 : i32
    %dma_wait3A_671 = tpu.memref_slice %arg6[%dma_wait3A_665, %dma_wait3A_670] : memref<6x128xi32, #tpu.memory_space<vmem>> -> memref<1x128xi32, #tpu.memory_space<vmem>>
    %dma_wait3A_672 = tpu.memref_squeeze %dma_wait3A_671 : memref<1x128xi32, #tpu.memory_space<vmem>> -> memref<128xi32, #tpu.memory_space<vmem>>
    %dma_wait3A_673 = tpu.memref_slice %arg3[%multiple_of3A_20] : memref<100000xi32, #tpu.memory_space<hbm>> -> memref<128xi32, #tpu.memory_space<hbm>>
    tpu.wait_dma2 semaphore(%arg11 : memref<!tpu.dma_semaphore, #tpu.memory_space<semaphore_mem>>) src(%dma_wait3A_673 : memref<128xi32, #tpu.memory_space<hbm>>) dst(%dma_wait3A_672 : memref<128xi32, #tpu.memory_space<vmem>>)
    %dma_start3A_674 = arith.constant 1 : i32
    %dma_start3A_675 = arith.constant 1 : i32
    %dma_start3A_676 = arith.constant 0 : i32
    %dma_start3A_677 = arith.constant 0 : i32
    %dma_start3A_678 = tpu.memref_slice %arg7[%dma_start3A_675, %dma_start3A_676, %dma_start3A_677] : memref<6x128x128xf32, #tpu.memory_space<vmem>> -> memref<1x128x128xf32, #tpu.memory_space<vmem>>
    %dma_start3A_679 = tpu.memref_squeeze %dma_start3A_678 : memref<1x128x128xf32, #tpu.memory_space<vmem>> -> memref<128x128xf32, #tpu.memory_space<vmem>>
    %dma_start3A_680 = arith.constant 0 : i32
    %dma_start3A_681 = tpu.memref_slice %arg6[%dma_start3A_674, %dma_start3A_680] : memref<6x128xi32, #tpu.memory_space<vmem>> -> memref<1x128xi32, #tpu.memory_space<vmem>>
    %dma_start3A_682 = tpu.memref_squeeze %dma_start3A_681 : memref<1x128xi32, #tpu.memory_space<vmem>> -> memref<128xi32, #tpu.memory_space<vmem>>
    %dma_start3A_683 = arith.constant 0 : i32
    %dma_start3A_684 = arith.constant 0 : i32
    %dma_start3A_685 = tpu.memref_slice %arg8[%dma_start3A_683, %dma_start3A_684] : memref<55x128xf32, #tpu.memory_space<vmem_shared>> -> memref<55x128xf32, #tpu.memory_space<vmem_shared>>
    tpu.enqueue_indirect_dma source(%dma_start3A_685 : memref<55x128xf32, #tpu.memory_space<vmem_shared>>) target(%dma_start3A_679 : memref<128x128xf32, #tpu.memory_space<vmem>>) offsets(%dma_start3A_682 : memref<128xi32, #tpu.memory_space<vmem>>) semaphore(%arg17 : memref<!tpu.dma_semaphore, #tpu.memory_space<semaphore_mem>>)
    %dma_wait3A_686 = arith.constant 2 : i32
    %dma_wait3A_687 = arith.constant 0 : i32
    %dma_wait3A_688 = tpu.memref_slice %arg6[%dma_wait3A_686, %dma_wait3A_687] : memref<6x128xi32, #tpu.memory_space<vmem>> -> memref<1x128xi32, #tpu.memory_space<vmem>>
    %dma_wait3A_689 = tpu.memref_squeeze %dma_wait3A_688 : memref<1x128xi32, #tpu.memory_space<vmem>> -> memref<128xi32, #tpu.memory_space<vmem>>
    %dma_wait3A_690 = tpu.memref_slice %arg3[%multiple_of3A_36] : memref<100000xi32, #tpu.memory_space<hbm>> -> memref<128xi32, #tpu.memory_space<hbm>>
    %dma_wait3A_691 = arith.constant 0 : i32
    %dma_wait3A_692 = tpu.memref_slice %arg6[%dma_wait3A_686, %dma_wait3A_691] : memref<6x128xi32, #tpu.memory_space<vmem>> -> memref<1x128xi32, #tpu.memory_space<vmem>>
    %dma_wait3A_693 = tpu.memref_squeeze %dma_wait3A_692 : memref<1x128xi32, #tpu.memory_space<vmem>> -> memref<128xi32, #tpu.memory_space<vmem>>
    %dma_wait3A_694 = tpu.memref_slice %arg3[%multiple_of3A_36] : memref<100000xi32, #tpu.memory_space<hbm>> -> memref<128xi32, #tpu.memory_space<hbm>>
    tpu.wait_dma2 semaphore(%arg12 : memref<!tpu.dma_semaphore, #tpu.memory_space<semaphore_mem>>) src(%dma_wait3A_694 : memref<128xi32, #tpu.memory_space<hbm>>) dst(%dma_wait3A_693 : memref<128xi32, #tpu.memory_space<vmem>>)
    %dma_start3A_695 = arith.constant 2 : i32
    %dma_start3A_696 = arith.constant 2 : i32
    %dma_start3A_697 = arith.constant 0 : i32
    %dma_start3A_698 = arith.constant 0 : i32
    %dma_start3A_699 = tpu.memref_slice %arg7[%dma_start3A_696, %dma_start3A_697, %dma_start3A_698] : memref<6x128x128xf32, #tpu.memory_space<vmem>> -> memref<1x128x128xf32, #tpu.memory_space<vmem>>
    %dma_start3A_700 = tpu.memref_squeeze %dma_start3A_699 : memref<1x128x128xf32, #tpu.memory_space<vmem>> -> memref<128x128xf32, #tpu.memory_space<vmem>>
    %dma_start3A_701 = arith.constant 0 : i32
    %dma_start3A_702 = tpu.memref_slice %arg6[%dma_start3A_695, %dma_start3A_701] : memref<6x128xi32, #tpu.memory_space<vmem>> -> memref<1x128xi32, #tpu.memory_space<vmem>>
    %dma_start3A_703 = tpu.memref_squeeze %dma_start3A_702 : memref<1x128xi32, #tpu.memory_space<vmem>> -> memref<128xi32, #tpu.memory_space<vmem>>
    %dma_start3A_704 = arith.constant 0 : i32
    %dma_start3A_705 = arith.constant 0 : i32
    %dma_start3A_706 = tpu.memref_slice %arg8[%dma_start3A_704, %dma_start3A_705] : memref<55x128xf32, #tpu.memory_space<vmem_shared>> -> memref<55x128xf32, #tpu.memory_space<vmem_shared>>
    tpu.enqueue_indirect_dma source(%dma_start3A_706 : memref<55x128xf32, #tpu.memory_space<vmem_shared>>) target(%dma_start3A_700 : memref<128x128xf32, #tpu.memory_space<vmem>>) offsets(%dma_start3A_703 : memref<128xi32, #tpu.memory_space<vmem>>) semaphore(%arg18 : memref<!tpu.dma_semaphore, #tpu.memory_space<semaphore_mem>>)
    %dma_wait3A_707 = arith.constant 0 : i32
    %dma_wait3A_708 = arith.constant 0 : i32
    %dma_wait3A_709 = arith.constant 0 : i32
    %dma_wait3A_710 = arith.constant 0 : i32
    %dma_wait3A_711 = tpu.memref_slice %arg7[%dma_wait3A_708, %dma_wait3A_709, %dma_wait3A_710] : memref<6x128x128xf32, #tpu.memory_space<vmem>> -> memref<1x128x128xf32, #tpu.memory_space<vmem>>
    %dma_wait3A_712 = tpu.memref_squeeze %dma_wait3A_711 : memref<1x128x128xf32, #tpu.memory_space<vmem>> -> memref<128x128xf32, #tpu.memory_space<vmem>>
    %dma_wait3A_713 = arith.constant 0 : i32
    %dma_wait3A_714 = tpu.memref_slice %arg6[%dma_wait3A_707, %dma_wait3A_713] : memref<6x128xi32, #tpu.memory_space<vmem>> -> memref<1x128xi32, #tpu.memory_space<vmem>>
    %dma_wait3A_715 = tpu.memref_squeeze %dma_wait3A_714 : memref<1x128xi32, #tpu.memory_space<vmem>> -> memref<128xi32, #tpu.memory_space<vmem>>
    %dma_wait3A_716 = arith.constant 0 : i32
    %dma_wait3A_717 = arith.constant 0 : i32
    %dma_wait3A_718 = tpu.memref_slice %arg8[%dma_wait3A_716, %dma_wait3A_717] : memref<55x128xf32, #tpu.memory_space<vmem_shared>> -> memref<55x128xf32, #tpu.memory_space<vmem_shared>>
    tpu.wait_indirect_dma semaphore(%arg16 : memref<!tpu.dma_semaphore, #tpu.memory_space<semaphore_mem>>) src(%dma_wait3A_718 : memref<55x128xf32, #tpu.memory_space<vmem_shared>>) dst(%dma_wait3A_712 : memref<128x128xf32, #tpu.memory_space<vmem>>)
    %add3A_719 = arith.constant 0 : i32
    %add3A_720 = arith.addi %add3A, %add3A_719 : i32
    %mul3A_721 = arith.constant 128 : i32
    %mul3A_722 = arith.muli %add3A_720, %mul3A_721 : i32
    %min3A_723 = arith.constant 99872 : i32
    %min3A_724 = arith.minsi %mul3A_722, %min3A_723 : i32
    %multiple_of3A_725 = tpu.assume_multiple %min3A_724, 8 : i32
    %dma_start3A_726 = arith.constant 0 : i32
    %dma_start3A_727 = arith.constant 0 : i32
    %dma_start3A_728 = arith.constant 0 : i32
    %dma_start3A_729 = tpu.memref_slice %arg7[%dma_start3A_726, %dma_start3A_727, %dma_start3A_728] : memref<6x128x128xf32, #tpu.memory_space<vmem>> -> memref<1x128x128xf32, #tpu.memory_space<vmem>>
    %dma_start3A_730 = tpu.memref_squeeze %dma_start3A_729 : memref<1x128x128xf32, #tpu.memory_space<vmem>> -> memref<128x128xf32, #tpu.memory_space<vmem>>
    %dma_start3A_731 = arith.constant 0 : i32
    %dma_start3A_732 = tpu.memref_slice %arg4[%multiple_of3A_725, %dma_start3A_731] : memref<100000x128xf32, #tpu.memory_space<hbm>> -> memref<128x128xf32, #tpu.memory_space<hbm>>
    %dma_start3A_733 = arith.constant 0 : i32
    %dma_start3A_734 = tpu.memref_slice %arg4[%multiple_of3A_725, %dma_start3A_733] : memref<100000x128xf32, #tpu.memory_space<hbm>> -> memref<128x128xf32, #tpu.memory_space<hbm>>
    %dma_start3A_735 = arith.constant 0 : i32
    %dma_start3A_736 = arith.constant 0 : i32
    %dma_start3A_737 = tpu.memref_slice %arg7[%dma_start3A_726, %dma_start3A_735, %dma_start3A_736] : memref<6x128x128xf32, #tpu.memory_space<vmem>> -> memref<1x128x128xf32, #tpu.memory_space<vmem>>
    %dma_start3A_738 = tpu.memref_squeeze %dma_start3A_737 : memref<1x128x128xf32, #tpu.memory_space<vmem>> -> memref<128x128xf32, #tpu.memory_space<vmem>>
    tpu.enqueue_dma source(%dma_start3A_738 : memref<128x128xf32, #tpu.memory_space<vmem>>) target(%dma_start3A_734 : memref<128x128xf32, #tpu.memory_space<hbm>>) target_semaphore(%arg22 : memref<!tpu.dma_semaphore, #tpu.memory_space<semaphore_mem>>)
    %add3A_739 = arith.constant 192 : i32
    %add3A_740 = arith.addi %add3A, %add3A_739 : i32
    %mul3A_741 = arith.constant 128 : i32
    %mul3A_742 = arith.muli %add3A_740, %mul3A_741 : i32
    %min3A_743 = arith.constant 99872 : i32
    %min3A_744 = arith.minsi %mul3A_742, %min3A_743 : i32
    %multiple_of3A_745 = tpu.assume_multiple %min3A_744, 8 : i32
    %dma_start3A_746 = arith.constant 0 : i32
    %dma_start3A_747 = arith.constant 0 : i32
    %dma_start3A_748 = tpu.memref_slice %arg6[%dma_start3A_746, %dma_start3A_747] : memref<6x128xi32, #tpu.memory_space<vmem>> -> memref<1x128xi32, #tpu.memory_space<vmem>>
    %dma_start3A_749 = tpu.memref_squeeze %dma_start3A_748 : memref<1x128xi32, #tpu.memory_space<vmem>> -> memref<128xi32, #tpu.memory_space<vmem>>
    %dma_start3A_750 = tpu.memref_slice %arg3[%multiple_of3A_745] : memref<100000xi32, #tpu.memory_space<hbm>> -> memref<128xi32, #tpu.memory_space<hbm>>
    %dma_start3A_751 = arith.constant 0 : i32
    %dma_start3A_752 = tpu.memref_slice %arg6[%dma_start3A_746, %dma_start3A_751] : memref<6x128xi32, #tpu.memory_space<vmem>> -> memref<1x128xi32, #tpu.memory_space<vmem>>
    %dma_start3A_753 = tpu.memref_squeeze %dma_start3A_752 : memref<1x128xi32, #tpu.memory_space<vmem>> -> memref<128xi32, #tpu.memory_space<vmem>>
    %dma_start3A_754 = tpu.memref_slice %arg3[%multiple_of3A_745] : memref<100000xi32, #tpu.memory_space<hbm>> -> memref<128xi32, #tpu.memory_space<hbm>>
    tpu.enqueue_dma source(%dma_start3A_754 : memref<128xi32, #tpu.memory_space<hbm>>) target(%dma_start3A_753 : memref<128xi32, #tpu.memory_space<vmem>>) target_semaphore(%arg10 : memref<!tpu.dma_semaphore, #tpu.memory_space<semaphore_mem>>)
    %dma_wait3A_755 = arith.constant 3 : i32
    %dma_wait3A_756 = arith.constant 0 : i32
    %dma_wait3A_757 = tpu.memref_slice %arg6[%dma_wait3A_755, %dma_wait3A_756] : memref<6x128xi32, #tpu.memory_space<vmem>> -> memref<1x128xi32, #tpu.memory_space<vmem>>
    %dma_wait3A_758 = tpu.memref_squeeze %dma_wait3A_757 : memref<1x128xi32, #tpu.memory_space<vmem>> -> memref<128xi32, #tpu.memory_space<vmem>>
    %dma_wait3A_759 = tpu.memref_slice %arg3[%multiple_of3A_52] : memref<100000xi32, #tpu.memory_space<hbm>> -> memref<128xi32, #tpu.memory_space<hbm>>
    %dma_wait3A_760 = arith.constant 0 : i32
    %dma_wait3A_761 = tpu.memref_slice %arg6[%dma_wait3A_755, %dma_wait3A_760] : memref<6x128xi32, #tpu.memory_space<vmem>> -> memref<1x128xi32, #tpu.memory_space<vmem>>
    %dma_wait3A_762 = tpu.memref_squeeze %dma_wait3A_761 : memref<1x128xi32, #tpu.memory_space<vmem>> -> memref<128xi32, #tpu.memory_space<vmem>>
    %dma_wait3A_763 = tpu.memref_slice %arg3[%multiple_of3A_52] : memref<100000xi32, #tpu.memory_space<hbm>> -> memref<128xi32, #tpu.memory_space<hbm>>
    tpu.wait_dma2 semaphore(%arg13 : memref<!tpu.dma_semaphore, #tpu.memory_space<semaphore_mem>>) src(%dma_wait3A_763 : memref<128xi32, #tpu.memory_space<hbm>>) dst(%dma_wait3A_762 : memref<128xi32, #tpu.memory_space<vmem>>)
    %dma_start3A_764 = arith.constant 3 : i32
    %dma_start3A_765 = arith.constant 3 : i32
    %dma_start3A_766 = arith.constant 0 : i32
    %dma_start3A_767 = arith.constant 0 : i32
    %dma_start3A_768 = tpu.memref_slice %arg7[%dma_start3A_765, %dma_start3A_766, %dma_start3A_767] : memref<6x128x128xf32, #tpu.memory_space<vmem>> -> memref<1x128x128xf32, #tpu.memory_space<vmem>>
    %dma_start3A_769 = tpu.memref_squeeze %dma_start3A_768 : memref<1x128x128xf32, #tpu.memory_space<vmem>> -> memref<128x128xf32, #tpu.memory_space<vmem>>
    %dma_start3A_770 = arith.constant 0 : i32
    %dma_start3A_771 = tpu.memref_slice %arg6[%dma_start3A_764, %dma_start3A_770] : memref<6x128xi32, #tpu.memory_space<vmem>> -> memref<1x128xi32, #tpu.memory_space<vmem>>
    %dma_start3A_772 = tpu.memref_squeeze %dma_start3A_771 : memref<1x128xi32, #tpu.memory_space<vmem>> -> memref<128xi32, #tpu.memory_space<vmem>>
    %dma_start3A_773 = arith.constant 0 : i32
    %dma_start3A_774 = arith.constant 0 : i32
    %dma_start3A_775 = tpu.memref_slice %arg8[%dma_start3A_773, %dma_start3A_774] : memref<55x128xf32, #tpu.memory_space<vmem_shared>> -> memref<55x128xf32, #tpu.memory_space<vmem_shared>>
    tpu.enqueue_indirect_dma source(%dma_start3A_775 : memref<55x128xf32, #tpu.memory_space<vmem_shared>>) target(%dma_start3A_769 : memref<128x128xf32, #tpu.memory_space<vmem>>) offsets(%dma_start3A_772 : memref<128xi32, #tpu.memory_space<vmem>>) semaphore(%arg19 : memref<!tpu.dma_semaphore, #tpu.memory_space<semaphore_mem>>)
    %dma_wait3A_776 = arith.constant 1 : i32
    %dma_wait3A_777 = arith.constant 1 : i32
    %dma_wait3A_778 = arith.constant 0 : i32
    %dma_wait3A_779 = arith.constant 0 : i32
    %dma_wait3A_780 = tpu.memref_slice %arg7[%dma_wait3A_777, %dma_wait3A_778, %dma_wait3A_779] : memref<6x128x128xf32, #tpu.memory_space<vmem>> -> memref<1x128x128xf32, #tpu.memory_space<vmem>>
    %dma_wait3A_781 = tpu.memref_squeeze %dma_wait3A_780 : memref<1x128x128xf32, #tpu.memory_space<vmem>> -> memref<128x128xf32, #tpu.memory_space<vmem>>
    %dma_wait3A_782 = arith.constant 0 : i32
    %dma_wait3A_783 = tpu.memref_slice %arg6[%dma_wait3A_776, %dma_wait3A_782] : memref<6x128xi32, #tpu.memory_space<vmem>> -> memref<1x128xi32, #tpu.memory_space<vmem>>
    %dma_wait3A_784 = tpu.memref_squeeze %dma_wait3A_783 : memref<1x128xi32, #tpu.memory_space<vmem>> -> memref<128xi32, #tpu.memory_space<vmem>>
    %dma_wait3A_785 = arith.constant 0 : i32
    %dma_wait3A_786 = arith.constant 0 : i32
    %dma_wait3A_787 = tpu.memref_slice %arg8[%dma_wait3A_785, %dma_wait3A_786] : memref<55x128xf32, #tpu.memory_space<vmem_shared>> -> memref<55x128xf32, #tpu.memory_space<vmem_shared>>
    tpu.wait_indirect_dma semaphore(%arg17 : memref<!tpu.dma_semaphore, #tpu.memory_space<semaphore_mem>>) src(%dma_wait3A_787 : memref<55x128xf32, #tpu.memory_space<vmem_shared>>) dst(%dma_wait3A_781 : memref<128x128xf32, #tpu.memory_space<vmem>>)
    %add3A_788 = arith.constant 32 : i32
    %add3A_789 = arith.addi %add3A, %add3A_788 : i32
    %mul3A_790 = arith.constant 128 : i32
    %mul3A_791 = arith.muli %add3A_789, %mul3A_790 : i32
    %min3A_792 = arith.constant 99872 : i32
    %min3A_793 = arith.minsi %mul3A_791, %min3A_792 : i32
    %multiple_of3A_794 = tpu.assume_multiple %min3A_793, 8 : i32
    %dma_start3A_795 = arith.constant 1 : i32
    %dma_start3A_796 = arith.constant 0 : i32
    %dma_start3A_797 = arith.constant 0 : i32
    %dma_start3A_798 = tpu.memref_slice %arg7[%dma_start3A_795, %dma_start3A_796, %dma_start3A_797] : memref<6x128x128xf32, #tpu.memory_space<vmem>> -> memref<1x128x128xf32, #tpu.memory_space<vmem>>
    %dma_start3A_799 = tpu.memref_squeeze %dma_start3A_798 : memref<1x128x128xf32, #tpu.memory_space<vmem>> -> memref<128x128xf32, #tpu.memory_space<vmem>>
    %dma_start3A_800 = arith.constant 0 : i32
    %dma_start3A_801 = tpu.memref_slice %arg4[%multiple_of3A_794, %dma_start3A_800] : memref<100000x128xf32, #tpu.memory_space<hbm>> -> memref<128x128xf32, #tpu.memory_space<hbm>>
    %dma_start3A_802 = arith.constant 0 : i32
    %dma_start3A_803 = tpu.memref_slice %arg4[%multiple_of3A_794, %dma_start3A_802] : memref<100000x128xf32, #tpu.memory_space<hbm>> -> memref<128x128xf32, #tpu.memory_space<hbm>>
    %dma_start3A_804 = arith.constant 0 : i32
    %dma_start3A_805 = arith.constant 0 : i32
    %dma_start3A_806 = tpu.memref_slice %arg7[%dma_start3A_795, %dma_start3A_804, %dma_start3A_805] : memref<6x128x128xf32, #tpu.memory_space<vmem>> -> memref<1x128x128xf32, #tpu.memory_space<vmem>>
    %dma_start3A_807 = tpu.memref_squeeze %dma_start3A_806 : memref<1x128x128xf32, #tpu.memory_space<vmem>> -> memref<128x128xf32, #tpu.memory_space<vmem>>
    tpu.enqueue_dma source(%dma_start3A_807 : memref<128x128xf32, #tpu.memory_space<vmem>>) target(%dma_start3A_803 : memref<128x128xf32, #tpu.memory_space<hbm>>) target_semaphore(%arg23 : memref<!tpu.dma_semaphore, #tpu.memory_space<semaphore_mem>>)
    %add3A_808 = arith.constant 224 : i32
    %add3A_809 = arith.addi %add3A, %add3A_808 : i32
    %mul3A_810 = arith.constant 128 : i32
    %mul3A_811 = arith.muli %add3A_809, %mul3A_810 : i32
    %min3A_812 = arith.constant 99872 : i32
    %min3A_813 = arith.minsi %mul3A_811, %min3A_812 : i32
    %multiple_of3A_814 = tpu.assume_multiple %min3A_813, 8 : i32
    %dma_start3A_815 = arith.constant 1 : i32
    %dma_start3A_816 = arith.constant 0 : i32
    %dma_start3A_817 = tpu.memref_slice %arg6[%dma_start3A_815, %dma_start3A_816] : memref<6x128xi32, #tpu.memory_space<vmem>> -> memref<1x128xi32, #tpu.memory_space<vmem>>
    %dma_start3A_818 = tpu.memref_squeeze %dma_start3A_817 : memref<1x128xi32, #tpu.memory_space<vmem>> -> memref<128xi32, #tpu.memory_space<vmem>>
    %dma_start3A_819 = tpu.memref_slice %arg3[%multiple_of3A_814] : memref<100000xi32, #tpu.memory_space<hbm>> -> memref<128xi32, #tpu.memory_space<hbm>>
    %dma_start3A_820 = arith.constant 0 : i32
    %dma_start3A_821 = tpu.memref_slice %arg6[%dma_start3A_815, %dma_start3A_820] : memref<6x128xi32, #tpu.memory_space<vmem>> -> memref<1x128xi32, #tpu.memory_space<vmem>>
    %dma_start3A_822 = tpu.memref_squeeze %dma_start3A_821 : memref<1x128xi32, #tpu.memory_space<vmem>> -> memref<128xi32, #tpu.memory_space<vmem>>
    %dma_start3A_823 = tpu.memref_slice %arg3[%multiple_of3A_814] : memref<100000xi32, #tpu.memory_space<hbm>> -> memref<128xi32, #tpu.memory_space<hbm>>
    tpu.enqueue_dma source(%dma_start3A_823 : memref<128xi32, #tpu.memory_space<hbm>>) target(%dma_start3A_822 : memref<128xi32, #tpu.memory_space<vmem>>) target_semaphore(%arg11 : memref<!tpu.dma_semaphore, #tpu.memory_space<semaphore_mem>>)
    %dma_wait3A_824 = arith.constant 4 : i32
    %dma_wait3A_825 = arith.constant 0 : i32
    %dma_wait3A_826 = tpu.memref_slice %arg6[%dma_wait3A_824, %dma_wait3A_825] : memref<6x128xi32, #tpu.memory_space<vmem>> -> memref<1x128xi32, #tpu.memory_space<vmem>>
    %dma_wait3A_827 = tpu.memref_squeeze %dma_wait3A_826 : memref<1x128xi32, #tpu.memory_space<vmem>> -> memref<128xi32, #tpu.memory_space<vmem>>
    %dma_wait3A_828 = tpu.memref_slice %arg3[%multiple_of3A_68] : memref<100000xi32, #tpu.memory_space<hbm>> -> memref<128xi32, #tpu.memory_space<hbm>>
    %dma_wait3A_829 = arith.constant 0 : i32
    %dma_wait3A_830 = tpu.memref_slice %arg6[%dma_wait3A_824, %dma_wait3A_829] : memref<6x128xi32, #tpu.memory_space<vmem>> -> memref<1x128xi32, #tpu.memory_space<vmem>>
    %dma_wait3A_831 = tpu.memref_squeeze %dma_wait3A_830 : memref<1x128xi32, #tpu.memory_space<vmem>> -> memref<128xi32, #tpu.memory_space<vmem>>
    %dma_wait3A_832 = tpu.memref_slice %arg3[%multiple_of3A_68] : memref<100000xi32, #tpu.memory_space<hbm>> -> memref<128xi32, #tpu.memory_space<hbm>>
    tpu.wait_dma2 semaphore(%arg14 : memref<!tpu.dma_semaphore, #tpu.memory_space<semaphore_mem>>) src(%dma_wait3A_832 : memref<128xi32, #tpu.memory_space<hbm>>) dst(%dma_wait3A_831 : memref<128xi32, #tpu.memory_space<vmem>>)
    %dma_start3A_833 = arith.constant 4 : i32
    %dma_start3A_834 = arith.constant 4 : i32
    %dma_start3A_835 = arith.constant 0 : i32
    %dma_start3A_836 = arith.constant 0 : i32
    %dma_start3A_837 = tpu.memref_slice %arg7[%dma_start3A_834, %dma_start3A_835, %dma_start3A_836] : memref<6x128x128xf32, #tpu.memory_space<vmem>> -> memref<1x128x128xf32, #tpu.memory_space<vmem>>
    %dma_start3A_838 = tpu.memref_squeeze %dma_start3A_837 : memref<1x128x128xf32, #tpu.memory_space<vmem>> -> memref<128x128xf32, #tpu.memory_space<vmem>>
    %dma_start3A_839 = arith.constant 0 : i32
    %dma_start3A_840 = tpu.memref_slice %arg6[%dma_start3A_833, %dma_start3A_839] : memref<6x128xi32, #tpu.memory_space<vmem>> -> memref<1x128xi32, #tpu.memory_space<vmem>>
    %dma_start3A_841 = tpu.memref_squeeze %dma_start3A_840 : memref<1x128xi32, #tpu.memory_space<vmem>> -> memref<128xi32, #tpu.memory_space<vmem>>
    %dma_start3A_842 = arith.constant 0 : i32
    %dma_start3A_843 = arith.constant 0 : i32
    %dma_start3A_844 = tpu.memref_slice %arg8[%dma_start3A_842, %dma_start3A_843] : memref<55x128xf32, #tpu.memory_space<vmem_shared>> -> memref<55x128xf32, #tpu.memory_space<vmem_shared>>
    tpu.enqueue_indirect_dma source(%dma_start3A_844 : memref<55x128xf32, #tpu.memory_space<vmem_shared>>) target(%dma_start3A_838 : memref<128x128xf32, #tpu.memory_space<vmem>>) offsets(%dma_start3A_841 : memref<128xi32, #tpu.memory_space<vmem>>) semaphore(%arg20 : memref<!tpu.dma_semaphore, #tpu.memory_space<semaphore_mem>>)
    %dma_wait3A_845 = arith.constant 2 : i32
    %dma_wait3A_846 = arith.constant 2 : i32
    %dma_wait3A_847 = arith.constant 0 : i32
    %dma_wait3A_848 = arith.constant 0 : i32
    %dma_wait3A_849 = tpu.memref_slice %arg7[%dma_wait3A_846, %dma_wait3A_847, %dma_wait3A_848] : memref<6x128x128xf32, #tpu.memory_space<vmem>> -> memref<1x128x128xf32, #tpu.memory_space<vmem>>
    %dma_wait3A_850 = tpu.memref_squeeze %dma_wait3A_849 : memref<1x128x128xf32, #tpu.memory_space<vmem>> -> memref<128x128xf32, #tpu.memory_space<vmem>>
    %dma_wait3A_851 = arith.constant 0 : i32
    %dma_wait3A_852 = tpu.memref_slice %arg6[%dma_wait3A_845, %dma_wait3A_851] : memref<6x128xi32, #tpu.memory_space<vmem>> -> memref<1x128xi32, #tpu.memory_space<vmem>>
    %dma_wait3A_853 = tpu.memref_squeeze %dma_wait3A_852 : memref<1x128xi32, #tpu.memory_space<vmem>> -> memref<128xi32, #tpu.memory_space<vmem>>
    %dma_wait3A_854 = arith.constant 0 : i32
    %dma_wait3A_855 = arith.constant 0 : i32
    %dma_wait3A_856 = tpu.memref_slice %arg8[%dma_wait3A_854, %dma_wait3A_855] : memref<55x128xf32, #tpu.memory_space<vmem_shared>> -> memref<55x128xf32, #tpu.memory_space<vmem_shared>>
    tpu.wait_indirect_dma semaphore(%arg18 : memref<!tpu.dma_semaphore, #tpu.memory_space<semaphore_mem>>) src(%dma_wait3A_856 : memref<55x128xf32, #tpu.memory_space<vmem_shared>>) dst(%dma_wait3A_850 : memref<128x128xf32, #tpu.memory_space<vmem>>)
    %add3A_857 = arith.constant 64 : i32
    %add3A_858 = arith.addi %add3A, %add3A_857 : i32
    %mul3A_859 = arith.constant 128 : i32
    %mul3A_860 = arith.muli %add3A_858, %mul3A_859 : i32
    %min3A_861 = arith.constant 99872 : i32
    %min3A_862 = arith.minsi %mul3A_860, %min3A_861 : i32
    %multiple_of3A_863 = tpu.assume_multiple %min3A_862, 8 : i32
    %dma_start3A_864 = arith.constant 2 : i32
    %dma_start3A_865 = arith.constant 0 : i32
    %dma_start3A_866 = arith.constant 0 : i32
    %dma_start3A_867 = tpu.memref_slice %arg7[%dma_start3A_864, %dma_start3A_865, %dma_start3A_866] : memref<6x128x128xf32, #tpu.memory_space<vmem>> -> memref<1x128x128xf32, #tpu.memory_space<vmem>>
    %dma_start3A_868 = tpu.memref_squeeze %dma_start3A_867 : memref<1x128x128xf32, #tpu.memory_space<vmem>> -> memref<128x128xf32, #tpu.memory_space<vmem>>
    %dma_start3A_869 = arith.constant 0 : i32
    %dma_start3A_870 = tpu.memref_slice %arg4[%multiple_of3A_863, %dma_start3A_869] : memref<100000x128xf32, #tpu.memory_space<hbm>> -> memref<128x128xf32, #tpu.memory_space<hbm>>
    %dma_start3A_871 = arith.constant 0 : i32
    %dma_start3A_872 = tpu.memref_slice %arg4[%multiple_of3A_863, %dma_start3A_871] : memref<100000x128xf32, #tpu.memory_space<hbm>> -> memref<128x128xf32, #tpu.memory_space<hbm>>
    %dma_start3A_873 = arith.constant 0 : i32
    %dma_start3A_874 = arith.constant 0 : i32
    %dma_start3A_875 = tpu.memref_slice %arg7[%dma_start3A_864, %dma_start3A_873, %dma_start3A_874] : memref<6x128x128xf32, #tpu.memory_space<vmem>> -> memref<1x128x128xf32, #tpu.memory_space<vmem>>
    %dma_start3A_876 = tpu.memref_squeeze %dma_start3A_875 : memref<1x128x128xf32, #tpu.memory_space<vmem>> -> memref<128x128xf32, #tpu.memory_space<vmem>>
    tpu.enqueue_dma source(%dma_start3A_876 : memref<128x128xf32, #tpu.memory_space<vmem>>) target(%dma_start3A_872 : memref<128x128xf32, #tpu.memory_space<hbm>>) target_semaphore(%arg24 : memref<!tpu.dma_semaphore, #tpu.memory_space<semaphore_mem>>)
    %add3A_877 = arith.constant 256 : i32
    %add3A_878 = arith.addi %add3A, %add3A_877 : i32
    %mul3A_879 = arith.constant 128 : i32
    %mul3A_880 = arith.muli %add3A_878, %mul3A_879 : i32
    %min3A_881 = arith.constant 99872 : i32
    %min3A_882 = arith.minsi %mul3A_880, %min3A_881 : i32
    %multiple_of3A_883 = tpu.assume_multiple %min3A_882, 8 : i32
    %dma_start3A_884 = arith.constant 2 : i32
    %dma_start3A_885 = arith.constant 0 : i32
    %dma_start3A_886 = tpu.memref_slice %arg6[%dma_start3A_884, %dma_start3A_885] : memref<6x128xi32, #tpu.memory_space<vmem>> -> memref<1x128xi32, #tpu.memory_space<vmem>>
    %dma_start3A_887 = tpu.memref_squeeze %dma_start3A_886 : memref<1x128xi32, #tpu.memory_space<vmem>> -> memref<128xi32, #tpu.memory_space<vmem>>
    %dma_start3A_888 = tpu.memref_slice %arg3[%multiple_of3A_883] : memref<100000xi32, #tpu.memory_space<hbm>> -> memref<128xi32, #tpu.memory_space<hbm>>
    %dma_start3A_889 = arith.constant 0 : i32
    %dma_start3A_890 = tpu.memref_slice %arg6[%dma_start3A_884, %dma_start3A_889] : memref<6x128xi32, #tpu.memory_space<vmem>> -> memref<1x128xi32, #tpu.memory_space<vmem>>
    %dma_start3A_891 = tpu.memref_squeeze %dma_start3A_890 : memref<1x128xi32, #tpu.memory_space<vmem>> -> memref<128xi32, #tpu.memory_space<vmem>>
    %dma_start3A_892 = tpu.memref_slice %arg3[%multiple_of3A_883] : memref<100000xi32, #tpu.memory_space<hbm>> -> memref<128xi32, #tpu.memory_space<hbm>>
    tpu.enqueue_dma source(%dma_start3A_892 : memref<128xi32, #tpu.memory_space<hbm>>) target(%dma_start3A_891 : memref<128xi32, #tpu.memory_space<vmem>>) target_semaphore(%arg12 : memref<!tpu.dma_semaphore, #tpu.memory_space<semaphore_mem>>)
    %dma_wait3A_893 = arith.constant 5 : i32
    %dma_wait3A_894 = arith.constant 0 : i32
    %dma_wait3A_895 = tpu.memref_slice %arg6[%dma_wait3A_893, %dma_wait3A_894] : memref<6x128xi32, #tpu.memory_space<vmem>> -> memref<1x128xi32, #tpu.memory_space<vmem>>
    %dma_wait3A_896 = tpu.memref_squeeze %dma_wait3A_895 : memref<1x128xi32, #tpu.memory_space<vmem>> -> memref<128xi32, #tpu.memory_space<vmem>>
    %dma_wait3A_897 = tpu.memref_slice %arg3[%multiple_of3A_84] : memref<100000xi32, #tpu.memory_space<hbm>> -> memref<128xi32, #tpu.memory_space<hbm>>
    %dma_wait3A_898 = arith.constant 0 : i32
    %dma_wait3A_899 = tpu.memref_slice %arg6[%dma_wait3A_893, %dma_wait3A_898] : memref<6x128xi32, #tpu.memory_space<vmem>> -> memref<1x128xi32, #tpu.memory_space<vmem>>
    %dma_wait3A_900 = tpu.memref_squeeze %dma_wait3A_899 : memref<1x128xi32, #tpu.memory_space<vmem>> -> memref<128xi32, #tpu.memory_space<vmem>>
    %dma_wait3A_901 = tpu.memref_slice %arg3[%multiple_of3A_84] : memref<100000xi32, #tpu.memory_space<hbm>> -> memref<128xi32, #tpu.memory_space<hbm>>
    tpu.wait_dma2 semaphore(%arg15 : memref<!tpu.dma_semaphore, #tpu.memory_space<semaphore_mem>>) src(%dma_wait3A_901 : memref<128xi32, #tpu.memory_space<hbm>>) dst(%dma_wait3A_900 : memref<128xi32, #tpu.memory_space<vmem>>)
    %dma_start3A_902 = arith.constant 5 : i32
    %dma_start3A_903 = arith.constant 5 : i32
    %dma_start3A_904 = arith.constant 0 : i32
    %dma_start3A_905 = arith.constant 0 : i32
    %dma_start3A_906 = tpu.memref_slice %arg7[%dma_start3A_903, %dma_start3A_904, %dma_start3A_905] : memref<6x128x128xf32, #tpu.memory_space<vmem>> -> memref<1x128x128xf32, #tpu.memory_space<vmem>>
    %dma_start3A_907 = tpu.memref_squeeze %dma_start3A_906 : memref<1x128x128xf32, #tpu.memory_space<vmem>> -> memref<128x128xf32, #tpu.memory_space<vmem>>
    %dma_start3A_908 = arith.constant 0 : i32
    %dma_start3A_909 = tpu.memref_slice %arg6[%dma_start3A_902, %dma_start3A_908] : memref<6x128xi32, #tpu.memory_space<vmem>> -> memref<1x128xi32, #tpu.memory_space<vmem>>
    %dma_start3A_910 = tpu.memref_squeeze %dma_start3A_909 : memref<1x128xi32, #tpu.memory_space<vmem>> -> memref<128xi32, #tpu.memory_space<vmem>>
    %dma_start3A_911 = arith.constant 0 : i32
    %dma_start3A_912 = arith.constant 0 : i32
    %dma_start3A_913 = tpu.memref_slice %arg8[%dma_start3A_911, %dma_start3A_912] : memref<55x128xf32, #tpu.memory_space<vmem_shared>> -> memref<55x128xf32, #tpu.memory_space<vmem_shared>>
    tpu.enqueue_indirect_dma source(%dma_start3A_913 : memref<55x128xf32, #tpu.memory_space<vmem_shared>>) target(%dma_start3A_907 : memref<128x128xf32, #tpu.memory_space<vmem>>) offsets(%dma_start3A_910 : memref<128xi32, #tpu.memory_space<vmem>>) semaphore(%arg21 : memref<!tpu.dma_semaphore, #tpu.memory_space<semaphore_mem>>)
    %dma_wait3A_914 = arith.constant 3 : i32
    %dma_wait3A_915 = arith.constant 3 : i32
    %dma_wait3A_916 = arith.constant 0 : i32
    %dma_wait3A_917 = arith.constant 0 : i32
    %dma_wait3A_918 = tpu.memref_slice %arg7[%dma_wait3A_915, %dma_wait3A_916, %dma_wait3A_917] : memref<6x128x128xf32, #tpu.memory_space<vmem>> -> memref<1x128x128xf32, #tpu.memory_space<vmem>>
    %dma_wait3A_919 = tpu.memref_squeeze %dma_wait3A_918 : memref<1x128x128xf32, #tpu.memory_space<vmem>> -> memref<128x128xf32, #tpu.memory_space<vmem>>
    %dma_wait3A_920 = arith.constant 0 : i32
    %dma_wait3A_921 = tpu.memref_slice %arg6[%dma_wait3A_914, %dma_wait3A_920] : memref<6x128xi32, #tpu.memory_space<vmem>> -> memref<1x128xi32, #tpu.memory_space<vmem>>
    %dma_wait3A_922 = tpu.memref_squeeze %dma_wait3A_921 : memref<1x128xi32, #tpu.memory_space<vmem>> -> memref<128xi32, #tpu.memory_space<vmem>>
    %dma_wait3A_923 = arith.constant 0 : i32
    %dma_wait3A_924 = arith.constant 0 : i32
    %dma_wait3A_925 = tpu.memref_slice %arg8[%dma_wait3A_923, %dma_wait3A_924] : memref<55x128xf32, #tpu.memory_space<vmem_shared>> -> memref<55x128xf32, #tpu.memory_space<vmem_shared>>
    tpu.wait_indirect_dma semaphore(%arg19 : memref<!tpu.dma_semaphore, #tpu.memory_space<semaphore_mem>>) src(%dma_wait3A_925 : memref<55x128xf32, #tpu.memory_space<vmem_shared>>) dst(%dma_wait3A_919 : memref<128x128xf32, #tpu.memory_space<vmem>>)
    %add3A_926 = arith.constant 96 : i32
    %add3A_927 = arith.addi %add3A, %add3A_926 : i32
    %mul3A_928 = arith.constant 128 : i32
    %mul3A_929 = arith.muli %add3A_927, %mul3A_928 : i32
    %min3A_930 = arith.constant 99872 : i32
    %min3A_931 = arith.minsi %mul3A_929, %min3A_930 : i32
    %multiple_of3A_932 = tpu.assume_multiple %min3A_931, 8 : i32
    %dma_start3A_933 = arith.constant 3 : i32
    %dma_start3A_934 = arith.constant 0 : i32
    %dma_start3A_935 = arith.constant 0 : i32
    %dma_start3A_936 = tpu.memref_slice %arg7[%dma_start3A_933, %dma_start3A_934, %dma_start3A_935] : memref<6x128x128xf32, #tpu.memory_space<vmem>> -> memref<1x128x128xf32, #tpu.memory_space<vmem>>
    %dma_start3A_937 = tpu.memref_squeeze %dma_start3A_936 : memref<1x128x128xf32, #tpu.memory_space<vmem>> -> memref<128x128xf32, #tpu.memory_space<vmem>>
    %dma_start3A_938 = arith.constant 0 : i32
    %dma_start3A_939 = tpu.memref_slice %arg4[%multiple_of3A_932, %dma_start3A_938] : memref<100000x128xf32, #tpu.memory_space<hbm>> -> memref<128x128xf32, #tpu.memory_space<hbm>>
    %dma_start3A_940 = arith.constant 0 : i32
    %dma_start3A_941 = tpu.memref_slice %arg4[%multiple_of3A_932, %dma_start3A_940] : memref<100000x128xf32, #tpu.memory_space<hbm>> -> memref<128x128xf32, #tpu.memory_space<hbm>>
    %dma_start3A_942 = arith.constant 0 : i32
    %dma_start3A_943 = arith.constant 0 : i32
    %dma_start3A_944 = tpu.memref_slice %arg7[%dma_start3A_933, %dma_start3A_942, %dma_start3A_943] : memref<6x128x128xf32, #tpu.memory_space<vmem>> -> memref<1x128x128xf32, #tpu.memory_space<vmem>>
    %dma_start3A_945 = tpu.memref_squeeze %dma_start3A_944 : memref<1x128x128xf32, #tpu.memory_space<vmem>> -> memref<128x128xf32, #tpu.memory_space<vmem>>
    tpu.enqueue_dma source(%dma_start3A_945 : memref<128x128xf32, #tpu.memory_space<vmem>>) target(%dma_start3A_941 : memref<128x128xf32, #tpu.memory_space<hbm>>) target_semaphore(%arg25 : memref<!tpu.dma_semaphore, #tpu.memory_space<semaphore_mem>>)
    %add3A_946 = arith.constant 288 : i32
    %add3A_947 = arith.addi %add3A, %add3A_946 : i32
    %mul3A_948 = arith.constant 128 : i32
    %mul3A_949 = arith.muli %add3A_947, %mul3A_948 : i32
    %min3A_950 = arith.constant 99872 : i32
    %min3A_951 = arith.minsi %mul3A_949, %min3A_950 : i32
    %multiple_of3A_952 = tpu.assume_multiple %min3A_951, 8 : i32
    %dma_start3A_953 = arith.constant 3 : i32
    %dma_start3A_954 = arith.constant 0 : i32
    %dma_start3A_955 = tpu.memref_slice %arg6[%dma_start3A_953, %dma_start3A_954] : memref<6x128xi32, #tpu.memory_space<vmem>> -> memref<1x128xi32, #tpu.memory_space<vmem>>
    %dma_start3A_956 = tpu.memref_squeeze %dma_start3A_955 : memref<1x128xi32, #tpu.memory_space<vmem>> -> memref<128xi32, #tpu.memory_space<vmem>>
    %dma_start3A_957 = tpu.memref_slice %arg3[%multiple_of3A_952] : memref<100000xi32, #tpu.memory_space<hbm>> -> memref<128xi32, #tpu.memory_space<hbm>>
    %dma_start3A_958 = arith.constant 0 : i32
    %dma_start3A_959 = tpu.memref_slice %arg6[%dma_start3A_953, %dma_start3A_958] : memref<6x128xi32, #tpu.memory_space<vmem>> -> memref<1x128xi32, #tpu.memory_space<vmem>>
    %dma_start3A_960 = tpu.memref_squeeze %dma_start3A_959 : memref<1x128xi32, #tpu.memory_space<vmem>> -> memref<128xi32, #tpu.memory_space<vmem>>
    %dma_start3A_961 = tpu.memref_slice %arg3[%multiple_of3A_952] : memref<100000xi32, #tpu.memory_space<hbm>> -> memref<128xi32, #tpu.memory_space<hbm>>
    tpu.enqueue_dma source(%dma_start3A_961 : memref<128xi32, #tpu.memory_space<hbm>>) target(%dma_start3A_960 : memref<128xi32, #tpu.memory_space<vmem>>) target_semaphore(%arg13 : memref<!tpu.dma_semaphore, #tpu.memory_space<semaphore_mem>>)
    %dma_wait3A_962 = arith.constant 0 : i32
    %dma_wait3A_963 = arith.constant 0 : i32
    %dma_wait3A_964 = arith.constant 0 : i32
    %dma_wait3A_965 = tpu.memref_slice %arg7[%dma_wait3A_962, %dma_wait3A_963, %dma_wait3A_964] : memref<6x128x128xf32, #tpu.memory_space<vmem>> -> memref<1x128x128xf32, #tpu.memory_space<vmem>>
    %dma_wait3A_966 = tpu.memref_squeeze %dma_wait3A_965 : memref<1x128x128xf32, #tpu.memory_space<vmem>> -> memref<128x128xf32, #tpu.memory_space<vmem>>
    %dma_wait3A_967 = arith.constant 0 : i32
    %dma_wait3A_968 = tpu.memref_slice %arg4[%multiple_of3A_725, %dma_wait3A_967] : memref<100000x128xf32, #tpu.memory_space<hbm>> -> memref<128x128xf32, #tpu.memory_space<hbm>>
    %dma_wait3A_969 = arith.constant 0 : i32
    %dma_wait3A_970 = tpu.memref_slice %arg4[%multiple_of3A_725, %dma_wait3A_969] : memref<100000x128xf32, #tpu.memory_space<hbm>> -> memref<128x128xf32, #tpu.memory_space<hbm>>
    %dma_wait3A_971 = arith.constant 0 : i32
    %dma_wait3A_972 = arith.constant 0 : i32
    %dma_wait3A_973 = tpu.memref_slice %arg7[%dma_wait3A_962, %dma_wait3A_971, %dma_wait3A_972] : memref<6x128x128xf32, #tpu.memory_space<vmem>> -> memref<1x128x128xf32, #tpu.memory_space<vmem>>
    %dma_wait3A_974 = tpu.memref_squeeze %dma_wait3A_973 : memref<1x128x128xf32, #tpu.memory_space<vmem>> -> memref<128x128xf32, #tpu.memory_space<vmem>>
    tpu.wait_dma2 semaphore(%arg22 : memref<!tpu.dma_semaphore, #tpu.memory_space<semaphore_mem>>) src(%dma_wait3A_974 : memref<128x128xf32, #tpu.memory_space<vmem>>) dst(%dma_wait3A_970 : memref<128x128xf32, #tpu.memory_space<hbm>>)
    %dma_wait3A_975 = arith.constant 0 : i32
    %dma_wait3A_976 = arith.constant 0 : i32
    %dma_wait3A_977 = tpu.memref_slice %arg6[%dma_wait3A_975, %dma_wait3A_976] : memref<6x128xi32, #tpu.memory_space<vmem>> -> memref<1x128xi32, #tpu.memory_space<vmem>>
    %dma_wait3A_978 = tpu.memref_squeeze %dma_wait3A_977 : memref<1x128xi32, #tpu.memory_space<vmem>> -> memref<128xi32, #tpu.memory_space<vmem>>
    %dma_wait3A_979 = tpu.memref_slice %arg3[%multiple_of3A_745] : memref<100000xi32, #tpu.memory_space<hbm>> -> memref<128xi32, #tpu.memory_space<hbm>>
    %dma_wait3A_980 = arith.constant 0 : i32
    %dma_wait3A_981 = tpu.memref_slice %arg6[%dma_wait3A_975, %dma_wait3A_980] : memref<6x128xi32, #tpu.memory_space<vmem>> -> memref<1x128xi32, #tpu.memory_space<vmem>>
    %dma_wait3A_982 = tpu.memref_squeeze %dma_wait3A_981 : memref<1x128xi32, #tpu.memory_space<vmem>> -> memref<128xi32, #tpu.memory_space<vmem>>
    %dma_wait3A_983 = tpu.memref_slice %arg3[%multiple_of3A_745] : memref<100000xi32, #tpu.memory_space<hbm>> -> memref<128xi32, #tpu.memory_space<hbm>>
    tpu.wait_dma2 semaphore(%arg10 : memref<!tpu.dma_semaphore, #tpu.memory_space<semaphore_mem>>) src(%dma_wait3A_983 : memref<128xi32, #tpu.memory_space<hbm>>) dst(%dma_wait3A_982 : memref<128xi32, #tpu.memory_space<vmem>>)
    %dma_start3A_984 = arith.constant 0 : i32
    %dma_start3A_985 = arith.constant 0 : i32
    %dma_start3A_986 = arith.constant 0 : i32
    %dma_start3A_987 = arith.constant 0 : i32
    %dma_start3A_988 = tpu.memref_slice %arg7[%dma_start3A_985, %dma_start3A_986, %dma_start3A_987] : memref<6x128x128xf32, #tpu.memory_space<vmem>> -> memref<1x128x128xf32, #tpu.memory_space<vmem>>
    %dma_start3A_989 = tpu.memref_squeeze %dma_start3A_988 : memref<1x128x128xf32, #tpu.memory_space<vmem>> -> memref<128x128xf32, #tpu.memory_space<vmem>>
    %dma_start3A_990 = arith.constant 0 : i32
    %dma_start3A_991 = tpu.memref_slice %arg6[%dma_start3A_984, %dma_start3A_990] : memref<6x128xi32, #tpu.memory_space<vmem>> -> memref<1x128xi32, #tpu.memory_space<vmem>>
    %dma_start3A_992 = tpu.memref_squeeze %dma_start3A_991 : memref<1x128xi32, #tpu.memory_space<vmem>> -> memref<128xi32, #tpu.memory_space<vmem>>
    %dma_start3A_993 = arith.constant 0 : i32
    %dma_start3A_994 = arith.constant 0 : i32
    %dma_start3A_995 = tpu.memref_slice %arg8[%dma_start3A_993, %dma_start3A_994] : memref<55x128xf32, #tpu.memory_space<vmem_shared>> -> memref<55x128xf32, #tpu.memory_space<vmem_shared>>
    tpu.enqueue_indirect_dma source(%dma_start3A_995 : memref<55x128xf32, #tpu.memory_space<vmem_shared>>) target(%dma_start3A_989 : memref<128x128xf32, #tpu.memory_space<vmem>>) offsets(%dma_start3A_992 : memref<128xi32, #tpu.memory_space<vmem>>) semaphore(%arg16 : memref<!tpu.dma_semaphore, #tpu.memory_space<semaphore_mem>>)
    %dma_wait3A_996 = arith.constant 4 : i32
    %dma_wait3A_997 = arith.constant 4 : i32
    %dma_wait3A_998 = arith.constant 0 : i32
    %dma_wait3A_999 = arith.constant 0 : i32
    %dma_wait3A_1000 = tpu.memref_slice %arg7[%dma_wait3A_997, %dma_wait3A_998, %dma_wait3A_999] : memref<6x128x128xf32, #tpu.memory_space<vmem>> -> memref<1x128x128xf32, #tpu.memory_space<vmem>>
    %dma_wait3A_1001 = tpu.memref_squeeze %dma_wait3A_1000 : memref<1x128x128xf32, #tpu.memory_space<vmem>> -> memref<128x128xf32, #tpu.memory_space<vmem>>
    %dma_wait3A_1002 = arith.constant 0 : i32
    %dma_wait3A_1003 = tpu.memref_slice %arg6[%dma_wait3A_996, %dma_wait3A_1002] : memref<6x128xi32, #tpu.memory_space<vmem>> -> memref<1x128xi32, #tpu.memory_space<vmem>>
    %dma_wait3A_1004 = tpu.memref_squeeze %dma_wait3A_1003 : memref<1x128xi32, #tpu.memory_space<vmem>> -> memref<128xi32, #tpu.memory_space<vmem>>
    %dma_wait3A_1005 = arith.constant 0 : i32
    %dma_wait3A_1006 = arith.constant 0 : i32
    %dma_wait3A_1007 = tpu.memref_slice %arg8[%dma_wait3A_1005, %dma_wait3A_1006] : memref<55x128xf32, #tpu.memory_space<vmem_shared>> -> memref<55x128xf32, #tpu.memory_space<vmem_shared>>
    tpu.wait_indirect_dma semaphore(%arg20 : memref<!tpu.dma_semaphore, #tpu.memory_space<semaphore_mem>>) src(%dma_wait3A_1007 : memref<55x128xf32, #tpu.memory_space<vmem_shared>>) dst(%dma_wait3A_1001 : memref<128x128xf32, #tpu.memory_space<vmem>>)
    %add3A_1008 = arith.constant 128 : i32
    %add3A_1009 = arith.addi %add3A, %add3A_1008 : i32
    %mul3A_1010 = arith.constant 128 : i32
    %mul3A_1011 = arith.muli %add3A_1009, %mul3A_1010 : i32
    %min3A_1012 = arith.constant 99872 : i32
    %min3A_1013 = arith.minsi %mul3A_1011, %min3A_1012 : i32
    %multiple_of3A_1014 = tpu.assume_multiple %min3A_1013, 8 : i32
    %dma_start3A_1015 = arith.constant 4 : i32
    %dma_start3A_1016 = arith.constant 0 : i32
    %dma_start3A_1017 = arith.constant 0 : i32
    %dma_start3A_1018 = tpu.memref_slice %arg7[%dma_start3A_1015, %dma_start3A_1016, %dma_start3A_1017] : memref<6x128x128xf32, #tpu.memory_space<vmem>> -> memref<1x128x128xf32, #tpu.memory_space<vmem>>
    %dma_start3A_1019 = tpu.memref_squeeze %dma_start3A_1018 : memref<1x128x128xf32, #tpu.memory_space<vmem>> -> memref<128x128xf32, #tpu.memory_space<vmem>>
    %dma_start3A_1020 = arith.constant 0 : i32
    %dma_start3A_1021 = tpu.memref_slice %arg4[%multiple_of3A_1014, %dma_start3A_1020] : memref<100000x128xf32, #tpu.memory_space<hbm>> -> memref<128x128xf32, #tpu.memory_space<hbm>>
    %dma_start3A_1022 = arith.constant 0 : i32
    %dma_start3A_1023 = tpu.memref_slice %arg4[%multiple_of3A_1014, %dma_start3A_1022] : memref<100000x128xf32, #tpu.memory_space<hbm>> -> memref<128x128xf32, #tpu.memory_space<hbm>>
    %dma_start3A_1024 = arith.constant 0 : i32
    %dma_start3A_1025 = arith.constant 0 : i32
    %dma_start3A_1026 = tpu.memref_slice %arg7[%dma_start3A_1015, %dma_start3A_1024, %dma_start3A_1025] : memref<6x128x128xf32, #tpu.memory_space<vmem>> -> memref<1x128x128xf32, #tpu.memory_space<vmem>>
    %dma_start3A_1027 = tpu.memref_squeeze %dma_start3A_1026 : memref<1x128x128xf32, #tpu.memory_space<vmem>> -> memref<128x128xf32, #tpu.memory_space<vmem>>
    tpu.enqueue_dma source(%dma_start3A_1027 : memref<128x128xf32, #tpu.memory_space<vmem>>) target(%dma_start3A_1023 : memref<128x128xf32, #tpu.memory_space<hbm>>) target_semaphore(%arg26 : memref<!tpu.dma_semaphore, #tpu.memory_space<semaphore_mem>>)
    %add3A_1028 = arith.constant 320 : i32
    %add3A_1029 = arith.addi %add3A, %add3A_1028 : i32
    %mul3A_1030 = arith.constant 128 : i32
    %mul3A_1031 = arith.muli %add3A_1029, %mul3A_1030 : i32
    %min3A_1032 = arith.constant 99872 : i32
    %min3A_1033 = arith.minsi %mul3A_1031, %min3A_1032 : i32
    %multiple_of3A_1034 = tpu.assume_multiple %min3A_1033, 8 : i32
    %dma_start3A_1035 = arith.constant 4 : i32
    %dma_start3A_1036 = arith.constant 0 : i32
    %dma_start3A_1037 = tpu.memref_slice %arg6[%dma_start3A_1035, %dma_start3A_1036] : memref<6x128xi32, #tpu.memory_space<vmem>> -> memref<1x128xi32, #tpu.memory_space<vmem>>
    %dma_start3A_1038 = tpu.memref_squeeze %dma_start3A_1037 : memref<1x128xi32, #tpu.memory_space<vmem>> -> memref<128xi32, #tpu.memory_space<vmem>>
    %dma_start3A_1039 = tpu.memref_slice %arg3[%multiple_of3A_1034] : memref<100000xi32, #tpu.memory_space<hbm>> -> memref<128xi32, #tpu.memory_space<hbm>>
    %dma_start3A_1040 = arith.constant 0 : i32
    %dma_start3A_1041 = tpu.memref_slice %arg6[%dma_start3A_1035, %dma_start3A_1040] : memref<6x128xi32, #tpu.memory_space<vmem>> -> memref<1x128xi32, #tpu.memory_space<vmem>>
    %dma_start3A_1042 = tpu.memref_squeeze %dma_start3A_1041 : memref<1x128xi32, #tpu.memory_space<vmem>> -> memref<128xi32, #tpu.memory_space<vmem>>
    %dma_start3A_1043 = tpu.memref_slice %arg3[%multiple_of3A_1034] : memref<100000xi32, #tpu.memory_space<hbm>> -> memref<128xi32, #tpu.memory_space<hbm>>
    tpu.enqueue_dma source(%dma_start3A_1043 : memref<128xi32, #tpu.memory_space<hbm>>) target(%dma_start3A_1042 : memref<128xi32, #tpu.memory_space<vmem>>) target_semaphore(%arg14 : memref<!tpu.dma_semaphore, #tpu.memory_space<semaphore_mem>>)
    %dma_wait3A_1044 = arith.constant 1 : i32
    %dma_wait3A_1045 = arith.constant 0 : i32
    %dma_wait3A_1046 = arith.constant 0 : i32
    %dma_wait3A_1047 = tpu.memref_slice %arg7[%dma_wait3A_1044, %dma_wait3A_1045, %dma_wait3A_1046] : memref<6x128x128xf32, #tpu.memory_space<vmem>> -> memref<1x128x128xf32, #tpu.memory_space<vmem>>
    %dma_wait3A_1048 = tpu.memref_squeeze %dma_wait3A_1047 : memref<1x128x128xf32, #tpu.memory_space<vmem>> -> memref<128x128xf32, #tpu.memory_space<vmem>>
    %dma_wait3A_1049 = arith.constant 0 : i32
    %dma_wait3A_1050 = tpu.memref_slice %arg4[%multiple_of3A_794, %dma_wait3A_1049] : memref<100000x128xf32, #tpu.memory_space<hbm>> -> memref<128x128xf32, #tpu.memory_space<hbm>>
    %dma_wait3A_1051 = arith.constant 0 : i32
    %dma_wait3A_1052 = tpu.memref_slice %arg4[%multiple_of3A_794, %dma_wait3A_1051] : memref<100000x128xf32, #tpu.memory_space<hbm>> -> memref<128x128xf32, #tpu.memory_space<hbm>>
    %dma_wait3A_1053 = arith.constant 0 : i32
    %dma_wait3A_1054 = arith.constant 0 : i32
    %dma_wait3A_1055 = tpu.memref_slice %arg7[%dma_wait3A_1044, %dma_wait3A_1053, %dma_wait3A_1054] : memref<6x128x128xf32, #tpu.memory_space<vmem>> -> memref<1x128x128xf32, #tpu.memory_space<vmem>>
    %dma_wait3A_1056 = tpu.memref_squeeze %dma_wait3A_1055 : memref<1x128x128xf32, #tpu.memory_space<vmem>> -> memref<128x128xf32, #tpu.memory_space<vmem>>
    tpu.wait_dma2 semaphore(%arg23 : memref<!tpu.dma_semaphore, #tpu.memory_space<semaphore_mem>>) src(%dma_wait3A_1056 : memref<128x128xf32, #tpu.memory_space<vmem>>) dst(%dma_wait3A_1052 : memref<128x128xf32, #tpu.memory_space<hbm>>)
    %dma_wait3A_1057 = arith.constant 1 : i32
    %dma_wait3A_1058 = arith.constant 0 : i32
    %dma_wait3A_1059 = tpu.memref_slice %arg6[%dma_wait3A_1057, %dma_wait3A_1058] : memref<6x128xi32, #tpu.memory_space<vmem>> -> memref<1x128xi32, #tpu.memory_space<vmem>>
    %dma_wait3A_1060 = tpu.memref_squeeze %dma_wait3A_1059 : memref<1x128xi32, #tpu.memory_space<vmem>> -> memref<128xi32, #tpu.memory_space<vmem>>
    %dma_wait3A_1061 = tpu.memref_slice %arg3[%multiple_of3A_814] : memref<100000xi32, #tpu.memory_space<hbm>> -> memref<128xi32, #tpu.memory_space<hbm>>
    %dma_wait3A_1062 = arith.constant 0 : i32
    %dma_wait3A_1063 = tpu.memref_slice %arg6[%dma_wait3A_1057, %dma_wait3A_1062] : memref<6x128xi32, #tpu.memory_space<vmem>> -> memref<1x128xi32, #tpu.memory_space<vmem>>
    %dma_wait3A_1064 = tpu.memref_squeeze %dma_wait3A_1063 : memref<1x128xi32, #tpu.memory_space<vmem>> -> memref<128xi32, #tpu.memory_space<vmem>>
    %dma_wait3A_1065 = tpu.memref_slice %arg3[%multiple_of3A_814] : memref<100000xi32, #tpu.memory_space<hbm>> -> memref<128xi32, #tpu.memory_space<hbm>>
    tpu.wait_dma2 semaphore(%arg11 : memref<!tpu.dma_semaphore, #tpu.memory_space<semaphore_mem>>) src(%dma_wait3A_1065 : memref<128xi32, #tpu.memory_space<hbm>>) dst(%dma_wait3A_1064 : memref<128xi32, #tpu.memory_space<vmem>>)
    %dma_start3A_1066 = arith.constant 1 : i32
    %dma_start3A_1067 = arith.constant 1 : i32
    %dma_start3A_1068 = arith.constant 0 : i32
    %dma_start3A_1069 = arith.constant 0 : i32
    %dma_start3A_1070 = tpu.memref_slice %arg7[%dma_start3A_1067, %dma_start3A_1068, %dma_start3A_1069] : memref<6x128x128xf32, #tpu.memory_space<vmem>> -> memref<1x128x128xf32, #tpu.memory_space<vmem>>
    %dma_start3A_1071 = tpu.memref_squeeze %dma_start3A_1070 : memref<1x128x128xf32, #tpu.memory_space<vmem>> -> memref<128x128xf32, #tpu.memory_space<vmem>>
    %dma_start3A_1072 = arith.constant 0 : i32
    %dma_start3A_1073 = tpu.memref_slice %arg6[%dma_start3A_1066, %dma_start3A_1072] : memref<6x128xi32, #tpu.memory_space<vmem>> -> memref<1x128xi32, #tpu.memory_space<vmem>>
    %dma_start3A_1074 = tpu.memref_squeeze %dma_start3A_1073 : memref<1x128xi32, #tpu.memory_space<vmem>> -> memref<128xi32, #tpu.memory_space<vmem>>
    %dma_start3A_1075 = arith.constant 0 : i32
    %dma_start3A_1076 = arith.constant 0 : i32
    %dma_start3A_1077 = tpu.memref_slice %arg8[%dma_start3A_1075, %dma_start3A_1076] : memref<55x128xf32, #tpu.memory_space<vmem_shared>> -> memref<55x128xf32, #tpu.memory_space<vmem_shared>>
    tpu.enqueue_indirect_dma source(%dma_start3A_1077 : memref<55x128xf32, #tpu.memory_space<vmem_shared>>) target(%dma_start3A_1071 : memref<128x128xf32, #tpu.memory_space<vmem>>) offsets(%dma_start3A_1074 : memref<128xi32, #tpu.memory_space<vmem>>) semaphore(%arg17 : memref<!tpu.dma_semaphore, #tpu.memory_space<semaphore_mem>>)
    %dma_wait3A_1078 = arith.constant 5 : i32
    %dma_wait3A_1079 = arith.constant 5 : i32
    %dma_wait3A_1080 = arith.constant 0 : i32
    %dma_wait3A_1081 = arith.constant 0 : i32
    %dma_wait3A_1082 = tpu.memref_slice %arg7[%dma_wait3A_1079, %dma_wait3A_1080, %dma_wait3A_1081] : memref<6x128x128xf32, #tpu.memory_space<vmem>> -> memref<1x128x128xf32, #tpu.memory_space<vmem>>
    %dma_wait3A_1083 = tpu.memref_squeeze %dma_wait3A_1082 : memref<1x128x128xf32, #tpu.memory_space<vmem>> -> memref<128x128xf32, #tpu.memory_space<vmem>>
    %dma_wait3A_1084 = arith.constant 0 : i32
    %dma_wait3A_1085 = tpu.memref_slice %arg6[%dma_wait3A_1078, %dma_wait3A_1084] : memref<6x128xi32, #tpu.memory_space<vmem>> -> memref<1x128xi32, #tpu.memory_space<vmem>>
    %dma_wait3A_1086 = tpu.memref_squeeze %dma_wait3A_1085 : memref<1x128xi32, #tpu.memory_space<vmem>> -> memref<128xi32, #tpu.memory_space<vmem>>
    %dma_wait3A_1087 = arith.constant 0 : i32
    %dma_wait3A_1088 = arith.constant 0 : i32
    %dma_wait3A_1089 = tpu.memref_slice %arg8[%dma_wait3A_1087, %dma_wait3A_1088] : memref<55x128xf32, #tpu.memory_space<vmem_shared>> -> memref<55x128xf32, #tpu.memory_space<vmem_shared>>
    tpu.wait_indirect_dma semaphore(%arg21 : memref<!tpu.dma_semaphore, #tpu.memory_space<semaphore_mem>>) src(%dma_wait3A_1089 : memref<55x128xf32, #tpu.memory_space<vmem_shared>>) dst(%dma_wait3A_1083 : memref<128x128xf32, #tpu.memory_space<vmem>>)
    %add3A_1090 = arith.constant 160 : i32
    %add3A_1091 = arith.addi %add3A, %add3A_1090 : i32
    %mul3A_1092 = arith.constant 128 : i32
    %mul3A_1093 = arith.muli %add3A_1091, %mul3A_1092 : i32
    %min3A_1094 = arith.constant 99872 : i32
    %min3A_1095 = arith.minsi %mul3A_1093, %min3A_1094 : i32
    %multiple_of3A_1096 = tpu.assume_multiple %min3A_1095, 8 : i32
    %dma_start3A_1097 = arith.constant 5 : i32
    %dma_start3A_1098 = arith.constant 0 : i32
    %dma_start3A_1099 = arith.constant 0 : i32
    %dma_start3A_1100 = tpu.memref_slice %arg7[%dma_start3A_1097, %dma_start3A_1098, %dma_start3A_1099] : memref<6x128x128xf32, #tpu.memory_space<vmem>> -> memref<1x128x128xf32, #tpu.memory_space<vmem>>
    %dma_start3A_1101 = tpu.memref_squeeze %dma_start3A_1100 : memref<1x128x128xf32, #tpu.memory_space<vmem>> -> memref<128x128xf32, #tpu.memory_space<vmem>>
    %dma_start3A_1102 = arith.constant 0 : i32
    %dma_start3A_1103 = tpu.memref_slice %arg4[%multiple_of3A_1096, %dma_start3A_1102] : memref<100000x128xf32, #tpu.memory_space<hbm>> -> memref<128x128xf32, #tpu.memory_space<hbm>>
    %dma_start3A_1104 = arith.constant 0 : i32
    %dma_start3A_1105 = tpu.memref_slice %arg4[%multiple_of3A_1096, %dma_start3A_1104] : memref<100000x128xf32, #tpu.memory_space<hbm>> -> memref<128x128xf32, #tpu.memory_space<hbm>>
    %dma_start3A_1106 = arith.constant 0 : i32
    %dma_start3A_1107 = arith.constant 0 : i32
    %dma_start3A_1108 = tpu.memref_slice %arg7[%dma_start3A_1097, %dma_start3A_1106, %dma_start3A_1107] : memref<6x128x128xf32, #tpu.memory_space<vmem>> -> memref<1x128x128xf32, #tpu.memory_space<vmem>>
    %dma_start3A_1109 = tpu.memref_squeeze %dma_start3A_1108 : memref<1x128x128xf32, #tpu.memory_space<vmem>> -> memref<128x128xf32, #tpu.memory_space<vmem>>
    tpu.enqueue_dma source(%dma_start3A_1109 : memref<128x128xf32, #tpu.memory_space<vmem>>) target(%dma_start3A_1105 : memref<128x128xf32, #tpu.memory_space<hbm>>) target_semaphore(%arg27 : memref<!tpu.dma_semaphore, #tpu.memory_space<semaphore_mem>>)
    %add3A_1110 = arith.constant 352 : i32
    %add3A_1111 = arith.addi %add3A, %add3A_1110 : i32
    %mul3A_1112 = arith.constant 128 : i32
    %mul3A_1113 = arith.muli %add3A_1111, %mul3A_1112 : i32
    %min3A_1114 = arith.constant 99872 : i32
    %min3A_1115 = arith.minsi %mul3A_1113, %min3A_1114 : i32
    %multiple_of3A_1116 = tpu.assume_multiple %min3A_1115, 8 : i32
    %dma_start3A_1117 = arith.constant 5 : i32
    %dma_start3A_1118 = arith.constant 0 : i32
    %dma_start3A_1119 = tpu.memref_slice %arg6[%dma_start3A_1117, %dma_start3A_1118] : memref<6x128xi32, #tpu.memory_space<vmem>> -> memref<1x128xi32, #tpu.memory_space<vmem>>
    %dma_start3A_1120 = tpu.memref_squeeze %dma_start3A_1119 : memref<1x128xi32, #tpu.memory_space<vmem>> -> memref<128xi32, #tpu.memory_space<vmem>>
    %dma_start3A_1121 = tpu.memref_slice %arg3[%multiple_of3A_1116] : memref<100000xi32, #tpu.memory_space<hbm>> -> memref<128xi32, #tpu.memory_space<hbm>>
    %dma_start3A_1122 = arith.constant 0 : i32
    %dma_start3A_1123 = tpu.memref_slice %arg6[%dma_start3A_1117, %dma_start3A_1122] : memref<6x128xi32, #tpu.memory_space<vmem>> -> memref<1x128xi32, #tpu.memory_space<vmem>>
    %dma_start3A_1124 = tpu.memref_squeeze %dma_start3A_1123 : memref<1x128xi32, #tpu.memory_space<vmem>> -> memref<128xi32, #tpu.memory_space<vmem>>
    %dma_start3A_1125 = tpu.memref_slice %arg3[%multiple_of3A_1116] : memref<100000xi32, #tpu.memory_space<hbm>> -> memref<128xi32, #tpu.memory_space<hbm>>
    tpu.enqueue_dma source(%dma_start3A_1125 : memref<128xi32, #tpu.memory_space<hbm>>) target(%dma_start3A_1124 : memref<128xi32, #tpu.memory_space<vmem>>) target_semaphore(%arg15 : memref<!tpu.dma_semaphore, #tpu.memory_space<semaphore_mem>>)
    %dma_wait3A_1126 = arith.constant 2 : i32
    %dma_wait3A_1127 = arith.constant 0 : i32
    %dma_wait3A_1128 = arith.constant 0 : i32
    %dma_wait3A_1129 = tpu.memref_slice %arg7[%dma_wait3A_1126, %dma_wait3A_1127, %dma_wait3A_1128] : memref<6x128x128xf32, #tpu.memory_space<vmem>> -> memref<1x128x128xf32, #tpu.memory_space<vmem>>
    %dma_wait3A_1130 = tpu.memref_squeeze %dma_wait3A_1129 : memref<1x128x128xf32, #tpu.memory_space<vmem>> -> memref<128x128xf32, #tpu.memory_space<vmem>>
    %dma_wait3A_1131 = arith.constant 0 : i32
    %dma_wait3A_1132 = tpu.memref_slice %arg4[%multiple_of3A_863, %dma_wait3A_1131] : memref<100000x128xf32, #tpu.memory_space<hbm>> -> memref<128x128xf32, #tpu.memory_space<hbm>>
    %dma_wait3A_1133 = arith.constant 0 : i32
    %dma_wait3A_1134 = tpu.memref_slice %arg4[%multiple_of3A_863, %dma_wait3A_1133] : memref<100000x128xf32, #tpu.memory_space<hbm>> -> memref<128x128xf32, #tpu.memory_space<hbm>>
    %dma_wait3A_1135 = arith.constant 0 : i32
    %dma_wait3A_1136 = arith.constant 0 : i32
    %dma_wait3A_1137 = tpu.memref_slice %arg7[%dma_wait3A_1126, %dma_wait3A_1135, %dma_wait3A_1136] : memref<6x128x128xf32, #tpu.memory_space<vmem>> -> memref<1x128x128xf32, #tpu.memory_space<vmem>>
    %dma_wait3A_1138 = tpu.memref_squeeze %dma_wait3A_1137 : memref<1x128x128xf32, #tpu.memory_space<vmem>> -> memref<128x128xf32, #tpu.memory_space<vmem>>
    tpu.wait_dma2 semaphore(%arg24 : memref<!tpu.dma_semaphore, #tpu.memory_space<semaphore_mem>>) src(%dma_wait3A_1138 : memref<128x128xf32, #tpu.memory_space<vmem>>) dst(%dma_wait3A_1134 : memref<128x128xf32, #tpu.memory_space<hbm>>)
    %dma_wait3A_1139 = arith.constant 2 : i32
    %dma_wait3A_1140 = arith.constant 0 : i32
    %dma_wait3A_1141 = tpu.memref_slice %arg6[%dma_wait3A_1139, %dma_wait3A_1140] : memref<6x128xi32, #tpu.memory_space<vmem>> -> memref<1x128xi32, #tpu.memory_space<vmem>>
    %dma_wait3A_1142 = tpu.memref_squeeze %dma_wait3A_1141 : memref<1x128xi32, #tpu.memory_space<vmem>> -> memref<128xi32, #tpu.memory_space<vmem>>
    %dma_wait3A_1143 = tpu.memref_slice %arg3[%multiple_of3A_883] : memref<100000xi32, #tpu.memory_space<hbm>> -> memref<128xi32, #tpu.memory_space<hbm>>
    %dma_wait3A_1144 = arith.constant 0 : i32
    %dma_wait3A_1145 = tpu.memref_slice %arg6[%dma_wait3A_1139, %dma_wait3A_1144] : memref<6x128xi32, #tpu.memory_space<vmem>> -> memref<1x128xi32, #tpu.memory_space<vmem>>
    %dma_wait3A_1146 = tpu.memref_squeeze %dma_wait3A_1145 : memref<1x128xi32, #tpu.memory_space<vmem>> -> memref<128xi32, #tpu.memory_space<vmem>>
    %dma_wait3A_1147 = tpu.memref_slice %arg3[%multiple_of3A_883] : memref<100000xi32, #tpu.memory_space<hbm>> -> memref<128xi32, #tpu.memory_space<hbm>>
    tpu.wait_dma2 semaphore(%arg12 : memref<!tpu.dma_semaphore, #tpu.memory_space<semaphore_mem>>) src(%dma_wait3A_1147 : memref<128xi32, #tpu.memory_space<hbm>>) dst(%dma_wait3A_1146 : memref<128xi32, #tpu.memory_space<vmem>>)
    %dma_start3A_1148 = arith.constant 2 : i32
    %dma_start3A_1149 = arith.constant 2 : i32
    %dma_start3A_1150 = arith.constant 0 : i32
    %dma_start3A_1151 = arith.constant 0 : i32
    %dma_start3A_1152 = tpu.memref_slice %arg7[%dma_start3A_1149, %dma_start3A_1150, %dma_start3A_1151] : memref<6x128x128xf32, #tpu.memory_space<vmem>> -> memref<1x128x128xf32, #tpu.memory_space<vmem>>
    %dma_start3A_1153 = tpu.memref_squeeze %dma_start3A_1152 : memref<1x128x128xf32, #tpu.memory_space<vmem>> -> memref<128x128xf32, #tpu.memory_space<vmem>>
    %dma_start3A_1154 = arith.constant 0 : i32
    %dma_start3A_1155 = tpu.memref_slice %arg6[%dma_start3A_1148, %dma_start3A_1154] : memref<6x128xi32, #tpu.memory_space<vmem>> -> memref<1x128xi32, #tpu.memory_space<vmem>>
    %dma_start3A_1156 = tpu.memref_squeeze %dma_start3A_1155 : memref<1x128xi32, #tpu.memory_space<vmem>> -> memref<128xi32, #tpu.memory_space<vmem>>
    %dma_start3A_1157 = arith.constant 0 : i32
    %dma_start3A_1158 = arith.constant 0 : i32
    %dma_start3A_1159 = tpu.memref_slice %arg8[%dma_start3A_1157, %dma_start3A_1158] : memref<55x128xf32, #tpu.memory_space<vmem_shared>> -> memref<55x128xf32, #tpu.memory_space<vmem_shared>>
    tpu.enqueue_indirect_dma source(%dma_start3A_1159 : memref<55x128xf32, #tpu.memory_space<vmem_shared>>) target(%dma_start3A_1153 : memref<128x128xf32, #tpu.memory_space<vmem>>) offsets(%dma_start3A_1156 : memref<128xi32, #tpu.memory_space<vmem>>) semaphore(%arg18 : memref<!tpu.dma_semaphore, #tpu.memory_space<semaphore_mem>>)
    %dma_wait3A_1160 = arith.constant 0 : i32
    %dma_wait3A_1161 = arith.constant 0 : i32
    %dma_wait3A_1162 = arith.constant 0 : i32
    %dma_wait3A_1163 = arith.constant 0 : i32
    %dma_wait3A_1164 = tpu.memref_slice %arg7[%dma_wait3A_1161, %dma_wait3A_1162, %dma_wait3A_1163] : memref<6x128x128xf32, #tpu.memory_space<vmem>> -> memref<1x128x128xf32, #tpu.memory_space<vmem>>
    %dma_wait3A_1165 = tpu.memref_squeeze %dma_wait3A_1164 : memref<1x128x128xf32, #tpu.memory_space<vmem>> -> memref<128x128xf32, #tpu.memory_space<vmem>>
    %dma_wait3A_1166 = arith.constant 0 : i32
    %dma_wait3A_1167 = tpu.memref_slice %arg6[%dma_wait3A_1160, %dma_wait3A_1166] : memref<6x128xi32, #tpu.memory_space<vmem>> -> memref<1x128xi32, #tpu.memory_space<vmem>>
    %dma_wait3A_1168 = tpu.memref_squeeze %dma_wait3A_1167 : memref<1x128xi32, #tpu.memory_space<vmem>> -> memref<128xi32, #tpu.memory_space<vmem>>
    %dma_wait3A_1169 = arith.constant 0 : i32
    %dma_wait3A_1170 = arith.constant 0 : i32
    %dma_wait3A_1171 = tpu.memref_slice %arg8[%dma_wait3A_1169, %dma_wait3A_1170] : memref<55x128xf32, #tpu.memory_space<vmem_shared>> -> memref<55x128xf32, #tpu.memory_space<vmem_shared>>
    tpu.wait_indirect_dma semaphore(%arg16 : memref<!tpu.dma_semaphore, #tpu.memory_space<semaphore_mem>>) src(%dma_wait3A_1171 : memref<55x128xf32, #tpu.memory_space<vmem_shared>>) dst(%dma_wait3A_1165 : memref<128x128xf32, #tpu.memory_space<vmem>>)
    %add3A_1172 = arith.constant 192 : i32
    %add3A_1173 = arith.addi %add3A, %add3A_1172 : i32
    %mul3A_1174 = arith.constant 128 : i32
    %mul3A_1175 = arith.muli %add3A_1173, %mul3A_1174 : i32
    %min3A_1176 = arith.constant 99872 : i32
    %min3A_1177 = arith.minsi %mul3A_1175, %min3A_1176 : i32
    %multiple_of3A_1178 = tpu.assume_multiple %min3A_1177, 8 : i32
    %dma_start3A_1179 = arith.constant 0 : i32
    %dma_start3A_1180 = arith.constant 0 : i32
    %dma_start3A_1181 = arith.constant 0 : i32
    %dma_start3A_1182 = tpu.memref_slice %arg7[%dma_start3A_1179, %dma_start3A_1180, %dma_start3A_1181] : memref<6x128x128xf32, #tpu.memory_space<vmem>> -> memref<1x128x128xf32, #tpu.memory_space<vmem>>
    %dma_start3A_1183 = tpu.memref_squeeze %dma_start3A_1182 : memref<1x128x128xf32, #tpu.memory_space<vmem>> -> memref<128x128xf32, #tpu.memory_space<vmem>>
    %dma_start3A_1184 = arith.constant 0 : i32
    %dma_start3A_1185 = tpu.memref_slice %arg4[%multiple_of3A_1178, %dma_start3A_1184] : memref<100000x128xf32, #tpu.memory_space<hbm>> -> memref<128x128xf32, #tpu.memory_space<hbm>>
    %dma_start3A_1186 = arith.constant 0 : i32
    %dma_start3A_1187 = tpu.memref_slice %arg4[%multiple_of3A_1178, %dma_start3A_1186] : memref<100000x128xf32, #tpu.memory_space<hbm>> -> memref<128x128xf32, #tpu.memory_space<hbm>>
    %dma_start3A_1188 = arith.constant 0 : i32
    %dma_start3A_1189 = arith.constant 0 : i32
    %dma_start3A_1190 = tpu.memref_slice %arg7[%dma_start3A_1179, %dma_start3A_1188, %dma_start3A_1189] : memref<6x128x128xf32, #tpu.memory_space<vmem>> -> memref<1x128x128xf32, #tpu.memory_space<vmem>>
    %dma_start3A_1191 = tpu.memref_squeeze %dma_start3A_1190 : memref<1x128x128xf32, #tpu.memory_space<vmem>> -> memref<128x128xf32, #tpu.memory_space<vmem>>
    tpu.enqueue_dma source(%dma_start3A_1191 : memref<128x128xf32, #tpu.memory_space<vmem>>) target(%dma_start3A_1187 : memref<128x128xf32, #tpu.memory_space<hbm>>) target_semaphore(%arg22 : memref<!tpu.dma_semaphore, #tpu.memory_space<semaphore_mem>>)
    %add3A_1192 = arith.constant 384 : i32
    %add3A_1193 = arith.addi %add3A, %add3A_1192 : i32
    %mul3A_1194 = arith.constant 128 : i32
    %mul3A_1195 = arith.muli %add3A_1193, %mul3A_1194 : i32
    %min3A_1196 = arith.constant 99872 : i32
    %min3A_1197 = arith.minsi %mul3A_1195, %min3A_1196 : i32
    %multiple_of3A_1198 = tpu.assume_multiple %min3A_1197, 8 : i32
    %dma_start3A_1199 = arith.constant 0 : i32
    %dma_start3A_1200 = arith.constant 0 : i32
    %dma_start3A_1201 = tpu.memref_slice %arg6[%dma_start3A_1199, %dma_start3A_1200] : memref<6x128xi32, #tpu.memory_space<vmem>> -> memref<1x128xi32, #tpu.memory_space<vmem>>
    %dma_start3A_1202 = tpu.memref_squeeze %dma_start3A_1201 : memref<1x128xi32, #tpu.memory_space<vmem>> -> memref<128xi32, #tpu.memory_space<vmem>>
    %dma_start3A_1203 = tpu.memref_slice %arg3[%multiple_of3A_1198] : memref<100000xi32, #tpu.memory_space<hbm>> -> memref<128xi32, #tpu.memory_space<hbm>>
    %dma_start3A_1204 = arith.constant 0 : i32
    %dma_start3A_1205 = tpu.memref_slice %arg6[%dma_start3A_1199, %dma_start3A_1204] : memref<6x128xi32, #tpu.memory_space<vmem>> -> memref<1x128xi32, #tpu.memory_space<vmem>>
    %dma_start3A_1206 = tpu.memref_squeeze %dma_start3A_1205 : memref<1x128xi32, #tpu.memory_space<vmem>> -> memref<128xi32, #tpu.memory_space<vmem>>
    %dma_start3A_1207 = tpu.memref_slice %arg3[%multiple_of3A_1198] : memref<100000xi32, #tpu.memory_space<hbm>> -> memref<128xi32, #tpu.memory_space<hbm>>
    tpu.enqueue_dma source(%dma_start3A_1207 : memref<128xi32, #tpu.memory_space<hbm>>) target(%dma_start3A_1206 : memref<128xi32, #tpu.memory_space<vmem>>) target_semaphore(%arg10 : memref<!tpu.dma_semaphore, #tpu.memory_space<semaphore_mem>>)
    %dma_wait3A_1208 = arith.constant 3 : i32
    %dma_wait3A_1209 = arith.constant 0 : i32
    %dma_wait3A_1210 = arith.constant 0 : i32
    %dma_wait3A_1211 = tpu.memref_slice %arg7[%dma_wait3A_1208, %dma_wait3A_1209, %dma_wait3A_1210] : memref<6x128x128xf32, #tpu.memory_space<vmem>> -> memref<1x128x128xf32, #tpu.memory_space<vmem>>
    %dma_wait3A_1212 = tpu.memref_squeeze %dma_wait3A_1211 : memref<1x128x128xf32, #tpu.memory_space<vmem>> -> memref<128x128xf32, #tpu.memory_space<vmem>>
    %dma_wait3A_1213 = arith.constant 0 : i32
    %dma_wait3A_1214 = tpu.memref_slice %arg4[%multiple_of3A_932, %dma_wait3A_1213] : memref<100000x128xf32, #tpu.memory_space<hbm>> -> memref<128x128xf32, #tpu.memory_space<hbm>>
    %dma_wait3A_1215 = arith.constant 0 : i32
    %dma_wait3A_1216 = tpu.memref_slice %arg4[%multiple_of3A_932, %dma_wait3A_1215] : memref<100000x128xf32, #tpu.memory_space<hbm>> -> memref<128x128xf32, #tpu.memory_space<hbm>>
    %dma_wait3A_1217 = arith.constant 0 : i32
    %dma_wait3A_1218 = arith.constant 0 : i32
    %dma_wait3A_1219 = tpu.memref_slice %arg7[%dma_wait3A_1208, %dma_wait3A_1217, %dma_wait3A_1218] : memref<6x128x128xf32, #tpu.memory_space<vmem>> -> memref<1x128x128xf32, #tpu.memory_space<vmem>>
    %dma_wait3A_1220 = tpu.memref_squeeze %dma_wait3A_1219 : memref<1x128x128xf32, #tpu.memory_space<vmem>> -> memref<128x128xf32, #tpu.memory_space<vmem>>
    tpu.wait_dma2 semaphore(%arg25 : memref<!tpu.dma_semaphore, #tpu.memory_space<semaphore_mem>>) src(%dma_wait3A_1220 : memref<128x128xf32, #tpu.memory_space<vmem>>) dst(%dma_wait3A_1216 : memref<128x128xf32, #tpu.memory_space<hbm>>)
    %dma_wait3A_1221 = arith.constant 3 : i32
    %dma_wait3A_1222 = arith.constant 0 : i32
    %dma_wait3A_1223 = tpu.memref_slice %arg6[%dma_wait3A_1221, %dma_wait3A_1222] : memref<6x128xi32, #tpu.memory_space<vmem>> -> memref<1x128xi32, #tpu.memory_space<vmem>>
    %dma_wait3A_1224 = tpu.memref_squeeze %dma_wait3A_1223 : memref<1x128xi32, #tpu.memory_space<vmem>> -> memref<128xi32, #tpu.memory_space<vmem>>
    %dma_wait3A_1225 = tpu.memref_slice %arg3[%multiple_of3A_952] : memref<100000xi32, #tpu.memory_space<hbm>> -> memref<128xi32, #tpu.memory_space<hbm>>
    %dma_wait3A_1226 = arith.constant 0 : i32
    %dma_wait3A_1227 = tpu.memref_slice %arg6[%dma_wait3A_1221, %dma_wait3A_1226] : memref<6x128xi32, #tpu.memory_space<vmem>> -> memref<1x128xi32, #tpu.memory_space<vmem>>
    %dma_wait3A_1228 = tpu.memref_squeeze %dma_wait3A_1227 : memref<1x128xi32, #tpu.memory_space<vmem>> -> memref<128xi32, #tpu.memory_space<vmem>>
    %dma_wait3A_1229 = tpu.memref_slice %arg3[%multiple_of3A_952] : memref<100000xi32, #tpu.memory_space<hbm>> -> memref<128xi32, #tpu.memory_space<hbm>>
    tpu.wait_dma2 semaphore(%arg13 : memref<!tpu.dma_semaphore, #tpu.memory_space<semaphore_mem>>) src(%dma_wait3A_1229 : memref<128xi32, #tpu.memory_space<hbm>>) dst(%dma_wait3A_1228 : memref<128xi32, #tpu.memory_space<vmem>>)
    %dma_start3A_1230 = arith.constant 3 : i32
    %dma_start3A_1231 = arith.constant 3 : i32
    %dma_start3A_1232 = arith.constant 0 : i32
    %dma_start3A_1233 = arith.constant 0 : i32
    %dma_start3A_1234 = tpu.memref_slice %arg7[%dma_start3A_1231, %dma_start3A_1232, %dma_start3A_1233] : memref<6x128x128xf32, #tpu.memory_space<vmem>> -> memref<1x128x128xf32, #tpu.memory_space<vmem>>
    %dma_start3A_1235 = tpu.memref_squeeze %dma_start3A_1234 : memref<1x128x128xf32, #tpu.memory_space<vmem>> -> memref<128x128xf32, #tpu.memory_space<vmem>>
    %dma_start3A_1236 = arith.constant 0 : i32
    %dma_start3A_1237 = tpu.memref_slice %arg6[%dma_start3A_1230, %dma_start3A_1236] : memref<6x128xi32, #tpu.memory_space<vmem>> -> memref<1x128xi32, #tpu.memory_space<vmem>>
    %dma_start3A_1238 = tpu.memref_squeeze %dma_start3A_1237 : memref<1x128xi32, #tpu.memory_space<vmem>> -> memref<128xi32, #tpu.memory_space<vmem>>
    %dma_start3A_1239 = arith.constant 0 : i32
    %dma_start3A_1240 = arith.constant 0 : i32
    %dma_start3A_1241 = tpu.memref_slice %arg8[%dma_start3A_1239, %dma_start3A_1240] : memref<55x128xf32, #tpu.memory_space<vmem_shared>> -> memref<55x128xf32, #tpu.memory_space<vmem_shared>>
    tpu.enqueue_indirect_dma source(%dma_start3A_1241 : memref<55x128xf32, #tpu.memory_space<vmem_shared>>) target(%dma_start3A_1235 : memref<128x128xf32, #tpu.memory_space<vmem>>) offsets(%dma_start3A_1238 : memref<128xi32, #tpu.memory_space<vmem>>) semaphore(%arg19 : memref<!tpu.dma_semaphore, #tpu.memory_space<semaphore_mem>>)
    %dma_wait3A_1242 = arith.constant 1 : i32
    %dma_wait3A_1243 = arith.constant 1 : i32
    %dma_wait3A_1244 = arith.constant 0 : i32
    %dma_wait3A_1245 = arith.constant 0 : i32
    %dma_wait3A_1246 = tpu.memref_slice %arg7[%dma_wait3A_1243, %dma_wait3A_1244, %dma_wait3A_1245] : memref<6x128x128xf32, #tpu.memory_space<vmem>> -> memref<1x128x128xf32, #tpu.memory_space<vmem>>
    %dma_wait3A_1247 = tpu.memref_squeeze %dma_wait3A_1246 : memref<1x128x128xf32, #tpu.memory_space<vmem>> -> memref<128x128xf32, #tpu.memory_space<vmem>>
    %dma_wait3A_1248 = arith.constant 0 : i32
    %dma_wait3A_1249 = tpu.memref_slice %arg6[%dma_wait3A_1242, %dma_wait3A_1248] : memref<6x128xi32, #tpu.memory_space<vmem>> -> memref<1x128xi32, #tpu.memory_space<vmem>>
    %dma_wait3A_1250 = tpu.memref_squeeze %dma_wait3A_1249 : memref<1x128xi32, #tpu.memory_space<vmem>> -> memref<128xi32, #tpu.memory_space<vmem>>
    %dma_wait3A_1251 = arith.constant 0 : i32
    %dma_wait3A_1252 = arith.constant 0 : i32
    %dma_wait3A_1253 = tpu.memref_slice %arg8[%dma_wait3A_1251, %dma_wait3A_1252] : memref<55x128xf32, #tpu.memory_space<vmem_shared>> -> memref<55x128xf32, #tpu.memory_space<vmem_shared>>
    tpu.wait_indirect_dma semaphore(%arg17 : memref<!tpu.dma_semaphore, #tpu.memory_space<semaphore_mem>>) src(%dma_wait3A_1253 : memref<55x128xf32, #tpu.memory_space<vmem_shared>>) dst(%dma_wait3A_1247 : memref<128x128xf32, #tpu.memory_space<vmem>>)
    %add3A_1254 = arith.constant 224 : i32
    %add3A_1255 = arith.addi %add3A, %add3A_1254 : i32
    %mul3A_1256 = arith.constant 128 : i32
    %mul3A_1257 = arith.muli %add3A_1255, %mul3A_1256 : i32
    %min3A_1258 = arith.constant 99872 : i32
    %min3A_1259 = arith.minsi %mul3A_1257, %min3A_1258 : i32
    %multiple_of3A_1260 = tpu.assume_multiple %min3A_1259, 8 : i32
    %dma_start3A_1261 = arith.constant 1 : i32
    %dma_start3A_1262 = arith.constant 0 : i32
    %dma_start3A_1263 = arith.constant 0 : i32
    %dma_start3A_1264 = tpu.memref_slice %arg7[%dma_start3A_1261, %dma_start3A_1262, %dma_start3A_1263] : memref<6x128x128xf32, #tpu.memory_space<vmem>> -> memref<1x128x128xf32, #tpu.memory_space<vmem>>
    %dma_start3A_1265 = tpu.memref_squeeze %dma_start3A_1264 : memref<1x128x128xf32, #tpu.memory_space<vmem>> -> memref<128x128xf32, #tpu.memory_space<vmem>>
    %dma_start3A_1266 = arith.constant 0 : i32
    %dma_start3A_1267 = tpu.memref_slice %arg4[%multiple_of3A_1260, %dma_start3A_1266] : memref<100000x128xf32, #tpu.memory_space<hbm>> -> memref<128x128xf32, #tpu.memory_space<hbm>>
    %dma_start3A_1268 = arith.constant 0 : i32
    %dma_start3A_1269 = tpu.memref_slice %arg4[%multiple_of3A_1260, %dma_start3A_1268] : memref<100000x128xf32, #tpu.memory_space<hbm>> -> memref<128x128xf32, #tpu.memory_space<hbm>>
    %dma_start3A_1270 = arith.constant 0 : i32
    %dma_start3A_1271 = arith.constant 0 : i32
    %dma_start3A_1272 = tpu.memref_slice %arg7[%dma_start3A_1261, %dma_start3A_1270, %dma_start3A_1271] : memref<6x128x128xf32, #tpu.memory_space<vmem>> -> memref<1x128x128xf32, #tpu.memory_space<vmem>>
    %dma_start3A_1273 = tpu.memref_squeeze %dma_start3A_1272 : memref<1x128x128xf32, #tpu.memory_space<vmem>> -> memref<128x128xf32, #tpu.memory_space<vmem>>
    tpu.enqueue_dma source(%dma_start3A_1273 : memref<128x128xf32, #tpu.memory_space<vmem>>) target(%dma_start3A_1269 : memref<128x128xf32, #tpu.memory_space<hbm>>) target_semaphore(%arg23 : memref<!tpu.dma_semaphore, #tpu.memory_space<semaphore_mem>>)
    %add3A_1274 = arith.constant 416 : i32
    %add3A_1275 = arith.addi %add3A, %add3A_1274 : i32
    %mul3A_1276 = arith.constant 128 : i32
    %mul3A_1277 = arith.muli %add3A_1275, %mul3A_1276 : i32
    %min3A_1278 = arith.constant 99872 : i32
    %min3A_1279 = arith.minsi %mul3A_1277, %min3A_1278 : i32
    %multiple_of3A_1280 = tpu.assume_multiple %min3A_1279, 8 : i32
    %dma_start3A_1281 = arith.constant 1 : i32
    %dma_start3A_1282 = arith.constant 0 : i32
    %dma_start3A_1283 = tpu.memref_slice %arg6[%dma_start3A_1281, %dma_start3A_1282] : memref<6x128xi32, #tpu.memory_space<vmem>> -> memref<1x128xi32, #tpu.memory_space<vmem>>
    %dma_start3A_1284 = tpu.memref_squeeze %dma_start3A_1283 : memref<1x128xi32, #tpu.memory_space<vmem>> -> memref<128xi32, #tpu.memory_space<vmem>>
    %dma_start3A_1285 = tpu.memref_slice %arg3[%multiple_of3A_1280] : memref<100000xi32, #tpu.memory_space<hbm>> -> memref<128xi32, #tpu.memory_space<hbm>>
    %dma_start3A_1286 = arith.constant 0 : i32
    %dma_start3A_1287 = tpu.memref_slice %arg6[%dma_start3A_1281, %dma_start3A_1286] : memref<6x128xi32, #tpu.memory_space<vmem>> -> memref<1x128xi32, #tpu.memory_space<vmem>>
    %dma_start3A_1288 = tpu.memref_squeeze %dma_start3A_1287 : memref<1x128xi32, #tpu.memory_space<vmem>> -> memref<128xi32, #tpu.memory_space<vmem>>
    %dma_start3A_1289 = tpu.memref_slice %arg3[%multiple_of3A_1280] : memref<100000xi32, #tpu.memory_space<hbm>> -> memref<128xi32, #tpu.memory_space<hbm>>
    tpu.enqueue_dma source(%dma_start3A_1289 : memref<128xi32, #tpu.memory_space<hbm>>) target(%dma_start3A_1288 : memref<128xi32, #tpu.memory_space<vmem>>) target_semaphore(%arg11 : memref<!tpu.dma_semaphore, #tpu.memory_space<semaphore_mem>>)
    %dma_wait3A_1290 = arith.constant 4 : i32
    %dma_wait3A_1291 = arith.constant 0 : i32
    %dma_wait3A_1292 = arith.constant 0 : i32
    %dma_wait3A_1293 = tpu.memref_slice %arg7[%dma_wait3A_1290, %dma_wait3A_1291, %dma_wait3A_1292] : memref<6x128x128xf32, #tpu.memory_space<vmem>> -> memref<1x128x128xf32, #tpu.memory_space<vmem>>
    %dma_wait3A_1294 = tpu.memref_squeeze %dma_wait3A_1293 : memref<1x128x128xf32, #tpu.memory_space<vmem>> -> memref<128x128xf32, #tpu.memory_space<vmem>>
    %dma_wait3A_1295 = arith.constant 0 : i32
    %dma_wait3A_1296 = tpu.memref_slice %arg4[%multiple_of3A_1014, %dma_wait3A_1295] : memref<100000x128xf32, #tpu.memory_space<hbm>> -> memref<128x128xf32, #tpu.memory_space<hbm>>
    %dma_wait3A_1297 = arith.constant 0 : i32
    %dma_wait3A_1298 = tpu.memref_slice %arg4[%multiple_of3A_1014, %dma_wait3A_1297] : memref<100000x128xf32, #tpu.memory_space<hbm>> -> memref<128x128xf32, #tpu.memory_space<hbm>>
    %dma_wait3A_1299 = arith.constant 0 : i32
    %dma_wait3A_1300 = arith.constant 0 : i32
    %dma_wait3A_1301 = tpu.memref_slice %arg7[%dma_wait3A_1290, %dma_wait3A_1299, %dma_wait3A_1300] : memref<6x128x128xf32, #tpu.memory_space<vmem>> -> memref<1x128x128xf32, #tpu.memory_space<vmem>>
    %dma_wait3A_1302 = tpu.memref_squeeze %dma_wait3A_1301 : memref<1x128x128xf32, #tpu.memory_space<vmem>> -> memref<128x128xf32, #tpu.memory_space<vmem>>
    tpu.wait_dma2 semaphore(%arg26 : memref<!tpu.dma_semaphore, #tpu.memory_space<semaphore_mem>>) src(%dma_wait3A_1302 : memref<128x128xf32, #tpu.memory_space<vmem>>) dst(%dma_wait3A_1298 : memref<128x128xf32, #tpu.memory_space<hbm>>)
    %dma_wait3A_1303 = arith.constant 4 : i32
    %dma_wait3A_1304 = arith.constant 0 : i32
    %dma_wait3A_1305 = tpu.memref_slice %arg6[%dma_wait3A_1303, %dma_wait3A_1304] : memref<6x128xi32, #tpu.memory_space<vmem>> -> memref<1x128xi32, #tpu.memory_space<vmem>>
    %dma_wait3A_1306 = tpu.memref_squeeze %dma_wait3A_1305 : memref<1x128xi32, #tpu.memory_space<vmem>> -> memref<128xi32, #tpu.memory_space<vmem>>
    %dma_wait3A_1307 = tpu.memref_slice %arg3[%multiple_of3A_1034] : memref<100000xi32, #tpu.memory_space<hbm>> -> memref<128xi32, #tpu.memory_space<hbm>>
    %dma_wait3A_1308 = arith.constant 0 : i32
    %dma_wait3A_1309 = tpu.memref_slice %arg6[%dma_wait3A_1303, %dma_wait3A_1308] : memref<6x128xi32, #tpu.memory_space<vmem>> -> memref<1x128xi32, #tpu.memory_space<vmem>>
    %dma_wait3A_1310 = tpu.memref_squeeze %dma_wait3A_1309 : memref<1x128xi32, #tpu.memory_space<vmem>> -> memref<128xi32, #tpu.memory_space<vmem>>
    %dma_wait3A_1311 = tpu.memref_slice %arg3[%multiple_of3A_1034] : memref<100000xi32, #tpu.memory_space<hbm>> -> memref<128xi32, #tpu.memory_space<hbm>>
    tpu.wait_dma2 semaphore(%arg14 : memref<!tpu.dma_semaphore, #tpu.memory_space<semaphore_mem>>) src(%dma_wait3A_1311 : memref<128xi32, #tpu.memory_space<hbm>>) dst(%dma_wait3A_1310 : memref<128xi32, #tpu.memory_space<vmem>>)
    %dma_start3A_1312 = arith.constant 4 : i32
    %dma_start3A_1313 = arith.constant 4 : i32
    %dma_start3A_1314 = arith.constant 0 : i32
    %dma_start3A_1315 = arith.constant 0 : i32
    %dma_start3A_1316 = tpu.memref_slice %arg7[%dma_start3A_1313, %dma_start3A_1314, %dma_start3A_1315] : memref<6x128x128xf32, #tpu.memory_space<vmem>> -> memref<1x128x128xf32, #tpu.memory_space<vmem>>
    %dma_start3A_1317 = tpu.memref_squeeze %dma_start3A_1316 : memref<1x128x128xf32, #tpu.memory_space<vmem>> -> memref<128x128xf32, #tpu.memory_space<vmem>>
    %dma_start3A_1318 = arith.constant 0 : i32
    %dma_start3A_1319 = tpu.memref_slice %arg6[%dma_start3A_1312, %dma_start3A_1318] : memref<6x128xi32, #tpu.memory_space<vmem>> -> memref<1x128xi32, #tpu.memory_space<vmem>>
    %dma_start3A_1320 = tpu.memref_squeeze %dma_start3A_1319 : memref<1x128xi32, #tpu.memory_space<vmem>> -> memref<128xi32, #tpu.memory_space<vmem>>
    %dma_start3A_1321 = arith.constant 0 : i32
    %dma_start3A_1322 = arith.constant 0 : i32
    %dma_start3A_1323 = tpu.memref_slice %arg8[%dma_start3A_1321, %dma_start3A_1322] : memref<55x128xf32, #tpu.memory_space<vmem_shared>> -> memref<55x128xf32, #tpu.memory_space<vmem_shared>>
    tpu.enqueue_indirect_dma source(%dma_start3A_1323 : memref<55x128xf32, #tpu.memory_space<vmem_shared>>) target(%dma_start3A_1317 : memref<128x128xf32, #tpu.memory_space<vmem>>) offsets(%dma_start3A_1320 : memref<128xi32, #tpu.memory_space<vmem>>) semaphore(%arg20 : memref<!tpu.dma_semaphore, #tpu.memory_space<semaphore_mem>>)
    %dma_wait3A_1324 = arith.constant 2 : i32
    %dma_wait3A_1325 = arith.constant 2 : i32
    %dma_wait3A_1326 = arith.constant 0 : i32
    %dma_wait3A_1327 = arith.constant 0 : i32
    %dma_wait3A_1328 = tpu.memref_slice %arg7[%dma_wait3A_1325, %dma_wait3A_1326, %dma_wait3A_1327] : memref<6x128x128xf32, #tpu.memory_space<vmem>> -> memref<1x128x128xf32, #tpu.memory_space<vmem>>
    %dma_wait3A_1329 = tpu.memref_squeeze %dma_wait3A_1328 : memref<1x128x128xf32, #tpu.memory_space<vmem>> -> memref<128x128xf32, #tpu.memory_space<vmem>>
    %dma_wait3A_1330 = arith.constant 0 : i32
    %dma_wait3A_1331 = tpu.memref_slice %arg6[%dma_wait3A_1324, %dma_wait3A_1330] : memref<6x128xi32, #tpu.memory_space<vmem>> -> memref<1x128xi32, #tpu.memory_space<vmem>>
    %dma_wait3A_1332 = tpu.memref_squeeze %dma_wait3A_1331 : memref<1x128xi32, #tpu.memory_space<vmem>> -> memref<128xi32, #tpu.memory_space<vmem>>
    %dma_wait3A_1333 = arith.constant 0 : i32
    %dma_wait3A_1334 = arith.constant 0 : i32
    %dma_wait3A_1335 = tpu.memref_slice %arg8[%dma_wait3A_1333, %dma_wait3A_1334] : memref<55x128xf32, #tpu.memory_space<vmem_shared>> -> memref<55x128xf32, #tpu.memory_space<vmem_shared>>
    tpu.wait_indirect_dma semaphore(%arg18 : memref<!tpu.dma_semaphore, #tpu.memory_space<semaphore_mem>>) src(%dma_wait3A_1335 : memref<55x128xf32, #tpu.memory_space<vmem_shared>>) dst(%dma_wait3A_1329 : memref<128x128xf32, #tpu.memory_space<vmem>>)
    %add3A_1336 = arith.constant 256 : i32
    %add3A_1337 = arith.addi %add3A, %add3A_1336 : i32
    %mul3A_1338 = arith.constant 128 : i32
    %mul3A_1339 = arith.muli %add3A_1337, %mul3A_1338 : i32
    %min3A_1340 = arith.constant 99872 : i32
    %min3A_1341 = arith.minsi %mul3A_1339, %min3A_1340 : i32
    %multiple_of3A_1342 = tpu.assume_multiple %min3A_1341, 8 : i32
    %dma_start3A_1343 = arith.constant 2 : i32
    %dma_start3A_1344 = arith.constant 0 : i32
    %dma_start3A_1345 = arith.constant 0 : i32
    %dma_start3A_1346 = tpu.memref_slice %arg7[%dma_start3A_1343, %dma_start3A_1344, %dma_start3A_1345] : memref<6x128x128xf32, #tpu.memory_space<vmem>> -> memref<1x128x128xf32, #tpu.memory_space<vmem>>
    %dma_start3A_1347 = tpu.memref_squeeze %dma_start3A_1346 : memref<1x128x128xf32, #tpu.memory_space<vmem>> -> memref<128x128xf32, #tpu.memory_space<vmem>>
    %dma_start3A_1348 = arith.constant 0 : i32
    %dma_start3A_1349 = tpu.memref_slice %arg4[%multiple_of3A_1342, %dma_start3A_1348] : memref<100000x128xf32, #tpu.memory_space<hbm>> -> memref<128x128xf32, #tpu.memory_space<hbm>>
    %dma_start3A_1350 = arith.constant 0 : i32
    %dma_start3A_1351 = tpu.memref_slice %arg4[%multiple_of3A_1342, %dma_start3A_1350] : memref<100000x128xf32, #tpu.memory_space<hbm>> -> memref<128x128xf32, #tpu.memory_space<hbm>>
    %dma_start3A_1352 = arith.constant 0 : i32
    %dma_start3A_1353 = arith.constant 0 : i32
    %dma_start3A_1354 = tpu.memref_slice %arg7[%dma_start3A_1343, %dma_start3A_1352, %dma_start3A_1353] : memref<6x128x128xf32, #tpu.memory_space<vmem>> -> memref<1x128x128xf32, #tpu.memory_space<vmem>>
    %dma_start3A_1355 = tpu.memref_squeeze %dma_start3A_1354 : memref<1x128x128xf32, #tpu.memory_space<vmem>> -> memref<128x128xf32, #tpu.memory_space<vmem>>
    tpu.enqueue_dma source(%dma_start3A_1355 : memref<128x128xf32, #tpu.memory_space<vmem>>) target(%dma_start3A_1351 : memref<128x128xf32, #tpu.memory_space<hbm>>) target_semaphore(%arg24 : memref<!tpu.dma_semaphore, #tpu.memory_space<semaphore_mem>>)
    %add3A_1356 = arith.constant 448 : i32
    %add3A_1357 = arith.addi %add3A, %add3A_1356 : i32
    %mul3A_1358 = arith.constant 128 : i32
    %mul3A_1359 = arith.muli %add3A_1357, %mul3A_1358 : i32
    %min3A_1360 = arith.constant 99872 : i32
    %min3A_1361 = arith.minsi %mul3A_1359, %min3A_1360 : i32
    %multiple_of3A_1362 = tpu.assume_multiple %min3A_1361, 8 : i32
    %dma_start3A_1363 = arith.constant 2 : i32
    %dma_start3A_1364 = arith.constant 0 : i32
    %dma_start3A_1365 = tpu.memref_slice %arg6[%dma_start3A_1363, %dma_start3A_1364] : memref<6x128xi32, #tpu.memory_space<vmem>> -> memref<1x128xi32, #tpu.memory_space<vmem>>
    %dma_start3A_1366 = tpu.memref_squeeze %dma_start3A_1365 : memref<1x128xi32, #tpu.memory_space<vmem>> -> memref<128xi32, #tpu.memory_space<vmem>>
    %dma_start3A_1367 = tpu.memref_slice %arg3[%multiple_of3A_1362] : memref<100000xi32, #tpu.memory_space<hbm>> -> memref<128xi32, #tpu.memory_space<hbm>>
    %dma_start3A_1368 = arith.constant 0 : i32
    %dma_start3A_1369 = tpu.memref_slice %arg6[%dma_start3A_1363, %dma_start3A_1368] : memref<6x128xi32, #tpu.memory_space<vmem>> -> memref<1x128xi32, #tpu.memory_space<vmem>>
    %dma_start3A_1370 = tpu.memref_squeeze %dma_start3A_1369 : memref<1x128xi32, #tpu.memory_space<vmem>> -> memref<128xi32, #tpu.memory_space<vmem>>
    %dma_start3A_1371 = tpu.memref_slice %arg3[%multiple_of3A_1362] : memref<100000xi32, #tpu.memory_space<hbm>> -> memref<128xi32, #tpu.memory_space<hbm>>
    tpu.enqueue_dma source(%dma_start3A_1371 : memref<128xi32, #tpu.memory_space<hbm>>) target(%dma_start3A_1370 : memref<128xi32, #tpu.memory_space<vmem>>) target_semaphore(%arg12 : memref<!tpu.dma_semaphore, #tpu.memory_space<semaphore_mem>>)
    %dma_wait3A_1372 = arith.constant 5 : i32
    %dma_wait3A_1373 = arith.constant 0 : i32
    %dma_wait3A_1374 = arith.constant 0 : i32
    %dma_wait3A_1375 = tpu.memref_slice %arg7[%dma_wait3A_1372, %dma_wait3A_1373, %dma_wait3A_1374] : memref<6x128x128xf32, #tpu.memory_space<vmem>> -> memref<1x128x128xf32, #tpu.memory_space<vmem>>
    %dma_wait3A_1376 = tpu.memref_squeeze %dma_wait3A_1375 : memref<1x128x128xf32, #tpu.memory_space<vmem>> -> memref<128x128xf32, #tpu.memory_space<vmem>>
    %dma_wait3A_1377 = arith.constant 0 : i32
    %dma_wait3A_1378 = tpu.memref_slice %arg4[%multiple_of3A_1096, %dma_wait3A_1377] : memref<100000x128xf32, #tpu.memory_space<hbm>> -> memref<128x128xf32, #tpu.memory_space<hbm>>
    %dma_wait3A_1379 = arith.constant 0 : i32
    %dma_wait3A_1380 = tpu.memref_slice %arg4[%multiple_of3A_1096, %dma_wait3A_1379] : memref<100000x128xf32, #tpu.memory_space<hbm>> -> memref<128x128xf32, #tpu.memory_space<hbm>>
    %dma_wait3A_1381 = arith.constant 0 : i32
    %dma_wait3A_1382 = arith.constant 0 : i32
    %dma_wait3A_1383 = tpu.memref_slice %arg7[%dma_wait3A_1372, %dma_wait3A_1381, %dma_wait3A_1382] : memref<6x128x128xf32, #tpu.memory_space<vmem>> -> memref<1x128x128xf32, #tpu.memory_space<vmem>>
    %dma_wait3A_1384 = tpu.memref_squeeze %dma_wait3A_1383 : memref<1x128x128xf32, #tpu.memory_space<vmem>> -> memref<128x128xf32, #tpu.memory_space<vmem>>
    tpu.wait_dma2 semaphore(%arg27 : memref<!tpu.dma_semaphore, #tpu.memory_space<semaphore_mem>>) src(%dma_wait3A_1384 : memref<128x128xf32, #tpu.memory_space<vmem>>) dst(%dma_wait3A_1380 : memref<128x128xf32, #tpu.memory_space<hbm>>)
    %dma_wait3A_1385 = arith.constant 5 : i32
    %dma_wait3A_1386 = arith.constant 0 : i32
    %dma_wait3A_1387 = tpu.memref_slice %arg6[%dma_wait3A_1385, %dma_wait3A_1386] : memref<6x128xi32, #tpu.memory_space<vmem>> -> memref<1x128xi32, #tpu.memory_space<vmem>>
    %dma_wait3A_1388 = tpu.memref_squeeze %dma_wait3A_1387 : memref<1x128xi32, #tpu.memory_space<vmem>> -> memref<128xi32, #tpu.memory_space<vmem>>
    %dma_wait3A_1389 = tpu.memref_slice %arg3[%multiple_of3A_1116] : memref<100000xi32, #tpu.memory_space<hbm>> -> memref<128xi32, #tpu.memory_space<hbm>>
    %dma_wait3A_1390 = arith.constant 0 : i32
    %dma_wait3A_1391 = tpu.memref_slice %arg6[%dma_wait3A_1385, %dma_wait3A_1390] : memref<6x128xi32, #tpu.memory_space<vmem>> -> memref<1x128xi32, #tpu.memory_space<vmem>>
    %dma_wait3A_1392 = tpu.memref_squeeze %dma_wait3A_1391 : memref<1x128xi32, #tpu.memory_space<vmem>> -> memref<128xi32, #tpu.memory_space<vmem>>
    %dma_wait3A_1393 = tpu.memref_slice %arg3[%multiple_of3A_1116] : memref<100000xi32, #tpu.memory_space<hbm>> -> memref<128xi32, #tpu.memory_space<hbm>>
    tpu.wait_dma2 semaphore(%arg15 : memref<!tpu.dma_semaphore, #tpu.memory_space<semaphore_mem>>) src(%dma_wait3A_1393 : memref<128xi32, #tpu.memory_space<hbm>>) dst(%dma_wait3A_1392 : memref<128xi32, #tpu.memory_space<vmem>>)
    %dma_start3A_1394 = arith.constant 5 : i32
    %dma_start3A_1395 = arith.constant 5 : i32
    %dma_start3A_1396 = arith.constant 0 : i32
    %dma_start3A_1397 = arith.constant 0 : i32
    %dma_start3A_1398 = tpu.memref_slice %arg7[%dma_start3A_1395, %dma_start3A_1396, %dma_start3A_1397] : memref<6x128x128xf32, #tpu.memory_space<vmem>> -> memref<1x128x128xf32, #tpu.memory_space<vmem>>
    %dma_start3A_1399 = tpu.memref_squeeze %dma_start3A_1398 : memref<1x128x128xf32, #tpu.memory_space<vmem>> -> memref<128x128xf32, #tpu.memory_space<vmem>>
    %dma_start3A_1400 = arith.constant 0 : i32
    %dma_start3A_1401 = tpu.memref_slice %arg6[%dma_start3A_1394, %dma_start3A_1400] : memref<6x128xi32, #tpu.memory_space<vmem>> -> memref<1x128xi32, #tpu.memory_space<vmem>>
    %dma_start3A_1402 = tpu.memref_squeeze %dma_start3A_1401 : memref<1x128xi32, #tpu.memory_space<vmem>> -> memref<128xi32, #tpu.memory_space<vmem>>
    %dma_start3A_1403 = arith.constant 0 : i32
    %dma_start3A_1404 = arith.constant 0 : i32
    %dma_start3A_1405 = tpu.memref_slice %arg8[%dma_start3A_1403, %dma_start3A_1404] : memref<55x128xf32, #tpu.memory_space<vmem_shared>> -> memref<55x128xf32, #tpu.memory_space<vmem_shared>>
    tpu.enqueue_indirect_dma source(%dma_start3A_1405 : memref<55x128xf32, #tpu.memory_space<vmem_shared>>) target(%dma_start3A_1399 : memref<128x128xf32, #tpu.memory_space<vmem>>) offsets(%dma_start3A_1402 : memref<128xi32, #tpu.memory_space<vmem>>) semaphore(%arg21 : memref<!tpu.dma_semaphore, #tpu.memory_space<semaphore_mem>>)
    %dma_wait3A_1406 = arith.constant 3 : i32
    %dma_wait3A_1407 = arith.constant 3 : i32
    %dma_wait3A_1408 = arith.constant 0 : i32
    %dma_wait3A_1409 = arith.constant 0 : i32
    %dma_wait3A_1410 = tpu.memref_slice %arg7[%dma_wait3A_1407, %dma_wait3A_1408, %dma_wait3A_1409] : memref<6x128x128xf32, #tpu.memory_space<vmem>> -> memref<1x128x128xf32, #tpu.memory_space<vmem>>
    %dma_wait3A_1411 = tpu.memref_squeeze %dma_wait3A_1410 : memref<1x128x128xf32, #tpu.memory_space<vmem>> -> memref<128x128xf32, #tpu.memory_space<vmem>>
    %dma_wait3A_1412 = arith.constant 0 : i32
    %dma_wait3A_1413 = tpu.memref_slice %arg6[%dma_wait3A_1406, %dma_wait3A_1412] : memref<6x128xi32, #tpu.memory_space<vmem>> -> memref<1x128xi32, #tpu.memory_space<vmem>>
    %dma_wait3A_1414 = tpu.memref_squeeze %dma_wait3A_1413 : memref<1x128xi32, #tpu.memory_space<vmem>> -> memref<128xi32, #tpu.memory_space<vmem>>
    %dma_wait3A_1415 = arith.constant 0 : i32
    %dma_wait3A_1416 = arith.constant 0 : i32
    %dma_wait3A_1417 = tpu.memref_slice %arg8[%dma_wait3A_1415, %dma_wait3A_1416] : memref<55x128xf32, #tpu.memory_space<vmem_shared>> -> memref<55x128xf32, #tpu.memory_space<vmem_shared>>
    tpu.wait_indirect_dma semaphore(%arg19 : memref<!tpu.dma_semaphore, #tpu.memory_space<semaphore_mem>>) src(%dma_wait3A_1417 : memref<55x128xf32, #tpu.memory_space<vmem_shared>>) dst(%dma_wait3A_1411 : memref<128x128xf32, #tpu.memory_space<vmem>>)
    %add3A_1418 = arith.constant 288 : i32
    %add3A_1419 = arith.addi %add3A, %add3A_1418 : i32
    %mul3A_1420 = arith.constant 128 : i32
    %mul3A_1421 = arith.muli %add3A_1419, %mul3A_1420 : i32
    %min3A_1422 = arith.constant 99872 : i32
    %min3A_1423 = arith.minsi %mul3A_1421, %min3A_1422 : i32
    %multiple_of3A_1424 = tpu.assume_multiple %min3A_1423, 8 : i32
    %dma_start3A_1425 = arith.constant 3 : i32
    %dma_start3A_1426 = arith.constant 0 : i32
    %dma_start3A_1427 = arith.constant 0 : i32
    %dma_start3A_1428 = tpu.memref_slice %arg7[%dma_start3A_1425, %dma_start3A_1426, %dma_start3A_1427] : memref<6x128x128xf32, #tpu.memory_space<vmem>> -> memref<1x128x128xf32, #tpu.memory_space<vmem>>
    %dma_start3A_1429 = tpu.memref_squeeze %dma_start3A_1428 : memref<1x128x128xf32, #tpu.memory_space<vmem>> -> memref<128x128xf32, #tpu.memory_space<vmem>>
    %dma_start3A_1430 = arith.constant 0 : i32
    %dma_start3A_1431 = tpu.memref_slice %arg4[%multiple_of3A_1424, %dma_start3A_1430] : memref<100000x128xf32, #tpu.memory_space<hbm>> -> memref<128x128xf32, #tpu.memory_space<hbm>>
    %dma_start3A_1432 = arith.constant 0 : i32
    %dma_start3A_1433 = tpu.memref_slice %arg4[%multiple_of3A_1424, %dma_start3A_1432] : memref<100000x128xf32, #tpu.memory_space<hbm>> -> memref<128x128xf32, #tpu.memory_space<hbm>>
    %dma_start3A_1434 = arith.constant 0 : i32
    %dma_start3A_1435 = arith.constant 0 : i32
    %dma_start3A_1436 = tpu.memref_slice %arg7[%dma_start3A_1425, %dma_start3A_1434, %dma_start3A_1435] : memref<6x128x128xf32, #tpu.memory_space<vmem>> -> memref<1x128x128xf32, #tpu.memory_space<vmem>>
    %dma_start3A_1437 = tpu.memref_squeeze %dma_start3A_1436 : memref<1x128x128xf32, #tpu.memory_space<vmem>> -> memref<128x128xf32, #tpu.memory_space<vmem>>
    tpu.enqueue_dma source(%dma_start3A_1437 : memref<128x128xf32, #tpu.memory_space<vmem>>) target(%dma_start3A_1433 : memref<128x128xf32, #tpu.memory_space<hbm>>) target_semaphore(%arg25 : memref<!tpu.dma_semaphore, #tpu.memory_space<semaphore_mem>>)
    %add3A_1438 = arith.constant 480 : i32
    %add3A_1439 = arith.addi %add3A, %add3A_1438 : i32
    %mul3A_1440 = arith.constant 128 : i32
    %mul3A_1441 = arith.muli %add3A_1439, %mul3A_1440 : i32
    %min3A_1442 = arith.constant 99872 : i32
    %min3A_1443 = arith.minsi %mul3A_1441, %min3A_1442 : i32
    %multiple_of3A_1444 = tpu.assume_multiple %min3A_1443, 8 : i32
    %dma_start3A_1445 = arith.constant 3 : i32
    %dma_start3A_1446 = arith.constant 0 : i32
    %dma_start3A_1447 = tpu.memref_slice %arg6[%dma_start3A_1445, %dma_start3A_1446] : memref<6x128xi32, #tpu.memory_space<vmem>> -> memref<1x128xi32, #tpu.memory_space<vmem>>
    %dma_start3A_1448 = tpu.memref_squeeze %dma_start3A_1447 : memref<1x128xi32, #tpu.memory_space<vmem>> -> memref<128xi32, #tpu.memory_space<vmem>>
    %dma_start3A_1449 = tpu.memref_slice %arg3[%multiple_of3A_1444] : memref<100000xi32, #tpu.memory_space<hbm>> -> memref<128xi32, #tpu.memory_space<hbm>>
    %dma_start3A_1450 = arith.constant 0 : i32
    %dma_start3A_1451 = tpu.memref_slice %arg6[%dma_start3A_1445, %dma_start3A_1450] : memref<6x128xi32, #tpu.memory_space<vmem>> -> memref<1x128xi32, #tpu.memory_space<vmem>>
    %dma_start3A_1452 = tpu.memref_squeeze %dma_start3A_1451 : memref<1x128xi32, #tpu.memory_space<vmem>> -> memref<128xi32, #tpu.memory_space<vmem>>
    %dma_start3A_1453 = tpu.memref_slice %arg3[%multiple_of3A_1444] : memref<100000xi32, #tpu.memory_space<hbm>> -> memref<128xi32, #tpu.memory_space<hbm>>
    tpu.enqueue_dma source(%dma_start3A_1453 : memref<128xi32, #tpu.memory_space<hbm>>) target(%dma_start3A_1452 : memref<128xi32, #tpu.memory_space<vmem>>) target_semaphore(%arg13 : memref<!tpu.dma_semaphore, #tpu.memory_space<semaphore_mem>>)
    %dma_wait3A_1454 = arith.constant 0 : i32
    %dma_wait3A_1455 = arith.constant 0 : i32
    %dma_wait3A_1456 = arith.constant 0 : i32
    %dma_wait3A_1457 = tpu.memref_slice %arg7[%dma_wait3A_1454, %dma_wait3A_1455, %dma_wait3A_1456] : memref<6x128x128xf32, #tpu.memory_space<vmem>> -> memref<1x128x128xf32, #tpu.memory_space<vmem>>
    %dma_wait3A_1458 = tpu.memref_squeeze %dma_wait3A_1457 : memref<1x128x128xf32, #tpu.memory_space<vmem>> -> memref<128x128xf32, #tpu.memory_space<vmem>>
    %dma_wait3A_1459 = arith.constant 0 : i32
    %dma_wait3A_1460 = tpu.memref_slice %arg4[%multiple_of3A_1178, %dma_wait3A_1459] : memref<100000x128xf32, #tpu.memory_space<hbm>> -> memref<128x128xf32, #tpu.memory_space<hbm>>
    %dma_wait3A_1461 = arith.constant 0 : i32
    %dma_wait3A_1462 = tpu.memref_slice %arg4[%multiple_of3A_1178, %dma_wait3A_1461] : memref<100000x128xf32, #tpu.memory_space<hbm>> -> memref<128x128xf32, #tpu.memory_space<hbm>>
    %dma_wait3A_1463 = arith.constant 0 : i32
    %dma_wait3A_1464 = arith.constant 0 : i32
    %dma_wait3A_1465 = tpu.memref_slice %arg7[%dma_wait3A_1454, %dma_wait3A_1463, %dma_wait3A_1464] : memref<6x128x128xf32, #tpu.memory_space<vmem>> -> memref<1x128x128xf32, #tpu.memory_space<vmem>>
    %dma_wait3A_1466 = tpu.memref_squeeze %dma_wait3A_1465 : memref<1x128x128xf32, #tpu.memory_space<vmem>> -> memref<128x128xf32, #tpu.memory_space<vmem>>
    tpu.wait_dma2 semaphore(%arg22 : memref<!tpu.dma_semaphore, #tpu.memory_space<semaphore_mem>>) src(%dma_wait3A_1466 : memref<128x128xf32, #tpu.memory_space<vmem>>) dst(%dma_wait3A_1462 : memref<128x128xf32, #tpu.memory_space<hbm>>)
    %dma_wait3A_1467 = arith.constant 0 : i32
    %dma_wait3A_1468 = arith.constant 0 : i32
    %dma_wait3A_1469 = tpu.memref_slice %arg6[%dma_wait3A_1467, %dma_wait3A_1468] : memref<6x128xi32, #tpu.memory_space<vmem>> -> memref<1x128xi32, #tpu.memory_space<vmem>>
    %dma_wait3A_1470 = tpu.memref_squeeze %dma_wait3A_1469 : memref<1x128xi32, #tpu.memory_space<vmem>> -> memref<128xi32, #tpu.memory_space<vmem>>
    %dma_wait3A_1471 = tpu.memref_slice %arg3[%multiple_of3A_1198] : memref<100000xi32, #tpu.memory_space<hbm>> -> memref<128xi32, #tpu.memory_space<hbm>>
    %dma_wait3A_1472 = arith.constant 0 : i32
    %dma_wait3A_1473 = tpu.memref_slice %arg6[%dma_wait3A_1467, %dma_wait3A_1472] : memref<6x128xi32, #tpu.memory_space<vmem>> -> memref<1x128xi32, #tpu.memory_space<vmem>>
    %dma_wait3A_1474 = tpu.memref_squeeze %dma_wait3A_1473 : memref<1x128xi32, #tpu.memory_space<vmem>> -> memref<128xi32, #tpu.memory_space<vmem>>
    %dma_wait3A_1475 = tpu.memref_slice %arg3[%multiple_of3A_1198] : memref<100000xi32, #tpu.memory_space<hbm>> -> memref<128xi32, #tpu.memory_space<hbm>>
    tpu.wait_dma2 semaphore(%arg10 : memref<!tpu.dma_semaphore, #tpu.memory_space<semaphore_mem>>) src(%dma_wait3A_1475 : memref<128xi32, #tpu.memory_space<hbm>>) dst(%dma_wait3A_1474 : memref<128xi32, #tpu.memory_space<vmem>>)
    %dma_start3A_1476 = arith.constant 0 : i32
    %dma_start3A_1477 = arith.constant 0 : i32
    %dma_start3A_1478 = arith.constant 0 : i32
    %dma_start3A_1479 = arith.constant 0 : i32
    %dma_start3A_1480 = tpu.memref_slice %arg7[%dma_start3A_1477, %dma_start3A_1478, %dma_start3A_1479] : memref<6x128x128xf32, #tpu.memory_space<vmem>> -> memref<1x128x128xf32, #tpu.memory_space<vmem>>
    %dma_start3A_1481 = tpu.memref_squeeze %dma_start3A_1480 : memref<1x128x128xf32, #tpu.memory_space<vmem>> -> memref<128x128xf32, #tpu.memory_space<vmem>>
    %dma_start3A_1482 = arith.constant 0 : i32
    %dma_start3A_1483 = tpu.memref_slice %arg6[%dma_start3A_1476, %dma_start3A_1482] : memref<6x128xi32, #tpu.memory_space<vmem>> -> memref<1x128xi32, #tpu.memory_space<vmem>>
    %dma_start3A_1484 = tpu.memref_squeeze %dma_start3A_1483 : memref<1x128xi32, #tpu.memory_space<vmem>> -> memref<128xi32, #tpu.memory_space<vmem>>
    %dma_start3A_1485 = arith.constant 0 : i32
    %dma_start3A_1486 = arith.constant 0 : i32
    %dma_start3A_1487 = tpu.memref_slice %arg8[%dma_start3A_1485, %dma_start3A_1486] : memref<55x128xf32, #tpu.memory_space<vmem_shared>> -> memref<55x128xf32, #tpu.memory_space<vmem_shared>>
    tpu.enqueue_indirect_dma source(%dma_start3A_1487 : memref<55x128xf32, #tpu.memory_space<vmem_shared>>) target(%dma_start3A_1481 : memref<128x128xf32, #tpu.memory_space<vmem>>) offsets(%dma_start3A_1484 : memref<128xi32, #tpu.memory_space<vmem>>) semaphore(%arg16 : memref<!tpu.dma_semaphore, #tpu.memory_space<semaphore_mem>>)
    %dma_wait3A_1488 = arith.constant 4 : i32
    %dma_wait3A_1489 = arith.constant 4 : i32
    %dma_wait3A_1490 = arith.constant 0 : i32
    %dma_wait3A_1491 = arith.constant 0 : i32
    %dma_wait3A_1492 = tpu.memref_slice %arg7[%dma_wait3A_1489, %dma_wait3A_1490, %dma_wait3A_1491] : memref<6x128x128xf32, #tpu.memory_space<vmem>> -> memref<1x128x128xf32, #tpu.memory_space<vmem>>
    %dma_wait3A_1493 = tpu.memref_squeeze %dma_wait3A_1492 : memref<1x128x128xf32, #tpu.memory_space<vmem>> -> memref<128x128xf32, #tpu.memory_space<vmem>>
    %dma_wait3A_1494 = arith.constant 0 : i32
    %dma_wait3A_1495 = tpu.memref_slice %arg6[%dma_wait3A_1488, %dma_wait3A_1494] : memref<6x128xi32, #tpu.memory_space<vmem>> -> memref<1x128xi32, #tpu.memory_space<vmem>>
    %dma_wait3A_1496 = tpu.memref_squeeze %dma_wait3A_1495 : memref<1x128xi32, #tpu.memory_space<vmem>> -> memref<128xi32, #tpu.memory_space<vmem>>
    %dma_wait3A_1497 = arith.constant 0 : i32
    %dma_wait3A_1498 = arith.constant 0 : i32
    %dma_wait3A_1499 = tpu.memref_slice %arg8[%dma_wait3A_1497, %dma_wait3A_1498] : memref<55x128xf32, #tpu.memory_space<vmem_shared>> -> memref<55x128xf32, #tpu.memory_space<vmem_shared>>
    tpu.wait_indirect_dma semaphore(%arg20 : memref<!tpu.dma_semaphore, #tpu.memory_space<semaphore_mem>>) src(%dma_wait3A_1499 : memref<55x128xf32, #tpu.memory_space<vmem_shared>>) dst(%dma_wait3A_1493 : memref<128x128xf32, #tpu.memory_space<vmem>>)
    %add3A_1500 = arith.constant 320 : i32
    %add3A_1501 = arith.addi %add3A, %add3A_1500 : i32
    %mul3A_1502 = arith.constant 128 : i32
    %mul3A_1503 = arith.muli %add3A_1501, %mul3A_1502 : i32
    %min3A_1504 = arith.constant 99872 : i32
    %min3A_1505 = arith.minsi %mul3A_1503, %min3A_1504 : i32
    %multiple_of3A_1506 = tpu.assume_multiple %min3A_1505, 8 : i32
    %dma_start3A_1507 = arith.constant 4 : i32
    %dma_start3A_1508 = arith.constant 0 : i32
    %dma_start3A_1509 = arith.constant 0 : i32
    %dma_start3A_1510 = tpu.memref_slice %arg7[%dma_start3A_1507, %dma_start3A_1508, %dma_start3A_1509] : memref<6x128x128xf32, #tpu.memory_space<vmem>> -> memref<1x128x128xf32, #tpu.memory_space<vmem>>
    %dma_start3A_1511 = tpu.memref_squeeze %dma_start3A_1510 : memref<1x128x128xf32, #tpu.memory_space<vmem>> -> memref<128x128xf32, #tpu.memory_space<vmem>>
    %dma_start3A_1512 = arith.constant 0 : i32
    %dma_start3A_1513 = tpu.memref_slice %arg4[%multiple_of3A_1506, %dma_start3A_1512] : memref<100000x128xf32, #tpu.memory_space<hbm>> -> memref<128x128xf32, #tpu.memory_space<hbm>>
    %dma_start3A_1514 = arith.constant 0 : i32
    %dma_start3A_1515 = tpu.memref_slice %arg4[%multiple_of3A_1506, %dma_start3A_1514] : memref<100000x128xf32, #tpu.memory_space<hbm>> -> memref<128x128xf32, #tpu.memory_space<hbm>>
    %dma_start3A_1516 = arith.constant 0 : i32
    %dma_start3A_1517 = arith.constant 0 : i32
    %dma_start3A_1518 = tpu.memref_slice %arg7[%dma_start3A_1507, %dma_start3A_1516, %dma_start3A_1517] : memref<6x128x128xf32, #tpu.memory_space<vmem>> -> memref<1x128x128xf32, #tpu.memory_space<vmem>>
    %dma_start3A_1519 = tpu.memref_squeeze %dma_start3A_1518 : memref<1x128x128xf32, #tpu.memory_space<vmem>> -> memref<128x128xf32, #tpu.memory_space<vmem>>
    tpu.enqueue_dma source(%dma_start3A_1519 : memref<128x128xf32, #tpu.memory_space<vmem>>) target(%dma_start3A_1515 : memref<128x128xf32, #tpu.memory_space<hbm>>) target_semaphore(%arg26 : memref<!tpu.dma_semaphore, #tpu.memory_space<semaphore_mem>>)
    %add3A_1520 = arith.constant 512 : i32
    %add3A_1521 = arith.addi %add3A, %add3A_1520 : i32
    %mul3A_1522 = arith.constant 128 : i32
    %mul3A_1523 = arith.muli %add3A_1521, %mul3A_1522 : i32
    %min3A_1524 = arith.constant 99872 : i32
    %min3A_1525 = arith.minsi %mul3A_1523, %min3A_1524 : i32
    %multiple_of3A_1526 = tpu.assume_multiple %min3A_1525, 8 : i32
    %dma_start3A_1527 = arith.constant 4 : i32
    %dma_start3A_1528 = arith.constant 0 : i32
    %dma_start3A_1529 = tpu.memref_slice %arg6[%dma_start3A_1527, %dma_start3A_1528] : memref<6x128xi32, #tpu.memory_space<vmem>> -> memref<1x128xi32, #tpu.memory_space<vmem>>
    %dma_start3A_1530 = tpu.memref_squeeze %dma_start3A_1529 : memref<1x128xi32, #tpu.memory_space<vmem>> -> memref<128xi32, #tpu.memory_space<vmem>>
    %dma_start3A_1531 = tpu.memref_slice %arg3[%multiple_of3A_1526] : memref<100000xi32, #tpu.memory_space<hbm>> -> memref<128xi32, #tpu.memory_space<hbm>>
    %dma_start3A_1532 = arith.constant 0 : i32
    %dma_start3A_1533 = tpu.memref_slice %arg6[%dma_start3A_1527, %dma_start3A_1532] : memref<6x128xi32, #tpu.memory_space<vmem>> -> memref<1x128xi32, #tpu.memory_space<vmem>>
    %dma_start3A_1534 = tpu.memref_squeeze %dma_start3A_1533 : memref<1x128xi32, #tpu.memory_space<vmem>> -> memref<128xi32, #tpu.memory_space<vmem>>
    %dma_start3A_1535 = tpu.memref_slice %arg3[%multiple_of3A_1526] : memref<100000xi32, #tpu.memory_space<hbm>> -> memref<128xi32, #tpu.memory_space<hbm>>
    tpu.enqueue_dma source(%dma_start3A_1535 : memref<128xi32, #tpu.memory_space<hbm>>) target(%dma_start3A_1534 : memref<128xi32, #tpu.memory_space<vmem>>) target_semaphore(%arg14 : memref<!tpu.dma_semaphore, #tpu.memory_space<semaphore_mem>>)
    %dma_wait3A_1536 = arith.constant 1 : i32
    %dma_wait3A_1537 = arith.constant 0 : i32
    %dma_wait3A_1538 = arith.constant 0 : i32
    %dma_wait3A_1539 = tpu.memref_slice %arg7[%dma_wait3A_1536, %dma_wait3A_1537, %dma_wait3A_1538] : memref<6x128x128xf32, #tpu.memory_space<vmem>> -> memref<1x128x128xf32, #tpu.memory_space<vmem>>
    %dma_wait3A_1540 = tpu.memref_squeeze %dma_wait3A_1539 : memref<1x128x128xf32, #tpu.memory_space<vmem>> -> memref<128x128xf32, #tpu.memory_space<vmem>>
    %dma_wait3A_1541 = arith.constant 0 : i32
    %dma_wait3A_1542 = tpu.memref_slice %arg4[%multiple_of3A_1260, %dma_wait3A_1541] : memref<100000x128xf32, #tpu.memory_space<hbm>> -> memref<128x128xf32, #tpu.memory_space<hbm>>
    %dma_wait3A_1543 = arith.constant 0 : i32
    %dma_wait3A_1544 = tpu.memref_slice %arg4[%multiple_of3A_1260, %dma_wait3A_1543] : memref<100000x128xf32, #tpu.memory_space<hbm>> -> memref<128x128xf32, #tpu.memory_space<hbm>>
    %dma_wait3A_1545 = arith.constant 0 : i32
    %dma_wait3A_1546 = arith.constant 0 : i32
    %dma_wait3A_1547 = tpu.memref_slice %arg7[%dma_wait3A_1536, %dma_wait3A_1545, %dma_wait3A_1546] : memref<6x128x128xf32, #tpu.memory_space<vmem>> -> memref<1x128x128xf32, #tpu.memory_space<vmem>>
    %dma_wait3A_1548 = tpu.memref_squeeze %dma_wait3A_1547 : memref<1x128x128xf32, #tpu.memory_space<vmem>> -> memref<128x128xf32, #tpu.memory_space<vmem>>
    tpu.wait_dma2 semaphore(%arg23 : memref<!tpu.dma_semaphore, #tpu.memory_space<semaphore_mem>>) src(%dma_wait3A_1548 : memref<128x128xf32, #tpu.memory_space<vmem>>) dst(%dma_wait3A_1544 : memref<128x128xf32, #tpu.memory_space<hbm>>)
    %dma_wait3A_1549 = arith.constant 1 : i32
    %dma_wait3A_1550 = arith.constant 0 : i32
    %dma_wait3A_1551 = tpu.memref_slice %arg6[%dma_wait3A_1549, %dma_wait3A_1550] : memref<6x128xi32, #tpu.memory_space<vmem>> -> memref<1x128xi32, #tpu.memory_space<vmem>>
    %dma_wait3A_1552 = tpu.memref_squeeze %dma_wait3A_1551 : memref<1x128xi32, #tpu.memory_space<vmem>> -> memref<128xi32, #tpu.memory_space<vmem>>
    %dma_wait3A_1553 = tpu.memref_slice %arg3[%multiple_of3A_1280] : memref<100000xi32, #tpu.memory_space<hbm>> -> memref<128xi32, #tpu.memory_space<hbm>>
    %dma_wait3A_1554 = arith.constant 0 : i32
    %dma_wait3A_1555 = tpu.memref_slice %arg6[%dma_wait3A_1549, %dma_wait3A_1554] : memref<6x128xi32, #tpu.memory_space<vmem>> -> memref<1x128xi32, #tpu.memory_space<vmem>>
    %dma_wait3A_1556 = tpu.memref_squeeze %dma_wait3A_1555 : memref<1x128xi32, #tpu.memory_space<vmem>> -> memref<128xi32, #tpu.memory_space<vmem>>
    %dma_wait3A_1557 = tpu.memref_slice %arg3[%multiple_of3A_1280] : memref<100000xi32, #tpu.memory_space<hbm>> -> memref<128xi32, #tpu.memory_space<hbm>>
    tpu.wait_dma2 semaphore(%arg11 : memref<!tpu.dma_semaphore, #tpu.memory_space<semaphore_mem>>) src(%dma_wait3A_1557 : memref<128xi32, #tpu.memory_space<hbm>>) dst(%dma_wait3A_1556 : memref<128xi32, #tpu.memory_space<vmem>>)
    %dma_start3A_1558 = arith.constant 1 : i32
    %dma_start3A_1559 = arith.constant 1 : i32
    %dma_start3A_1560 = arith.constant 0 : i32
    %dma_start3A_1561 = arith.constant 0 : i32
    %dma_start3A_1562 = tpu.memref_slice %arg7[%dma_start3A_1559, %dma_start3A_1560, %dma_start3A_1561] : memref<6x128x128xf32, #tpu.memory_space<vmem>> -> memref<1x128x128xf32, #tpu.memory_space<vmem>>
    %dma_start3A_1563 = tpu.memref_squeeze %dma_start3A_1562 : memref<1x128x128xf32, #tpu.memory_space<vmem>> -> memref<128x128xf32, #tpu.memory_space<vmem>>
    %dma_start3A_1564 = arith.constant 0 : i32
    %dma_start3A_1565 = tpu.memref_slice %arg6[%dma_start3A_1558, %dma_start3A_1564] : memref<6x128xi32, #tpu.memory_space<vmem>> -> memref<1x128xi32, #tpu.memory_space<vmem>>
    %dma_start3A_1566 = tpu.memref_squeeze %dma_start3A_1565 : memref<1x128xi32, #tpu.memory_space<vmem>> -> memref<128xi32, #tpu.memory_space<vmem>>
    %dma_start3A_1567 = arith.constant 0 : i32
    %dma_start3A_1568 = arith.constant 0 : i32
    %dma_start3A_1569 = tpu.memref_slice %arg8[%dma_start3A_1567, %dma_start3A_1568] : memref<55x128xf32, #tpu.memory_space<vmem_shared>> -> memref<55x128xf32, #tpu.memory_space<vmem_shared>>
    tpu.enqueue_indirect_dma source(%dma_start3A_1569 : memref<55x128xf32, #tpu.memory_space<vmem_shared>>) target(%dma_start3A_1563 : memref<128x128xf32, #tpu.memory_space<vmem>>) offsets(%dma_start3A_1566 : memref<128xi32, #tpu.memory_space<vmem>>) semaphore(%arg17 : memref<!tpu.dma_semaphore, #tpu.memory_space<semaphore_mem>>)
    %dma_wait3A_1570 = arith.constant 5 : i32
    %dma_wait3A_1571 = arith.constant 5 : i32
    %dma_wait3A_1572 = arith.constant 0 : i32
    %dma_wait3A_1573 = arith.constant 0 : i32
    %dma_wait3A_1574 = tpu.memref_slice %arg7[%dma_wait3A_1571, %dma_wait3A_1572, %dma_wait3A_1573] : memref<6x128x128xf32, #tpu.memory_space<vmem>> -> memref<1x128x128xf32, #tpu.memory_space<vmem>>
    %dma_wait3A_1575 = tpu.memref_squeeze %dma_wait3A_1574 : memref<1x128x128xf32, #tpu.memory_space<vmem>> -> memref<128x128xf32, #tpu.memory_space<vmem>>
    %dma_wait3A_1576 = arith.constant 0 : i32
    %dma_wait3A_1577 = tpu.memref_slice %arg6[%dma_wait3A_1570, %dma_wait3A_1576] : memref<6x128xi32, #tpu.memory_space<vmem>> -> memref<1x128xi32, #tpu.memory_space<vmem>>
    %dma_wait3A_1578 = tpu.memref_squeeze %dma_wait3A_1577 : memref<1x128xi32, #tpu.memory_space<vmem>> -> memref<128xi32, #tpu.memory_space<vmem>>
    %dma_wait3A_1579 = arith.constant 0 : i32
    %dma_wait3A_1580 = arith.constant 0 : i32
    %dma_wait3A_1581 = tpu.memref_slice %arg8[%dma_wait3A_1579, %dma_wait3A_1580] : memref<55x128xf32, #tpu.memory_space<vmem_shared>> -> memref<55x128xf32, #tpu.memory_space<vmem_shared>>
    tpu.wait_indirect_dma semaphore(%arg21 : memref<!tpu.dma_semaphore, #tpu.memory_space<semaphore_mem>>) src(%dma_wait3A_1581 : memref<55x128xf32, #tpu.memory_space<vmem_shared>>) dst(%dma_wait3A_1575 : memref<128x128xf32, #tpu.memory_space<vmem>>)
    %add3A_1582 = arith.constant 352 : i32
    %add3A_1583 = arith.addi %add3A, %add3A_1582 : i32
    %mul3A_1584 = arith.constant 128 : i32
    %mul3A_1585 = arith.muli %add3A_1583, %mul3A_1584 : i32
    %min3A_1586 = arith.constant 99872 : i32
    %min3A_1587 = arith.minsi %mul3A_1585, %min3A_1586 : i32
    %multiple_of3A_1588 = tpu.assume_multiple %min3A_1587, 8 : i32
    %dma_start3A_1589 = arith.constant 5 : i32
    %dma_start3A_1590 = arith.constant 0 : i32
    %dma_start3A_1591 = arith.constant 0 : i32
    %dma_start3A_1592 = tpu.memref_slice %arg7[%dma_start3A_1589, %dma_start3A_1590, %dma_start3A_1591] : memref<6x128x128xf32, #tpu.memory_space<vmem>> -> memref<1x128x128xf32, #tpu.memory_space<vmem>>
    %dma_start3A_1593 = tpu.memref_squeeze %dma_start3A_1592 : memref<1x128x128xf32, #tpu.memory_space<vmem>> -> memref<128x128xf32, #tpu.memory_space<vmem>>
    %dma_start3A_1594 = arith.constant 0 : i32
    %dma_start3A_1595 = tpu.memref_slice %arg4[%multiple_of3A_1588, %dma_start3A_1594] : memref<100000x128xf32, #tpu.memory_space<hbm>> -> memref<128x128xf32, #tpu.memory_space<hbm>>
    %dma_start3A_1596 = arith.constant 0 : i32
    %dma_start3A_1597 = tpu.memref_slice %arg4[%multiple_of3A_1588, %dma_start3A_1596] : memref<100000x128xf32, #tpu.memory_space<hbm>> -> memref<128x128xf32, #tpu.memory_space<hbm>>
    %dma_start3A_1598 = arith.constant 0 : i32
    %dma_start3A_1599 = arith.constant 0 : i32
    %dma_start3A_1600 = tpu.memref_slice %arg7[%dma_start3A_1589, %dma_start3A_1598, %dma_start3A_1599] : memref<6x128x128xf32, #tpu.memory_space<vmem>> -> memref<1x128x128xf32, #tpu.memory_space<vmem>>
    %dma_start3A_1601 = tpu.memref_squeeze %dma_start3A_1600 : memref<1x128x128xf32, #tpu.memory_space<vmem>> -> memref<128x128xf32, #tpu.memory_space<vmem>>
    tpu.enqueue_dma source(%dma_start3A_1601 : memref<128x128xf32, #tpu.memory_space<vmem>>) target(%dma_start3A_1597 : memref<128x128xf32, #tpu.memory_space<hbm>>) target_semaphore(%arg27 : memref<!tpu.dma_semaphore, #tpu.memory_space<semaphore_mem>>)
    %add3A_1602 = arith.constant 544 : i32
    %add3A_1603 = arith.addi %add3A, %add3A_1602 : i32
    %mul3A_1604 = arith.constant 128 : i32
    %mul3A_1605 = arith.muli %add3A_1603, %mul3A_1604 : i32
    %min3A_1606 = arith.constant 99872 : i32
    %min3A_1607 = arith.minsi %mul3A_1605, %min3A_1606 : i32
    %multiple_of3A_1608 = tpu.assume_multiple %min3A_1607, 8 : i32
    %dma_start3A_1609 = arith.constant 5 : i32
    %dma_start3A_1610 = arith.constant 0 : i32
    %dma_start3A_1611 = tpu.memref_slice %arg6[%dma_start3A_1609, %dma_start3A_1610] : memref<6x128xi32, #tpu.memory_space<vmem>> -> memref<1x128xi32, #tpu.memory_space<vmem>>
    %dma_start3A_1612 = tpu.memref_squeeze %dma_start3A_1611 : memref<1x128xi32, #tpu.memory_space<vmem>> -> memref<128xi32, #tpu.memory_space<vmem>>
    %dma_start3A_1613 = tpu.memref_slice %arg3[%multiple_of3A_1608] : memref<100000xi32, #tpu.memory_space<hbm>> -> memref<128xi32, #tpu.memory_space<hbm>>
    %dma_start3A_1614 = arith.constant 0 : i32
    %dma_start3A_1615 = tpu.memref_slice %arg6[%dma_start3A_1609, %dma_start3A_1614] : memref<6x128xi32, #tpu.memory_space<vmem>> -> memref<1x128xi32, #tpu.memory_space<vmem>>
    %dma_start3A_1616 = tpu.memref_squeeze %dma_start3A_1615 : memref<1x128xi32, #tpu.memory_space<vmem>> -> memref<128xi32, #tpu.memory_space<vmem>>
    %dma_start3A_1617 = tpu.memref_slice %arg3[%multiple_of3A_1608] : memref<100000xi32, #tpu.memory_space<hbm>> -> memref<128xi32, #tpu.memory_space<hbm>>
    tpu.enqueue_dma source(%dma_start3A_1617 : memref<128xi32, #tpu.memory_space<hbm>>) target(%dma_start3A_1616 : memref<128xi32, #tpu.memory_space<vmem>>) target_semaphore(%arg15 : memref<!tpu.dma_semaphore, #tpu.memory_space<semaphore_mem>>)
    %dma_wait3A_1618 = arith.constant 2 : i32
    %dma_wait3A_1619 = arith.constant 0 : i32
    %dma_wait3A_1620 = arith.constant 0 : i32
    %dma_wait3A_1621 = tpu.memref_slice %arg7[%dma_wait3A_1618, %dma_wait3A_1619, %dma_wait3A_1620] : memref<6x128x128xf32, #tpu.memory_space<vmem>> -> memref<1x128x128xf32, #tpu.memory_space<vmem>>
    %dma_wait3A_1622 = tpu.memref_squeeze %dma_wait3A_1621 : memref<1x128x128xf32, #tpu.memory_space<vmem>> -> memref<128x128xf32, #tpu.memory_space<vmem>>
    %dma_wait3A_1623 = arith.constant 0 : i32
    %dma_wait3A_1624 = tpu.memref_slice %arg4[%multiple_of3A_1342, %dma_wait3A_1623] : memref<100000x128xf32, #tpu.memory_space<hbm>> -> memref<128x128xf32, #tpu.memory_space<hbm>>
    %dma_wait3A_1625 = arith.constant 0 : i32
    %dma_wait3A_1626 = tpu.memref_slice %arg4[%multiple_of3A_1342, %dma_wait3A_1625] : memref<100000x128xf32, #tpu.memory_space<hbm>> -> memref<128x128xf32, #tpu.memory_space<hbm>>
    %dma_wait3A_1627 = arith.constant 0 : i32
    %dma_wait3A_1628 = arith.constant 0 : i32
    %dma_wait3A_1629 = tpu.memref_slice %arg7[%dma_wait3A_1618, %dma_wait3A_1627, %dma_wait3A_1628] : memref<6x128x128xf32, #tpu.memory_space<vmem>> -> memref<1x128x128xf32, #tpu.memory_space<vmem>>
    %dma_wait3A_1630 = tpu.memref_squeeze %dma_wait3A_1629 : memref<1x128x128xf32, #tpu.memory_space<vmem>> -> memref<128x128xf32, #tpu.memory_space<vmem>>
    tpu.wait_dma2 semaphore(%arg24 : memref<!tpu.dma_semaphore, #tpu.memory_space<semaphore_mem>>) src(%dma_wait3A_1630 : memref<128x128xf32, #tpu.memory_space<vmem>>) dst(%dma_wait3A_1626 : memref<128x128xf32, #tpu.memory_space<hbm>>)
    %dma_wait3A_1631 = arith.constant 2 : i32
    %dma_wait3A_1632 = arith.constant 0 : i32
    %dma_wait3A_1633 = tpu.memref_slice %arg6[%dma_wait3A_1631, %dma_wait3A_1632] : memref<6x128xi32, #tpu.memory_space<vmem>> -> memref<1x128xi32, #tpu.memory_space<vmem>>
    %dma_wait3A_1634 = tpu.memref_squeeze %dma_wait3A_1633 : memref<1x128xi32, #tpu.memory_space<vmem>> -> memref<128xi32, #tpu.memory_space<vmem>>
    %dma_wait3A_1635 = tpu.memref_slice %arg3[%multiple_of3A_1362] : memref<100000xi32, #tpu.memory_space<hbm>> -> memref<128xi32, #tpu.memory_space<hbm>>
    %dma_wait3A_1636 = arith.constant 0 : i32
    %dma_wait3A_1637 = tpu.memref_slice %arg6[%dma_wait3A_1631, %dma_wait3A_1636] : memref<6x128xi32, #tpu.memory_space<vmem>> -> memref<1x128xi32, #tpu.memory_space<vmem>>
    %dma_wait3A_1638 = tpu.memref_squeeze %dma_wait3A_1637 : memref<1x128xi32, #tpu.memory_space<vmem>> -> memref<128xi32, #tpu.memory_space<vmem>>
    %dma_wait3A_1639 = tpu.memref_slice %arg3[%multiple_of3A_1362] : memref<100000xi32, #tpu.memory_space<hbm>> -> memref<128xi32, #tpu.memory_space<hbm>>
    tpu.wait_dma2 semaphore(%arg12 : memref<!tpu.dma_semaphore, #tpu.memory_space<semaphore_mem>>) src(%dma_wait3A_1639 : memref<128xi32, #tpu.memory_space<hbm>>) dst(%dma_wait3A_1638 : memref<128xi32, #tpu.memory_space<vmem>>)
    %dma_start3A_1640 = arith.constant 2 : i32
    %dma_start3A_1641 = arith.constant 2 : i32
    %dma_start3A_1642 = arith.constant 0 : i32
    %dma_start3A_1643 = arith.constant 0 : i32
    %dma_start3A_1644 = tpu.memref_slice %arg7[%dma_start3A_1641, %dma_start3A_1642, %dma_start3A_1643] : memref<6x128x128xf32, #tpu.memory_space<vmem>> -> memref<1x128x128xf32, #tpu.memory_space<vmem>>
    %dma_start3A_1645 = tpu.memref_squeeze %dma_start3A_1644 : memref<1x128x128xf32, #tpu.memory_space<vmem>> -> memref<128x128xf32, #tpu.memory_space<vmem>>
    %dma_start3A_1646 = arith.constant 0 : i32
    %dma_start3A_1647 = tpu.memref_slice %arg6[%dma_start3A_1640, %dma_start3A_1646] : memref<6x128xi32, #tpu.memory_space<vmem>> -> memref<1x128xi32, #tpu.memory_space<vmem>>
    %dma_start3A_1648 = tpu.memref_squeeze %dma_start3A_1647 : memref<1x128xi32, #tpu.memory_space<vmem>> -> memref<128xi32, #tpu.memory_space<vmem>>
    %dma_start3A_1649 = arith.constant 0 : i32
    %dma_start3A_1650 = arith.constant 0 : i32
    %dma_start3A_1651 = tpu.memref_slice %arg8[%dma_start3A_1649, %dma_start3A_1650] : memref<55x128xf32, #tpu.memory_space<vmem_shared>> -> memref<55x128xf32, #tpu.memory_space<vmem_shared>>
    tpu.enqueue_indirect_dma source(%dma_start3A_1651 : memref<55x128xf32, #tpu.memory_space<vmem_shared>>) target(%dma_start3A_1645 : memref<128x128xf32, #tpu.memory_space<vmem>>) offsets(%dma_start3A_1648 : memref<128xi32, #tpu.memory_space<vmem>>) semaphore(%arg18 : memref<!tpu.dma_semaphore, #tpu.memory_space<semaphore_mem>>)
    %dma_wait3A_1652 = arith.constant 0 : i32
    %dma_wait3A_1653 = arith.constant 0 : i32
    %dma_wait3A_1654 = arith.constant 0 : i32
    %dma_wait3A_1655 = arith.constant 0 : i32
    %dma_wait3A_1656 = tpu.memref_slice %arg7[%dma_wait3A_1653, %dma_wait3A_1654, %dma_wait3A_1655] : memref<6x128x128xf32, #tpu.memory_space<vmem>> -> memref<1x128x128xf32, #tpu.memory_space<vmem>>
    %dma_wait3A_1657 = tpu.memref_squeeze %dma_wait3A_1656 : memref<1x128x128xf32, #tpu.memory_space<vmem>> -> memref<128x128xf32, #tpu.memory_space<vmem>>
    %dma_wait3A_1658 = arith.constant 0 : i32
    %dma_wait3A_1659 = tpu.memref_slice %arg6[%dma_wait3A_1652, %dma_wait3A_1658] : memref<6x128xi32, #tpu.memory_space<vmem>> -> memref<1x128xi32, #tpu.memory_space<vmem>>
    %dma_wait3A_1660 = tpu.memref_squeeze %dma_wait3A_1659 : memref<1x128xi32, #tpu.memory_space<vmem>> -> memref<128xi32, #tpu.memory_space<vmem>>
    %dma_wait3A_1661 = arith.constant 0 : i32
    %dma_wait3A_1662 = arith.constant 0 : i32
    %dma_wait3A_1663 = tpu.memref_slice %arg8[%dma_wait3A_1661, %dma_wait3A_1662] : memref<55x128xf32, #tpu.memory_space<vmem_shared>> -> memref<55x128xf32, #tpu.memory_space<vmem_shared>>
    tpu.wait_indirect_dma semaphore(%arg16 : memref<!tpu.dma_semaphore, #tpu.memory_space<semaphore_mem>>) src(%dma_wait3A_1663 : memref<55x128xf32, #tpu.memory_space<vmem_shared>>) dst(%dma_wait3A_1657 : memref<128x128xf32, #tpu.memory_space<vmem>>)
    %add3A_1664 = arith.constant 384 : i32
    %add3A_1665 = arith.addi %add3A, %add3A_1664 : i32
    %mul3A_1666 = arith.constant 128 : i32
    %mul3A_1667 = arith.muli %add3A_1665, %mul3A_1666 : i32
    %min3A_1668 = arith.constant 99872 : i32
    %min3A_1669 = arith.minsi %mul3A_1667, %min3A_1668 : i32
    %multiple_of3A_1670 = tpu.assume_multiple %min3A_1669, 8 : i32
    %dma_start3A_1671 = arith.constant 0 : i32
    %dma_start3A_1672 = arith.constant 0 : i32
    %dma_start3A_1673 = arith.constant 0 : i32
    %dma_start3A_1674 = tpu.memref_slice %arg7[%dma_start3A_1671, %dma_start3A_1672, %dma_start3A_1673] : memref<6x128x128xf32, #tpu.memory_space<vmem>> -> memref<1x128x128xf32, #tpu.memory_space<vmem>>
    %dma_start3A_1675 = tpu.memref_squeeze %dma_start3A_1674 : memref<1x128x128xf32, #tpu.memory_space<vmem>> -> memref<128x128xf32, #tpu.memory_space<vmem>>
    %dma_start3A_1676 = arith.constant 0 : i32
    %dma_start3A_1677 = tpu.memref_slice %arg4[%multiple_of3A_1670, %dma_start3A_1676] : memref<100000x128xf32, #tpu.memory_space<hbm>> -> memref<128x128xf32, #tpu.memory_space<hbm>>
    %dma_start3A_1678 = arith.constant 0 : i32
    %dma_start3A_1679 = tpu.memref_slice %arg4[%multiple_of3A_1670, %dma_start3A_1678] : memref<100000x128xf32, #tpu.memory_space<hbm>> -> memref<128x128xf32, #tpu.memory_space<hbm>>
    %dma_start3A_1680 = arith.constant 0 : i32
    %dma_start3A_1681 = arith.constant 0 : i32
    %dma_start3A_1682 = tpu.memref_slice %arg7[%dma_start3A_1671, %dma_start3A_1680, %dma_start3A_1681] : memref<6x128x128xf32, #tpu.memory_space<vmem>> -> memref<1x128x128xf32, #tpu.memory_space<vmem>>
    %dma_start3A_1683 = tpu.memref_squeeze %dma_start3A_1682 : memref<1x128x128xf32, #tpu.memory_space<vmem>> -> memref<128x128xf32, #tpu.memory_space<vmem>>
    tpu.enqueue_dma source(%dma_start3A_1683 : memref<128x128xf32, #tpu.memory_space<vmem>>) target(%dma_start3A_1679 : memref<128x128xf32, #tpu.memory_space<hbm>>) target_semaphore(%arg22 : memref<!tpu.dma_semaphore, #tpu.memory_space<semaphore_mem>>)
    %add3A_1684 = arith.constant 576 : i32
    %add3A_1685 = arith.addi %add3A, %add3A_1684 : i32
    %mul3A_1686 = arith.constant 128 : i32
    %mul3A_1687 = arith.muli %add3A_1685, %mul3A_1686 : i32
    %min3A_1688 = arith.constant 99872 : i32
    %min3A_1689 = arith.minsi %mul3A_1687, %min3A_1688 : i32
    %multiple_of3A_1690 = tpu.assume_multiple %min3A_1689, 8 : i32
    %dma_start3A_1691 = arith.constant 0 : i32
    %dma_start3A_1692 = arith.constant 0 : i32
    %dma_start3A_1693 = tpu.memref_slice %arg6[%dma_start3A_1691, %dma_start3A_1692] : memref<6x128xi32, #tpu.memory_space<vmem>> -> memref<1x128xi32, #tpu.memory_space<vmem>>
    %dma_start3A_1694 = tpu.memref_squeeze %dma_start3A_1693 : memref<1x128xi32, #tpu.memory_space<vmem>> -> memref<128xi32, #tpu.memory_space<vmem>>
    %dma_start3A_1695 = tpu.memref_slice %arg3[%multiple_of3A_1690] : memref<100000xi32, #tpu.memory_space<hbm>> -> memref<128xi32, #tpu.memory_space<hbm>>
    %dma_start3A_1696 = arith.constant 0 : i32
    %dma_start3A_1697 = tpu.memref_slice %arg6[%dma_start3A_1691, %dma_start3A_1696] : memref<6x128xi32, #tpu.memory_space<vmem>> -> memref<1x128xi32, #tpu.memory_space<vmem>>
    %dma_start3A_1698 = tpu.memref_squeeze %dma_start3A_1697 : memref<1x128xi32, #tpu.memory_space<vmem>> -> memref<128xi32, #tpu.memory_space<vmem>>
    %dma_start3A_1699 = tpu.memref_slice %arg3[%multiple_of3A_1690] : memref<100000xi32, #tpu.memory_space<hbm>> -> memref<128xi32, #tpu.memory_space<hbm>>
    tpu.enqueue_dma source(%dma_start3A_1699 : memref<128xi32, #tpu.memory_space<hbm>>) target(%dma_start3A_1698 : memref<128xi32, #tpu.memory_space<vmem>>) target_semaphore(%arg10 : memref<!tpu.dma_semaphore, #tpu.memory_space<semaphore_mem>>)
    %dma_wait3A_1700 = arith.constant 3 : i32
    %dma_wait3A_1701 = arith.constant 0 : i32
    %dma_wait3A_1702 = arith.constant 0 : i32
    %dma_wait3A_1703 = tpu.memref_slice %arg7[%dma_wait3A_1700, %dma_wait3A_1701, %dma_wait3A_1702] : memref<6x128x128xf32, #tpu.memory_space<vmem>> -> memref<1x128x128xf32, #tpu.memory_space<vmem>>
    %dma_wait3A_1704 = tpu.memref_squeeze %dma_wait3A_1703 : memref<1x128x128xf32, #tpu.memory_space<vmem>> -> memref<128x128xf32, #tpu.memory_space<vmem>>
    %dma_wait3A_1705 = arith.constant 0 : i32
    %dma_wait3A_1706 = tpu.memref_slice %arg4[%multiple_of3A_1424, %dma_wait3A_1705] : memref<100000x128xf32, #tpu.memory_space<hbm>> -> memref<128x128xf32, #tpu.memory_space<hbm>>
    %dma_wait3A_1707 = arith.constant 0 : i32
    %dma_wait3A_1708 = tpu.memref_slice %arg4[%multiple_of3A_1424, %dma_wait3A_1707] : memref<100000x128xf32, #tpu.memory_space<hbm>> -> memref<128x128xf32, #tpu.memory_space<hbm>>
    %dma_wait3A_1709 = arith.constant 0 : i32
    %dma_wait3A_1710 = arith.constant 0 : i32
    %dma_wait3A_1711 = tpu.memref_slice %arg7[%dma_wait3A_1700, %dma_wait3A_1709, %dma_wait3A_1710] : memref<6x128x128xf32, #tpu.memory_space<vmem>> -> memref<1x128x128xf32, #tpu.memory_space<vmem>>
    %dma_wait3A_1712 = tpu.memref_squeeze %dma_wait3A_1711 : memref<1x128x128xf32, #tpu.memory_space<vmem>> -> memref<128x128xf32, #tpu.memory_space<vmem>>
    tpu.wait_dma2 semaphore(%arg25 : memref<!tpu.dma_semaphore, #tpu.memory_space<semaphore_mem>>) src(%dma_wait3A_1712 : memref<128x128xf32, #tpu.memory_space<vmem>>) dst(%dma_wait3A_1708 : memref<128x128xf32, #tpu.memory_space<hbm>>)
    %dma_wait3A_1713 = arith.constant 3 : i32
    %dma_wait3A_1714 = arith.constant 0 : i32
    %dma_wait3A_1715 = tpu.memref_slice %arg6[%dma_wait3A_1713, %dma_wait3A_1714] : memref<6x128xi32, #tpu.memory_space<vmem>> -> memref<1x128xi32, #tpu.memory_space<vmem>>
    %dma_wait3A_1716 = tpu.memref_squeeze %dma_wait3A_1715 : memref<1x128xi32, #tpu.memory_space<vmem>> -> memref<128xi32, #tpu.memory_space<vmem>>
    %dma_wait3A_1717 = tpu.memref_slice %arg3[%multiple_of3A_1444] : memref<100000xi32, #tpu.memory_space<hbm>> -> memref<128xi32, #tpu.memory_space<hbm>>
    %dma_wait3A_1718 = arith.constant 0 : i32
    %dma_wait3A_1719 = tpu.memref_slice %arg6[%dma_wait3A_1713, %dma_wait3A_1718] : memref<6x128xi32, #tpu.memory_space<vmem>> -> memref<1x128xi32, #tpu.memory_space<vmem>>
    %dma_wait3A_1720 = tpu.memref_squeeze %dma_wait3A_1719 : memref<1x128xi32, #tpu.memory_space<vmem>> -> memref<128xi32, #tpu.memory_space<vmem>>
    %dma_wait3A_1721 = tpu.memref_slice %arg3[%multiple_of3A_1444] : memref<100000xi32, #tpu.memory_space<hbm>> -> memref<128xi32, #tpu.memory_space<hbm>>
    tpu.wait_dma2 semaphore(%arg13 : memref<!tpu.dma_semaphore, #tpu.memory_space<semaphore_mem>>) src(%dma_wait3A_1721 : memref<128xi32, #tpu.memory_space<hbm>>) dst(%dma_wait3A_1720 : memref<128xi32, #tpu.memory_space<vmem>>)
    %dma_start3A_1722 = arith.constant 3 : i32
    %dma_start3A_1723 = arith.constant 3 : i32
    %dma_start3A_1724 = arith.constant 0 : i32
    %dma_start3A_1725 = arith.constant 0 : i32
    %dma_start3A_1726 = tpu.memref_slice %arg7[%dma_start3A_1723, %dma_start3A_1724, %dma_start3A_1725] : memref<6x128x128xf32, #tpu.memory_space<vmem>> -> memref<1x128x128xf32, #tpu.memory_space<vmem>>
    %dma_start3A_1727 = tpu.memref_squeeze %dma_start3A_1726 : memref<1x128x128xf32, #tpu.memory_space<vmem>> -> memref<128x128xf32, #tpu.memory_space<vmem>>
    %dma_start3A_1728 = arith.constant 0 : i32
    %dma_start3A_1729 = tpu.memref_slice %arg6[%dma_start3A_1722, %dma_start3A_1728] : memref<6x128xi32, #tpu.memory_space<vmem>> -> memref<1x128xi32, #tpu.memory_space<vmem>>
    %dma_start3A_1730 = tpu.memref_squeeze %dma_start3A_1729 : memref<1x128xi32, #tpu.memory_space<vmem>> -> memref<128xi32, #tpu.memory_space<vmem>>
    %dma_start3A_1731 = arith.constant 0 : i32
    %dma_start3A_1732 = arith.constant 0 : i32
    %dma_start3A_1733 = tpu.memref_slice %arg8[%dma_start3A_1731, %dma_start3A_1732] : memref<55x128xf32, #tpu.memory_space<vmem_shared>> -> memref<55x128xf32, #tpu.memory_space<vmem_shared>>
    tpu.enqueue_indirect_dma source(%dma_start3A_1733 : memref<55x128xf32, #tpu.memory_space<vmem_shared>>) target(%dma_start3A_1727 : memref<128x128xf32, #tpu.memory_space<vmem>>) offsets(%dma_start3A_1730 : memref<128xi32, #tpu.memory_space<vmem>>) semaphore(%arg19 : memref<!tpu.dma_semaphore, #tpu.memory_space<semaphore_mem>>)
    %dma_wait3A_1734 = arith.constant 1 : i32
    %dma_wait3A_1735 = arith.constant 1 : i32
    %dma_wait3A_1736 = arith.constant 0 : i32
    %dma_wait3A_1737 = arith.constant 0 : i32
    %dma_wait3A_1738 = tpu.memref_slice %arg7[%dma_wait3A_1735, %dma_wait3A_1736, %dma_wait3A_1737] : memref<6x128x128xf32, #tpu.memory_space<vmem>> -> memref<1x128x128xf32, #tpu.memory_space<vmem>>
    %dma_wait3A_1739 = tpu.memref_squeeze %dma_wait3A_1738 : memref<1x128x128xf32, #tpu.memory_space<vmem>> -> memref<128x128xf32, #tpu.memory_space<vmem>>
    %dma_wait3A_1740 = arith.constant 0 : i32
    %dma_wait3A_1741 = tpu.memref_slice %arg6[%dma_wait3A_1734, %dma_wait3A_1740] : memref<6x128xi32, #tpu.memory_space<vmem>> -> memref<1x128xi32, #tpu.memory_space<vmem>>
    %dma_wait3A_1742 = tpu.memref_squeeze %dma_wait3A_1741 : memref<1x128xi32, #tpu.memory_space<vmem>> -> memref<128xi32, #tpu.memory_space<vmem>>
    %dma_wait3A_1743 = arith.constant 0 : i32
    %dma_wait3A_1744 = arith.constant 0 : i32
    %dma_wait3A_1745 = tpu.memref_slice %arg8[%dma_wait3A_1743, %dma_wait3A_1744] : memref<55x128xf32, #tpu.memory_space<vmem_shared>> -> memref<55x128xf32, #tpu.memory_space<vmem_shared>>
    tpu.wait_indirect_dma semaphore(%arg17 : memref<!tpu.dma_semaphore, #tpu.memory_space<semaphore_mem>>) src(%dma_wait3A_1745 : memref<55x128xf32, #tpu.memory_space<vmem_shared>>) dst(%dma_wait3A_1739 : memref<128x128xf32, #tpu.memory_space<vmem>>)
    %add3A_1746 = arith.constant 416 : i32
    %add3A_1747 = arith.addi %add3A, %add3A_1746 : i32
    %mul3A_1748 = arith.constant 128 : i32
    %mul3A_1749 = arith.muli %add3A_1747, %mul3A_1748 : i32
    %min3A_1750 = arith.constant 99872 : i32
    %min3A_1751 = arith.minsi %mul3A_1749, %min3A_1750 : i32
    %multiple_of3A_1752 = tpu.assume_multiple %min3A_1751, 8 : i32
    %dma_start3A_1753 = arith.constant 1 : i32
    %dma_start3A_1754 = arith.constant 0 : i32
    %dma_start3A_1755 = arith.constant 0 : i32
    %dma_start3A_1756 = tpu.memref_slice %arg7[%dma_start3A_1753, %dma_start3A_1754, %dma_start3A_1755] : memref<6x128x128xf32, #tpu.memory_space<vmem>> -> memref<1x128x128xf32, #tpu.memory_space<vmem>>
    %dma_start3A_1757 = tpu.memref_squeeze %dma_start3A_1756 : memref<1x128x128xf32, #tpu.memory_space<vmem>> -> memref<128x128xf32, #tpu.memory_space<vmem>>
    %dma_start3A_1758 = arith.constant 0 : i32
    %dma_start3A_1759 = tpu.memref_slice %arg4[%multiple_of3A_1752, %dma_start3A_1758] : memref<100000x128xf32, #tpu.memory_space<hbm>> -> memref<128x128xf32, #tpu.memory_space<hbm>>
    %dma_start3A_1760 = arith.constant 0 : i32
    %dma_start3A_1761 = tpu.memref_slice %arg4[%multiple_of3A_1752, %dma_start3A_1760] : memref<100000x128xf32, #tpu.memory_space<hbm>> -> memref<128x128xf32, #tpu.memory_space<hbm>>
    %dma_start3A_1762 = arith.constant 0 : i32
    %dma_start3A_1763 = arith.constant 0 : i32
    %dma_start3A_1764 = tpu.memref_slice %arg7[%dma_start3A_1753, %dma_start3A_1762, %dma_start3A_1763] : memref<6x128x128xf32, #tpu.memory_space<vmem>> -> memref<1x128x128xf32, #tpu.memory_space<vmem>>
    %dma_start3A_1765 = tpu.memref_squeeze %dma_start3A_1764 : memref<1x128x128xf32, #tpu.memory_space<vmem>> -> memref<128x128xf32, #tpu.memory_space<vmem>>
    tpu.enqueue_dma source(%dma_start3A_1765 : memref<128x128xf32, #tpu.memory_space<vmem>>) target(%dma_start3A_1761 : memref<128x128xf32, #tpu.memory_space<hbm>>) target_semaphore(%arg23 : memref<!tpu.dma_semaphore, #tpu.memory_space<semaphore_mem>>)
    %add3A_1766 = arith.constant 608 : i32
    %add3A_1767 = arith.addi %add3A, %add3A_1766 : i32
    %mul3A_1768 = arith.constant 128 : i32
    %mul3A_1769 = arith.muli %add3A_1767, %mul3A_1768 : i32
    %min3A_1770 = arith.constant 99872 : i32
    %min3A_1771 = arith.minsi %mul3A_1769, %min3A_1770 : i32
    %multiple_of3A_1772 = tpu.assume_multiple %min3A_1771, 8 : i32
    %dma_start3A_1773 = arith.constant 1 : i32
    %dma_start3A_1774 = arith.constant 0 : i32
    %dma_start3A_1775 = tpu.memref_slice %arg6[%dma_start3A_1773, %dma_start3A_1774] : memref<6x128xi32, #tpu.memory_space<vmem>> -> memref<1x128xi32, #tpu.memory_space<vmem>>
    %dma_start3A_1776 = tpu.memref_squeeze %dma_start3A_1775 : memref<1x128xi32, #tpu.memory_space<vmem>> -> memref<128xi32, #tpu.memory_space<vmem>>
    %dma_start3A_1777 = tpu.memref_slice %arg3[%multiple_of3A_1772] : memref<100000xi32, #tpu.memory_space<hbm>> -> memref<128xi32, #tpu.memory_space<hbm>>
    %dma_start3A_1778 = arith.constant 0 : i32
    %dma_start3A_1779 = tpu.memref_slice %arg6[%dma_start3A_1773, %dma_start3A_1778] : memref<6x128xi32, #tpu.memory_space<vmem>> -> memref<1x128xi32, #tpu.memory_space<vmem>>
    %dma_start3A_1780 = tpu.memref_squeeze %dma_start3A_1779 : memref<1x128xi32, #tpu.memory_space<vmem>> -> memref<128xi32, #tpu.memory_space<vmem>>
    %dma_start3A_1781 = tpu.memref_slice %arg3[%multiple_of3A_1772] : memref<100000xi32, #tpu.memory_space<hbm>> -> memref<128xi32, #tpu.memory_space<hbm>>
    tpu.enqueue_dma source(%dma_start3A_1781 : memref<128xi32, #tpu.memory_space<hbm>>) target(%dma_start3A_1780 : memref<128xi32, #tpu.memory_space<vmem>>) target_semaphore(%arg11 : memref<!tpu.dma_semaphore, #tpu.memory_space<semaphore_mem>>)
    %dma_wait3A_1782 = arith.constant 4 : i32
    %dma_wait3A_1783 = arith.constant 0 : i32
    %dma_wait3A_1784 = arith.constant 0 : i32
    %dma_wait3A_1785 = tpu.memref_slice %arg7[%dma_wait3A_1782, %dma_wait3A_1783, %dma_wait3A_1784] : memref<6x128x128xf32, #tpu.memory_space<vmem>> -> memref<1x128x128xf32, #tpu.memory_space<vmem>>
    %dma_wait3A_1786 = tpu.memref_squeeze %dma_wait3A_1785 : memref<1x128x128xf32, #tpu.memory_space<vmem>> -> memref<128x128xf32, #tpu.memory_space<vmem>>
    %dma_wait3A_1787 = arith.constant 0 : i32
    %dma_wait3A_1788 = tpu.memref_slice %arg4[%multiple_of3A_1506, %dma_wait3A_1787] : memref<100000x128xf32, #tpu.memory_space<hbm>> -> memref<128x128xf32, #tpu.memory_space<hbm>>
    %dma_wait3A_1789 = arith.constant 0 : i32
    %dma_wait3A_1790 = tpu.memref_slice %arg4[%multiple_of3A_1506, %dma_wait3A_1789] : memref<100000x128xf32, #tpu.memory_space<hbm>> -> memref<128x128xf32, #tpu.memory_space<hbm>>
    %dma_wait3A_1791 = arith.constant 0 : i32
    %dma_wait3A_1792 = arith.constant 0 : i32
    %dma_wait3A_1793 = tpu.memref_slice %arg7[%dma_wait3A_1782, %dma_wait3A_1791, %dma_wait3A_1792] : memref<6x128x128xf32, #tpu.memory_space<vmem>> -> memref<1x128x128xf32, #tpu.memory_space<vmem>>
    %dma_wait3A_1794 = tpu.memref_squeeze %dma_wait3A_1793 : memref<1x128x128xf32, #tpu.memory_space<vmem>> -> memref<128x128xf32, #tpu.memory_space<vmem>>
    tpu.wait_dma2 semaphore(%arg26 : memref<!tpu.dma_semaphore, #tpu.memory_space<semaphore_mem>>) src(%dma_wait3A_1794 : memref<128x128xf32, #tpu.memory_space<vmem>>) dst(%dma_wait3A_1790 : memref<128x128xf32, #tpu.memory_space<hbm>>)
    %dma_wait3A_1795 = arith.constant 4 : i32
    %dma_wait3A_1796 = arith.constant 0 : i32
    %dma_wait3A_1797 = tpu.memref_slice %arg6[%dma_wait3A_1795, %dma_wait3A_1796] : memref<6x128xi32, #tpu.memory_space<vmem>> -> memref<1x128xi32, #tpu.memory_space<vmem>>
    %dma_wait3A_1798 = tpu.memref_squeeze %dma_wait3A_1797 : memref<1x128xi32, #tpu.memory_space<vmem>> -> memref<128xi32, #tpu.memory_space<vmem>>
    %dma_wait3A_1799 = tpu.memref_slice %arg3[%multiple_of3A_1526] : memref<100000xi32, #tpu.memory_space<hbm>> -> memref<128xi32, #tpu.memory_space<hbm>>
    %dma_wait3A_1800 = arith.constant 0 : i32
    %dma_wait3A_1801 = tpu.memref_slice %arg6[%dma_wait3A_1795, %dma_wait3A_1800] : memref<6x128xi32, #tpu.memory_space<vmem>> -> memref<1x128xi32, #tpu.memory_space<vmem>>
    %dma_wait3A_1802 = tpu.memref_squeeze %dma_wait3A_1801 : memref<1x128xi32, #tpu.memory_space<vmem>> -> memref<128xi32, #tpu.memory_space<vmem>>
    %dma_wait3A_1803 = tpu.memref_slice %arg3[%multiple_of3A_1526] : memref<100000xi32, #tpu.memory_space<hbm>> -> memref<128xi32, #tpu.memory_space<hbm>>
    tpu.wait_dma2 semaphore(%arg14 : memref<!tpu.dma_semaphore, #tpu.memory_space<semaphore_mem>>) src(%dma_wait3A_1803 : memref<128xi32, #tpu.memory_space<hbm>>) dst(%dma_wait3A_1802 : memref<128xi32, #tpu.memory_space<vmem>>)
    %dma_start3A_1804 = arith.constant 4 : i32
    %dma_start3A_1805 = arith.constant 4 : i32
    %dma_start3A_1806 = arith.constant 0 : i32
    %dma_start3A_1807 = arith.constant 0 : i32
    %dma_start3A_1808 = tpu.memref_slice %arg7[%dma_start3A_1805, %dma_start3A_1806, %dma_start3A_1807] : memref<6x128x128xf32, #tpu.memory_space<vmem>> -> memref<1x128x128xf32, #tpu.memory_space<vmem>>
    %dma_start3A_1809 = tpu.memref_squeeze %dma_start3A_1808 : memref<1x128x128xf32, #tpu.memory_space<vmem>> -> memref<128x128xf32, #tpu.memory_space<vmem>>
    %dma_start3A_1810 = arith.constant 0 : i32
    %dma_start3A_1811 = tpu.memref_slice %arg6[%dma_start3A_1804, %dma_start3A_1810] : memref<6x128xi32, #tpu.memory_space<vmem>> -> memref<1x128xi32, #tpu.memory_space<vmem>>
    %dma_start3A_1812 = tpu.memref_squeeze %dma_start3A_1811 : memref<1x128xi32, #tpu.memory_space<vmem>> -> memref<128xi32, #tpu.memory_space<vmem>>
    %dma_start3A_1813 = arith.constant 0 : i32
    %dma_start3A_1814 = arith.constant 0 : i32
    %dma_start3A_1815 = tpu.memref_slice %arg8[%dma_start3A_1813, %dma_start3A_1814] : memref<55x128xf32, #tpu.memory_space<vmem_shared>> -> memref<55x128xf32, #tpu.memory_space<vmem_shared>>
    tpu.enqueue_indirect_dma source(%dma_start3A_1815 : memref<55x128xf32, #tpu.memory_space<vmem_shared>>) target(%dma_start3A_1809 : memref<128x128xf32, #tpu.memory_space<vmem>>) offsets(%dma_start3A_1812 : memref<128xi32, #tpu.memory_space<vmem>>) semaphore(%arg20 : memref<!tpu.dma_semaphore, #tpu.memory_space<semaphore_mem>>)
    %dma_wait3A_1816 = arith.constant 2 : i32
    %dma_wait3A_1817 = arith.constant 2 : i32
    %dma_wait3A_1818 = arith.constant 0 : i32
    %dma_wait3A_1819 = arith.constant 0 : i32
    %dma_wait3A_1820 = tpu.memref_slice %arg7[%dma_wait3A_1817, %dma_wait3A_1818, %dma_wait3A_1819] : memref<6x128x128xf32, #tpu.memory_space<vmem>> -> memref<1x128x128xf32, #tpu.memory_space<vmem>>
    %dma_wait3A_1821 = tpu.memref_squeeze %dma_wait3A_1820 : memref<1x128x128xf32, #tpu.memory_space<vmem>> -> memref<128x128xf32, #tpu.memory_space<vmem>>
    %dma_wait3A_1822 = arith.constant 0 : i32
    %dma_wait3A_1823 = tpu.memref_slice %arg6[%dma_wait3A_1816, %dma_wait3A_1822] : memref<6x128xi32, #tpu.memory_space<vmem>> -> memref<1x128xi32, #tpu.memory_space<vmem>>
    %dma_wait3A_1824 = tpu.memref_squeeze %dma_wait3A_1823 : memref<1x128xi32, #tpu.memory_space<vmem>> -> memref<128xi32, #tpu.memory_space<vmem>>
    %dma_wait3A_1825 = arith.constant 0 : i32
    %dma_wait3A_1826 = arith.constant 0 : i32
    %dma_wait3A_1827 = tpu.memref_slice %arg8[%dma_wait3A_1825, %dma_wait3A_1826] : memref<55x128xf32, #tpu.memory_space<vmem_shared>> -> memref<55x128xf32, #tpu.memory_space<vmem_shared>>
    tpu.wait_indirect_dma semaphore(%arg18 : memref<!tpu.dma_semaphore, #tpu.memory_space<semaphore_mem>>) src(%dma_wait3A_1827 : memref<55x128xf32, #tpu.memory_space<vmem_shared>>) dst(%dma_wait3A_1821 : memref<128x128xf32, #tpu.memory_space<vmem>>)
    %add3A_1828 = arith.constant 448 : i32
    %add3A_1829 = arith.addi %add3A, %add3A_1828 : i32
    %mul3A_1830 = arith.constant 128 : i32
    %mul3A_1831 = arith.muli %add3A_1829, %mul3A_1830 : i32
    %min3A_1832 = arith.constant 99872 : i32
    %min3A_1833 = arith.minsi %mul3A_1831, %min3A_1832 : i32
    %multiple_of3A_1834 = tpu.assume_multiple %min3A_1833, 8 : i32
    %dma_start3A_1835 = arith.constant 2 : i32
    %dma_start3A_1836 = arith.constant 0 : i32
    %dma_start3A_1837 = arith.constant 0 : i32
    %dma_start3A_1838 = tpu.memref_slice %arg7[%dma_start3A_1835, %dma_start3A_1836, %dma_start3A_1837] : memref<6x128x128xf32, #tpu.memory_space<vmem>> -> memref<1x128x128xf32, #tpu.memory_space<vmem>>
    %dma_start3A_1839 = tpu.memref_squeeze %dma_start3A_1838 : memref<1x128x128xf32, #tpu.memory_space<vmem>> -> memref<128x128xf32, #tpu.memory_space<vmem>>
    %dma_start3A_1840 = arith.constant 0 : i32
    %dma_start3A_1841 = tpu.memref_slice %arg4[%multiple_of3A_1834, %dma_start3A_1840] : memref<100000x128xf32, #tpu.memory_space<hbm>> -> memref<128x128xf32, #tpu.memory_space<hbm>>
    %dma_start3A_1842 = arith.constant 0 : i32
    %dma_start3A_1843 = tpu.memref_slice %arg4[%multiple_of3A_1834, %dma_start3A_1842] : memref<100000x128xf32, #tpu.memory_space<hbm>> -> memref<128x128xf32, #tpu.memory_space<hbm>>
    %dma_start3A_1844 = arith.constant 0 : i32
    %dma_start3A_1845 = arith.constant 0 : i32
    %dma_start3A_1846 = tpu.memref_slice %arg7[%dma_start3A_1835, %dma_start3A_1844, %dma_start3A_1845] : memref<6x128x128xf32, #tpu.memory_space<vmem>> -> memref<1x128x128xf32, #tpu.memory_space<vmem>>
    %dma_start3A_1847 = tpu.memref_squeeze %dma_start3A_1846 : memref<1x128x128xf32, #tpu.memory_space<vmem>> -> memref<128x128xf32, #tpu.memory_space<vmem>>
    tpu.enqueue_dma source(%dma_start3A_1847 : memref<128x128xf32, #tpu.memory_space<vmem>>) target(%dma_start3A_1843 : memref<128x128xf32, #tpu.memory_space<hbm>>) target_semaphore(%arg24 : memref<!tpu.dma_semaphore, #tpu.memory_space<semaphore_mem>>)
    %add3A_1848 = arith.constant 640 : i32
    %add3A_1849 = arith.addi %add3A, %add3A_1848 : i32
    %mul3A_1850 = arith.constant 128 : i32
    %mul3A_1851 = arith.muli %add3A_1849, %mul3A_1850 : i32
    %min3A_1852 = arith.constant 99872 : i32
    %min3A_1853 = arith.minsi %mul3A_1851, %min3A_1852 : i32
    %multiple_of3A_1854 = tpu.assume_multiple %min3A_1853, 8 : i32
    %dma_start3A_1855 = arith.constant 2 : i32
    %dma_start3A_1856 = arith.constant 0 : i32
    %dma_start3A_1857 = tpu.memref_slice %arg6[%dma_start3A_1855, %dma_start3A_1856] : memref<6x128xi32, #tpu.memory_space<vmem>> -> memref<1x128xi32, #tpu.memory_space<vmem>>
    %dma_start3A_1858 = tpu.memref_squeeze %dma_start3A_1857 : memref<1x128xi32, #tpu.memory_space<vmem>> -> memref<128xi32, #tpu.memory_space<vmem>>
    %dma_start3A_1859 = tpu.memref_slice %arg3[%multiple_of3A_1854] : memref<100000xi32, #tpu.memory_space<hbm>> -> memref<128xi32, #tpu.memory_space<hbm>>
    %dma_start3A_1860 = arith.constant 0 : i32
    %dma_start3A_1861 = tpu.memref_slice %arg6[%dma_start3A_1855, %dma_start3A_1860] : memref<6x128xi32, #tpu.memory_space<vmem>> -> memref<1x128xi32, #tpu.memory_space<vmem>>
    %dma_start3A_1862 = tpu.memref_squeeze %dma_start3A_1861 : memref<1x128xi32, #tpu.memory_space<vmem>> -> memref<128xi32, #tpu.memory_space<vmem>>
    %dma_start3A_1863 = tpu.memref_slice %arg3[%multiple_of3A_1854] : memref<100000xi32, #tpu.memory_space<hbm>> -> memref<128xi32, #tpu.memory_space<hbm>>
    tpu.enqueue_dma source(%dma_start3A_1863 : memref<128xi32, #tpu.memory_space<hbm>>) target(%dma_start3A_1862 : memref<128xi32, #tpu.memory_space<vmem>>) target_semaphore(%arg12 : memref<!tpu.dma_semaphore, #tpu.memory_space<semaphore_mem>>)
    %dma_wait3A_1864 = arith.constant 5 : i32
    %dma_wait3A_1865 = arith.constant 0 : i32
    %dma_wait3A_1866 = arith.constant 0 : i32
    %dma_wait3A_1867 = tpu.memref_slice %arg7[%dma_wait3A_1864, %dma_wait3A_1865, %dma_wait3A_1866] : memref<6x128x128xf32, #tpu.memory_space<vmem>> -> memref<1x128x128xf32, #tpu.memory_space<vmem>>
    %dma_wait3A_1868 = tpu.memref_squeeze %dma_wait3A_1867 : memref<1x128x128xf32, #tpu.memory_space<vmem>> -> memref<128x128xf32, #tpu.memory_space<vmem>>
    %dma_wait3A_1869 = arith.constant 0 : i32
    %dma_wait3A_1870 = tpu.memref_slice %arg4[%multiple_of3A_1588, %dma_wait3A_1869] : memref<100000x128xf32, #tpu.memory_space<hbm>> -> memref<128x128xf32, #tpu.memory_space<hbm>>
    %dma_wait3A_1871 = arith.constant 0 : i32
    %dma_wait3A_1872 = tpu.memref_slice %arg4[%multiple_of3A_1588, %dma_wait3A_1871] : memref<100000x128xf32, #tpu.memory_space<hbm>> -> memref<128x128xf32, #tpu.memory_space<hbm>>
    %dma_wait3A_1873 = arith.constant 0 : i32
    %dma_wait3A_1874 = arith.constant 0 : i32
    %dma_wait3A_1875 = tpu.memref_slice %arg7[%dma_wait3A_1864, %dma_wait3A_1873, %dma_wait3A_1874] : memref<6x128x128xf32, #tpu.memory_space<vmem>> -> memref<1x128x128xf32, #tpu.memory_space<vmem>>
    %dma_wait3A_1876 = tpu.memref_squeeze %dma_wait3A_1875 : memref<1x128x128xf32, #tpu.memory_space<vmem>> -> memref<128x128xf32, #tpu.memory_space<vmem>>
    tpu.wait_dma2 semaphore(%arg27 : memref<!tpu.dma_semaphore, #tpu.memory_space<semaphore_mem>>) src(%dma_wait3A_1876 : memref<128x128xf32, #tpu.memory_space<vmem>>) dst(%dma_wait3A_1872 : memref<128x128xf32, #tpu.memory_space<hbm>>)
    %dma_wait3A_1877 = arith.constant 5 : i32
    %dma_wait3A_1878 = arith.constant 0 : i32
    %dma_wait3A_1879 = tpu.memref_slice %arg6[%dma_wait3A_1877, %dma_wait3A_1878] : memref<6x128xi32, #tpu.memory_space<vmem>> -> memref<1x128xi32, #tpu.memory_space<vmem>>
    %dma_wait3A_1880 = tpu.memref_squeeze %dma_wait3A_1879 : memref<1x128xi32, #tpu.memory_space<vmem>> -> memref<128xi32, #tpu.memory_space<vmem>>
    %dma_wait3A_1881 = tpu.memref_slice %arg3[%multiple_of3A_1608] : memref<100000xi32, #tpu.memory_space<hbm>> -> memref<128xi32, #tpu.memory_space<hbm>>
    %dma_wait3A_1882 = arith.constant 0 : i32
    %dma_wait3A_1883 = tpu.memref_slice %arg6[%dma_wait3A_1877, %dma_wait3A_1882] : memref<6x128xi32, #tpu.memory_space<vmem>> -> memref<1x128xi32, #tpu.memory_space<vmem>>
    %dma_wait3A_1884 = tpu.memref_squeeze %dma_wait3A_1883 : memref<1x128xi32, #tpu.memory_space<vmem>> -> memref<128xi32, #tpu.memory_space<vmem>>
    %dma_wait3A_1885 = tpu.memref_slice %arg3[%multiple_of3A_1608] : memref<100000xi32, #tpu.memory_space<hbm>> -> memref<128xi32, #tpu.memory_space<hbm>>
    tpu.wait_dma2 semaphore(%arg15 : memref<!tpu.dma_semaphore, #tpu.memory_space<semaphore_mem>>) src(%dma_wait3A_1885 : memref<128xi32, #tpu.memory_space<hbm>>) dst(%dma_wait3A_1884 : memref<128xi32, #tpu.memory_space<vmem>>)
    %dma_start3A_1886 = arith.constant 5 : i32
    %dma_start3A_1887 = arith.constant 5 : i32
    %dma_start3A_1888 = arith.constant 0 : i32
    %dma_start3A_1889 = arith.constant 0 : i32
    %dma_start3A_1890 = tpu.memref_slice %arg7[%dma_start3A_1887, %dma_start3A_1888, %dma_start3A_1889] : memref<6x128x128xf32, #tpu.memory_space<vmem>> -> memref<1x128x128xf32, #tpu.memory_space<vmem>>
    %dma_start3A_1891 = tpu.memref_squeeze %dma_start3A_1890 : memref<1x128x128xf32, #tpu.memory_space<vmem>> -> memref<128x128xf32, #tpu.memory_space<vmem>>
    %dma_start3A_1892 = arith.constant 0 : i32
    %dma_start3A_1893 = tpu.memref_slice %arg6[%dma_start3A_1886, %dma_start3A_1892] : memref<6x128xi32, #tpu.memory_space<vmem>> -> memref<1x128xi32, #tpu.memory_space<vmem>>
    %dma_start3A_1894 = tpu.memref_squeeze %dma_start3A_1893 : memref<1x128xi32, #tpu.memory_space<vmem>> -> memref<128xi32, #tpu.memory_space<vmem>>
    %dma_start3A_1895 = arith.constant 0 : i32
    %dma_start3A_1896 = arith.constant 0 : i32
    %dma_start3A_1897 = tpu.memref_slice %arg8[%dma_start3A_1895, %dma_start3A_1896] : memref<55x128xf32, #tpu.memory_space<vmem_shared>> -> memref<55x128xf32, #tpu.memory_space<vmem_shared>>
    tpu.enqueue_indirect_dma source(%dma_start3A_1897 : memref<55x128xf32, #tpu.memory_space<vmem_shared>>) target(%dma_start3A_1891 : memref<128x128xf32, #tpu.memory_space<vmem>>) offsets(%dma_start3A_1894 : memref<128xi32, #tpu.memory_space<vmem>>) semaphore(%arg21 : memref<!tpu.dma_semaphore, #tpu.memory_space<semaphore_mem>>)
    %dma_wait3A_1898 = arith.constant 3 : i32
    %dma_wait3A_1899 = arith.constant 3 : i32
    %dma_wait3A_1900 = arith.constant 0 : i32
    %dma_wait3A_1901 = arith.constant 0 : i32
    %dma_wait3A_1902 = tpu.memref_slice %arg7[%dma_wait3A_1899, %dma_wait3A_1900, %dma_wait3A_1901] : memref<6x128x128xf32, #tpu.memory_space<vmem>> -> memref<1x128x128xf32, #tpu.memory_space<vmem>>
    %dma_wait3A_1903 = tpu.memref_squeeze %dma_wait3A_1902 : memref<1x128x128xf32, #tpu.memory_space<vmem>> -> memref<128x128xf32, #tpu.memory_space<vmem>>
    %dma_wait3A_1904 = arith.constant 0 : i32
    %dma_wait3A_1905 = tpu.memref_slice %arg6[%dma_wait3A_1898, %dma_wait3A_1904] : memref<6x128xi32, #tpu.memory_space<vmem>> -> memref<1x128xi32, #tpu.memory_space<vmem>>
    %dma_wait3A_1906 = tpu.memref_squeeze %dma_wait3A_1905 : memref<1x128xi32, #tpu.memory_space<vmem>> -> memref<128xi32, #tpu.memory_space<vmem>>
    %dma_wait3A_1907 = arith.constant 0 : i32
    %dma_wait3A_1908 = arith.constant 0 : i32
    %dma_wait3A_1909 = tpu.memref_slice %arg8[%dma_wait3A_1907, %dma_wait3A_1908] : memref<55x128xf32, #tpu.memory_space<vmem_shared>> -> memref<55x128xf32, #tpu.memory_space<vmem_shared>>
    tpu.wait_indirect_dma semaphore(%arg19 : memref<!tpu.dma_semaphore, #tpu.memory_space<semaphore_mem>>) src(%dma_wait3A_1909 : memref<55x128xf32, #tpu.memory_space<vmem_shared>>) dst(%dma_wait3A_1903 : memref<128x128xf32, #tpu.memory_space<vmem>>)
    %add3A_1910 = arith.constant 480 : i32
    %add3A_1911 = arith.addi %add3A, %add3A_1910 : i32
    %mul3A_1912 = arith.constant 128 : i32
    %mul3A_1913 = arith.muli %add3A_1911, %mul3A_1912 : i32
    %min3A_1914 = arith.constant 99872 : i32
    %min3A_1915 = arith.minsi %mul3A_1913, %min3A_1914 : i32
    %multiple_of3A_1916 = tpu.assume_multiple %min3A_1915, 8 : i32
    %dma_start3A_1917 = arith.constant 3 : i32
    %dma_start3A_1918 = arith.constant 0 : i32
    %dma_start3A_1919 = arith.constant 0 : i32
    %dma_start3A_1920 = tpu.memref_slice %arg7[%dma_start3A_1917, %dma_start3A_1918, %dma_start3A_1919] : memref<6x128x128xf32, #tpu.memory_space<vmem>> -> memref<1x128x128xf32, #tpu.memory_space<vmem>>
    %dma_start3A_1921 = tpu.memref_squeeze %dma_start3A_1920 : memref<1x128x128xf32, #tpu.memory_space<vmem>> -> memref<128x128xf32, #tpu.memory_space<vmem>>
    %dma_start3A_1922 = arith.constant 0 : i32
    %dma_start3A_1923 = tpu.memref_slice %arg4[%multiple_of3A_1916, %dma_start3A_1922] : memref<100000x128xf32, #tpu.memory_space<hbm>> -> memref<128x128xf32, #tpu.memory_space<hbm>>
    %dma_start3A_1924 = arith.constant 0 : i32
    %dma_start3A_1925 = tpu.memref_slice %arg4[%multiple_of3A_1916, %dma_start3A_1924] : memref<100000x128xf32, #tpu.memory_space<hbm>> -> memref<128x128xf32, #tpu.memory_space<hbm>>
    %dma_start3A_1926 = arith.constant 0 : i32
    %dma_start3A_1927 = arith.constant 0 : i32
    %dma_start3A_1928 = tpu.memref_slice %arg7[%dma_start3A_1917, %dma_start3A_1926, %dma_start3A_1927] : memref<6x128x128xf32, #tpu.memory_space<vmem>> -> memref<1x128x128xf32, #tpu.memory_space<vmem>>
    %dma_start3A_1929 = tpu.memref_squeeze %dma_start3A_1928 : memref<1x128x128xf32, #tpu.memory_space<vmem>> -> memref<128x128xf32, #tpu.memory_space<vmem>>
    tpu.enqueue_dma source(%dma_start3A_1929 : memref<128x128xf32, #tpu.memory_space<vmem>>) target(%dma_start3A_1925 : memref<128x128xf32, #tpu.memory_space<hbm>>) target_semaphore(%arg25 : memref<!tpu.dma_semaphore, #tpu.memory_space<semaphore_mem>>)
    %add3A_1930 = arith.constant 672 : i32
    %add3A_1931 = arith.addi %add3A, %add3A_1930 : i32
    %mul3A_1932 = arith.constant 128 : i32
    %mul3A_1933 = arith.muli %add3A_1931, %mul3A_1932 : i32
    %min3A_1934 = arith.constant 99872 : i32
    %min3A_1935 = arith.minsi %mul3A_1933, %min3A_1934 : i32
    %multiple_of3A_1936 = tpu.assume_multiple %min3A_1935, 8 : i32
    %dma_start3A_1937 = arith.constant 3 : i32
    %dma_start3A_1938 = arith.constant 0 : i32
    %dma_start3A_1939 = tpu.memref_slice %arg6[%dma_start3A_1937, %dma_start3A_1938] : memref<6x128xi32, #tpu.memory_space<vmem>> -> memref<1x128xi32, #tpu.memory_space<vmem>>
    %dma_start3A_1940 = tpu.memref_squeeze %dma_start3A_1939 : memref<1x128xi32, #tpu.memory_space<vmem>> -> memref<128xi32, #tpu.memory_space<vmem>>
    %dma_start3A_1941 = tpu.memref_slice %arg3[%multiple_of3A_1936] : memref<100000xi32, #tpu.memory_space<hbm>> -> memref<128xi32, #tpu.memory_space<hbm>>
    %dma_start3A_1942 = arith.constant 0 : i32
    %dma_start3A_1943 = tpu.memref_slice %arg6[%dma_start3A_1937, %dma_start3A_1942] : memref<6x128xi32, #tpu.memory_space<vmem>> -> memref<1x128xi32, #tpu.memory_space<vmem>>
    %dma_start3A_1944 = tpu.memref_squeeze %dma_start3A_1943 : memref<1x128xi32, #tpu.memory_space<vmem>> -> memref<128xi32, #tpu.memory_space<vmem>>
    %dma_start3A_1945 = tpu.memref_slice %arg3[%multiple_of3A_1936] : memref<100000xi32, #tpu.memory_space<hbm>> -> memref<128xi32, #tpu.memory_space<hbm>>
    tpu.enqueue_dma source(%dma_start3A_1945 : memref<128xi32, #tpu.memory_space<hbm>>) target(%dma_start3A_1944 : memref<128xi32, #tpu.memory_space<vmem>>) target_semaphore(%arg13 : memref<!tpu.dma_semaphore, #tpu.memory_space<semaphore_mem>>)
    %dma_wait3A_1946 = arith.constant 0 : i32
    %dma_wait3A_1947 = arith.constant 0 : i32
    %dma_wait3A_1948 = arith.constant 0 : i32
    %dma_wait3A_1949 = tpu.memref_slice %arg7[%dma_wait3A_1946, %dma_wait3A_1947, %dma_wait3A_1948] : memref<6x128x128xf32, #tpu.memory_space<vmem>> -> memref<1x128x128xf32, #tpu.memory_space<vmem>>
    %dma_wait3A_1950 = tpu.memref_squeeze %dma_wait3A_1949 : memref<1x128x128xf32, #tpu.memory_space<vmem>> -> memref<128x128xf32, #tpu.memory_space<vmem>>
    %dma_wait3A_1951 = arith.constant 0 : i32
    %dma_wait3A_1952 = tpu.memref_slice %arg4[%multiple_of3A_1670, %dma_wait3A_1951] : memref<100000x128xf32, #tpu.memory_space<hbm>> -> memref<128x128xf32, #tpu.memory_space<hbm>>
    %dma_wait3A_1953 = arith.constant 0 : i32
    %dma_wait3A_1954 = tpu.memref_slice %arg4[%multiple_of3A_1670, %dma_wait3A_1953] : memref<100000x128xf32, #tpu.memory_space<hbm>> -> memref<128x128xf32, #tpu.memory_space<hbm>>
    %dma_wait3A_1955 = arith.constant 0 : i32
    %dma_wait3A_1956 = arith.constant 0 : i32
    %dma_wait3A_1957 = tpu.memref_slice %arg7[%dma_wait3A_1946, %dma_wait3A_1955, %dma_wait3A_1956] : memref<6x128x128xf32, #tpu.memory_space<vmem>> -> memref<1x128x128xf32, #tpu.memory_space<vmem>>
    %dma_wait3A_1958 = tpu.memref_squeeze %dma_wait3A_1957 : memref<1x128x128xf32, #tpu.memory_space<vmem>> -> memref<128x128xf32, #tpu.memory_space<vmem>>
    tpu.wait_dma2 semaphore(%arg22 : memref<!tpu.dma_semaphore, #tpu.memory_space<semaphore_mem>>) src(%dma_wait3A_1958 : memref<128x128xf32, #tpu.memory_space<vmem>>) dst(%dma_wait3A_1954 : memref<128x128xf32, #tpu.memory_space<hbm>>)
    %dma_wait3A_1959 = arith.constant 0 : i32
    %dma_wait3A_1960 = arith.constant 0 : i32
    %dma_wait3A_1961 = tpu.memref_slice %arg6[%dma_wait3A_1959, %dma_wait3A_1960] : memref<6x128xi32, #tpu.memory_space<vmem>> -> memref<1x128xi32, #tpu.memory_space<vmem>>
    %dma_wait3A_1962 = tpu.memref_squeeze %dma_wait3A_1961 : memref<1x128xi32, #tpu.memory_space<vmem>> -> memref<128xi32, #tpu.memory_space<vmem>>
    %dma_wait3A_1963 = tpu.memref_slice %arg3[%multiple_of3A_1690] : memref<100000xi32, #tpu.memory_space<hbm>> -> memref<128xi32, #tpu.memory_space<hbm>>
    %dma_wait3A_1964 = arith.constant 0 : i32
    %dma_wait3A_1965 = tpu.memref_slice %arg6[%dma_wait3A_1959, %dma_wait3A_1964] : memref<6x128xi32, #tpu.memory_space<vmem>> -> memref<1x128xi32, #tpu.memory_space<vmem>>
    %dma_wait3A_1966 = tpu.memref_squeeze %dma_wait3A_1965 : memref<1x128xi32, #tpu.memory_space<vmem>> -> memref<128xi32, #tpu.memory_space<vmem>>
    %dma_wait3A_1967 = tpu.memref_slice %arg3[%multiple_of3A_1690] : memref<100000xi32, #tpu.memory_space<hbm>> -> memref<128xi32, #tpu.memory_space<hbm>>
    tpu.wait_dma2 semaphore(%arg10 : memref<!tpu.dma_semaphore, #tpu.memory_space<semaphore_mem>>) src(%dma_wait3A_1967 : memref<128xi32, #tpu.memory_space<hbm>>) dst(%dma_wait3A_1966 : memref<128xi32, #tpu.memory_space<vmem>>)
    %dma_start3A_1968 = arith.constant 0 : i32
    %dma_start3A_1969 = arith.constant 0 : i32
    %dma_start3A_1970 = arith.constant 0 : i32
    %dma_start3A_1971 = arith.constant 0 : i32
    %dma_start3A_1972 = tpu.memref_slice %arg7[%dma_start3A_1969, %dma_start3A_1970, %dma_start3A_1971] : memref<6x128x128xf32, #tpu.memory_space<vmem>> -> memref<1x128x128xf32, #tpu.memory_space<vmem>>
    %dma_start3A_1973 = tpu.memref_squeeze %dma_start3A_1972 : memref<1x128x128xf32, #tpu.memory_space<vmem>> -> memref<128x128xf32, #tpu.memory_space<vmem>>
    %dma_start3A_1974 = arith.constant 0 : i32
    %dma_start3A_1975 = tpu.memref_slice %arg6[%dma_start3A_1968, %dma_start3A_1974] : memref<6x128xi32, #tpu.memory_space<vmem>> -> memref<1x128xi32, #tpu.memory_space<vmem>>
    %dma_start3A_1976 = tpu.memref_squeeze %dma_start3A_1975 : memref<1x128xi32, #tpu.memory_space<vmem>> -> memref<128xi32, #tpu.memory_space<vmem>>
    %dma_start3A_1977 = arith.constant 0 : i32
    %dma_start3A_1978 = arith.constant 0 : i32
    %dma_start3A_1979 = tpu.memref_slice %arg8[%dma_start3A_1977, %dma_start3A_1978] : memref<55x128xf32, #tpu.memory_space<vmem_shared>> -> memref<55x128xf32, #tpu.memory_space<vmem_shared>>
    tpu.enqueue_indirect_dma source(%dma_start3A_1979 : memref<55x128xf32, #tpu.memory_space<vmem_shared>>) target(%dma_start3A_1973 : memref<128x128xf32, #tpu.memory_space<vmem>>) offsets(%dma_start3A_1976 : memref<128xi32, #tpu.memory_space<vmem>>) semaphore(%arg16 : memref<!tpu.dma_semaphore, #tpu.memory_space<semaphore_mem>>)
    %dma_wait3A_1980 = arith.constant 4 : i32
    %dma_wait3A_1981 = arith.constant 4 : i32
    %dma_wait3A_1982 = arith.constant 0 : i32
    %dma_wait3A_1983 = arith.constant 0 : i32
    %dma_wait3A_1984 = tpu.memref_slice %arg7[%dma_wait3A_1981, %dma_wait3A_1982, %dma_wait3A_1983] : memref<6x128x128xf32, #tpu.memory_space<vmem>> -> memref<1x128x128xf32, #tpu.memory_space<vmem>>
    %dma_wait3A_1985 = tpu.memref_squeeze %dma_wait3A_1984 : memref<1x128x128xf32, #tpu.memory_space<vmem>> -> memref<128x128xf32, #tpu.memory_space<vmem>>
    %dma_wait3A_1986 = arith.constant 0 : i32
    %dma_wait3A_1987 = tpu.memref_slice %arg6[%dma_wait3A_1980, %dma_wait3A_1986] : memref<6x128xi32, #tpu.memory_space<vmem>> -> memref<1x128xi32, #tpu.memory_space<vmem>>
    %dma_wait3A_1988 = tpu.memref_squeeze %dma_wait3A_1987 : memref<1x128xi32, #tpu.memory_space<vmem>> -> memref<128xi32, #tpu.memory_space<vmem>>
    %dma_wait3A_1989 = arith.constant 0 : i32
    %dma_wait3A_1990 = arith.constant 0 : i32
    %dma_wait3A_1991 = tpu.memref_slice %arg8[%dma_wait3A_1989, %dma_wait3A_1990] : memref<55x128xf32, #tpu.memory_space<vmem_shared>> -> memref<55x128xf32, #tpu.memory_space<vmem_shared>>
    tpu.wait_indirect_dma semaphore(%arg20 : memref<!tpu.dma_semaphore, #tpu.memory_space<semaphore_mem>>) src(%dma_wait3A_1991 : memref<55x128xf32, #tpu.memory_space<vmem_shared>>) dst(%dma_wait3A_1985 : memref<128x128xf32, #tpu.memory_space<vmem>>)
    %add3A_1992 = arith.constant 512 : i32
    %add3A_1993 = arith.addi %add3A, %add3A_1992 : i32
    %mul3A_1994 = arith.constant 128 : i32
    %mul3A_1995 = arith.muli %add3A_1993, %mul3A_1994 : i32
    %min3A_1996 = arith.constant 99872 : i32
    %min3A_1997 = arith.minsi %mul3A_1995, %min3A_1996 : i32
    %multiple_of3A_1998 = tpu.assume_multiple %min3A_1997, 8 : i32
    %dma_start3A_1999 = arith.constant 4 : i32
    %dma_start3A_2000 = arith.constant 0 : i32
    %dma_start3A_2001 = arith.constant 0 : i32
    %dma_start3A_2002 = tpu.memref_slice %arg7[%dma_start3A_1999, %dma_start3A_2000, %dma_start3A_2001] : memref<6x128x128xf32, #tpu.memory_space<vmem>> -> memref<1x128x128xf32, #tpu.memory_space<vmem>>
    %dma_start3A_2003 = tpu.memref_squeeze %dma_start3A_2002 : memref<1x128x128xf32, #tpu.memory_space<vmem>> -> memref<128x128xf32, #tpu.memory_space<vmem>>
    %dma_start3A_2004 = arith.constant 0 : i32
    %dma_start3A_2005 = tpu.memref_slice %arg4[%multiple_of3A_1998, %dma_start3A_2004] : memref<100000x128xf32, #tpu.memory_space<hbm>> -> memref<128x128xf32, #tpu.memory_space<hbm>>
    %dma_start3A_2006 = arith.constant 0 : i32
    %dma_start3A_2007 = tpu.memref_slice %arg4[%multiple_of3A_1998, %dma_start3A_2006] : memref<100000x128xf32, #tpu.memory_space<hbm>> -> memref<128x128xf32, #tpu.memory_space<hbm>>
    %dma_start3A_2008 = arith.constant 0 : i32
    %dma_start3A_2009 = arith.constant 0 : i32
    %dma_start3A_2010 = tpu.memref_slice %arg7[%dma_start3A_1999, %dma_start3A_2008, %dma_start3A_2009] : memref<6x128x128xf32, #tpu.memory_space<vmem>> -> memref<1x128x128xf32, #tpu.memory_space<vmem>>
    %dma_start3A_2011 = tpu.memref_squeeze %dma_start3A_2010 : memref<1x128x128xf32, #tpu.memory_space<vmem>> -> memref<128x128xf32, #tpu.memory_space<vmem>>
    tpu.enqueue_dma source(%dma_start3A_2011 : memref<128x128xf32, #tpu.memory_space<vmem>>) target(%dma_start3A_2007 : memref<128x128xf32, #tpu.memory_space<hbm>>) target_semaphore(%arg26 : memref<!tpu.dma_semaphore, #tpu.memory_space<semaphore_mem>>)
    %add3A_2012 = arith.constant 704 : i32
    %add3A_2013 = arith.addi %add3A, %add3A_2012 : i32
    %mul3A_2014 = arith.constant 128 : i32
    %mul3A_2015 = arith.muli %add3A_2013, %mul3A_2014 : i32
    %min3A_2016 = arith.constant 99872 : i32
    %min3A_2017 = arith.minsi %mul3A_2015, %min3A_2016 : i32
    %multiple_of3A_2018 = tpu.assume_multiple %min3A_2017, 8 : i32
    %dma_start3A_2019 = arith.constant 4 : i32
    %dma_start3A_2020 = arith.constant 0 : i32
    %dma_start3A_2021 = tpu.memref_slice %arg6[%dma_start3A_2019, %dma_start3A_2020] : memref<6x128xi32, #tpu.memory_space<vmem>> -> memref<1x128xi32, #tpu.memory_space<vmem>>
    %dma_start3A_2022 = tpu.memref_squeeze %dma_start3A_2021 : memref<1x128xi32, #tpu.memory_space<vmem>> -> memref<128xi32, #tpu.memory_space<vmem>>
    %dma_start3A_2023 = tpu.memref_slice %arg3[%multiple_of3A_2018] : memref<100000xi32, #tpu.memory_space<hbm>> -> memref<128xi32, #tpu.memory_space<hbm>>
    %dma_start3A_2024 = arith.constant 0 : i32
    %dma_start3A_2025 = tpu.memref_slice %arg6[%dma_start3A_2019, %dma_start3A_2024] : memref<6x128xi32, #tpu.memory_space<vmem>> -> memref<1x128xi32, #tpu.memory_space<vmem>>
    %dma_start3A_2026 = tpu.memref_squeeze %dma_start3A_2025 : memref<1x128xi32, #tpu.memory_space<vmem>> -> memref<128xi32, #tpu.memory_space<vmem>>
    %dma_start3A_2027 = tpu.memref_slice %arg3[%multiple_of3A_2018] : memref<100000xi32, #tpu.memory_space<hbm>> -> memref<128xi32, #tpu.memory_space<hbm>>
    tpu.enqueue_dma source(%dma_start3A_2027 : memref<128xi32, #tpu.memory_space<hbm>>) target(%dma_start3A_2026 : memref<128xi32, #tpu.memory_space<vmem>>) target_semaphore(%arg14 : memref<!tpu.dma_semaphore, #tpu.memory_space<semaphore_mem>>)
    %dma_wait3A_2028 = arith.constant 1 : i32
    %dma_wait3A_2029 = arith.constant 0 : i32
    %dma_wait3A_2030 = arith.constant 0 : i32
    %dma_wait3A_2031 = tpu.memref_slice %arg7[%dma_wait3A_2028, %dma_wait3A_2029, %dma_wait3A_2030] : memref<6x128x128xf32, #tpu.memory_space<vmem>> -> memref<1x128x128xf32, #tpu.memory_space<vmem>>
    %dma_wait3A_2032 = tpu.memref_squeeze %dma_wait3A_2031 : memref<1x128x128xf32, #tpu.memory_space<vmem>> -> memref<128x128xf32, #tpu.memory_space<vmem>>
    %dma_wait3A_2033 = arith.constant 0 : i32
    %dma_wait3A_2034 = tpu.memref_slice %arg4[%multiple_of3A_1752, %dma_wait3A_2033] : memref<100000x128xf32, #tpu.memory_space<hbm>> -> memref<128x128xf32, #tpu.memory_space<hbm>>
    %dma_wait3A_2035 = arith.constant 0 : i32
    %dma_wait3A_2036 = tpu.memref_slice %arg4[%multiple_of3A_1752, %dma_wait3A_2035] : memref<100000x128xf32, #tpu.memory_space<hbm>> -> memref<128x128xf32, #tpu.memory_space<hbm>>
    %dma_wait3A_2037 = arith.constant 0 : i32
    %dma_wait3A_2038 = arith.constant 0 : i32
    %dma_wait3A_2039 = tpu.memref_slice %arg7[%dma_wait3A_2028, %dma_wait3A_2037, %dma_wait3A_2038] : memref<6x128x128xf32, #tpu.memory_space<vmem>> -> memref<1x128x128xf32, #tpu.memory_space<vmem>>
    %dma_wait3A_2040 = tpu.memref_squeeze %dma_wait3A_2039 : memref<1x128x128xf32, #tpu.memory_space<vmem>> -> memref<128x128xf32, #tpu.memory_space<vmem>>
    tpu.wait_dma2 semaphore(%arg23 : memref<!tpu.dma_semaphore, #tpu.memory_space<semaphore_mem>>) src(%dma_wait3A_2040 : memref<128x128xf32, #tpu.memory_space<vmem>>) dst(%dma_wait3A_2036 : memref<128x128xf32, #tpu.memory_space<hbm>>)
    %dma_wait3A_2041 = arith.constant 1 : i32
    %dma_wait3A_2042 = arith.constant 0 : i32
    %dma_wait3A_2043 = tpu.memref_slice %arg6[%dma_wait3A_2041, %dma_wait3A_2042] : memref<6x128xi32, #tpu.memory_space<vmem>> -> memref<1x128xi32, #tpu.memory_space<vmem>>
    %dma_wait3A_2044 = tpu.memref_squeeze %dma_wait3A_2043 : memref<1x128xi32, #tpu.memory_space<vmem>> -> memref<128xi32, #tpu.memory_space<vmem>>
    %dma_wait3A_2045 = tpu.memref_slice %arg3[%multiple_of3A_1772] : memref<100000xi32, #tpu.memory_space<hbm>> -> memref<128xi32, #tpu.memory_space<hbm>>
    %dma_wait3A_2046 = arith.constant 0 : i32
    %dma_wait3A_2047 = tpu.memref_slice %arg6[%dma_wait3A_2041, %dma_wait3A_2046] : memref<6x128xi32, #tpu.memory_space<vmem>> -> memref<1x128xi32, #tpu.memory_space<vmem>>
    %dma_wait3A_2048 = tpu.memref_squeeze %dma_wait3A_2047 : memref<1x128xi32, #tpu.memory_space<vmem>> -> memref<128xi32, #tpu.memory_space<vmem>>
    %dma_wait3A_2049 = tpu.memref_slice %arg3[%multiple_of3A_1772] : memref<100000xi32, #tpu.memory_space<hbm>> -> memref<128xi32, #tpu.memory_space<hbm>>
    tpu.wait_dma2 semaphore(%arg11 : memref<!tpu.dma_semaphore, #tpu.memory_space<semaphore_mem>>) src(%dma_wait3A_2049 : memref<128xi32, #tpu.memory_space<hbm>>) dst(%dma_wait3A_2048 : memref<128xi32, #tpu.memory_space<vmem>>)
    %dma_start3A_2050 = arith.constant 1 : i32
    %dma_start3A_2051 = arith.constant 1 : i32
    %dma_start3A_2052 = arith.constant 0 : i32
    %dma_start3A_2053 = arith.constant 0 : i32
    %dma_start3A_2054 = tpu.memref_slice %arg7[%dma_start3A_2051, %dma_start3A_2052, %dma_start3A_2053] : memref<6x128x128xf32, #tpu.memory_space<vmem>> -> memref<1x128x128xf32, #tpu.memory_space<vmem>>
    %dma_start3A_2055 = tpu.memref_squeeze %dma_start3A_2054 : memref<1x128x128xf32, #tpu.memory_space<vmem>> -> memref<128x128xf32, #tpu.memory_space<vmem>>
    %dma_start3A_2056 = arith.constant 0 : i32
    %dma_start3A_2057 = tpu.memref_slice %arg6[%dma_start3A_2050, %dma_start3A_2056] : memref<6x128xi32, #tpu.memory_space<vmem>> -> memref<1x128xi32, #tpu.memory_space<vmem>>
    %dma_start3A_2058 = tpu.memref_squeeze %dma_start3A_2057 : memref<1x128xi32, #tpu.memory_space<vmem>> -> memref<128xi32, #tpu.memory_space<vmem>>
    %dma_start3A_2059 = arith.constant 0 : i32
    %dma_start3A_2060 = arith.constant 0 : i32
    %dma_start3A_2061 = tpu.memref_slice %arg8[%dma_start3A_2059, %dma_start3A_2060] : memref<55x128xf32, #tpu.memory_space<vmem_shared>> -> memref<55x128xf32, #tpu.memory_space<vmem_shared>>
    tpu.enqueue_indirect_dma source(%dma_start3A_2061 : memref<55x128xf32, #tpu.memory_space<vmem_shared>>) target(%dma_start3A_2055 : memref<128x128xf32, #tpu.memory_space<vmem>>) offsets(%dma_start3A_2058 : memref<128xi32, #tpu.memory_space<vmem>>) semaphore(%arg17 : memref<!tpu.dma_semaphore, #tpu.memory_space<semaphore_mem>>)
    %dma_wait3A_2062 = arith.constant 5 : i32
    %dma_wait3A_2063 = arith.constant 5 : i32
    %dma_wait3A_2064 = arith.constant 0 : i32
    %dma_wait3A_2065 = arith.constant 0 : i32
    %dma_wait3A_2066 = tpu.memref_slice %arg7[%dma_wait3A_2063, %dma_wait3A_2064, %dma_wait3A_2065] : memref<6x128x128xf32, #tpu.memory_space<vmem>> -> memref<1x128x128xf32, #tpu.memory_space<vmem>>
    %dma_wait3A_2067 = tpu.memref_squeeze %dma_wait3A_2066 : memref<1x128x128xf32, #tpu.memory_space<vmem>> -> memref<128x128xf32, #tpu.memory_space<vmem>>
    %dma_wait3A_2068 = arith.constant 0 : i32
    %dma_wait3A_2069 = tpu.memref_slice %arg6[%dma_wait3A_2062, %dma_wait3A_2068] : memref<6x128xi32, #tpu.memory_space<vmem>> -> memref<1x128xi32, #tpu.memory_space<vmem>>
    %dma_wait3A_2070 = tpu.memref_squeeze %dma_wait3A_2069 : memref<1x128xi32, #tpu.memory_space<vmem>> -> memref<128xi32, #tpu.memory_space<vmem>>
    %dma_wait3A_2071 = arith.constant 0 : i32
    %dma_wait3A_2072 = arith.constant 0 : i32
    %dma_wait3A_2073 = tpu.memref_slice %arg8[%dma_wait3A_2071, %dma_wait3A_2072] : memref<55x128xf32, #tpu.memory_space<vmem_shared>> -> memref<55x128xf32, #tpu.memory_space<vmem_shared>>
    tpu.wait_indirect_dma semaphore(%arg21 : memref<!tpu.dma_semaphore, #tpu.memory_space<semaphore_mem>>) src(%dma_wait3A_2073 : memref<55x128xf32, #tpu.memory_space<vmem_shared>>) dst(%dma_wait3A_2067 : memref<128x128xf32, #tpu.memory_space<vmem>>)
    %add3A_2074 = arith.constant 544 : i32
    %add3A_2075 = arith.addi %add3A, %add3A_2074 : i32
    %mul3A_2076 = arith.constant 128 : i32
    %mul3A_2077 = arith.muli %add3A_2075, %mul3A_2076 : i32
    %min3A_2078 = arith.constant 99872 : i32
    %min3A_2079 = arith.minsi %mul3A_2077, %min3A_2078 : i32
    %multiple_of3A_2080 = tpu.assume_multiple %min3A_2079, 8 : i32
    %dma_start3A_2081 = arith.constant 5 : i32
    %dma_start3A_2082 = arith.constant 0 : i32
    %dma_start3A_2083 = arith.constant 0 : i32
    %dma_start3A_2084 = tpu.memref_slice %arg7[%dma_start3A_2081, %dma_start3A_2082, %dma_start3A_2083] : memref<6x128x128xf32, #tpu.memory_space<vmem>> -> memref<1x128x128xf32, #tpu.memory_space<vmem>>
    %dma_start3A_2085 = tpu.memref_squeeze %dma_start3A_2084 : memref<1x128x128xf32, #tpu.memory_space<vmem>> -> memref<128x128xf32, #tpu.memory_space<vmem>>
    %dma_start3A_2086 = arith.constant 0 : i32
    %dma_start3A_2087 = tpu.memref_slice %arg4[%multiple_of3A_2080, %dma_start3A_2086] : memref<100000x128xf32, #tpu.memory_space<hbm>> -> memref<128x128xf32, #tpu.memory_space<hbm>>
    %dma_start3A_2088 = arith.constant 0 : i32
    %dma_start3A_2089 = tpu.memref_slice %arg4[%multiple_of3A_2080, %dma_start3A_2088] : memref<100000x128xf32, #tpu.memory_space<hbm>> -> memref<128x128xf32, #tpu.memory_space<hbm>>
    %dma_start3A_2090 = arith.constant 0 : i32
    %dma_start3A_2091 = arith.constant 0 : i32
    %dma_start3A_2092 = tpu.memref_slice %arg7[%dma_start3A_2081, %dma_start3A_2090, %dma_start3A_2091] : memref<6x128x128xf32, #tpu.memory_space<vmem>> -> memref<1x128x128xf32, #tpu.memory_space<vmem>>
    %dma_start3A_2093 = tpu.memref_squeeze %dma_start3A_2092 : memref<1x128x128xf32, #tpu.memory_space<vmem>> -> memref<128x128xf32, #tpu.memory_space<vmem>>
    tpu.enqueue_dma source(%dma_start3A_2093 : memref<128x128xf32, #tpu.memory_space<vmem>>) target(%dma_start3A_2089 : memref<128x128xf32, #tpu.memory_space<hbm>>) target_semaphore(%arg27 : memref<!tpu.dma_semaphore, #tpu.memory_space<semaphore_mem>>)
    %add3A_2094 = arith.constant 736 : i32
    %add3A_2095 = arith.addi %add3A, %add3A_2094 : i32
    %mul3A_2096 = arith.constant 128 : i32
    %mul3A_2097 = arith.muli %add3A_2095, %mul3A_2096 : i32
    %min3A_2098 = arith.constant 99872 : i32
    %min3A_2099 = arith.minsi %mul3A_2097, %min3A_2098 : i32
    %multiple_of3A_2100 = tpu.assume_multiple %min3A_2099, 8 : i32
    %dma_start3A_2101 = arith.constant 5 : i32
    %dma_start3A_2102 = arith.constant 0 : i32
    %dma_start3A_2103 = tpu.memref_slice %arg6[%dma_start3A_2101, %dma_start3A_2102] : memref<6x128xi32, #tpu.memory_space<vmem>> -> memref<1x128xi32, #tpu.memory_space<vmem>>
    %dma_start3A_2104 = tpu.memref_squeeze %dma_start3A_2103 : memref<1x128xi32, #tpu.memory_space<vmem>> -> memref<128xi32, #tpu.memory_space<vmem>>
    %dma_start3A_2105 = tpu.memref_slice %arg3[%multiple_of3A_2100] : memref<100000xi32, #tpu.memory_space<hbm>> -> memref<128xi32, #tpu.memory_space<hbm>>
    %dma_start3A_2106 = arith.constant 0 : i32
    %dma_start3A_2107 = tpu.memref_slice %arg6[%dma_start3A_2101, %dma_start3A_2106] : memref<6x128xi32, #tpu.memory_space<vmem>> -> memref<1x128xi32, #tpu.memory_space<vmem>>
    %dma_start3A_2108 = tpu.memref_squeeze %dma_start3A_2107 : memref<1x128xi32, #tpu.memory_space<vmem>> -> memref<128xi32, #tpu.memory_space<vmem>>
    %dma_start3A_2109 = tpu.memref_slice %arg3[%multiple_of3A_2100] : memref<100000xi32, #tpu.memory_space<hbm>> -> memref<128xi32, #tpu.memory_space<hbm>>
    tpu.enqueue_dma source(%dma_start3A_2109 : memref<128xi32, #tpu.memory_space<hbm>>) target(%dma_start3A_2108 : memref<128xi32, #tpu.memory_space<vmem>>) target_semaphore(%arg15 : memref<!tpu.dma_semaphore, #tpu.memory_space<semaphore_mem>>)
    %dma_wait3A_2110 = arith.constant 2 : i32
    %dma_wait3A_2111 = arith.constant 0 : i32
    %dma_wait3A_2112 = arith.constant 0 : i32
    %dma_wait3A_2113 = tpu.memref_slice %arg7[%dma_wait3A_2110, %dma_wait3A_2111, %dma_wait3A_2112] : memref<6x128x128xf32, #tpu.memory_space<vmem>> -> memref<1x128x128xf32, #tpu.memory_space<vmem>>
    %dma_wait3A_2114 = tpu.memref_squeeze %dma_wait3A_2113 : memref<1x128x128xf32, #tpu.memory_space<vmem>> -> memref<128x128xf32, #tpu.memory_space<vmem>>
    %dma_wait3A_2115 = arith.constant 0 : i32
    %dma_wait3A_2116 = tpu.memref_slice %arg4[%multiple_of3A_1834, %dma_wait3A_2115] : memref<100000x128xf32, #tpu.memory_space<hbm>> -> memref<128x128xf32, #tpu.memory_space<hbm>>
    %dma_wait3A_2117 = arith.constant 0 : i32
    %dma_wait3A_2118 = tpu.memref_slice %arg4[%multiple_of3A_1834, %dma_wait3A_2117] : memref<100000x128xf32, #tpu.memory_space<hbm>> -> memref<128x128xf32, #tpu.memory_space<hbm>>
    %dma_wait3A_2119 = arith.constant 0 : i32
    %dma_wait3A_2120 = arith.constant 0 : i32
    %dma_wait3A_2121 = tpu.memref_slice %arg7[%dma_wait3A_2110, %dma_wait3A_2119, %dma_wait3A_2120] : memref<6x128x128xf32, #tpu.memory_space<vmem>> -> memref<1x128x128xf32, #tpu.memory_space<vmem>>
    %dma_wait3A_2122 = tpu.memref_squeeze %dma_wait3A_2121 : memref<1x128x128xf32, #tpu.memory_space<vmem>> -> memref<128x128xf32, #tpu.memory_space<vmem>>
    tpu.wait_dma2 semaphore(%arg24 : memref<!tpu.dma_semaphore, #tpu.memory_space<semaphore_mem>>) src(%dma_wait3A_2122 : memref<128x128xf32, #tpu.memory_space<vmem>>) dst(%dma_wait3A_2118 : memref<128x128xf32, #tpu.memory_space<hbm>>)
    %dma_wait3A_2123 = arith.constant 2 : i32
    %dma_wait3A_2124 = arith.constant 0 : i32
    %dma_wait3A_2125 = tpu.memref_slice %arg6[%dma_wait3A_2123, %dma_wait3A_2124] : memref<6x128xi32, #tpu.memory_space<vmem>> -> memref<1x128xi32, #tpu.memory_space<vmem>>
    %dma_wait3A_2126 = tpu.memref_squeeze %dma_wait3A_2125 : memref<1x128xi32, #tpu.memory_space<vmem>> -> memref<128xi32, #tpu.memory_space<vmem>>
    %dma_wait3A_2127 = tpu.memref_slice %arg3[%multiple_of3A_1854] : memref<100000xi32, #tpu.memory_space<hbm>> -> memref<128xi32, #tpu.memory_space<hbm>>
    %dma_wait3A_2128 = arith.constant 0 : i32
    %dma_wait3A_2129 = tpu.memref_slice %arg6[%dma_wait3A_2123, %dma_wait3A_2128] : memref<6x128xi32, #tpu.memory_space<vmem>> -> memref<1x128xi32, #tpu.memory_space<vmem>>
    %dma_wait3A_2130 = tpu.memref_squeeze %dma_wait3A_2129 : memref<1x128xi32, #tpu.memory_space<vmem>> -> memref<128xi32, #tpu.memory_space<vmem>>
    %dma_wait3A_2131 = tpu.memref_slice %arg3[%multiple_of3A_1854] : memref<100000xi32, #tpu.memory_space<hbm>> -> memref<128xi32, #tpu.memory_space<hbm>>
    tpu.wait_dma2 semaphore(%arg12 : memref<!tpu.dma_semaphore, #tpu.memory_space<semaphore_mem>>) src(%dma_wait3A_2131 : memref<128xi32, #tpu.memory_space<hbm>>) dst(%dma_wait3A_2130 : memref<128xi32, #tpu.memory_space<vmem>>)
    %dma_start3A_2132 = arith.constant 2 : i32
    %dma_start3A_2133 = arith.constant 2 : i32
    %dma_start3A_2134 = arith.constant 0 : i32
    %dma_start3A_2135 = arith.constant 0 : i32
    %dma_start3A_2136 = tpu.memref_slice %arg7[%dma_start3A_2133, %dma_start3A_2134, %dma_start3A_2135] : memref<6x128x128xf32, #tpu.memory_space<vmem>> -> memref<1x128x128xf32, #tpu.memory_space<vmem>>
    %dma_start3A_2137 = tpu.memref_squeeze %dma_start3A_2136 : memref<1x128x128xf32, #tpu.memory_space<vmem>> -> memref<128x128xf32, #tpu.memory_space<vmem>>
    %dma_start3A_2138 = arith.constant 0 : i32
    %dma_start3A_2139 = tpu.memref_slice %arg6[%dma_start3A_2132, %dma_start3A_2138] : memref<6x128xi32, #tpu.memory_space<vmem>> -> memref<1x128xi32, #tpu.memory_space<vmem>>
    %dma_start3A_2140 = tpu.memref_squeeze %dma_start3A_2139 : memref<1x128xi32, #tpu.memory_space<vmem>> -> memref<128xi32, #tpu.memory_space<vmem>>
    %dma_start3A_2141 = arith.constant 0 : i32
    %dma_start3A_2142 = arith.constant 0 : i32
    %dma_start3A_2143 = tpu.memref_slice %arg8[%dma_start3A_2141, %dma_start3A_2142] : memref<55x128xf32, #tpu.memory_space<vmem_shared>> -> memref<55x128xf32, #tpu.memory_space<vmem_shared>>
    tpu.enqueue_indirect_dma source(%dma_start3A_2143 : memref<55x128xf32, #tpu.memory_space<vmem_shared>>) target(%dma_start3A_2137 : memref<128x128xf32, #tpu.memory_space<vmem>>) offsets(%dma_start3A_2140 : memref<128xi32, #tpu.memory_space<vmem>>) semaphore(%arg18 : memref<!tpu.dma_semaphore, #tpu.memory_space<semaphore_mem>>)
    %dma_wait3A_2144 = arith.constant 0 : i32
    %dma_wait3A_2145 = arith.constant 0 : i32
    %dma_wait3A_2146 = arith.constant 0 : i32
    %dma_wait3A_2147 = arith.constant 0 : i32
    %dma_wait3A_2148 = tpu.memref_slice %arg7[%dma_wait3A_2145, %dma_wait3A_2146, %dma_wait3A_2147] : memref<6x128x128xf32, #tpu.memory_space<vmem>> -> memref<1x128x128xf32, #tpu.memory_space<vmem>>
    %dma_wait3A_2149 = tpu.memref_squeeze %dma_wait3A_2148 : memref<1x128x128xf32, #tpu.memory_space<vmem>> -> memref<128x128xf32, #tpu.memory_space<vmem>>
    %dma_wait3A_2150 = arith.constant 0 : i32
    %dma_wait3A_2151 = tpu.memref_slice %arg6[%dma_wait3A_2144, %dma_wait3A_2150] : memref<6x128xi32, #tpu.memory_space<vmem>> -> memref<1x128xi32, #tpu.memory_space<vmem>>
    %dma_wait3A_2152 = tpu.memref_squeeze %dma_wait3A_2151 : memref<1x128xi32, #tpu.memory_space<vmem>> -> memref<128xi32, #tpu.memory_space<vmem>>
    %dma_wait3A_2153 = arith.constant 0 : i32
    %dma_wait3A_2154 = arith.constant 0 : i32
    %dma_wait3A_2155 = tpu.memref_slice %arg8[%dma_wait3A_2153, %dma_wait3A_2154] : memref<55x128xf32, #tpu.memory_space<vmem_shared>> -> memref<55x128xf32, #tpu.memory_space<vmem_shared>>
    tpu.wait_indirect_dma semaphore(%arg16 : memref<!tpu.dma_semaphore, #tpu.memory_space<semaphore_mem>>) src(%dma_wait3A_2155 : memref<55x128xf32, #tpu.memory_space<vmem_shared>>) dst(%dma_wait3A_2149 : memref<128x128xf32, #tpu.memory_space<vmem>>)
    %add3A_2156 = arith.constant 576 : i32
    %add3A_2157 = arith.addi %add3A, %add3A_2156 : i32
    %mul3A_2158 = arith.constant 128 : i32
    %mul3A_2159 = arith.muli %add3A_2157, %mul3A_2158 : i32
    %min3A_2160 = arith.constant 99872 : i32
    %min3A_2161 = arith.minsi %mul3A_2159, %min3A_2160 : i32
    %multiple_of3A_2162 = tpu.assume_multiple %min3A_2161, 8 : i32
    %dma_start3A_2163 = arith.constant 0 : i32
    %dma_start3A_2164 = arith.constant 0 : i32
    %dma_start3A_2165 = arith.constant 0 : i32
    %dma_start3A_2166 = tpu.memref_slice %arg7[%dma_start3A_2163, %dma_start3A_2164, %dma_start3A_2165] : memref<6x128x128xf32, #tpu.memory_space<vmem>> -> memref<1x128x128xf32, #tpu.memory_space<vmem>>
    %dma_start3A_2167 = tpu.memref_squeeze %dma_start3A_2166 : memref<1x128x128xf32, #tpu.memory_space<vmem>> -> memref<128x128xf32, #tpu.memory_space<vmem>>
    %dma_start3A_2168 = arith.constant 0 : i32
    %dma_start3A_2169 = tpu.memref_slice %arg4[%multiple_of3A_2162, %dma_start3A_2168] : memref<100000x128xf32, #tpu.memory_space<hbm>> -> memref<128x128xf32, #tpu.memory_space<hbm>>
    %dma_start3A_2170 = arith.constant 0 : i32
    %dma_start3A_2171 = tpu.memref_slice %arg4[%multiple_of3A_2162, %dma_start3A_2170] : memref<100000x128xf32, #tpu.memory_space<hbm>> -> memref<128x128xf32, #tpu.memory_space<hbm>>
    %dma_start3A_2172 = arith.constant 0 : i32
    %dma_start3A_2173 = arith.constant 0 : i32
    %dma_start3A_2174 = tpu.memref_slice %arg7[%dma_start3A_2163, %dma_start3A_2172, %dma_start3A_2173] : memref<6x128x128xf32, #tpu.memory_space<vmem>> -> memref<1x128x128xf32, #tpu.memory_space<vmem>>
    %dma_start3A_2175 = tpu.memref_squeeze %dma_start3A_2174 : memref<1x128x128xf32, #tpu.memory_space<vmem>> -> memref<128x128xf32, #tpu.memory_space<vmem>>
    tpu.enqueue_dma source(%dma_start3A_2175 : memref<128x128xf32, #tpu.memory_space<vmem>>) target(%dma_start3A_2171 : memref<128x128xf32, #tpu.memory_space<hbm>>) target_semaphore(%arg22 : memref<!tpu.dma_semaphore, #tpu.memory_space<semaphore_mem>>)
    %add3A_2176 = arith.constant 768 : i32
    %add3A_2177 = arith.addi %add3A, %add3A_2176 : i32
    %lt3A = arith.constant 782 : i32
    %lt3A_2178 = arith.cmpi slt, %add3A_2177, %lt3A : i32
    %select_n3A = arith.select %lt3A_2178, %add3A_2177, %add3A : i32
    %mul3A_2179 = arith.constant 128 : i32
    %mul3A_2180 = arith.muli %select_n3A, %mul3A_2179 : i32
    %min3A_2181 = arith.constant 99872 : i32
    %min3A_2182 = arith.minsi %mul3A_2180, %min3A_2181 : i32
    %multiple_of3A_2183 = tpu.assume_multiple %min3A_2182, 8 : i32
    %dma_start3A_2184 = arith.constant 0 : i32
    %dma_start3A_2185 = arith.constant 0 : i32
    %dma_start3A_2186 = tpu.memref_slice %arg6[%dma_start3A_2184, %dma_start3A_2185] : memref<6x128xi32, #tpu.memory_space<vmem>> -> memref<1x128xi32, #tpu.memory_space<vmem>>
    %dma_start3A_2187 = tpu.memref_squeeze %dma_start3A_2186 : memref<1x128xi32, #tpu.memory_space<vmem>> -> memref<128xi32, #tpu.memory_space<vmem>>
    %dma_start3A_2188 = tpu.memref_slice %arg3[%multiple_of3A_2183] : memref<100000xi32, #tpu.memory_space<hbm>> -> memref<128xi32, #tpu.memory_space<hbm>>
    %dma_start3A_2189 = arith.constant 0 : i32
    %dma_start3A_2190 = tpu.memref_slice %arg6[%dma_start3A_2184, %dma_start3A_2189] : memref<6x128xi32, #tpu.memory_space<vmem>> -> memref<1x128xi32, #tpu.memory_space<vmem>>
    %dma_start3A_2191 = tpu.memref_squeeze %dma_start3A_2190 : memref<1x128xi32, #tpu.memory_space<vmem>> -> memref<128xi32, #tpu.memory_space<vmem>>
    %dma_start3A_2192 = tpu.memref_slice %arg3[%multiple_of3A_2183] : memref<100000xi32, #tpu.memory_space<hbm>> -> memref<128xi32, #tpu.memory_space<hbm>>
    tpu.enqueue_dma source(%dma_start3A_2192 : memref<128xi32, #tpu.memory_space<hbm>>) target(%dma_start3A_2191 : memref<128xi32, #tpu.memory_space<vmem>>) target_semaphore(%arg10 : memref<!tpu.dma_semaphore, #tpu.memory_space<semaphore_mem>>)
    %dma_wait3A_2193 = arith.constant 3 : i32
    %dma_wait3A_2194 = arith.constant 0 : i32
    %dma_wait3A_2195 = arith.constant 0 : i32
    %dma_wait3A_2196 = tpu.memref_slice %arg7[%dma_wait3A_2193, %dma_wait3A_2194, %dma_wait3A_2195] : memref<6x128x128xf32, #tpu.memory_space<vmem>> -> memref<1x128x128xf32, #tpu.memory_space<vmem>>
    %dma_wait3A_2197 = tpu.memref_squeeze %dma_wait3A_2196 : memref<1x128x128xf32, #tpu.memory_space<vmem>> -> memref<128x128xf32, #tpu.memory_space<vmem>>
    %dma_wait3A_2198 = arith.constant 0 : i32
    %dma_wait3A_2199 = tpu.memref_slice %arg4[%multiple_of3A_1916, %dma_wait3A_2198] : memref<100000x128xf32, #tpu.memory_space<hbm>> -> memref<128x128xf32, #tpu.memory_space<hbm>>
    %dma_wait3A_2200 = arith.constant 0 : i32
    %dma_wait3A_2201 = tpu.memref_slice %arg4[%multiple_of3A_1916, %dma_wait3A_2200] : memref<100000x128xf32, #tpu.memory_space<hbm>> -> memref<128x128xf32, #tpu.memory_space<hbm>>
    %dma_wait3A_2202 = arith.constant 0 : i32
    %dma_wait3A_2203 = arith.constant 0 : i32
    %dma_wait3A_2204 = tpu.memref_slice %arg7[%dma_wait3A_2193, %dma_wait3A_2202, %dma_wait3A_2203] : memref<6x128x128xf32, #tpu.memory_space<vmem>> -> memref<1x128x128xf32, #tpu.memory_space<vmem>>
    %dma_wait3A_2205 = tpu.memref_squeeze %dma_wait3A_2204 : memref<1x128x128xf32, #tpu.memory_space<vmem>> -> memref<128x128xf32, #tpu.memory_space<vmem>>
    tpu.wait_dma2 semaphore(%arg25 : memref<!tpu.dma_semaphore, #tpu.memory_space<semaphore_mem>>) src(%dma_wait3A_2205 : memref<128x128xf32, #tpu.memory_space<vmem>>) dst(%dma_wait3A_2201 : memref<128x128xf32, #tpu.memory_space<hbm>>)
    %dma_wait3A_2206 = arith.constant 3 : i32
    %dma_wait3A_2207 = arith.constant 0 : i32
    %dma_wait3A_2208 = tpu.memref_slice %arg6[%dma_wait3A_2206, %dma_wait3A_2207] : memref<6x128xi32, #tpu.memory_space<vmem>> -> memref<1x128xi32, #tpu.memory_space<vmem>>
    %dma_wait3A_2209 = tpu.memref_squeeze %dma_wait3A_2208 : memref<1x128xi32, #tpu.memory_space<vmem>> -> memref<128xi32, #tpu.memory_space<vmem>>
    %dma_wait3A_2210 = tpu.memref_slice %arg3[%multiple_of3A_1936] : memref<100000xi32, #tpu.memory_space<hbm>> -> memref<128xi32, #tpu.memory_space<hbm>>
    %dma_wait3A_2211 = arith.constant 0 : i32
    %dma_wait3A_2212 = tpu.memref_slice %arg6[%dma_wait3A_2206, %dma_wait3A_2211] : memref<6x128xi32, #tpu.memory_space<vmem>> -> memref<1x128xi32, #tpu.memory_space<vmem>>
    %dma_wait3A_2213 = tpu.memref_squeeze %dma_wait3A_2212 : memref<1x128xi32, #tpu.memory_space<vmem>> -> memref<128xi32, #tpu.memory_space<vmem>>
    %dma_wait3A_2214 = tpu.memref_slice %arg3[%multiple_of3A_1936] : memref<100000xi32, #tpu.memory_space<hbm>> -> memref<128xi32, #tpu.memory_space<hbm>>
    tpu.wait_dma2 semaphore(%arg13 : memref<!tpu.dma_semaphore, #tpu.memory_space<semaphore_mem>>) src(%dma_wait3A_2214 : memref<128xi32, #tpu.memory_space<hbm>>) dst(%dma_wait3A_2213 : memref<128xi32, #tpu.memory_space<vmem>>)
    %dma_start3A_2215 = arith.constant 3 : i32
    %dma_start3A_2216 = arith.constant 3 : i32
    %dma_start3A_2217 = arith.constant 0 : i32
    %dma_start3A_2218 = arith.constant 0 : i32
    %dma_start3A_2219 = tpu.memref_slice %arg7[%dma_start3A_2216, %dma_start3A_2217, %dma_start3A_2218] : memref<6x128x128xf32, #tpu.memory_space<vmem>> -> memref<1x128x128xf32, #tpu.memory_space<vmem>>
    %dma_start3A_2220 = tpu.memref_squeeze %dma_start3A_2219 : memref<1x128x128xf32, #tpu.memory_space<vmem>> -> memref<128x128xf32, #tpu.memory_space<vmem>>
    %dma_start3A_2221 = arith.constant 0 : i32
    %dma_start3A_2222 = tpu.memref_slice %arg6[%dma_start3A_2215, %dma_start3A_2221] : memref<6x128xi32, #tpu.memory_space<vmem>> -> memref<1x128xi32, #tpu.memory_space<vmem>>
    %dma_start3A_2223 = tpu.memref_squeeze %dma_start3A_2222 : memref<1x128xi32, #tpu.memory_space<vmem>> -> memref<128xi32, #tpu.memory_space<vmem>>
    %dma_start3A_2224 = arith.constant 0 : i32
    %dma_start3A_2225 = arith.constant 0 : i32
    %dma_start3A_2226 = tpu.memref_slice %arg8[%dma_start3A_2224, %dma_start3A_2225] : memref<55x128xf32, #tpu.memory_space<vmem_shared>> -> memref<55x128xf32, #tpu.memory_space<vmem_shared>>
    tpu.enqueue_indirect_dma source(%dma_start3A_2226 : memref<55x128xf32, #tpu.memory_space<vmem_shared>>) target(%dma_start3A_2220 : memref<128x128xf32, #tpu.memory_space<vmem>>) offsets(%dma_start3A_2223 : memref<128xi32, #tpu.memory_space<vmem>>) semaphore(%arg19 : memref<!tpu.dma_semaphore, #tpu.memory_space<semaphore_mem>>)
    %dma_wait3A_2227 = arith.constant 1 : i32
    %dma_wait3A_2228 = arith.constant 1 : i32
    %dma_wait3A_2229 = arith.constant 0 : i32
    %dma_wait3A_2230 = arith.constant 0 : i32
    %dma_wait3A_2231 = tpu.memref_slice %arg7[%dma_wait3A_2228, %dma_wait3A_2229, %dma_wait3A_2230] : memref<6x128x128xf32, #tpu.memory_space<vmem>> -> memref<1x128x128xf32, #tpu.memory_space<vmem>>
    %dma_wait3A_2232 = tpu.memref_squeeze %dma_wait3A_2231 : memref<1x128x128xf32, #tpu.memory_space<vmem>> -> memref<128x128xf32, #tpu.memory_space<vmem>>
    %dma_wait3A_2233 = arith.constant 0 : i32
    %dma_wait3A_2234 = tpu.memref_slice %arg6[%dma_wait3A_2227, %dma_wait3A_2233] : memref<6x128xi32, #tpu.memory_space<vmem>> -> memref<1x128xi32, #tpu.memory_space<vmem>>
    %dma_wait3A_2235 = tpu.memref_squeeze %dma_wait3A_2234 : memref<1x128xi32, #tpu.memory_space<vmem>> -> memref<128xi32, #tpu.memory_space<vmem>>
    %dma_wait3A_2236 = arith.constant 0 : i32
    %dma_wait3A_2237 = arith.constant 0 : i32
    %dma_wait3A_2238 = tpu.memref_slice %arg8[%dma_wait3A_2236, %dma_wait3A_2237] : memref<55x128xf32, #tpu.memory_space<vmem_shared>> -> memref<55x128xf32, #tpu.memory_space<vmem_shared>>
    tpu.wait_indirect_dma semaphore(%arg17 : memref<!tpu.dma_semaphore, #tpu.memory_space<semaphore_mem>>) src(%dma_wait3A_2238 : memref<55x128xf32, #tpu.memory_space<vmem_shared>>) dst(%dma_wait3A_2232 : memref<128x128xf32, #tpu.memory_space<vmem>>)
    %add3A_2239 = arith.constant 608 : i32
    %add3A_2240 = arith.addi %add3A, %add3A_2239 : i32
    %mul3A_2241 = arith.constant 128 : i32
    %mul3A_2242 = arith.muli %add3A_2240, %mul3A_2241 : i32
    %min3A_2243 = arith.constant 99872 : i32
    %min3A_2244 = arith.minsi %mul3A_2242, %min3A_2243 : i32
    %multiple_of3A_2245 = tpu.assume_multiple %min3A_2244, 8 : i32
    %dma_start3A_2246 = arith.constant 1 : i32
    %dma_start3A_2247 = arith.constant 0 : i32
    %dma_start3A_2248 = arith.constant 0 : i32
    %dma_start3A_2249 = tpu.memref_slice %arg7[%dma_start3A_2246, %dma_start3A_2247, %dma_start3A_2248] : memref<6x128x128xf32, #tpu.memory_space<vmem>> -> memref<1x128x128xf32, #tpu.memory_space<vmem>>
    %dma_start3A_2250 = tpu.memref_squeeze %dma_start3A_2249 : memref<1x128x128xf32, #tpu.memory_space<vmem>> -> memref<128x128xf32, #tpu.memory_space<vmem>>
    %dma_start3A_2251 = arith.constant 0 : i32
    %dma_start3A_2252 = tpu.memref_slice %arg4[%multiple_of3A_2245, %dma_start3A_2251] : memref<100000x128xf32, #tpu.memory_space<hbm>> -> memref<128x128xf32, #tpu.memory_space<hbm>>
    %dma_start3A_2253 = arith.constant 0 : i32
    %dma_start3A_2254 = tpu.memref_slice %arg4[%multiple_of3A_2245, %dma_start3A_2253] : memref<100000x128xf32, #tpu.memory_space<hbm>> -> memref<128x128xf32, #tpu.memory_space<hbm>>
    %dma_start3A_2255 = arith.constant 0 : i32
    %dma_start3A_2256 = arith.constant 0 : i32
    %dma_start3A_2257 = tpu.memref_slice %arg7[%dma_start3A_2246, %dma_start3A_2255, %dma_start3A_2256] : memref<6x128x128xf32, #tpu.memory_space<vmem>> -> memref<1x128x128xf32, #tpu.memory_space<vmem>>
    %dma_start3A_2258 = tpu.memref_squeeze %dma_start3A_2257 : memref<1x128x128xf32, #tpu.memory_space<vmem>> -> memref<128x128xf32, #tpu.memory_space<vmem>>
    tpu.enqueue_dma source(%dma_start3A_2258 : memref<128x128xf32, #tpu.memory_space<vmem>>) target(%dma_start3A_2254 : memref<128x128xf32, #tpu.memory_space<hbm>>) target_semaphore(%arg23 : memref<!tpu.dma_semaphore, #tpu.memory_space<semaphore_mem>>)
    %dma_wait3A_2259 = arith.constant 4 : i32
    %dma_wait3A_2260 = arith.constant 0 : i32
    %dma_wait3A_2261 = arith.constant 0 : i32
    %dma_wait3A_2262 = tpu.memref_slice %arg7[%dma_wait3A_2259, %dma_wait3A_2260, %dma_wait3A_2261] : memref<6x128x128xf32, #tpu.memory_space<vmem>> -> memref<1x128x128xf32, #tpu.memory_space<vmem>>
    %dma_wait3A_2263 = tpu.memref_squeeze %dma_wait3A_2262 : memref<1x128x128xf32, #tpu.memory_space<vmem>> -> memref<128x128xf32, #tpu.memory_space<vmem>>
    %dma_wait3A_2264 = arith.constant 0 : i32
    %dma_wait3A_2265 = tpu.memref_slice %arg4[%multiple_of3A_1998, %dma_wait3A_2264] : memref<100000x128xf32, #tpu.memory_space<hbm>> -> memref<128x128xf32, #tpu.memory_space<hbm>>
    %dma_wait3A_2266 = arith.constant 0 : i32
    %dma_wait3A_2267 = tpu.memref_slice %arg4[%multiple_of3A_1998, %dma_wait3A_2266] : memref<100000x128xf32, #tpu.memory_space<hbm>> -> memref<128x128xf32, #tpu.memory_space<hbm>>
    %dma_wait3A_2268 = arith.constant 0 : i32
    %dma_wait3A_2269 = arith.constant 0 : i32
    %dma_wait3A_2270 = tpu.memref_slice %arg7[%dma_wait3A_2259, %dma_wait3A_2268, %dma_wait3A_2269] : memref<6x128x128xf32, #tpu.memory_space<vmem>> -> memref<1x128x128xf32, #tpu.memory_space<vmem>>
    %dma_wait3A_2271 = tpu.memref_squeeze %dma_wait3A_2270 : memref<1x128x128xf32, #tpu.memory_space<vmem>> -> memref<128x128xf32, #tpu.memory_space<vmem>>
    tpu.wait_dma2 semaphore(%arg26 : memref<!tpu.dma_semaphore, #tpu.memory_space<semaphore_mem>>) src(%dma_wait3A_2271 : memref<128x128xf32, #tpu.memory_space<vmem>>) dst(%dma_wait3A_2267 : memref<128x128xf32, #tpu.memory_space<hbm>>)
    %dma_wait3A_2272 = arith.constant 4 : i32
    %dma_wait3A_2273 = arith.constant 0 : i32
    %dma_wait3A_2274 = tpu.memref_slice %arg6[%dma_wait3A_2272, %dma_wait3A_2273] : memref<6x128xi32, #tpu.memory_space<vmem>> -> memref<1x128xi32, #tpu.memory_space<vmem>>
    %dma_wait3A_2275 = tpu.memref_squeeze %dma_wait3A_2274 : memref<1x128xi32, #tpu.memory_space<vmem>> -> memref<128xi32, #tpu.memory_space<vmem>>
    %dma_wait3A_2276 = tpu.memref_slice %arg3[%multiple_of3A_2018] : memref<100000xi32, #tpu.memory_space<hbm>> -> memref<128xi32, #tpu.memory_space<hbm>>
    %dma_wait3A_2277 = arith.constant 0 : i32
    %dma_wait3A_2278 = tpu.memref_slice %arg6[%dma_wait3A_2272, %dma_wait3A_2277] : memref<6x128xi32, #tpu.memory_space<vmem>> -> memref<1x128xi32, #tpu.memory_space<vmem>>
    %dma_wait3A_2279 = tpu.memref_squeeze %dma_wait3A_2278 : memref<1x128xi32, #tpu.memory_space<vmem>> -> memref<128xi32, #tpu.memory_space<vmem>>
    %dma_wait3A_2280 = tpu.memref_slice %arg3[%multiple_of3A_2018] : memref<100000xi32, #tpu.memory_space<hbm>> -> memref<128xi32, #tpu.memory_space<hbm>>
    tpu.wait_dma2 semaphore(%arg14 : memref<!tpu.dma_semaphore, #tpu.memory_space<semaphore_mem>>) src(%dma_wait3A_2280 : memref<128xi32, #tpu.memory_space<hbm>>) dst(%dma_wait3A_2279 : memref<128xi32, #tpu.memory_space<vmem>>)
    %dma_start3A_2281 = arith.constant 4 : i32
    %dma_start3A_2282 = arith.constant 4 : i32
    %dma_start3A_2283 = arith.constant 0 : i32
    %dma_start3A_2284 = arith.constant 0 : i32
    %dma_start3A_2285 = tpu.memref_slice %arg7[%dma_start3A_2282, %dma_start3A_2283, %dma_start3A_2284] : memref<6x128x128xf32, #tpu.memory_space<vmem>> -> memref<1x128x128xf32, #tpu.memory_space<vmem>>
    %dma_start3A_2286 = tpu.memref_squeeze %dma_start3A_2285 : memref<1x128x128xf32, #tpu.memory_space<vmem>> -> memref<128x128xf32, #tpu.memory_space<vmem>>
    %dma_start3A_2287 = arith.constant 0 : i32
    %dma_start3A_2288 = tpu.memref_slice %arg6[%dma_start3A_2281, %dma_start3A_2287] : memref<6x128xi32, #tpu.memory_space<vmem>> -> memref<1x128xi32, #tpu.memory_space<vmem>>
    %dma_start3A_2289 = tpu.memref_squeeze %dma_start3A_2288 : memref<1x128xi32, #tpu.memory_space<vmem>> -> memref<128xi32, #tpu.memory_space<vmem>>
    %dma_start3A_2290 = arith.constant 0 : i32
    %dma_start3A_2291 = arith.constant 0 : i32
    %dma_start3A_2292 = tpu.memref_slice %arg8[%dma_start3A_2290, %dma_start3A_2291] : memref<55x128xf32, #tpu.memory_space<vmem_shared>> -> memref<55x128xf32, #tpu.memory_space<vmem_shared>>
    tpu.enqueue_indirect_dma source(%dma_start3A_2292 : memref<55x128xf32, #tpu.memory_space<vmem_shared>>) target(%dma_start3A_2286 : memref<128x128xf32, #tpu.memory_space<vmem>>) offsets(%dma_start3A_2289 : memref<128xi32, #tpu.memory_space<vmem>>) semaphore(%arg20 : memref<!tpu.dma_semaphore, #tpu.memory_space<semaphore_mem>>)
    %dma_wait3A_2293 = arith.constant 2 : i32
    %dma_wait3A_2294 = arith.constant 2 : i32
    %dma_wait3A_2295 = arith.constant 0 : i32
    %dma_wait3A_2296 = arith.constant 0 : i32
    %dma_wait3A_2297 = tpu.memref_slice %arg7[%dma_wait3A_2294, %dma_wait3A_2295, %dma_wait3A_2296] : memref<6x128x128xf32, #tpu.memory_space<vmem>> -> memref<1x128x128xf32, #tpu.memory_space<vmem>>
    %dma_wait3A_2298 = tpu.memref_squeeze %dma_wait3A_2297 : memref<1x128x128xf32, #tpu.memory_space<vmem>> -> memref<128x128xf32, #tpu.memory_space<vmem>>
    %dma_wait3A_2299 = arith.constant 0 : i32
    %dma_wait3A_2300 = tpu.memref_slice %arg6[%dma_wait3A_2293, %dma_wait3A_2299] : memref<6x128xi32, #tpu.memory_space<vmem>> -> memref<1x128xi32, #tpu.memory_space<vmem>>
    %dma_wait3A_2301 = tpu.memref_squeeze %dma_wait3A_2300 : memref<1x128xi32, #tpu.memory_space<vmem>> -> memref<128xi32, #tpu.memory_space<vmem>>
    %dma_wait3A_2302 = arith.constant 0 : i32
    %dma_wait3A_2303 = arith.constant 0 : i32
    %dma_wait3A_2304 = tpu.memref_slice %arg8[%dma_wait3A_2302, %dma_wait3A_2303] : memref<55x128xf32, #tpu.memory_space<vmem_shared>> -> memref<55x128xf32, #tpu.memory_space<vmem_shared>>
    tpu.wait_indirect_dma semaphore(%arg18 : memref<!tpu.dma_semaphore, #tpu.memory_space<semaphore_mem>>) src(%dma_wait3A_2304 : memref<55x128xf32, #tpu.memory_space<vmem_shared>>) dst(%dma_wait3A_2298 : memref<128x128xf32, #tpu.memory_space<vmem>>)
    %add3A_2305 = arith.constant 640 : i32
    %add3A_2306 = arith.addi %add3A, %add3A_2305 : i32
    %mul3A_2307 = arith.constant 128 : i32
    %mul3A_2308 = arith.muli %add3A_2306, %mul3A_2307 : i32
    %min3A_2309 = arith.constant 99872 : i32
    %min3A_2310 = arith.minsi %mul3A_2308, %min3A_2309 : i32
    %multiple_of3A_2311 = tpu.assume_multiple %min3A_2310, 8 : i32
    %dma_start3A_2312 = arith.constant 2 : i32
    %dma_start3A_2313 = arith.constant 0 : i32
    %dma_start3A_2314 = arith.constant 0 : i32
    %dma_start3A_2315 = tpu.memref_slice %arg7[%dma_start3A_2312, %dma_start3A_2313, %dma_start3A_2314] : memref<6x128x128xf32, #tpu.memory_space<vmem>> -> memref<1x128x128xf32, #tpu.memory_space<vmem>>
    %dma_start3A_2316 = tpu.memref_squeeze %dma_start3A_2315 : memref<1x128x128xf32, #tpu.memory_space<vmem>> -> memref<128x128xf32, #tpu.memory_space<vmem>>
    %dma_start3A_2317 = arith.constant 0 : i32
    %dma_start3A_2318 = tpu.memref_slice %arg4[%multiple_of3A_2311, %dma_start3A_2317] : memref<100000x128xf32, #tpu.memory_space<hbm>> -> memref<128x128xf32, #tpu.memory_space<hbm>>
    %dma_start3A_2319 = arith.constant 0 : i32
    %dma_start3A_2320 = tpu.memref_slice %arg4[%multiple_of3A_2311, %dma_start3A_2319] : memref<100000x128xf32, #tpu.memory_space<hbm>> -> memref<128x128xf32, #tpu.memory_space<hbm>>
    %dma_start3A_2321 = arith.constant 0 : i32
    %dma_start3A_2322 = arith.constant 0 : i32
    %dma_start3A_2323 = tpu.memref_slice %arg7[%dma_start3A_2312, %dma_start3A_2321, %dma_start3A_2322] : memref<6x128x128xf32, #tpu.memory_space<vmem>> -> memref<1x128x128xf32, #tpu.memory_space<vmem>>
    %dma_start3A_2324 = tpu.memref_squeeze %dma_start3A_2323 : memref<1x128x128xf32, #tpu.memory_space<vmem>> -> memref<128x128xf32, #tpu.memory_space<vmem>>
    tpu.enqueue_dma source(%dma_start3A_2324 : memref<128x128xf32, #tpu.memory_space<vmem>>) target(%dma_start3A_2320 : memref<128x128xf32, #tpu.memory_space<hbm>>) target_semaphore(%arg24 : memref<!tpu.dma_semaphore, #tpu.memory_space<semaphore_mem>>)
    %dma_wait3A_2325 = arith.constant 5 : i32
    %dma_wait3A_2326 = arith.constant 0 : i32
    %dma_wait3A_2327 = arith.constant 0 : i32
    %dma_wait3A_2328 = tpu.memref_slice %arg7[%dma_wait3A_2325, %dma_wait3A_2326, %dma_wait3A_2327] : memref<6x128x128xf32, #tpu.memory_space<vmem>> -> memref<1x128x128xf32, #tpu.memory_space<vmem>>
    %dma_wait3A_2329 = tpu.memref_squeeze %dma_wait3A_2328 : memref<1x128x128xf32, #tpu.memory_space<vmem>> -> memref<128x128xf32, #tpu.memory_space<vmem>>
    %dma_wait3A_2330 = arith.constant 0 : i32
    %dma_wait3A_2331 = tpu.memref_slice %arg4[%multiple_of3A_2080, %dma_wait3A_2330] : memref<100000x128xf32, #tpu.memory_space<hbm>> -> memref<128x128xf32, #tpu.memory_space<hbm>>
    %dma_wait3A_2332 = arith.constant 0 : i32
    %dma_wait3A_2333 = tpu.memref_slice %arg4[%multiple_of3A_2080, %dma_wait3A_2332] : memref<100000x128xf32, #tpu.memory_space<hbm>> -> memref<128x128xf32, #tpu.memory_space<hbm>>
    %dma_wait3A_2334 = arith.constant 0 : i32
    %dma_wait3A_2335 = arith.constant 0 : i32
    %dma_wait3A_2336 = tpu.memref_slice %arg7[%dma_wait3A_2325, %dma_wait3A_2334, %dma_wait3A_2335] : memref<6x128x128xf32, #tpu.memory_space<vmem>> -> memref<1x128x128xf32, #tpu.memory_space<vmem>>
    %dma_wait3A_2337 = tpu.memref_squeeze %dma_wait3A_2336 : memref<1x128x128xf32, #tpu.memory_space<vmem>> -> memref<128x128xf32, #tpu.memory_space<vmem>>
    tpu.wait_dma2 semaphore(%arg27 : memref<!tpu.dma_semaphore, #tpu.memory_space<semaphore_mem>>) src(%dma_wait3A_2337 : memref<128x128xf32, #tpu.memory_space<vmem>>) dst(%dma_wait3A_2333 : memref<128x128xf32, #tpu.memory_space<hbm>>)
    %dma_wait3A_2338 = arith.constant 5 : i32
    %dma_wait3A_2339 = arith.constant 0 : i32
    %dma_wait3A_2340 = tpu.memref_slice %arg6[%dma_wait3A_2338, %dma_wait3A_2339] : memref<6x128xi32, #tpu.memory_space<vmem>> -> memref<1x128xi32, #tpu.memory_space<vmem>>
    %dma_wait3A_2341 = tpu.memref_squeeze %dma_wait3A_2340 : memref<1x128xi32, #tpu.memory_space<vmem>> -> memref<128xi32, #tpu.memory_space<vmem>>
    %dma_wait3A_2342 = tpu.memref_slice %arg3[%multiple_of3A_2100] : memref<100000xi32, #tpu.memory_space<hbm>> -> memref<128xi32, #tpu.memory_space<hbm>>
    %dma_wait3A_2343 = arith.constant 0 : i32
    %dma_wait3A_2344 = tpu.memref_slice %arg6[%dma_wait3A_2338, %dma_wait3A_2343] : memref<6x128xi32, #tpu.memory_space<vmem>> -> memref<1x128xi32, #tpu.memory_space<vmem>>
    %dma_wait3A_2345 = tpu.memref_squeeze %dma_wait3A_2344 : memref<1x128xi32, #tpu.memory_space<vmem>> -> memref<128xi32, #tpu.memory_space<vmem>>
    %dma_wait3A_2346 = tpu.memref_slice %arg3[%multiple_of3A_2100] : memref<100000xi32, #tpu.memory_space<hbm>> -> memref<128xi32, #tpu.memory_space<hbm>>
    tpu.wait_dma2 semaphore(%arg15 : memref<!tpu.dma_semaphore, #tpu.memory_space<semaphore_mem>>) src(%dma_wait3A_2346 : memref<128xi32, #tpu.memory_space<hbm>>) dst(%dma_wait3A_2345 : memref<128xi32, #tpu.memory_space<vmem>>)
    %dma_start3A_2347 = arith.constant 5 : i32
    %dma_start3A_2348 = arith.constant 5 : i32
    %dma_start3A_2349 = arith.constant 0 : i32
    %dma_start3A_2350 = arith.constant 0 : i32
    %dma_start3A_2351 = tpu.memref_slice %arg7[%dma_start3A_2348, %dma_start3A_2349, %dma_start3A_2350] : memref<6x128x128xf32, #tpu.memory_space<vmem>> -> memref<1x128x128xf32, #tpu.memory_space<vmem>>
    %dma_start3A_2352 = tpu.memref_squeeze %dma_start3A_2351 : memref<1x128x128xf32, #tpu.memory_space<vmem>> -> memref<128x128xf32, #tpu.memory_space<vmem>>
    %dma_start3A_2353 = arith.constant 0 : i32
    %dma_start3A_2354 = tpu.memref_slice %arg6[%dma_start3A_2347, %dma_start3A_2353] : memref<6x128xi32, #tpu.memory_space<vmem>> -> memref<1x128xi32, #tpu.memory_space<vmem>>
    %dma_start3A_2355 = tpu.memref_squeeze %dma_start3A_2354 : memref<1x128xi32, #tpu.memory_space<vmem>> -> memref<128xi32, #tpu.memory_space<vmem>>
    %dma_start3A_2356 = arith.constant 0 : i32
    %dma_start3A_2357 = arith.constant 0 : i32
    %dma_start3A_2358 = tpu.memref_slice %arg8[%dma_start3A_2356, %dma_start3A_2357] : memref<55x128xf32, #tpu.memory_space<vmem_shared>> -> memref<55x128xf32, #tpu.memory_space<vmem_shared>>
    tpu.enqueue_indirect_dma source(%dma_start3A_2358 : memref<55x128xf32, #tpu.memory_space<vmem_shared>>) target(%dma_start3A_2352 : memref<128x128xf32, #tpu.memory_space<vmem>>) offsets(%dma_start3A_2355 : memref<128xi32, #tpu.memory_space<vmem>>) semaphore(%arg21 : memref<!tpu.dma_semaphore, #tpu.memory_space<semaphore_mem>>)
    %dma_wait3A_2359 = arith.constant 3 : i32
    %dma_wait3A_2360 = arith.constant 3 : i32
    %dma_wait3A_2361 = arith.constant 0 : i32
    %dma_wait3A_2362 = arith.constant 0 : i32
    %dma_wait3A_2363 = tpu.memref_slice %arg7[%dma_wait3A_2360, %dma_wait3A_2361, %dma_wait3A_2362] : memref<6x128x128xf32, #tpu.memory_space<vmem>> -> memref<1x128x128xf32, #tpu.memory_space<vmem>>
    %dma_wait3A_2364 = tpu.memref_squeeze %dma_wait3A_2363 : memref<1x128x128xf32, #tpu.memory_space<vmem>> -> memref<128x128xf32, #tpu.memory_space<vmem>>
    %dma_wait3A_2365 = arith.constant 0 : i32
    %dma_wait3A_2366 = tpu.memref_slice %arg6[%dma_wait3A_2359, %dma_wait3A_2365] : memref<6x128xi32, #tpu.memory_space<vmem>> -> memref<1x128xi32, #tpu.memory_space<vmem>>
    %dma_wait3A_2367 = tpu.memref_squeeze %dma_wait3A_2366 : memref<1x128xi32, #tpu.memory_space<vmem>> -> memref<128xi32, #tpu.memory_space<vmem>>
    %dma_wait3A_2368 = arith.constant 0 : i32
    %dma_wait3A_2369 = arith.constant 0 : i32
    %dma_wait3A_2370 = tpu.memref_slice %arg8[%dma_wait3A_2368, %dma_wait3A_2369] : memref<55x128xf32, #tpu.memory_space<vmem_shared>> -> memref<55x128xf32, #tpu.memory_space<vmem_shared>>
    tpu.wait_indirect_dma semaphore(%arg19 : memref<!tpu.dma_semaphore, #tpu.memory_space<semaphore_mem>>) src(%dma_wait3A_2370 : memref<55x128xf32, #tpu.memory_space<vmem_shared>>) dst(%dma_wait3A_2364 : memref<128x128xf32, #tpu.memory_space<vmem>>)
    %add3A_2371 = arith.constant 672 : i32
    %add3A_2372 = arith.addi %add3A, %add3A_2371 : i32
    %mul3A_2373 = arith.constant 128 : i32
    %mul3A_2374 = arith.muli %add3A_2372, %mul3A_2373 : i32
    %min3A_2375 = arith.constant 99872 : i32
    %min3A_2376 = arith.minsi %mul3A_2374, %min3A_2375 : i32
    %multiple_of3A_2377 = tpu.assume_multiple %min3A_2376, 8 : i32
    %dma_start3A_2378 = arith.constant 3 : i32
    %dma_start3A_2379 = arith.constant 0 : i32
    %dma_start3A_2380 = arith.constant 0 : i32
    %dma_start3A_2381 = tpu.memref_slice %arg7[%dma_start3A_2378, %dma_start3A_2379, %dma_start3A_2380] : memref<6x128x128xf32, #tpu.memory_space<vmem>> -> memref<1x128x128xf32, #tpu.memory_space<vmem>>
    %dma_start3A_2382 = tpu.memref_squeeze %dma_start3A_2381 : memref<1x128x128xf32, #tpu.memory_space<vmem>> -> memref<128x128xf32, #tpu.memory_space<vmem>>
    %dma_start3A_2383 = arith.constant 0 : i32
    %dma_start3A_2384 = tpu.memref_slice %arg4[%multiple_of3A_2377, %dma_start3A_2383] : memref<100000x128xf32, #tpu.memory_space<hbm>> -> memref<128x128xf32, #tpu.memory_space<hbm>>
    %dma_start3A_2385 = arith.constant 0 : i32
    %dma_start3A_2386 = tpu.memref_slice %arg4[%multiple_of3A_2377, %dma_start3A_2385] : memref<100000x128xf32, #tpu.memory_space<hbm>> -> memref<128x128xf32, #tpu.memory_space<hbm>>
    %dma_start3A_2387 = arith.constant 0 : i32
    %dma_start3A_2388 = arith.constant 0 : i32
    %dma_start3A_2389 = tpu.memref_slice %arg7[%dma_start3A_2378, %dma_start3A_2387, %dma_start3A_2388] : memref<6x128x128xf32, #tpu.memory_space<vmem>> -> memref<1x128x128xf32, #tpu.memory_space<vmem>>
    %dma_start3A_2390 = tpu.memref_squeeze %dma_start3A_2389 : memref<1x128x128xf32, #tpu.memory_space<vmem>> -> memref<128x128xf32, #tpu.memory_space<vmem>>
    tpu.enqueue_dma source(%dma_start3A_2390 : memref<128x128xf32, #tpu.memory_space<vmem>>) target(%dma_start3A_2386 : memref<128x128xf32, #tpu.memory_space<hbm>>) target_semaphore(%arg25 : memref<!tpu.dma_semaphore, #tpu.memory_space<semaphore_mem>>)
    %dma_wait3A_2391 = arith.constant 0 : i32
    %dma_wait3A_2392 = arith.constant 0 : i32
    %dma_wait3A_2393 = arith.constant 0 : i32
    %dma_wait3A_2394 = tpu.memref_slice %arg7[%dma_wait3A_2391, %dma_wait3A_2392, %dma_wait3A_2393] : memref<6x128x128xf32, #tpu.memory_space<vmem>> -> memref<1x128x128xf32, #tpu.memory_space<vmem>>
    %dma_wait3A_2395 = tpu.memref_squeeze %dma_wait3A_2394 : memref<1x128x128xf32, #tpu.memory_space<vmem>> -> memref<128x128xf32, #tpu.memory_space<vmem>>
    %dma_wait3A_2396 = arith.constant 0 : i32
    %dma_wait3A_2397 = tpu.memref_slice %arg4[%multiple_of3A_2162, %dma_wait3A_2396] : memref<100000x128xf32, #tpu.memory_space<hbm>> -> memref<128x128xf32, #tpu.memory_space<hbm>>
    %dma_wait3A_2398 = arith.constant 0 : i32
    %dma_wait3A_2399 = tpu.memref_slice %arg4[%multiple_of3A_2162, %dma_wait3A_2398] : memref<100000x128xf32, #tpu.memory_space<hbm>> -> memref<128x128xf32, #tpu.memory_space<hbm>>
    %dma_wait3A_2400 = arith.constant 0 : i32
    %dma_wait3A_2401 = arith.constant 0 : i32
    %dma_wait3A_2402 = tpu.memref_slice %arg7[%dma_wait3A_2391, %dma_wait3A_2400, %dma_wait3A_2401] : memref<6x128x128xf32, #tpu.memory_space<vmem>> -> memref<1x128x128xf32, #tpu.memory_space<vmem>>
    %dma_wait3A_2403 = tpu.memref_squeeze %dma_wait3A_2402 : memref<1x128x128xf32, #tpu.memory_space<vmem>> -> memref<128x128xf32, #tpu.memory_space<vmem>>
    tpu.wait_dma2 semaphore(%arg22 : memref<!tpu.dma_semaphore, #tpu.memory_space<semaphore_mem>>) src(%dma_wait3A_2403 : memref<128x128xf32, #tpu.memory_space<vmem>>) dst(%dma_wait3A_2399 : memref<128x128xf32, #tpu.memory_space<hbm>>)
    %dma_wait3A_2404 = arith.constant 0 : i32
    %dma_wait3A_2405 = arith.constant 0 : i32
    %dma_wait3A_2406 = tpu.memref_slice %arg6[%dma_wait3A_2404, %dma_wait3A_2405] : memref<6x128xi32, #tpu.memory_space<vmem>> -> memref<1x128xi32, #tpu.memory_space<vmem>>
    %dma_wait3A_2407 = tpu.memref_squeeze %dma_wait3A_2406 : memref<1x128xi32, #tpu.memory_space<vmem>> -> memref<128xi32, #tpu.memory_space<vmem>>
    %dma_wait3A_2408 = tpu.memref_slice %arg3[%multiple_of3A_2183] : memref<100000xi32, #tpu.memory_space<hbm>> -> memref<128xi32, #tpu.memory_space<hbm>>
    %dma_wait3A_2409 = arith.constant 0 : i32
    %dma_wait3A_2410 = tpu.memref_slice %arg6[%dma_wait3A_2404, %dma_wait3A_2409] : memref<6x128xi32, #tpu.memory_space<vmem>> -> memref<1x128xi32, #tpu.memory_space<vmem>>
    %dma_wait3A_2411 = tpu.memref_squeeze %dma_wait3A_2410 : memref<1x128xi32, #tpu.memory_space<vmem>> -> memref<128xi32, #tpu.memory_space<vmem>>
    %dma_wait3A_2412 = tpu.memref_slice %arg3[%multiple_of3A_2183] : memref<100000xi32, #tpu.memory_space<hbm>> -> memref<128xi32, #tpu.memory_space<hbm>>
    tpu.wait_dma2 semaphore(%arg10 : memref<!tpu.dma_semaphore, #tpu.memory_space<semaphore_mem>>) src(%dma_wait3A_2412 : memref<128xi32, #tpu.memory_space<hbm>>) dst(%dma_wait3A_2411 : memref<128xi32, #tpu.memory_space<vmem>>)
    %dma_start3A_2413 = arith.constant 0 : i32
    %dma_start3A_2414 = arith.constant 0 : i32
    %dma_start3A_2415 = arith.constant 0 : i32
    %dma_start3A_2416 = arith.constant 0 : i32
    %dma_start3A_2417 = tpu.memref_slice %arg7[%dma_start3A_2414, %dma_start3A_2415, %dma_start3A_2416] : memref<6x128x128xf32, #tpu.memory_space<vmem>> -> memref<1x128x128xf32, #tpu.memory_space<vmem>>
    %dma_start3A_2418 = tpu.memref_squeeze %dma_start3A_2417 : memref<1x128x128xf32, #tpu.memory_space<vmem>> -> memref<128x128xf32, #tpu.memory_space<vmem>>
    %dma_start3A_2419 = arith.constant 0 : i32
    %dma_start3A_2420 = tpu.memref_slice %arg6[%dma_start3A_2413, %dma_start3A_2419] : memref<6x128xi32, #tpu.memory_space<vmem>> -> memref<1x128xi32, #tpu.memory_space<vmem>>
    %dma_start3A_2421 = tpu.memref_squeeze %dma_start3A_2420 : memref<1x128xi32, #tpu.memory_space<vmem>> -> memref<128xi32, #tpu.memory_space<vmem>>
    %dma_start3A_2422 = arith.constant 0 : i32
    %dma_start3A_2423 = arith.constant 0 : i32
    %dma_start3A_2424 = tpu.memref_slice %arg8[%dma_start3A_2422, %dma_start3A_2423] : memref<55x128xf32, #tpu.memory_space<vmem_shared>> -> memref<55x128xf32, #tpu.memory_space<vmem_shared>>
    tpu.enqueue_indirect_dma source(%dma_start3A_2424 : memref<55x128xf32, #tpu.memory_space<vmem_shared>>) target(%dma_start3A_2418 : memref<128x128xf32, #tpu.memory_space<vmem>>) offsets(%dma_start3A_2421 : memref<128xi32, #tpu.memory_space<vmem>>) semaphore(%arg16 : memref<!tpu.dma_semaphore, #tpu.memory_space<semaphore_mem>>)
    %dma_wait3A_2425 = arith.constant 4 : i32
    %dma_wait3A_2426 = arith.constant 4 : i32
    %dma_wait3A_2427 = arith.constant 0 : i32
    %dma_wait3A_2428 = arith.constant 0 : i32
    %dma_wait3A_2429 = tpu.memref_slice %arg7[%dma_wait3A_2426, %dma_wait3A_2427, %dma_wait3A_2428] : memref<6x128x128xf32, #tpu.memory_space<vmem>> -> memref<1x128x128xf32, #tpu.memory_space<vmem>>
    %dma_wait3A_2430 = tpu.memref_squeeze %dma_wait3A_2429 : memref<1x128x128xf32, #tpu.memory_space<vmem>> -> memref<128x128xf32, #tpu.memory_space<vmem>>
    %dma_wait3A_2431 = arith.constant 0 : i32
    %dma_wait3A_2432 = tpu.memref_slice %arg6[%dma_wait3A_2425, %dma_wait3A_2431] : memref<6x128xi32, #tpu.memory_space<vmem>> -> memref<1x128xi32, #tpu.memory_space<vmem>>
    %dma_wait3A_2433 = tpu.memref_squeeze %dma_wait3A_2432 : memref<1x128xi32, #tpu.memory_space<vmem>> -> memref<128xi32, #tpu.memory_space<vmem>>
    %dma_wait3A_2434 = arith.constant 0 : i32
    %dma_wait3A_2435 = arith.constant 0 : i32
    %dma_wait3A_2436 = tpu.memref_slice %arg8[%dma_wait3A_2434, %dma_wait3A_2435] : memref<55x128xf32, #tpu.memory_space<vmem_shared>> -> memref<55x128xf32, #tpu.memory_space<vmem_shared>>
    tpu.wait_indirect_dma semaphore(%arg20 : memref<!tpu.dma_semaphore, #tpu.memory_space<semaphore_mem>>) src(%dma_wait3A_2436 : memref<55x128xf32, #tpu.memory_space<vmem_shared>>) dst(%dma_wait3A_2430 : memref<128x128xf32, #tpu.memory_space<vmem>>)
    %add3A_2437 = arith.constant 704 : i32
    %add3A_2438 = arith.addi %add3A, %add3A_2437 : i32
    %mul3A_2439 = arith.constant 128 : i32
    %mul3A_2440 = arith.muli %add3A_2438, %mul3A_2439 : i32
    %min3A_2441 = arith.constant 99872 : i32
    %min3A_2442 = arith.minsi %mul3A_2440, %min3A_2441 : i32
    %multiple_of3A_2443 = tpu.assume_multiple %min3A_2442, 8 : i32
    %dma_start3A_2444 = arith.constant 4 : i32
    %dma_start3A_2445 = arith.constant 0 : i32
    %dma_start3A_2446 = arith.constant 0 : i32
    %dma_start3A_2447 = tpu.memref_slice %arg7[%dma_start3A_2444, %dma_start3A_2445, %dma_start3A_2446] : memref<6x128x128xf32, #tpu.memory_space<vmem>> -> memref<1x128x128xf32, #tpu.memory_space<vmem>>
    %dma_start3A_2448 = tpu.memref_squeeze %dma_start3A_2447 : memref<1x128x128xf32, #tpu.memory_space<vmem>> -> memref<128x128xf32, #tpu.memory_space<vmem>>
    %dma_start3A_2449 = arith.constant 0 : i32
    %dma_start3A_2450 = tpu.memref_slice %arg4[%multiple_of3A_2443, %dma_start3A_2449] : memref<100000x128xf32, #tpu.memory_space<hbm>> -> memref<128x128xf32, #tpu.memory_space<hbm>>
    %dma_start3A_2451 = arith.constant 0 : i32
    %dma_start3A_2452 = tpu.memref_slice %arg4[%multiple_of3A_2443, %dma_start3A_2451] : memref<100000x128xf32, #tpu.memory_space<hbm>> -> memref<128x128xf32, #tpu.memory_space<hbm>>
    %dma_start3A_2453 = arith.constant 0 : i32
    %dma_start3A_2454 = arith.constant 0 : i32
    %dma_start3A_2455 = tpu.memref_slice %arg7[%dma_start3A_2444, %dma_start3A_2453, %dma_start3A_2454] : memref<6x128x128xf32, #tpu.memory_space<vmem>> -> memref<1x128x128xf32, #tpu.memory_space<vmem>>
    %dma_start3A_2456 = tpu.memref_squeeze %dma_start3A_2455 : memref<1x128x128xf32, #tpu.memory_space<vmem>> -> memref<128x128xf32, #tpu.memory_space<vmem>>
    tpu.enqueue_dma source(%dma_start3A_2456 : memref<128x128xf32, #tpu.memory_space<vmem>>) target(%dma_start3A_2452 : memref<128x128xf32, #tpu.memory_space<hbm>>) target_semaphore(%arg26 : memref<!tpu.dma_semaphore, #tpu.memory_space<semaphore_mem>>)
    %dma_wait3A_2457 = arith.constant 5 : i32
    %dma_wait3A_2458 = arith.constant 5 : i32
    %dma_wait3A_2459 = arith.constant 0 : i32
    %dma_wait3A_2460 = arith.constant 0 : i32
    %dma_wait3A_2461 = tpu.memref_slice %arg7[%dma_wait3A_2458, %dma_wait3A_2459, %dma_wait3A_2460] : memref<6x128x128xf32, #tpu.memory_space<vmem>> -> memref<1x128x128xf32, #tpu.memory_space<vmem>>
    %dma_wait3A_2462 = tpu.memref_squeeze %dma_wait3A_2461 : memref<1x128x128xf32, #tpu.memory_space<vmem>> -> memref<128x128xf32, #tpu.memory_space<vmem>>
    %dma_wait3A_2463 = arith.constant 0 : i32
    %dma_wait3A_2464 = tpu.memref_slice %arg6[%dma_wait3A_2457, %dma_wait3A_2463] : memref<6x128xi32, #tpu.memory_space<vmem>> -> memref<1x128xi32, #tpu.memory_space<vmem>>
    %dma_wait3A_2465 = tpu.memref_squeeze %dma_wait3A_2464 : memref<1x128xi32, #tpu.memory_space<vmem>> -> memref<128xi32, #tpu.memory_space<vmem>>
    %dma_wait3A_2466 = arith.constant 0 : i32
    %dma_wait3A_2467 = arith.constant 0 : i32
    %dma_wait3A_2468 = tpu.memref_slice %arg8[%dma_wait3A_2466, %dma_wait3A_2467] : memref<55x128xf32, #tpu.memory_space<vmem_shared>> -> memref<55x128xf32, #tpu.memory_space<vmem_shared>>
    tpu.wait_indirect_dma semaphore(%arg21 : memref<!tpu.dma_semaphore, #tpu.memory_space<semaphore_mem>>) src(%dma_wait3A_2468 : memref<55x128xf32, #tpu.memory_space<vmem_shared>>) dst(%dma_wait3A_2462 : memref<128x128xf32, #tpu.memory_space<vmem>>)
    %add3A_2469 = arith.constant 736 : i32
    %add3A_2470 = arith.addi %add3A, %add3A_2469 : i32
    %mul3A_2471 = arith.constant 128 : i32
    %mul3A_2472 = arith.muli %add3A_2470, %mul3A_2471 : i32
    %min3A_2473 = arith.constant 99872 : i32
    %min3A_2474 = arith.minsi %mul3A_2472, %min3A_2473 : i32
    %multiple_of3A_2475 = tpu.assume_multiple %min3A_2474, 8 : i32
    %dma_start3A_2476 = arith.constant 5 : i32
    %dma_start3A_2477 = arith.constant 0 : i32
    %dma_start3A_2478 = arith.constant 0 : i32
    %dma_start3A_2479 = tpu.memref_slice %arg7[%dma_start3A_2476, %dma_start3A_2477, %dma_start3A_2478] : memref<6x128x128xf32, #tpu.memory_space<vmem>> -> memref<1x128x128xf32, #tpu.memory_space<vmem>>
    %dma_start3A_2480 = tpu.memref_squeeze %dma_start3A_2479 : memref<1x128x128xf32, #tpu.memory_space<vmem>> -> memref<128x128xf32, #tpu.memory_space<vmem>>
    %dma_start3A_2481 = arith.constant 0 : i32
    %dma_start3A_2482 = tpu.memref_slice %arg4[%multiple_of3A_2475, %dma_start3A_2481] : memref<100000x128xf32, #tpu.memory_space<hbm>> -> memref<128x128xf32, #tpu.memory_space<hbm>>
    %dma_start3A_2483 = arith.constant 0 : i32
    %dma_start3A_2484 = tpu.memref_slice %arg4[%multiple_of3A_2475, %dma_start3A_2483] : memref<100000x128xf32, #tpu.memory_space<hbm>> -> memref<128x128xf32, #tpu.memory_space<hbm>>
    %dma_start3A_2485 = arith.constant 0 : i32
    %dma_start3A_2486 = arith.constant 0 : i32
    %dma_start3A_2487 = tpu.memref_slice %arg7[%dma_start3A_2476, %dma_start3A_2485, %dma_start3A_2486] : memref<6x128x128xf32, #tpu.memory_space<vmem>> -> memref<1x128x128xf32, #tpu.memory_space<vmem>>
    %dma_start3A_2488 = tpu.memref_squeeze %dma_start3A_2487 : memref<1x128x128xf32, #tpu.memory_space<vmem>> -> memref<128x128xf32, #tpu.memory_space<vmem>>
    tpu.enqueue_dma source(%dma_start3A_2488 : memref<128x128xf32, #tpu.memory_space<vmem>>) target(%dma_start3A_2484 : memref<128x128xf32, #tpu.memory_space<hbm>>) target_semaphore(%arg27 : memref<!tpu.dma_semaphore, #tpu.memory_space<semaphore_mem>>)
    %dma_wait3A_2489 = arith.constant 0 : i32
    %dma_wait3A_2490 = arith.constant 0 : i32
    %dma_wait3A_2491 = arith.constant 0 : i32
    %dma_wait3A_2492 = arith.constant 0 : i32
    %dma_wait3A_2493 = tpu.memref_slice %arg7[%dma_wait3A_2490, %dma_wait3A_2491, %dma_wait3A_2492] : memref<6x128x128xf32, #tpu.memory_space<vmem>> -> memref<1x128x128xf32, #tpu.memory_space<vmem>>
    %dma_wait3A_2494 = tpu.memref_squeeze %dma_wait3A_2493 : memref<1x128x128xf32, #tpu.memory_space<vmem>> -> memref<128x128xf32, #tpu.memory_space<vmem>>
    %dma_wait3A_2495 = arith.constant 0 : i32
    %dma_wait3A_2496 = tpu.memref_slice %arg6[%dma_wait3A_2489, %dma_wait3A_2495] : memref<6x128xi32, #tpu.memory_space<vmem>> -> memref<1x128xi32, #tpu.memory_space<vmem>>
    %dma_wait3A_2497 = tpu.memref_squeeze %dma_wait3A_2496 : memref<1x128xi32, #tpu.memory_space<vmem>> -> memref<128xi32, #tpu.memory_space<vmem>>
    %dma_wait3A_2498 = arith.constant 0 : i32
    %dma_wait3A_2499 = arith.constant 0 : i32
    %dma_wait3A_2500 = tpu.memref_slice %arg8[%dma_wait3A_2498, %dma_wait3A_2499] : memref<55x128xf32, #tpu.memory_space<vmem_shared>> -> memref<55x128xf32, #tpu.memory_space<vmem_shared>>
    tpu.wait_indirect_dma semaphore(%arg16 : memref<!tpu.dma_semaphore, #tpu.memory_space<semaphore_mem>>) src(%dma_wait3A_2500 : memref<55x128xf32, #tpu.memory_space<vmem_shared>>) dst(%dma_wait3A_2494 : memref<128x128xf32, #tpu.memory_space<vmem>>)
    %add3A_2501 = arith.constant 768 : i32
    %add3A_2502 = arith.addi %add3A, %add3A_2501 : i32
    %lt3A_2503 = arith.constant 782 : i32
    %lt3A_2504 = arith.cmpi slt, %add3A_2502, %lt3A_2503 : i32
    %select_n3A_2505 = arith.select %lt3A_2504, %add3A_2502, %add3A : i32
    %mul3A_2506 = arith.constant 128 : i32
    %mul3A_2507 = arith.muli %select_n3A_2505, %mul3A_2506 : i32
    %min3A_2508 = arith.constant 99872 : i32
    %min3A_2509 = arith.minsi %mul3A_2507, %min3A_2508 : i32
    %multiple_of3A_2510 = tpu.assume_multiple %min3A_2509, 8 : i32
    %dma_start3A_2511 = arith.constant 0 : i32
    %dma_start3A_2512 = arith.constant 0 : i32
    %dma_start3A_2513 = arith.constant 0 : i32
    %dma_start3A_2514 = tpu.memref_slice %arg7[%dma_start3A_2511, %dma_start3A_2512, %dma_start3A_2513] : memref<6x128x128xf32, #tpu.memory_space<vmem>> -> memref<1x128x128xf32, #tpu.memory_space<vmem>>
    %dma_start3A_2515 = tpu.memref_squeeze %dma_start3A_2514 : memref<1x128x128xf32, #tpu.memory_space<vmem>> -> memref<128x128xf32, #tpu.memory_space<vmem>>
    %dma_start3A_2516 = arith.constant 0 : i32
    %dma_start3A_2517 = tpu.memref_slice %arg4[%multiple_of3A_2510, %dma_start3A_2516] : memref<100000x128xf32, #tpu.memory_space<hbm>> -> memref<128x128xf32, #tpu.memory_space<hbm>>
    %dma_start3A_2518 = arith.constant 0 : i32
    %dma_start3A_2519 = tpu.memref_slice %arg4[%multiple_of3A_2510, %dma_start3A_2518] : memref<100000x128xf32, #tpu.memory_space<hbm>> -> memref<128x128xf32, #tpu.memory_space<hbm>>
    %dma_start3A_2520 = arith.constant 0 : i32
    %dma_start3A_2521 = arith.constant 0 : i32
    %dma_start3A_2522 = tpu.memref_slice %arg7[%dma_start3A_2511, %dma_start3A_2520, %dma_start3A_2521] : memref<6x128x128xf32, #tpu.memory_space<vmem>> -> memref<1x128x128xf32, #tpu.memory_space<vmem>>
    %dma_start3A_2523 = tpu.memref_squeeze %dma_start3A_2522 : memref<1x128x128xf32, #tpu.memory_space<vmem>> -> memref<128x128xf32, #tpu.memory_space<vmem>>
    tpu.enqueue_dma source(%dma_start3A_2523 : memref<128x128xf32, #tpu.memory_space<vmem>>) target(%dma_start3A_2519 : memref<128x128xf32, #tpu.memory_space<hbm>>) target_semaphore(%arg22 : memref<!tpu.dma_semaphore, #tpu.memory_space<semaphore_mem>>)
    %dma_wait3A_2524 = arith.constant 1 : i32
    %dma_wait3A_2525 = arith.constant 0 : i32
    %dma_wait3A_2526 = arith.constant 0 : i32
    %dma_wait3A_2527 = tpu.memref_slice %arg7[%dma_wait3A_2524, %dma_wait3A_2525, %dma_wait3A_2526] : memref<6x128x128xf32, #tpu.memory_space<vmem>> -> memref<1x128x128xf32, #tpu.memory_space<vmem>>
    %dma_wait3A_2528 = tpu.memref_squeeze %dma_wait3A_2527 : memref<1x128x128xf32, #tpu.memory_space<vmem>> -> memref<128x128xf32, #tpu.memory_space<vmem>>
    %dma_wait3A_2529 = arith.constant 0 : i32
    %dma_wait3A_2530 = tpu.memref_slice %arg4[%multiple_of3A_2245, %dma_wait3A_2529] : memref<100000x128xf32, #tpu.memory_space<hbm>> -> memref<128x128xf32, #tpu.memory_space<hbm>>
    %dma_wait3A_2531 = arith.constant 0 : i32
    %dma_wait3A_2532 = tpu.memref_slice %arg4[%multiple_of3A_2245, %dma_wait3A_2531] : memref<100000x128xf32, #tpu.memory_space<hbm>> -> memref<128x128xf32, #tpu.memory_space<hbm>>
    %dma_wait3A_2533 = arith.constant 0 : i32
    %dma_wait3A_2534 = arith.constant 0 : i32
    %dma_wait3A_2535 = tpu.memref_slice %arg7[%dma_wait3A_2524, %dma_wait3A_2533, %dma_wait3A_2534] : memref<6x128x128xf32, #tpu.memory_space<vmem>> -> memref<1x128x128xf32, #tpu.memory_space<vmem>>
    %dma_wait3A_2536 = tpu.memref_squeeze %dma_wait3A_2535 : memref<1x128x128xf32, #tpu.memory_space<vmem>> -> memref<128x128xf32, #tpu.memory_space<vmem>>
    tpu.wait_dma2 semaphore(%arg23 : memref<!tpu.dma_semaphore, #tpu.memory_space<semaphore_mem>>) src(%dma_wait3A_2536 : memref<128x128xf32, #tpu.memory_space<vmem>>) dst(%dma_wait3A_2532 : memref<128x128xf32, #tpu.memory_space<hbm>>)
    %dma_wait3A_2537 = arith.constant 2 : i32
    %dma_wait3A_2538 = arith.constant 0 : i32
    %dma_wait3A_2539 = arith.constant 0 : i32
    %dma_wait3A_2540 = tpu.memref_slice %arg7[%dma_wait3A_2537, %dma_wait3A_2538, %dma_wait3A_2539] : memref<6x128x128xf32, #tpu.memory_space<vmem>> -> memref<1x128x128xf32, #tpu.memory_space<vmem>>
    %dma_wait3A_2541 = tpu.memref_squeeze %dma_wait3A_2540 : memref<1x128x128xf32, #tpu.memory_space<vmem>> -> memref<128x128xf32, #tpu.memory_space<vmem>>
    %dma_wait3A_2542 = arith.constant 0 : i32
    %dma_wait3A_2543 = tpu.memref_slice %arg4[%multiple_of3A_2311, %dma_wait3A_2542] : memref<100000x128xf32, #tpu.memory_space<hbm>> -> memref<128x128xf32, #tpu.memory_space<hbm>>
    %dma_wait3A_2544 = arith.constant 0 : i32
    %dma_wait3A_2545 = tpu.memref_slice %arg4[%multiple_of3A_2311, %dma_wait3A_2544] : memref<100000x128xf32, #tpu.memory_space<hbm>> -> memref<128x128xf32, #tpu.memory_space<hbm>>
    %dma_wait3A_2546 = arith.constant 0 : i32
    %dma_wait3A_2547 = arith.constant 0 : i32
    %dma_wait3A_2548 = tpu.memref_slice %arg7[%dma_wait3A_2537, %dma_wait3A_2546, %dma_wait3A_2547] : memref<6x128x128xf32, #tpu.memory_space<vmem>> -> memref<1x128x128xf32, #tpu.memory_space<vmem>>
    %dma_wait3A_2549 = tpu.memref_squeeze %dma_wait3A_2548 : memref<1x128x128xf32, #tpu.memory_space<vmem>> -> memref<128x128xf32, #tpu.memory_space<vmem>>
    tpu.wait_dma2 semaphore(%arg24 : memref<!tpu.dma_semaphore, #tpu.memory_space<semaphore_mem>>) src(%dma_wait3A_2549 : memref<128x128xf32, #tpu.memory_space<vmem>>) dst(%dma_wait3A_2545 : memref<128x128xf32, #tpu.memory_space<hbm>>)
    %dma_wait3A_2550 = arith.constant 3 : i32
    %dma_wait3A_2551 = arith.constant 0 : i32
    %dma_wait3A_2552 = arith.constant 0 : i32
    %dma_wait3A_2553 = tpu.memref_slice %arg7[%dma_wait3A_2550, %dma_wait3A_2551, %dma_wait3A_2552] : memref<6x128x128xf32, #tpu.memory_space<vmem>> -> memref<1x128x128xf32, #tpu.memory_space<vmem>>
    %dma_wait3A_2554 = tpu.memref_squeeze %dma_wait3A_2553 : memref<1x128x128xf32, #tpu.memory_space<vmem>> -> memref<128x128xf32, #tpu.memory_space<vmem>>
    %dma_wait3A_2555 = arith.constant 0 : i32
    %dma_wait3A_2556 = tpu.memref_slice %arg4[%multiple_of3A_2377, %dma_wait3A_2555] : memref<100000x128xf32, #tpu.memory_space<hbm>> -> memref<128x128xf32, #tpu.memory_space<hbm>>
    %dma_wait3A_2557 = arith.constant 0 : i32
    %dma_wait3A_2558 = tpu.memref_slice %arg4[%multiple_of3A_2377, %dma_wait3A_2557] : memref<100000x128xf32, #tpu.memory_space<hbm>> -> memref<128x128xf32, #tpu.memory_space<hbm>>
    %dma_wait3A_2559 = arith.constant 0 : i32
    %dma_wait3A_2560 = arith.constant 0 : i32
    %dma_wait3A_2561 = tpu.memref_slice %arg7[%dma_wait3A_2550, %dma_wait3A_2559, %dma_wait3A_2560] : memref<6x128x128xf32, #tpu.memory_space<vmem>> -> memref<1x128x128xf32, #tpu.memory_space<vmem>>
    %dma_wait3A_2562 = tpu.memref_squeeze %dma_wait3A_2561 : memref<1x128x128xf32, #tpu.memory_space<vmem>> -> memref<128x128xf32, #tpu.memory_space<vmem>>
    tpu.wait_dma2 semaphore(%arg25 : memref<!tpu.dma_semaphore, #tpu.memory_space<semaphore_mem>>) src(%dma_wait3A_2562 : memref<128x128xf32, #tpu.memory_space<vmem>>) dst(%dma_wait3A_2558 : memref<128x128xf32, #tpu.memory_space<hbm>>)
    %dma_wait3A_2563 = arith.constant 4 : i32
    %dma_wait3A_2564 = arith.constant 0 : i32
    %dma_wait3A_2565 = arith.constant 0 : i32
    %dma_wait3A_2566 = tpu.memref_slice %arg7[%dma_wait3A_2563, %dma_wait3A_2564, %dma_wait3A_2565] : memref<6x128x128xf32, #tpu.memory_space<vmem>> -> memref<1x128x128xf32, #tpu.memory_space<vmem>>
    %dma_wait3A_2567 = tpu.memref_squeeze %dma_wait3A_2566 : memref<1x128x128xf32, #tpu.memory_space<vmem>> -> memref<128x128xf32, #tpu.memory_space<vmem>>
    %dma_wait3A_2568 = arith.constant 0 : i32
    %dma_wait3A_2569 = tpu.memref_slice %arg4[%multiple_of3A_2443, %dma_wait3A_2568] : memref<100000x128xf32, #tpu.memory_space<hbm>> -> memref<128x128xf32, #tpu.memory_space<hbm>>
    %dma_wait3A_2570 = arith.constant 0 : i32
    %dma_wait3A_2571 = tpu.memref_slice %arg4[%multiple_of3A_2443, %dma_wait3A_2570] : memref<100000x128xf32, #tpu.memory_space<hbm>> -> memref<128x128xf32, #tpu.memory_space<hbm>>
    %dma_wait3A_2572 = arith.constant 0 : i32
    %dma_wait3A_2573 = arith.constant 0 : i32
    %dma_wait3A_2574 = tpu.memref_slice %arg7[%dma_wait3A_2563, %dma_wait3A_2572, %dma_wait3A_2573] : memref<6x128x128xf32, #tpu.memory_space<vmem>> -> memref<1x128x128xf32, #tpu.memory_space<vmem>>
    %dma_wait3A_2575 = tpu.memref_squeeze %dma_wait3A_2574 : memref<1x128x128xf32, #tpu.memory_space<vmem>> -> memref<128x128xf32, #tpu.memory_space<vmem>>
    tpu.wait_dma2 semaphore(%arg26 : memref<!tpu.dma_semaphore, #tpu.memory_space<semaphore_mem>>) src(%dma_wait3A_2575 : memref<128x128xf32, #tpu.memory_space<vmem>>) dst(%dma_wait3A_2571 : memref<128x128xf32, #tpu.memory_space<hbm>>)
    %dma_wait3A_2576 = arith.constant 5 : i32
    %dma_wait3A_2577 = arith.constant 0 : i32
    %dma_wait3A_2578 = arith.constant 0 : i32
    %dma_wait3A_2579 = tpu.memref_slice %arg7[%dma_wait3A_2576, %dma_wait3A_2577, %dma_wait3A_2578] : memref<6x128x128xf32, #tpu.memory_space<vmem>> -> memref<1x128x128xf32, #tpu.memory_space<vmem>>
    %dma_wait3A_2580 = tpu.memref_squeeze %dma_wait3A_2579 : memref<1x128x128xf32, #tpu.memory_space<vmem>> -> memref<128x128xf32, #tpu.memory_space<vmem>>
    %dma_wait3A_2581 = arith.constant 0 : i32
    %dma_wait3A_2582 = tpu.memref_slice %arg4[%multiple_of3A_2475, %dma_wait3A_2581] : memref<100000x128xf32, #tpu.memory_space<hbm>> -> memref<128x128xf32, #tpu.memory_space<hbm>>
    %dma_wait3A_2583 = arith.constant 0 : i32
    %dma_wait3A_2584 = tpu.memref_slice %arg4[%multiple_of3A_2475, %dma_wait3A_2583] : memref<100000x128xf32, #tpu.memory_space<hbm>> -> memref<128x128xf32, #tpu.memory_space<hbm>>
    %dma_wait3A_2585 = arith.constant 0 : i32
    %dma_wait3A_2586 = arith.constant 0 : i32
    %dma_wait3A_2587 = tpu.memref_slice %arg7[%dma_wait3A_2576, %dma_wait3A_2585, %dma_wait3A_2586] : memref<6x128x128xf32, #tpu.memory_space<vmem>> -> memref<1x128x128xf32, #tpu.memory_space<vmem>>
    %dma_wait3A_2588 = tpu.memref_squeeze %dma_wait3A_2587 : memref<1x128x128xf32, #tpu.memory_space<vmem>> -> memref<128x128xf32, #tpu.memory_space<vmem>>
    tpu.wait_dma2 semaphore(%arg27 : memref<!tpu.dma_semaphore, #tpu.memory_space<semaphore_mem>>) src(%dma_wait3A_2588 : memref<128x128xf32, #tpu.memory_space<vmem>>) dst(%dma_wait3A_2584 : memref<128x128xf32, #tpu.memory_space<hbm>>)
    %dma_wait3A_2589 = arith.constant 0 : i32
    %dma_wait3A_2590 = arith.constant 0 : i32
    %dma_wait3A_2591 = arith.constant 0 : i32
    %dma_wait3A_2592 = tpu.memref_slice %arg7[%dma_wait3A_2589, %dma_wait3A_2590, %dma_wait3A_2591] : memref<6x128x128xf32, #tpu.memory_space<vmem>> -> memref<1x128x128xf32, #tpu.memory_space<vmem>>
    %dma_wait3A_2593 = tpu.memref_squeeze %dma_wait3A_2592 : memref<1x128x128xf32, #tpu.memory_space<vmem>> -> memref<128x128xf32, #tpu.memory_space<vmem>>
    %dma_wait3A_2594 = arith.constant 0 : i32
    %dma_wait3A_2595 = tpu.memref_slice %arg4[%multiple_of3A_2510, %dma_wait3A_2594] : memref<100000x128xf32, #tpu.memory_space<hbm>> -> memref<128x128xf32, #tpu.memory_space<hbm>>
    %dma_wait3A_2596 = arith.constant 0 : i32
    %dma_wait3A_2597 = tpu.memref_slice %arg4[%multiple_of3A_2510, %dma_wait3A_2596] : memref<100000x128xf32, #tpu.memory_space<hbm>> -> memref<128x128xf32, #tpu.memory_space<hbm>>
    %dma_wait3A_2598 = arith.constant 0 : i32
    %dma_wait3A_2599 = arith.constant 0 : i32
    %dma_wait3A_2600 = tpu.memref_slice %arg7[%dma_wait3A_2589, %dma_wait3A_2598, %dma_wait3A_2599] : memref<6x128x128xf32, #tpu.memory_space<vmem>> -> memref<1x128x128xf32, #tpu.memory_space<vmem>>
    %dma_wait3A_2601 = tpu.memref_squeeze %dma_wait3A_2600 : memref<1x128x128xf32, #tpu.memory_space<vmem>> -> memref<128x128xf32, #tpu.memory_space<vmem>>
    tpu.wait_dma2 semaphore(%arg22 : memref<!tpu.dma_semaphore, #tpu.memory_space<semaphore_mem>>) src(%dma_wait3A_2601 : memref<128x128xf32, #tpu.memory_space<vmem>>) dst(%dma_wait3A_2597 : memref<128x128xf32, #tpu.memory_space<hbm>>)
    return
  }
}

</mosaic_0001>

<sc_bundles>
// kernel: kernel.3.cloned.1.call-start
scs
__scs_entry_jumppad:
0x0: {  	(pc) =	sbr.rel $0x88, $3  }
0x1: {  	(tag) =	ssettag $0x0;
	lr =	simm.s32 $0x1  }
0x2: {  	[smem:$0x3F9F] =	sst lr;
	_ =	strace $0xD0000000  }
0x3: {  	_ = 	snop  }
0x4: {  	_ = 	snop  }
0x5: {  	_ = 	snop  }
0x6: {  	_ = 	snop  }
0x7: {  	_ = 	snop  }
__scs_overlays_trampoline_lowered:
0x8: {  	[smem:$0x3FAE] =	sst s0  }
0x9: {  	[smem:$0x3FAF] =	sst s1  }
0xa: {  	[smem:$0x3FB0] =	sst s2  }
0xb: {  	[smem:$0x3FB1] =	sst s3  }
0xc: {  	[smem:$0x3FB2] =	sst s4  }
0xd: {  	[smem:$0x3FB3] =	sst s5  }
0xe: {  	[smem:$0x3FB4] =	sst s6  }
0xf: {  	[smem:$0x3FB5] =	sst s7  }
0x10: {  	[smem:$0x3FB6] =	sst s8  }
0x11: {  	[smem:$0x3FB7] =	sst s9;
	s0 =	simm.s32 @!p0 $0x0  }
0x12: {  	s1 =	sld [smem:$0x3F9D];
	s0 =	simm.s32 @p0 $0x1  }
0x13: {  	[smem:$0x3FB8] =	sst s0;
	s0 =	simm.s32 @!p1 $0x0  }
0x14: {  	s2 =	sld [smem:$0x3F9C];
	s0 =	simm.s32 @p1 $0x1  }
0x15: {  	[smem:$0x3FB9] =	sst s0;
	s0 =	simm.s32 @!p2 $0x0  }
0x16: {  	s3 =	sld [smem:$0x3FDB];
	s0 =	simm.s32 @p2 $0x1  }
0x17: {  	s4 =	simm.s32 $0x1BF5;
	[smem:$0x3FBB] =	sst s0  }
0x18: {  	s0 =	sld [smem:$0x3F9E];
	_ =	swait.ge [sflag:s4], $0x0  }
0x19: {  	s7 =	sld [smem:$0x3F9F]  }
0x1a: {  	s8 =	sadd.s32 $0xFFFFE003, lr  }
0x1b: {  	s9 =	sadd.s32 $0xFFFFFEF7, lr;
	s5 =	simm.s32 $0xFFFFFFFF;
	p2 =	slt.u32 s8, $0xFFFFF086  }
0x1c: {  	p1 =	slt.u32 s9, $0xF7A;
	s5 =	simm.s32 @!p2 $0x0  }
0x1d: {  	s5 =	simm.s32 @p1 $0x1;
	p0 =	seq.s32 s7, s2  }
0x1e: {  	s7 =	smul.u32 @!p0 $0xF7A, s2;
	p2 =	seq.s32 @!p0 s5, $0x0  }
0x1f: {  	s9 =	smul.u32 $0xF7A, s1;
	s8 =	simm.s32 @!p0 $0x1BF5;
	p2 =	por !p2, p0  }
0x20: {  	[sflag:s8] =	ssyncset.s32 @!p0 $0xFFFFF086;
	s6 =	sadd.s32 @!p0 s3, s7;
	s7 =	simm.s32 @!p0 $0x108  }
0x21: {  	s3 =	sadd.s32 s3, s9;
	s6 =	sadd.s32 @!p0 $0x88, s6;
	s7 =	simm.s32 @p2 $0x1082  }
0x22: {  	[simem:s7], [sflag:s8] =	dma.local @!p0 [hbm:s6], $0xF7A  }
0x23: {  	s9 =	sor.u32 $0xD0000000, s2;
	s6 =	simm.s32 $0x108;
	_ =	swait.ge @!p0 [sflag:s8], $0x0  }
0x24: {  	s3 =	sadd.s32 $0x88, s3;
	s6 =	simm.s32 @!p1 $0x1082;
	[sflag:s4] =	ssyncset.s32 $0xFFFFF086  }
0x25: {  	[simem:s6], [sflag:s4] =	dma.local [hbm:s3], $0xF7A  }
0x26: {  	[smem:$0x3F9F] =	sst s1;
	(tag) =	ssettag s2;
	_ =	strace s9  }
0x27: {  	s1 =	sld [smem:$0x3FAF]  }
0x28: {  	s2 =	sld [smem:$0x3FB0]  }
0x29: {  	s4 =	sld [smem:$0x3FB2]  }
0x2a: {  	p0 =	seq.s32 s5, $0x0;
	s5 =	sld [smem:$0x3FB3]  }
0x2b: {  	s6 =	sld [smem:$0x3FB4]  }
0x2c: {  	s7 =	sld [smem:$0x3FB5]  }
0x2d: {  	s3 =	simm.s32 $0x108;
	s8 =	sld [smem:$0x3FB6]  }
0x2e: {  	s3 =	simm.s32 @!p0 $0x1082;
	s9 =	sld [smem:$0x3FB7]  }
0x2f: {  	lr =	sadd.s32 s0, s3;
	s0 =	sld [smem:$0x3FAE]  }
0x30: {  	s3 =	sld [smem:$0x3FB1]  }
0x31: {  	[smem:$0x3FBA] =	sst s10  }
0x32: {  	s10 =	sld [smem:$0x3FB8];
	_ =	sdelay $0x3  }
0x33: {  	p0 =	seq.s32 s10, $0x1;
	s10 =	sld [smem:$0x3FBA];
	_ =	sdelay $0x3  }
0x34: {  	[smem:$0x3FBA] =	sst s10  }
0x35: {  	s10 =	sld [smem:$0x3FB9];
	_ =	sdelay $0x3  }
0x36: {  	p1 =	seq.s32 s10, $0x1;
	s10 =	sld [smem:$0x3FBA];
	_ =	sdelay $0x3  }
0x37: {  	[smem:$0x3FBA] =	sst s10  }
0x38: {  	s10 =	sld [smem:$0x3FBB]  }
0x39: {  	_ = 	snop;
	(pc) =	sbr.ind lr, $3  }
0x3a: {  	_ = 	snop  }
0x3b: {  	_ = 	snop  }
0x3c: {  	p2 =	seq.s32 s10, $0x1;
	s10 =	sld [smem:$0x3FBA]  }
0x3d: {  	_ =	shalt  }
0x3e: {  	_ =	shalt  }
0x3f: {  	_ =	shalt  }
0x40: {  	_ =	shalt  }
0x41: {  	_ =	shalt  }
0x42: {  	_ =	shalt  }
0x43: {  	_ =	shalt  }
0x44: {  	_ =	shalt  }
0x45: {  	_ =	shalt  }
0x46: {  	_ =	shalt  }
0x47: {  	_ =	shalt  }
0x48: {  	_ =	shalt  }
0x49: {  	_ =	shalt  }
0x4a: {  	_ =	shalt  }
0x4b: {  	_ =	shalt  }
0x4c: {  	_ =	shalt  }
0x4d: {  	_ =	shalt  }
0x4e: {  	_ =	shalt  }
0x4f: {  	_ =	shalt  }
0x50: {  	_ =	shalt  }
0x51: {  	_ =	shalt  }
0x52: {  	_ =	shalt  }
0x53: {  	_ =	shalt  }
0x54: {  	_ =	shalt  }
0x55: {  	_ =	shalt  }
0x56: {  	_ =	shalt  }
0x57: {  	_ =	shalt  }
0x58: {  	_ =	shalt  }
0x59: {  	_ =	shalt  }
0x5a: {  	_ =	shalt  }
0x5b: {  	_ =	shalt  }
0x5c: {  	_ =	shalt  }
0x5d: {  	_ =	shalt  }
0x5e: {  	_ =	shalt  }
0x5f: {  	_ =	shalt  }
0x60: {  	_ =	shalt  }
0x61: {  	_ =	shalt  }
0x62: {  	_ =	shalt  }
0x63: {  	_ =	shalt  }
0x64: {  	_ =	shalt  }
0x65: {  	_ =	shalt  }
0x66: {  	_ =	shalt  }
0x67: {  	_ =	shalt  }
0x68: {  	_ =	shalt  }
0x69: {  	_ =	shalt  }
0x6a: {  	_ =	shalt  }
0x6b: {  	_ =	shalt  }
0x6c: {  	_ =	shalt  }
0x6d: {  	_ =	shalt  }
0x6e: {  	_ =	shalt  }
0x6f: {  	_ =	shalt  }
0x70: {  	_ =	shalt  }
0x71: {  	_ =	shalt  }
0x72: {  	_ =	shalt  }
0x73: {  	_ =	shalt  }
0x74: {  	_ =	shalt  }
0x75: {  	_ =	shalt  }
0x76: {  	_ =	shalt  }
0x77: {  	_ =	shalt  }
0x78: {  	_ =	shalt  }
0x79: {  	_ =	shalt  }
0x7a: {  	_ =	shalt  }
0x7b: {  	_ =	shalt  }
0x7c: {  	_ =	shalt  }
0x7d: {  	_ =	shalt  }
0x7e: {  	_ =	shalt  }
0x7f: {  	_ =	shalt  }
0x80: {  	_ =	shalt  }
0x81: {  	_ =	shalt  }
0x82: {  	_ =	shalt  }
0x83: {  	_ =	shalt  }
0x84: {  	_ =	shalt  }
0x85: {  	_ =	shalt  }
0x86: {  	_ =	shalt  }
0x87: {  	_ =	shalt  }
.Lfunc_end0:
.L_simem_size_0:
called_computation_lowered:
.L_overlay_start_0:
0x88: {  	s2 =	sld [smem:$0x3FD9]  }
0x89: {  	s3 =	sld [smem:$0x3FFE];
	_ =	sdelay $0x1  }
0x8a: {  	s1 =	srdreg.scid  }
0x8b: {  	s0 =	sand.u32 $0x1, s1  }
0x8c: {  	s18 =	sshll.u32 s0, $0xA;
	s2 =	sadd.s32 s3, s2  }
0x8d: {  	s2 =	sadd.s32 s2, s18  }
0x8e: {  	[smem:$0x3FC6] =	sst s2  }
0x8f: {  	_ = 	snop  }
0x90: {  	s2 =	sld [smem:$0x3FC9]  }
0x91: {  	s19 =	sld [smem:$0x3FC8]  }
0x92: {  	s4 =	sld [smem:$0x3FD0];
	(tm) =	ssettm $0x1  }
0x93: {  	s5 =	sld [smem:$0x3FFB];
	_ =	sdelay $0x3  }
0x94: {  	_ =	strace s5  }
0x95: {  	s5 =	sld [smem:$0x3FFC];
	_ =	sdelay $0x3  }
0x96: {  	_ =	strace s5  }
0x97: {  	s5 =	sld [smem:$0x3FFD];
	_ =	sdelay $0x3  }
0x98: {  	_ =	strace s5  }
0x99: {  	_ =	strace $0x8FFFFFFF  }
0x9a: {  	s20 =	sld [smem:$0x3FDB];
	_ =	sdelay $0x1  }
0x9b: {  	s6 =	simm.s32 $_scs_section_size  }
0x9c: {  	s7 =	simm.s32 $_size__tile_overlayer_lowered;
	s8 =	simm.s32 $_tile_overlayer_lowered  }
0x9d: {  	s23 =	simm.s32 $0x1BFF;
	s22 =	sshll.u32 s8, $0x1;
	s5 =	sadd.s32 s6, s20  }
0x9e: {  	s9 =	simm.s32 $0x0;
	s21 =	sshll.u32 s7, $0x1;
	s7 =	sadd.s32 s22, s5  }
0x9f: {  	[timem:s9], [sflag:s23] =	dma.local [hbm:s7], s21  }
0xa0: {  	_ =	swait.ge [sflag:s23], s21  }
0xa1: {  	s6 =	ssub.s32 $0x0, s21;
	[sflag:s23] =	ssyncset.done $0x0  }
0xa2: {  	[sflag:s23] =	ssyncadd.s32 s6;
	_ =	sdelay $0x1  }
0xa3: {  	s24 =	simm.s32 $0x1B8B  }
0xa4: {  	_ =	swait.ge [sflag:s24], $0x1  }
0xa5: {  	[sflag:s24] =	ssyncset.done $0x0  }
0xa6: {  	s25 =	simm.s32 $0x1B8E;
	[sflag:s24] =	ssyncadd.s32 $0xFFFFFFFF  }
0xa7: {  	s26 =	simm.s32 $execute0_lowered;
	[smem:$0x3FD2] =	sst s25  }
0xa8: {  	s6 =	sshll.u32 s26, $0x1;
	_ =	strace $0x80000046;
	[dreg:$0x1] =	wrdreg $0xFFFFFFFF  }
0xa9: {  	s28 =	simm.s32 $_size_execute0_lowered;
	s5 =	sadd.s32 s5, s6;
	[dreg:$0x0] =	wrdreg $0x0  }
0xaa: {  	s6 =	sshll.u32 s28, $0x1;
	[dreg:$0x2] =	wrdreg s5  }
0xab: {  	[dreg:$0x3] =	wrdreg s6  }
0xac: {  	[dreg:$0x4] =	wrdreg $0xC0  }
0xad: {  	_ =	task [dreg:s9], $0x5FFFF  }
0xae: {  	[dreg:$0x1] =	wrdreg $0xFFFFFFFF  }
0xaf: {  	[dreg:$0x0] =	wrdreg $0x60  }
0xb0: {  	[dreg:$0x2] =	wrdreg s19  }
0xb1: {  	[dreg:$0x3] =	wrdreg s2  }
0xb2: {  	[dreg:$0x4] =	wrdreg s4  }
0xb3: {  	[dreg:$0x5] =	wrdreg $0x1A0000  }
0xb4: {  	[dreg:$0x6] =	wrdreg $0x9  }
0xb5: {  	_ =	task.clear_ibuf [dreg:s9], $0x7FFFF;
	_ =	strace $0x90000046  }
0xb6: {  	s29 =	simm.s32 $0x9;
	_ =	strace $0x80000048  }
0xb7: {  	_ =	swait.ge [sflag:s29], $0x1  }
0xb8: {  	[sflag:s29] =	ssyncadd.s32 $0xFFFFFFFF  }
0xb9: {  	_ =	strace $0x90000048  }
0xba: {  	_ =	sfence  }
0xbb: {  	s30 =	sld [smem:$0x0];
	_ =	sdelay $0x2  }
0xbc: {  	s31 =	sshll.u32 s1, $0xD;
	s1 =	sshrl.u32 s1, $0x2  }
0xbd: {  	s3 =	sand.u32 $0x4000, s31;
	s1 =	sadd.s32 s1, s30  }
0xbe: {  	s0 =	sor.u32 s3, s0;
	s1 =	sshll.u32 s1, $0x11  }
0xbf: {  	s0 =	sor.u32 s1, s0  }
0xc0: {  	s0 =	sadd.s32 $0x8F2B, s0  }
0xc1: {  	[sflag:s0] =	ssyncadd.remote.s32 $0x1  }
0xc2: {  	_ =	sfence.sel $0xFFFF  }
0xc3: {  	[dreg:$0x0] =	wrdreg $0xFFFFFFFF;
	(pc) =	sbr.abs _section_cstart, $3  }
0xc4: {  	[dreg:$0x1] =	wrdreg $0xFFFFFFFF  }
0xc5: {  	_ =	task.clear_ibuf [dreg:s9], $0x2FFFF;
	_ =	strace $0x9FFFFFFF  }
0xc6: {  	(tm) =	ssettm $0x7FFFFFFF  }
0xc7: {  	_ =	shalt  }
tec
execute0_lowered:
.L_overlay_start_1:
0x0: {  	(tag) =	ssettag $0x1  }
0x1: {  	s0 =	rddreg [dreg:$0x0]  }
0x2: {  	s1 =	rddreg [dreg:$0x1]  }
0x3: {  	s2 =	srdreg.scid;
	s15 =	stileid.u32  }
0x4: {  	s21 =	rddreg [dreg:$0x3];
	s3 =	simm.s32 $0x0;
	s28 =	simm.s32 $0x6  }
0x5: {  	s29 =	simm.s32 $0xA;
	s31 =	simm.s32 $0x7;
	[dreg:$0x5] =	wrdreg s0  }
0x6: {  	s0 =	rddreg [dreg:$0x2];
	s6 =	sand.u32 $0x1, s2;
	s4 =	sshll.u32 s15, $0x8  }
0x7: {  	[smem:$0x7FF] =	sst s3;
	s13 =	sshll.u32 s15, $0x2;
	s5 =	sshll.u32 s6, $0x7  }
0x8: {  	p0 =	slt.u32 s15, $0x7;
	_ =	strace $0x80000047;
	s5 =	sor.u32 s5, s4  }
0x9: {  	s13 =	smin.u32 s13, $0x33;
	s6 =	ssub.s32 $0x2, s6;
	s4 =	sshrl.u32 s5, $0x3  }
0xa: {  	s7 =	sor.u32 $0x1000, s5;
	s8 =	sor.u32 $0x2000, s5;
	s10 =	sor.u32 $0x3000, s5  }
0xb: {  	s26 =	sor.u32 $0x4000, s5;
	s11 =	sor.u32 $0x5000, s5;
	s14 =	sshll.u32 s5, $0x4  }
0xc: {  	s2 =	sor.u32 $0x6000, s5;
	s15 =	sor.u32 $0x18000, s5;
	s4 =	sadd.s32 s1, s4  }
0xd: {  	s22 =	sshrl.u32 s7, $0x3;
	s9 =	sshrl.u32 s8, $0x3;
	s24 =	sshrl.u32 s10, $0x3  }
0xe: {  	s30 =	sshrl.u32 s26, $0x3;
	s12 =	sshrl.u32 s11, $0x3;
	s16 =	sadd.s32 s0, s14  }
0xf: {  	s17 =	sshrl.u32 s2, $0x3;
	s7 =	sshll.u32 s7, $0x4;
	[dreg:$0x6] =	wrdreg s4  }
0x10: {  	s8 =	sshll.u32 s8, $0x4;
	s4 =	sadd.s32 s1, s22;
	[dreg:$0xd] =	wrdreg s16  }
0x11: {  	s14 =	sshll.u32 s11, $0x4;
	s23 =	sadd.s32 s1, s9;
	[dreg:$0x7] =	wrdreg s4  }
0x12: {  	s11 =	sor.u32 $0xD000, s5;
	s25 =	sadd.s32 s1, s24;
	[dreg:$0x8] =	wrdreg s23  }
0x13: {  	s12 =	sadd.s32 s1, s12;
	s18 =	sadd.s32 s1, s17;
	[dreg:$0x9] =	wrdreg s25  }
0x14: {  	s7 =	sadd.s32 s0, s7;
	s20 =	sadd.s32 s0, s8;
	[dreg:$0xb] =	wrdreg s12  }
0x15: {  	s8 =	sor.u32 $0x9000, s5;
	s9 =	sshll.u32 s26, $0x4;
	[dreg:$0xe] =	wrdreg s18  }
0x16: {  	s16 =	sadd.s32 s0, s14;
	s4 =	sadd.s32 s1, s30;
	[dreg:$0xf] =	wrdreg s7  }
0x17: {  	[dreg:$0x11] =	wrdreg s20;
	s23 =	sshll.u32 s10, $0x4;
	s25 =	sshrl.u32 s8, $0x3  }
0x18: {  	s10 =	sor.u32 $0xA000, s5;
	s26 =	sadd.s32 s0, s9;
	[dreg:$0x17] =	wrdreg s16  }
0x19: {  	s18 =	sshll.u32 s2, $0x4;
	s2 =	sor.u32 $0xC000, s5;
	s8 =	sshll.u32 s8, $0x4  }
0x1a: {  	[dreg:$0xa] =	wrdreg s4;
	s4 =	sshll.u32 s13, $0x7;
	s13 =	sor.u32 $0x8000, s5  }
0x1b: {  	s24 =	sadd.s32 s0, s23;
	s30 =	sshrl.u32 s10, $0x3;
	[dreg:$0x15] =	wrdreg s26  }
0x1c: {  	s20 =	sshrl.u32 s2, $0x3;
	s16 =	sadd.s32 s0, s8;
	s8 =	sor.u32 $0xF000, s5  }
0x1d: {  	s10 =	sshll.u32 s10, $0x4;
	s12 =	sadd.s32 s4, s21;
	[dreg:$0x13] =	wrdreg s24  }
0x1e: {  	s21 =	sshrl.u32 s13, $0x3;
	s9 =	sadd.s32 s1, s30;
	[dreg:$0x1f] =	wrdreg s16  }
0x1f: {  	s24 =	sshrl.u32 s11, $0x3;
	[dreg:$0xc] =	wrdreg s12;
	s12 =	sor.u32 $0x7000, s5  }
0x20: {  	s22 =	sadd.s32 s1, s21;
	[dreg:$0x16] =	wrdreg s9;
	s9 =	sor.u32 $0xB000, s5  }
0x21: {  	s21 =	sadd.s32 s1, s20;
	s19 =	sshrl.u32 s12, $0x3;
	[dreg:$0x12] =	wrdreg s22  }
0x22: {  	s17 =	sshrl.u32 s9, $0x3;
	s22 =	sshll.u32 s12, $0x4;
	[dreg:$0x1a] =	wrdreg s21  }
0x23: {  	s12 =	sor.u32 $0x10000, s5;
	s9 =	sshll.u32 s9, $0x4;
	s7 =	sadd.s32 s1, s19  }
0x24: {  	s19 =	sadd.s32 s0, s18;
	s23 =	sadd.s32 s0, s22;
	[dreg:$0x10] =	wrdreg s7  }
0x25: {  	s18 =	sadd.s32 s0, s10;
	s21 =	sadd.s32 s0, s9;
	[dreg:$0x19] =	wrdreg s19  }
0x26: {  	s9 =	sor.u32 $0x11000, s5;
	s10 =	sor.u32 $0x13000, s5;
	[dreg:$0x1b] =	wrdreg s23  }
0x27: {  	s7 =	sadd.s32 s1, s25;
	s25 =	sshll.u32 s13, $0x4;
	[smem:$0x7E6] =	sst s18  }
0x28: {  	s13 =	sor.u32 $0xE000, s5;
	s19 =	sshrl.u32 s12, $0x3;
	[smem:$0x7E8] =	sst s21  }
0x29: {  	s22 =	sshrl.u32 s9, $0x3;
	s23 =	sshll.u32 s2, $0x4;
	s2 =	sor.u32 $0x12000, s5  }
0x2a: {  	s9 =	sshll.u32 s9, $0x4;
	[dreg:$0x14] =	wrdreg s7;
	s7 =	sadd.s32 s1, s17  }
0x2b: {  	s26 =	sadd.s32 s0, s25;
	s30 =	sshrl.u32 s13, $0x3;
	s17 =	sshrl.u32 s8, $0x3  }
0x2c: {  	s20 =	sadd.s32 s1, s19;
	s25 =	sshrl.u32 s2, $0x3;
	s16 =	sshll.u32 s13, $0x4  }
0x2d: {  	s13 =	sor.u32 $0x14000, s5;
	s8 =	sshll.u32 s8, $0x4;
	[dreg:$0x18] =	wrdreg s7  }
0x2e: {  	s2 =	sshll.u32 s2, $0x4;
	s7 =	sadd.s32 s1, s24;
	[dreg:$0x1d] =	wrdreg s26  }
0x2f: {  	s14 =	sadd.s32 s1, s30;
	[smem:$0x7E7] =	sst s20;
	s24 =	sadd.s32 s0, s23  }
0x30: {  	s26 =	sadd.s32 s1, s25;
	s30 =	sshll.u32 s11, $0x4;
	[dreg:$0x1c] =	wrdreg s7  }
0x31: {  	s18 =	sshrl.u32 s13, $0x3;
	s20 =	sadd.s32 s0, s8;
	[dreg:$0x1e] =	wrdreg s14  }
0x32: {  	s8 =	sor.u32 $0x15000, s5;
	s7 =	sadd.s32 s1, s17;
	[smem:$0x7EA] =	sst s24  }
0x33: {  	[smem:$0x7EB] =	sst s26;
	s11 =	sadd.s32 s0, s30;
	s14 =	sshrl.u32 s10, $0x3  }
0x34: {  	s17 =	sadd.s32 s0, s16;
	s19 =	sadd.s32 s1, s18;
	[smem:$0x7F0] =	sst s20  }
0x35: {  	s21 =	sshrl.u32 s8, $0x3;
	s26 =	sadd.s32 s0, s9;
	[smem:$0x7E5] =	sst s7  }
0x36: {  	s30 =	sor.u32 $0x17000, s5;
	s16 =	sadd.s32 s0, s2;
	[smem:$0x7EC] =	sst s11  }
0x37: {  	s18 =	sshll.u32 s10, $0x4;
	s20 =	sshll.u32 s13, $0x4;
	[smem:$0x7EE] =	sst s17  }
0x38: {  	s7 =	sadd.s32 s1, s22;
	[smem:$0x7EF] =	sst s19;
	s22 =	sshll.u32 s12, $0x4  }
0x39: {  	s12 =	sor.u32 $0x16000, s5;
	s11 =	sshrl.u32 s6, $0x1;
	[smem:$0x7F4] =	sst s26  }
0x3a: {  	s5 =	smov.u32 @p0 s15;
	[smem:$0x7F6] =	sst s16;
	s19 =	sadd.s32 s0, s18  }
0x3b: {  	s26 =	sshll.u32 s30, $0x4;
	[smem:$0x7E9] =	sst s7;
	s7 =	sadd.s32 s1, s14  }
0x3c: {  	s23 =	sadd.s32 s0, s22;
	s24 =	sshrl.u32 s12, $0x3;
	[smem:$0x7F8] =	sst s19  }
0x3d: {  	s14 =	sshrl.u32 s30, $0x3;
	s5 =	smin.u32 s5, $0x18620;
	[smem:$0x7ED] =	sst s7  }
0x3e: {  	s22 =	sshll.u32 s8, $0x4;
	s30 =	sadd.s32 s0, s26;
	[smem:$0x7F2] =	sst s23  }
0x3f: {  	s6 =	ssub.s32 s6, s11;
	s7 =	sadd.s32 s1, s21;
	[smem:$0x7FC] =	sst s30  }
0x40: {  	s25 =	sadd.s32 s1, s24;
	s17 =	sshrl.u32 s5, $0x3;
	[smem:$0x7F1] =	sst s7  }
0x41: {  	s21 =	sadd.s32 s0, s20;
	s23 =	sadd.s32 s0, s22;
	[smem:$0x7F3] =	sst s25  }
0x42: {  	s24 =	sshll.u32 s12, $0x4;
	s5 =	sshll.u32 s5, $0x4;
	[smem:$0x7F9] =	sst s21  }
0x43: {  	s20 =	simm.s32 $0x80;
	s7 =	sadd.s32 s1, s14;
	[smem:$0x7FA] =	sst s23  }
0x44: {  	s22 =	simm.s32 $0x4;
	s1 =	sadd.s32 s1, s17;
	[smem:$0x7F5] =	sst s7  }
0x45: {  	s25 =	sadd.s32 s0, s24;
	s0 =	sadd.s32 s0, s5;
	[smem:$0x7F7] =	sst s1  }
0x46: {  	s21 =	simm.s32 $0x2;
	s24 =	simm.s32 $0x5;
	[smem:$0x7FB] =	sst s25  }
0x47: {  	[smem:$0x7FD] =	sst s0;
	s0 =	smax.u32 s6, $0x1;
	s25 =	simm.s32 $0x9  }
.LBB2_1:
0x48: {  	[smem:$0x7E4] =	sst s0  }
0x49: {  	s11 =	rddreg [dreg:$0x6];
	s6 =	simm.s32 $0x1C00  }
0x4a: {  	[tilespmem:s6], [sflag:$0x2] =	stream.linear.gather [hbm4b:s11+s3], $0x80, $0x38;
	[tilespmem:$0x1A1B8] =	vst v63  }
0x4b: {  	s18 =	rddreg [dreg:$0x7];
	s19 =	simm.s32 $0x1C80  }
0x4c: {  	[tilespmem:s19], [sflag:$0x3] =	stream.linear.gather [hbm4b:s18+s3], $0x80, $0x38;
	[tilespmem:$0x1A1B8] =	vst v63  }
0x4d: {  	s17 =	rddreg [dreg:$0x8];
	s26 =	simm.s32 $0x1D00  }
0x4e: {  	[tilespmem:s26], [sflag:$0x4] =	stream.linear.gather [hbm4b:s17+s3], $0x80, $0x38;
	[tilespmem:$0x1A1B8] =	vst v63  }
0x4f: {  	s23 =	rddreg [dreg:$0x9];
	s1 =	simm.s32 $0x1D80  }
0x50: {  	[tilespmem:s1], [sflag:$0x5] =	stream.linear.gather [hbm4b:s23+s3], $0x80, $0x38;
	[tilespmem:$0x1A1B8] =	vst v63  }
0x51: {  	s30 =	rddreg [dreg:$0xa];
	s5 =	simm.s32 $0x1E00  }
0x52: {  	[tilespmem:s5], [sflag:$0x6] =	stream.linear.gather [hbm4b:s30+s3], $0x80, $0x38;
	[tilespmem:$0x1A1B8] =	vst v63  }
0x53: {  	s2 =	rddreg [dreg:$0xb];
	s7 =	simm.s32 $0x1E80  }
0x54: {  	[tilespmem:s7], [sflag:$0x7] =	stream.linear.gather [hbm4b:s2+s3], $0x80, $0x38;
	[tilespmem:$0x1A1B8] =	vst v63  }
0x55: {  	s8 =	simm.s32 $0x1;
	s6 =	rddreg [dreg:$0x5]  }
0x56: {  	[tilespmem:s3], [sflag:$0x1] =	stream.linear.gather [hbm4b:s6+s3], $0x1B80, $0x38;
	[tilespmem:$0x1A1B8] =	vst v63  }
0x57: {  	_ =	swait.ge [sflag:s8], $0x1B80  }
0x58: {  	[sflag:s8] =	ssyncset.done $0x0  }
0x59: {  	[sflag:s8] =	ssyncadd.s32 $0xFFFFE480  }
0x5a: {  	v0 =	vld [tilespmem:s4+$0x0];
	_ =	sdelay $0x4  }
0x5b: {  	v1 =	vsub.f32 $0.0e+00, v0;
	_ =	sdelay $0x1  }
0x5c: {  	v1 =	vmul.f32 $1.442695020e+00, v1;
	_ =	sdelay $0x1  }
0x5d: {  	(erf) = vpow2.f32 v1;
	_ =	sdelay $0x3  }
0x5e: {  	v1 =	vld [tilespmem:s4+$0x10];
	_ =	sdelay $0x4  }
0x5f: {  	v3 =	vsub.f32 $0.0e+00, v1;
	v2 =	vpop (erf)  }
0x60: {  	v2 =	vadd.f32 $1.000000000e+00, v2  }
0x61: {  	v3 =	vmul.f32 $1.442695020e+00, v3  }
0x62: {  	(erf) = vrcp.f32 v2  }
0x63: {  	(erf) = vpow2.f32 v3;
	_ =	sdelay $0x3  }
0x64: {  	v2 =	vld [tilespmem:s4+$0x20];
	_ =	sdelay $0x3  }
0x65: {  	v3 =	vpop (erf)  }
0x66: {  	v5 =	vsub.f32 $0.0e+00, v2;
	v4 =	vpop (erf)  }
0x67: {  	v4 =	vadd.f32 $1.000000000e+00, v4  }
0x68: {  	v5 =	vmul.f32 $1.442695020e+00, v5  }
0x69: {  	(erf) = vrcp.f32 v4  }
0x6a: {  	(erf) = vpow2.f32 v5;
	_ =	sdelay $0x3  }
0x6b: {  	v4 =	vld [tilespmem:s4+$0x30];
	_ =	sdelay $0x3  }
0x6c: {  	v5 =	vpop (erf)  }
0x6d: {  	v7 =	vsub.f32 $0.0e+00, v4;
	v6 =	vpop (erf)  }
0x6e: {  	v6 =	vadd.f32 $1.000000000e+00, v6  }
0x6f: {  	v7 =	vmul.f32 $1.442695020e+00, v7  }
0x70: {  	(erf) = vrcp.f32 v6  }
0x71: {  	(erf) = vpow2.f32 v7;
	_ =	sdelay $0x3  }
0x72: {  	v6 =	vld [tilespmem:s4+$0x40];
	_ =	sdelay $0x3  }
0x73: {  	v7 =	vpop (erf)  }
0x74: {  	v9 =	vsub.f32 $0.0e+00, v6;
	v8 =	vpop (erf)  }
0x75: {  	v8 =	vadd.f32 $1.000000000e+00, v8  }
0x76: {  	v9 =	vmul.f32 $1.442695020e+00, v9  }
0x77: {  	(erf) = vrcp.f32 v8  }
0x78: {  	(erf) = vpow2.f32 v9;
	_ =	sdelay $0x3  }
0x79: {  	v8 =	vld [tilespmem:s4+$0x50];
	_ =	sdelay $0x3  }
0x7a: {  	v10 =	vpop (erf)  }
0x7b: {  	v11 =	vsub.f32 $0.0e+00, v8;
	v9 =	vpop (erf)  }
0x7c: {  	v9 =	vadd.f32 $1.000000000e+00, v9  }
0x7d: {  	v11 =	vmul.f32 $1.442695020e+00, v11  }
0x7e: {  	(erf) = vrcp.f32 v9  }
0x7f: {  	(erf) = vpow2.f32 v11;
	_ =	sdelay $0x3  }
0x80: {  	v9 =	vld [tilespmem:s4+$0x60];
	_ =	sdelay $0x3  }
0x81: {  	v12 =	vpop (erf)  }
0x82: {  	v13 =	vsub.f32 $0.0e+00, v9;
	v11 =	vpop (erf)  }
0x83: {  	v11 =	vadd.f32 $1.000000000e+00, v11  }
0x84: {  	v13 =	vmul.f32 $1.442695020e+00, v13  }
0x85: {  	(erf) = vrcp.f32 v11  }
0x86: {  	(erf) = vpow2.f32 v13;
	_ =	sdelay $0x3  }
0x87: {  	v11 =	vld [tilespmem:s4+$0x70];
	_ =	sdelay $0x3  }
0x88: {  	v14 =	vpop (erf)  }
0x89: {  	v15 =	vsub.f32 $0.0e+00, v11;
	v13 =	vpop (erf)  }
0x8a: {  	v13 =	vadd.f32 $1.000000000e+00, v13  }
0x8b: {  	v15 =	vmul.f32 $1.442695020e+00, v15  }
0x8c: {  	(erf) = vrcp.f32 v13  }
0x8d: {  	(erf) = vpow2.f32 v15;
	_ =	sdelay $0x3  }
0x8e: {  	v13 =	vld [tilespmem:s4+$0x80];
	_ =	sdelay $0x3  }
0x8f: {  	v16 =	vpop (erf)  }
0x90: {  	v17 =	vsub.f32 $0.0e+00, v13;
	v15 =	vpop (erf)  }
0x91: {  	v15 =	vadd.f32 $1.000000000e+00, v15  }
0x92: {  	v17 =	vmul.f32 $1.442695020e+00, v17  }
0x93: {  	(erf) = vrcp.f32 v15  }
0x94: {  	(erf) = vpow2.f32 v17;
	_ =	sdelay $0x3  }
0x95: {  	v15 =	vld [tilespmem:s4+$0x90];
	_ =	sdelay $0x3  }
0x96: {  	v18 =	vpop (erf)  }
0x97: {  	v19 =	vsub.f32 $0.0e+00, v15;
	v17 =	vpop (erf)  }
0x98: {  	v17 =	vadd.f32 $1.000000000e+00, v17  }
0x99: {  	v19 =	vmul.f32 $1.442695020e+00, v19  }
0x9a: {  	(erf) = vrcp.f32 v17  }
0x9b: {  	(erf) = vpow2.f32 v19;
	_ =	sdelay $0x3  }
0x9c: {  	v17 =	vld [tilespmem:s4+$0xA0];
	_ =	sdelay $0x3  }
0x9d: {  	v20 =	vpop (erf)  }
0x9e: {  	v21 =	vsub.f32 $0.0e+00, v17;
	v19 =	vpop (erf)  }
0x9f: {  	v19 =	vadd.f32 $1.000000000e+00, v19  }
0xa0: {  	v21 =	vmul.f32 $1.442695020e+00, v21  }
0xa1: {  	(erf) = vrcp.f32 v19  }
0xa2: {  	(erf) = vpow2.f32 v21;
	_ =	sdelay $0x3  }
0xa3: {  	v19 =	vld [tilespmem:s4+$0xB0];
	_ =	sdelay $0x3  }
0xa4: {  	v21 =	vpop (erf)  }
0xa5: {  	v23 =	vsub.f32 $0.0e+00, v19;
	v22 =	vpop (erf)  }
0xa6: {  	v22 =	vadd.f32 $1.000000000e+00, v22  }
0xa7: {  	v23 =	vmul.f32 $1.442695020e+00, v23  }
0xa8: {  	(erf) = vrcp.f32 v22  }
0xa9: {  	(erf) = vpow2.f32 v23;
	_ =	sdelay $0x3  }
0xaa: {  	v22 =	vld [tilespmem:s4+$0xC0];
	_ =	sdelay $0x3  }
0xab: {  	v23 =	vpop (erf)  }
0xac: {  	v25 =	vsub.f32 $0.0e+00, v22;
	v24 =	vpop (erf)  }
0xad: {  	v24 =	vadd.f32 $1.000000000e+00, v24  }
0xae: {  	v25 =	vmul.f32 $1.442695020e+00, v25  }
0xaf: {  	(erf) = vrcp.f32 v24  }
0xb0: {  	(erf) = vpow2.f32 v25;
	_ =	sdelay $0x3  }
0xb1: {  	v24 =	vld [tilespmem:s4+$0xD0];
	_ =	sdelay $0x3  }
0xb2: {  	v25 =	vpop (erf)  }
0xb3: {  	v27 =	vsub.f32 $0.0e+00, v24;
	v26 =	vpop (erf)  }
0xb4: {  	v26 =	vadd.f32 $1.000000000e+00, v26  }
0xb5: {  	v27 =	vmul.f32 $1.442695020e+00, v27  }
0xb6: {  	(erf) = vrcp.f32 v26  }
0xb7: {  	(erf) = vpow2.f32 v27;
	_ =	sdelay $0x3  }
0xb8: {  	v26 =	vld [tilespmem:s4+$0xE0];
	_ =	sdelay $0x3  }
0xb9: {  	v27 =	vpop (erf)  }
0xba: {  	v29 =	vsub.f32 $0.0e+00, v26;
	v28 =	vpop (erf)  }
0xbb: {  	v28 =	vadd.f32 $1.000000000e+00, v28  }
0xbc: {  	v29 =	vmul.f32 $1.442695020e+00, v29  }
0xbd: {  	(erf) = vrcp.f32 v28  }
0xbe: {  	(erf) = vpow2.f32 v29;
	_ =	sdelay $0x3  }
0xbf: {  	v28 =	vld [tilespmem:s4+$0xF0];
	_ =	sdelay $0x3  }
0xc0: {  	v29 =	vpop (erf)  }
0xc1: {  	v31 =	vsub.f32 $0.0e+00, v28;
	v30 =	vpop (erf)  }
0xc2: {  	v30 =	vadd.f32 $1.000000000e+00, v30  }
0xc3: {  	v31 =	vmul.f32 $1.442695020e+00, v31  }
0xc4: {  	(erf) = vrcp.f32 v30  }
0xc5: {  	(erf) = vpow2.f32 v31;
	_ =	sdelay $0x3  }
0xc6: {  	v30 =	vld [tilespmem:s4+$0x100];
	_ =	sdelay $0x3  }
0xc7: {  	v31 =	vpop (erf)  }
0xc8: {  	v33 =	vsub.f32 $0.0e+00, v30;
	v32 =	vpop (erf)  }
0xc9: {  	v32 =	vadd.f32 $1.000000000e+00, v32  }
0xca: {  	v33 =	vmul.f32 $1.442695020e+00, v33  }
0xcb: {  	(erf) = vrcp.f32 v32  }
0xcc: {  	(erf) = vpow2.f32 v33;
	_ =	sdelay $0x3  }
0xcd: {  	v32 =	vld [tilespmem:s4+$0x110];
	_ =	sdelay $0x3  }
0xce: {  	v33 =	vpop (erf)  }
0xcf: {  	v35 =	vsub.f32 $0.0e+00, v32;
	v34 =	vpop (erf)  }
0xd0: {  	v34 =	vadd.f32 $1.000000000e+00, v34  }
0xd1: {  	v35 =	vmul.f32 $1.442695020e+00, v35  }
0xd2: {  	(erf) = vrcp.f32 v34  }
0xd3: {  	(erf) = vpow2.f32 v35;
	_ =	sdelay $0x3  }
0xd4: {  	v34 =	vld [tilespmem:s4+$0x120];
	_ =	sdelay $0x3  }
0xd5: {  	v36 =	vpop (erf)  }
0xd6: {  	v37 =	vsub.f32 $0.0e+00, v34;
	v35 =	vpop (erf)  }
0xd7: {  	v35 =	vadd.f32 $1.000000000e+00, v35  }
0xd8: {  	v37 =	vmul.f32 $1.442695020e+00, v37  }
0xd9: {  	(erf) = vrcp.f32 v35  }
0xda: {  	(erf) = vpow2.f32 v37;
	_ =	sdelay $0x3  }
0xdb: {  	v35 =	vld [tilespmem:s4+$0x130];
	_ =	sdelay $0x3  }
0xdc: {  	v38 =	vpop (erf)  }
0xdd: {  	v39 =	vsub.f32 $0.0e+00, v35;
	v37 =	vpop (erf)  }
0xde: {  	v37 =	vadd.f32 $1.000000000e+00, v37  }
0xdf: {  	v39 =	vmul.f32 $1.442695020e+00, v39  }
0xe0: {  	(erf) = vrcp.f32 v37  }
0xe1: {  	(erf) = vpow2.f32 v39;
	_ =	sdelay $0x3  }
0xe2: {  	v37 =	vld [tilespmem:s4+$0x140];
	_ =	sdelay $0x3  }
0xe3: {  	v40 =	vpop (erf)  }
0xe4: {  	v41 =	vsub.f32 $0.0e+00, v37;
	v39 =	vpop (erf)  }
0xe5: {  	v39 =	vadd.f32 $1.000000000e+00, v39  }
0xe6: {  	v41 =	vmul.f32 $1.442695020e+00, v41  }
0xe7: {  	(erf) = vrcp.f32 v39  }
0xe8: {  	(erf) = vpow2.f32 v41;
	_ =	sdelay $0x3  }
0xe9: {  	v39 =	vld [tilespmem:s4+$0x150];
	_ =	sdelay $0x3  }
0xea: {  	v41 =	vpop (erf)  }
0xeb: {  	v43 =	vsub.f32 $0.0e+00, v39;
	v42 =	vpop (erf)  }
0xec: {  	v42 =	vadd.f32 $1.000000000e+00, v42  }
0xed: {  	v43 =	vmul.f32 $1.442695020e+00, v43  }
0xee: {  	(erf) = vrcp.f32 v42  }
0xef: {  	(erf) = vpow2.f32 v43;
	_ =	sdelay $0x3  }
0xf0: {  	v42 =	vld [tilespmem:s4+$0x160];
	_ =	sdelay $0x3  }
0xf1: {  	v43 =	vpop (erf)  }
0xf2: {  	v45 =	vsub.f32 $0.0e+00, v42;
	v44 =	vpop (erf)  }
0xf3: {  	v44 =	vadd.f32 $1.000000000e+00, v44  }
0xf4: {  	v45 =	vmul.f32 $1.442695020e+00, v45  }
0xf5: {  	(erf) = vrcp.f32 v44  }
0xf6: {  	(erf) = vpow2.f32 v45;
	_ =	sdelay $0x3  }
0xf7: {  	v44 =	vld [tilespmem:s4+$0x170];
	_ =	sdelay $0x3  }
0xf8: {  	v45 =	vpop (erf)  }
0xf9: {  	v47 =	vsub.f32 $0.0e+00, v44;
	v46 =	vpop (erf)  }
0xfa: {  	v46 =	vadd.f32 $1.000000000e+00, v46  }
0xfb: {  	v47 =	vmul.f32 $1.442695020e+00, v47  }
0xfc: {  	(erf) = vrcp.f32 v46  }
0xfd: {  	(erf) = vpow2.f32 v47;
	_ =	sdelay $0x3  }
0xfe: {  	v46 =	vld [tilespmem:s4+$0x180];
	_ =	sdelay $0x3  }
0xff: {  	v47 =	vpop (erf)  }
0x100: {  	v49 =	vsub.f32 $0.0e+00, v46;
	v48 =	vpop (erf)  }
0x101: {  	v48 =	vadd.f32 $1.000000000e+00, v48  }
0x102: {  	v49 =	vmul.f32 $1.442695020e+00, v49  }
0x103: {  	(erf) = vrcp.f32 v48  }
0x104: {  	(erf) = vpow2.f32 v49;
	_ =	sdelay $0x3  }
0x105: {  	v48 =	vld [tilespmem:s4+$0x190];
	_ =	sdelay $0x3  }
0x106: {  	v49 =	vpop (erf)  }
0x107: {  	v51 =	vsub.f32 $0.0e+00, v48;
	v50 =	vpop (erf)  }
0x108: {  	v50 =	vadd.f32 $1.000000000e+00, v50  }
0x109: {  	v51 =	vmul.f32 $1.442695020e+00, v51  }
0x10a: {  	(erf) = vrcp.f32 v50  }
0x10b: {  	(erf) = vpow2.f32 v51;
	_ =	sdelay $0x3  }
0x10c: {  	v50 =	vld [tilespmem:s4+$0x1A0];
	_ =	sdelay $0x3  }
0x10d: {  	v51 =	vpop (erf)  }
0x10e: {  	v53 =	vsub.f32 $0.0e+00, v50;
	v52 =	vpop (erf)  }
0x10f: {  	v52 =	vadd.f32 $1.000000000e+00, v52  }
0x110: {  	v53 =	vmul.f32 $1.442695020e+00, v53  }
0x111: {  	(erf) = vrcp.f32 v52  }
0x112: {  	(erf) = vpow2.f32 v53;
	_ =	sdelay $0x3  }
0x113: {  	v52 =	vld [tilespmem:s4+$0x1B0];
	_ =	sdelay $0x3  }
0x114: {  	v53 =	vpop (erf)  }
0x115: {  	v55 =	vsub.f32 $0.0e+00, v52;
	v54 =	vpop (erf)  }
0x116: {  	v54 =	vadd.f32 $1.000000000e+00, v54  }
0x117: {  	v55 =	vmul.f32 $1.442695020e+00, v55  }
0x118: {  	(erf) = vrcp.f32 v54  }
0x119: {  	(erf) = vpow2.f32 v55;
	_ =	sdelay $0x3  }
0x11a: {  	v54 =	vld [tilespmem:s4+$0x1C0];
	_ =	sdelay $0x3  }
0x11b: {  	v55 =	vpop (erf)  }
0x11c: {  	v57 =	vsub.f32 $0.0e+00, v54;
	v56 =	vpop (erf)  }
0x11d: {  	v56 =	vadd.f32 $1.000000000e+00, v56  }
0x11e: {  	v57 =	vmul.f32 $1.442695020e+00, v57  }
0x11f: {  	(erf) = vrcp.f32 v56  }
0x120: {  	(erf) = vpow2.f32 v57;
	_ =	sdelay $0x3  }
0x121: {  	v56 =	vld [tilespmem:s4+$0x1D0];
	_ =	sdelay $0x3  }
0x122: {  	v57 =	vpop (erf)  }
0x123: {  	v59 =	vsub.f32 $0.0e+00, v56;
	v58 =	vpop (erf)  }
0x124: {  	v58 =	vadd.f32 $1.000000000e+00, v58  }
0x125: {  	v59 =	vmul.f32 $1.442695020e+00, v59  }
0x126: {  	(erf) = vrcp.f32 v58  }
0x127: {  	(erf) = vpow2.f32 v59;
	_ =	sdelay $0x3  }
0x128: {  	v58 =	vld [tilespmem:s4+$0x1E0];
	_ =	sdelay $0x3  }
0x129: {  	v59 =	vpop (erf)  }
0x12a: {  	v61 =	vsub.f32 $0.0e+00, v58;
	v60 =	vpop (erf)  }
0x12b: {  	v60 =	vadd.f32 $1.000000000e+00, v60  }
0x12c: {  	v61 =	vmul.f32 $1.442695020e+00, v61  }
0x12d: {  	(erf) = vrcp.f32 v60  }
0x12e: {  	(erf) = vpow2.f32 v61;
	_ =	sdelay $0x3  }
0x12f: {  	v0 =	vmul.f32 v3, v0;
	v3 =	vld [tilespmem:s4+$0x1F0]  }
0x130: {  	v1 =	vmul.f32 v5, v1  }
0x131: {  	[tilespmem:s4+$0x0] =	vst v0;
	v62 =	vmul.f32 v12, v6  }
0x132: {  	[tilespmem:s4+$0x10] =	vst v1;
	v16 =	vmul.f32 v16, v9  }
0x133: {  	[tilespmem:s4+$0x40] =	vst v62;
	v18 =	vmul.f32 v18, v11;
	v20 =	vmul.f32 v20, v13;
	v63 =	vpop (erf)  }
0x134: {  	[tilespmem:s4+$0x60] =	vst v16;
	v61 =	vmul.f32 v10, v4;
	v10 =	vmul.f32 v14, v8;
	v14 =	vsub.f32 $0.0e+00, v3;
	v12 =	vpop (erf)  }
0x135: {  	[tilespmem:s4+$0x70] =	vst v18;
	v21 =	vmul.f32 v21, v15;
	v4 =	vadd.f32 $1.000000000e+00, v12  }
0x136: {  	[tilespmem:s4+$0x80] =	vst v20;
	v23 =	vmul.f32 v23, v17;
	v5 =	vmul.f32 $1.442695020e+00, v14  }
0x137: {  	[tilespmem:s4+$0x90] =	vst v21;
	v25 =	vmul.f32 v25, v19;
	(erf) = vrcp.f32 v4  }
0x138: {  	[tilespmem:s4+$0xA0] =	vst v23;
	v27 =	vmul.f32 v27, v22;
	(erf) = vpow2.f32 v5  }
0x139: {  	[tilespmem:s4+$0xB0] =	vst v25;
	v29 =	vmul.f32 v29, v24  }
0x13a: {  	[tilespmem:s4+$0xC0] =	vst v27;
	v31 =	vmul.f32 v31, v26  }
0x13b: {  	[tilespmem:s4+$0xD0] =	vst v29;
	v33 =	vmul.f32 v33, v28  }
0x13c: {  	[tilespmem:s4+$0xE0] =	vst v31;
	v36 =	vmul.f32 v36, v30  }
0x13d: {  	[tilespmem:s4+$0xF0] =	vst v33;
	v38 =	vmul.f32 v38, v32  }
0x13e: {  	[tilespmem:s4+$0x100] =	vst v36;
	v40 =	vmul.f32 v40, v34  }
0x13f: {  	[tilespmem:s4+$0x110] =	vst v38;
	v41 =	vmul.f32 v41, v35  }
0x140: {  	[tilespmem:s4+$0x120] =	vst v40;
	v43 =	vmul.f32 v43, v37;
	v4 =	vpop (erf)  }
0x141: {  	[tilespmem:s4+$0x130] =	vst v41;
	v45 =	vmul.f32 v45, v39;
	v5 =	vpop (erf)  }
0x142: {  	[tilespmem:s4+$0x140] =	vst v43;
	v47 =	vmul.f32 v47, v42;
	v5 =	vadd.f32 $1.000000000e+00, v5  }
0x143: {  	[tilespmem:s4+$0x150] =	vst v45;
	v49 =	vmul.f32 v49, v44  }
0x144: {  	[tilespmem:s4+$0x160] =	vst v47;
	v51 =	vmul.f32 v51, v46;
	(erf) = vrcp.f32 v5  }
0x145: {  	[tilespmem:s4+$0x170] =	vst v49;
	v53 =	vmul.f32 v53, v48  }
0x146: {  	[tilespmem:s4+$0x180] =	vst v51;
	v55 =	vmul.f32 v55, v50  }
0x147: {  	[tilespmem:s4+$0x190] =	vst v53;
	v57 =	vmul.f32 v57, v52  }
0x148: {  	[tilespmem:s4+$0x1A0] =	vst v55;
	v59 =	vmul.f32 v59, v54  }
0x149: {  	[tilespmem:s4+$0x1B0] =	vst v57;
	v60 =	vmul.f32 v7, v2  }
0x14a: {  	[tilespmem:s4+$0x1C0] =	vst v59  }
0x14b: {  	[tilespmem:s4+$0x20] =	vst v60  }
0x14c: {  	[tilespmem:s4+$0x30] =	vst v61;
	v60 =	vmul.f32 v63, v56  }
0x14d: {  	[tilespmem:s4+$0x50] =	vst v10;
	v61 =	vmul.f32 v4, v58;
	v62 =	vpop (erf)  }
0x14e: {  	[tilespmem:s4+$0x1D0] =	vst v60;
	v63 =	vmul.f32 v62, v3  }
0x14f: {  	[tilespmem:s4+$0x1E0] =	vst v61  }
0x150: {  	s10 =	simm.s32 $0x14;
	s9 =	rddreg [dreg:$0xc];
	[tilespmem:s4+$0x1F0] =	vst v63  }
0x151: {  	[spmem:s9] =	stream.linear.scatter [tilespmem:s4], [sflag:$0x14], $0x200, $0x38;
	[tilespmem:$0x1A1B8] =	vst v63  }
0x152: {  	_ =	swait.ge [sflag:s10], $0x200  }
0x153: {  	[sflag:s10] =	ssyncset.done $0x0  }
0x154: {  	[sflag:s10] =	ssyncadd.s32 $0xFFFFFE00  }
0x155: {  	[bflag:$0x0] =	sbarrier.arrive $0xFFFF  }
0x156: {  	_ =	swait.ge [sflag:s21], $0x80  }
0x157: {  	[sflag:s21] =	ssyncset.done $0x0  }
0x158: {  	s12 =	simm.s32 $0x2000;
	[sflag:s21] =	ssyncadd.s32 $0xFFFFFF80  }
0x159: {  	s16 =	simm.s32 $0x1C00;
	s19 =	simm.s32 $0x3;
	s15 =	rddreg [dreg:$0x3]  }
0x15a: {  	[tilespmem:s12], [sflag:$0x8] =	stream.indirect.gather [spmem:s15], $0x80, s16, s20, $0xb8;
	[tilespmem:$0x1A1B8] =	vst v63  }
0x15b: {  	_ =	swait.ge [sflag:s19], $0x80  }
0x15c: {  	[sflag:s19] =	ssyncset.done $0x0  }
0x15d: {  	s13 =	simm.s32 $0x6000;
	s5 =	simm.s32 $0x1C80;
	[sflag:s19] =	ssyncadd.s32 $0xFFFFFF80  }
0x15e: {  	[tilespmem:s13], [sflag:$0x9] =	stream.indirect.gather [spmem:s15], $0x80, s5, s20, $0xb8;
	[tilespmem:$0x1A1B8] =	vst v63  }
0x15f: {  	_ =	swait.ge [sflag:s22], $0x80  }
0x160: {  	[sflag:s22] =	ssyncset.done $0x0  }
0x161: {  	s0 =	simm.s32 $0x1D00;
	s1 =	simm.s32 $0xA000;
	[sflag:s22] =	ssyncadd.s32 $0xFFFFFF80  }
0x162: {  	[tilespmem:s1], [sflag:$0xA] =	stream.indirect.gather [spmem:s15], $0x80, s0, s20, $0xb8;
	[tilespmem:$0x1A1B8] =	vst v63  }
0x163: {  	s1 =	simm.s32 $0x8  }
0x164: {  	_ =	swait.ge [sflag:s1], $0x4000  }
0x165: {  	[sflag:s1] =	ssyncset.done $0x0  }
0x166: {  	s2 =	simm.s32 $0x2000;
	s14 =	rddreg [dreg:$0xd];
	[sflag:s1] =	ssyncadd.s32 $0xFFFFC000  }
0x167: {  	[hbm4b:s14+s3] =	stream.linear.scatter [tilespmem:s2], [sflag:$0xE], $0x4000, $0x38;
	[tilespmem:$0x1A1B8] =	vst v63  }
0x168: {  	s17 =	rddreg [dreg:$0xe]  }
0x169: {  	[tilespmem:s16], [sflag:$0x2] =	stream.linear.gather [hbm4b:s17+s3], $0x80, $0x38;
	[tilespmem:$0x1A1B8] =	vst v63  }
0x16a: {  	_ =	swait.ge [sflag:s24], $0x80  }
0x16b: {  	[sflag:s24] =	ssyncset.done $0x0  }
0x16c: {  	s18 =	simm.s32 $0xE000;
	s2 =	simm.s32 $0x1D80;
	[sflag:s24] =	ssyncadd.s32 $0xFFFFFF80  }
0x16d: {  	[tilespmem:s18], [sflag:$0xB] =	stream.indirect.gather [spmem:s15], $0x80, s2, s20, $0xb8;
	[tilespmem:$0x1A1B8] =	vst v63  }
0x16e: {  	_ =	swait.ge [sflag:s25], $0x4000  }
0x16f: {  	[sflag:s25] =	ssyncset.done $0x0  }
0x170: {  	s7 =	simm.s32 $0x6000;
	s23 =	rddreg [dreg:$0xf];
	[sflag:s25] =	ssyncadd.s32 $0xFFFFC000  }
0x171: {  	[hbm4b:s23+s3] =	stream.linear.scatter [tilespmem:s7], [sflag:$0xF], $0x4000, $0x38;
	[tilespmem:$0x1A1B8] =	vst v63  }
0x172: {  	s26 =	rddreg [dreg:$0x10]  }
0x173: {  	[tilespmem:s5], [sflag:$0x3] =	stream.linear.gather [hbm4b:s26+s3], $0x80, $0x38;
	[tilespmem:$0x1A1B8] =	vst v63  }
0x174: {  	_ =	swait.ge [sflag:s28], $0x80  }
0x175: {  	[sflag:s28] =	ssyncset.done $0x0  }
0x176: {  	s30 =	simm.s32 $0x12000;
	s7 =	simm.s32 $0x1E00;
	[sflag:s28] =	ssyncadd.s32 $0xFFFFFF80  }
0x177: {  	[tilespmem:s30], [sflag:$0xC] =	stream.indirect.gather [spmem:s15], $0x80, s7, s20, $0xb8;
	[tilespmem:$0x1A1B8] =	vst v63  }
0x178: {  	_ =	swait.ge [sflag:s29], $0x4000  }
0x179: {  	[sflag:s29] =	ssyncset.done $0x0  }
0x17a: {  	s12 =	simm.s32 $0xA000;
	s5 =	rddreg [dreg:$0x11];
	[sflag:s29] =	ssyncadd.s32 $0xFFFFC000  }
0x17b: {  	[hbm4b:s5+s3] =	stream.linear.scatter [tilespmem:s12], [sflag:$0x10], $0x4000, $0x38;
	[tilespmem:$0x1A1B8] =	vst v63  }
0x17c: {  	s6 =	rddreg [dreg:$0x12]  }
0x17d: {  	[tilespmem:s0], [sflag:$0x4] =	stream.linear.gather [hbm4b:s6+s3], $0x80, $0x38;
	[tilespmem:$0x1A1B8] =	vst v63  }
0x17e: {  	_ =	swait.ge [sflag:s31], $0x80  }
0x17f: {  	s11 =	simm.s32 $0x16000;
	[sflag:s31] =	ssyncset.done $0x0  }
0x180: {  	s5 =	simm.s32 $0x1E80;
	s0 =	simm.s32 $0xB;
	[sflag:s31] =	ssyncadd.s32 $0xFFFFFF80  }
0x181: {  	[tilespmem:s11], [sflag:$0xD] =	stream.indirect.gather [spmem:s15], $0x80, s5, s20, $0xb8;
	[tilespmem:$0x1A1B8] =	vst v63  }
0x182: {  	_ =	swait.ge [sflag:s0], $0x4000  }
0x183: {  	[sflag:s0] =	ssyncset.done $0x0  }
0x184: {  	s9 =	simm.s32 $0xE000;
	s12 =	rddreg [dreg:$0x13];
	[sflag:s0] =	ssyncadd.s32 $0xFFFFC000  }
0x185: {  	[hbm4b:s12+s3] =	stream.linear.scatter [tilespmem:s9], [sflag:$0x11], $0x4000, $0x38;
	[tilespmem:$0x1A1B8] =	vst v63  }
0x186: {  	s16 =	rddreg [dreg:$0x14]  }
0x187: {  	[tilespmem:s2], [sflag:$0x5] =	stream.linear.gather [hbm4b:s16+s3], $0x80, $0x38;
	[tilespmem:$0x1A1B8] =	vst v63  }
0x188: {  	s2 =	simm.s32 $0xE  }
0x189: {  	_ =	swait.ge [sflag:s2], $0x4000  }
0x18a: {  	[sflag:s2] =	ssyncset.done $0x0  }
0x18b: {  	[sflag:s2] =	ssyncadd.s32 $0xFFFFC000  }
0x18c: {  	_ =	swait.ge [sflag:s21], $0x80  }
0x18d: {  	s8 =	simm.s32 $0x1C00;
	[sflag:s21] =	ssyncset.done $0x0  }
0x18e: {  	s30 =	simm.s32 $0x2000;
	s12 =	simm.s32 $0xC;
	[sflag:s21] =	ssyncadd.s32 $0xFFFFFF80  }
0x18f: {  	[tilespmem:s30], [sflag:$0x8] =	stream.indirect.gather [spmem:s15], $0x80, s8, s20, $0xb8;
	[tilespmem:$0x1A1B8] =	vst v63  }
0x190: {  	_ =	swait.ge [sflag:s12], $0x4000  }
0x191: {  	[sflag:s12] =	ssyncset.done $0x0  }
0x192: {  	s13 =	simm.s32 $0x12000;
	s18 =	rddreg [dreg:$0x15];
	[sflag:s12] =	ssyncadd.s32 $0xFFFFC000  }
0x193: {  	[hbm4b:s18+s3] =	stream.linear.scatter [tilespmem:s13], [sflag:$0x12], $0x4000, $0x38;
	[tilespmem:$0x1A1B8] =	vst v63  }
0x194: {  	s23 =	rddreg [dreg:$0x16];
	s13 =	simm.s32 $0xF  }
0x195: {  	[tilespmem:s7], [sflag:$0x6] =	stream.linear.gather [hbm4b:s23+s3], $0x80, $0x38;
	[tilespmem:$0x1A1B8] =	vst v63  }
0x196: {  	_ =	swait.ge [sflag:s13], $0x4000  }
0x197: {  	[sflag:s13] =	ssyncset.done $0x0  }
0x198: {  	[sflag:s13] =	ssyncadd.s32 $0xFFFFC000  }
0x199: {  	_ =	swait.ge [sflag:s19], $0x80  }
0x19a: {  	s10 =	simm.s32 $0x1C80;
	[sflag:s19] =	ssyncset.done $0x0  }
0x19b: {  	s17 =	simm.s32 $0x6000;
	s7 =	simm.s32 $0xD;
	[sflag:s19] =	ssyncadd.s32 $0xFFFFFF80  }
0x19c: {  	[tilespmem:s17], [sflag:$0x9] =	stream.indirect.gather [spmem:s15], $0x80, s10, s20, $0xb8;
	[tilespmem:$0x1A1B8] =	vst v63  }
0x19d: {  	_ =	swait.ge [sflag:s7], $0x4000  }
0x19e: {  	[sflag:s7] =	ssyncset.done $0x0  }
0x19f: {  	s14 =	simm.s32 $0x16000;
	s8 =	rddreg [dreg:$0x17];
	[sflag:s7] =	ssyncadd.s32 $0xFFFFC000  }
0x1a0: {  	[hbm4b:s8+s3] =	stream.linear.scatter [tilespmem:s14], [sflag:$0x13], $0x4000, $0x38;
	[tilespmem:$0x1A1B8] =	vst v63  }
0x1a1: {  	s17 =	rddreg [dreg:$0x18];
	s8 =	simm.s32 $0x10  }
0x1a2: {  	[tilespmem:s5], [sflag:$0x7] =	stream.linear.gather [hbm4b:s17+s3], $0x80, $0x38;
	[tilespmem:$0x1A1B8] =	vst v63  }
0x1a3: {  	_ =	swait.ge [sflag:s8], $0x4000  }
0x1a4: {  	[sflag:s8] =	ssyncset.done $0x0  }
0x1a5: {  	[sflag:s8] =	ssyncadd.s32 $0xFFFFC000  }
0x1a6: {  	_ =	swait.ge [sflag:s22], $0x80  }
0x1a7: {  	[sflag:s22] =	ssyncset.done $0x0  }
0x1a8: {  	s26 =	simm.s32 $0xA000;
	s6 =	simm.s32 $0x1D00;
	[sflag:s22] =	ssyncadd.s32 $0xFFFFFF80  }
0x1a9: {  	[tilespmem:s26], [sflag:$0xA] =	stream.indirect.gather [spmem:s15], $0x80, s6, s20, $0xb8;
	[tilespmem:$0x1A1B8] =	vst v63  }
0x1aa: {  	_ =	swait.ge [sflag:s1], $0x4000  }
0x1ab: {  	[sflag:s1] =	ssyncset.done $0x0  }
0x1ac: {  	s26 =	rddreg [dreg:$0x19];
	[sflag:s1] =	ssyncadd.s32 $0xFFFFC000  }
0x1ad: {  	[hbm4b:s26+s3] =	stream.linear.scatter [tilespmem:s30], [sflag:$0xE], $0x4000, $0x38;
	[tilespmem:$0x1A1B8] =	vst v63  }
0x1ae: {  	s9 =	simm.s32 $0x1C00;
	s6 =	rddreg [dreg:$0x1a]  }
0x1af: {  	[tilespmem:s9], [sflag:$0x2] =	stream.linear.gather [hbm4b:s6+s3], $0x80, $0x38;
	[tilespmem:$0x1A1B8] =	vst v63  }
0x1b0: {  	s9 =	simm.s32 $0x11  }
0x1b1: {  	_ =	swait.ge [sflag:s9], $0x4000  }
0x1b2: {  	[sflag:s9] =	ssyncset.done $0x0  }
0x1b3: {  	[sflag:s9] =	ssyncadd.s32 $0xFFFFC000  }
0x1b4: {  	_ =	swait.ge [sflag:s24], $0x80  }
0x1b5: {  	[sflag:s24] =	ssyncset.done $0x0  }
0x1b6: {  	s11 =	simm.s32 $0xE000;
	s14 =	simm.s32 $0x1D80;
	[sflag:s24] =	ssyncadd.s32 $0xFFFFFF80  }
0x1b7: {  	[tilespmem:s11], [sflag:$0xB] =	stream.indirect.gather [spmem:s15], $0x80, s14, s20, $0xb8;
	[tilespmem:$0x1A1B8] =	vst v63  }
0x1b8: {  	_ =	swait.ge [sflag:s25], $0x4000  }
0x1b9: {  	[sflag:s25] =	ssyncset.done $0x0  }
0x1ba: {  	s23 =	simm.s32 $0x6000;
	s18 =	rddreg [dreg:$0x1b];
	[sflag:s25] =	ssyncadd.s32 $0xFFFFC000  }
0x1bb: {  	[hbm4b:s18+s3] =	stream.linear.scatter [tilespmem:s23], [sflag:$0xF], $0x4000, $0x38;
	[tilespmem:$0x1A1B8] =	vst v63  }
0x1bc: {  	s10 =	simm.s32 $0x1C80;
	s6 =	rddreg [dreg:$0x1c]  }
0x1bd: {  	[tilespmem:s10], [sflag:$0x3] =	stream.linear.gather [hbm4b:s6+s3], $0x80, $0x38;
	[tilespmem:$0x1A1B8] =	vst v63  }
0x1be: {  	s10 =	simm.s32 $0x12  }
0x1bf: {  	_ =	swait.ge [sflag:s10], $0x4000  }
0x1c0: {  	[sflag:s10] =	ssyncset.done $0x0  }
0x1c1: {  	[sflag:s10] =	ssyncadd.s32 $0xFFFFC000  }
0x1c2: {  	_ =	swait.ge [sflag:s28], $0x80  }
0x1c3: {  	[sflag:s28] =	ssyncset.done $0x0  }
0x1c4: {  	s16 =	simm.s32 $0x12000;
	s11 =	simm.s32 $0x1E00;
	[sflag:s28] =	ssyncadd.s32 $0xFFFFFF80  }
0x1c5: {  	[tilespmem:s16], [sflag:$0xC] =	stream.indirect.gather [spmem:s15], $0x80, s11, s20, $0xb8;
	[tilespmem:$0x1A1B8] =	vst v63  }
0x1c6: {  	_ =	swait.ge [sflag:s29], $0x4000  }
0x1c7: {  	[sflag:s29] =	ssyncset.done $0x0  }
0x1c8: {  	s5 =	simm.s32 $0xA000;
	s18 =	rddreg [dreg:$0x1d];
	[sflag:s29] =	ssyncadd.s32 $0xFFFFC000  }
0x1c9: {  	[hbm4b:s18+s3] =	stream.linear.scatter [tilespmem:s5], [sflag:$0x10], $0x4000, $0x38;
	[tilespmem:$0x1A1B8] =	vst v63  }
0x1ca: {  	s17 =	simm.s32 $0x1D00;
	s16 =	rddreg [dreg:$0x1e];
	s5 =	simm.s32 $0x13  }
0x1cb: {  	[tilespmem:s17], [sflag:$0x4] =	stream.linear.gather [hbm4b:s16+s3], $0x80, $0x38;
	[tilespmem:$0x1A1B8] =	vst v63  }
0x1cc: {  	_ =	swait.ge [sflag:s5], $0x4000  }
0x1cd: {  	[sflag:s5] =	ssyncset.done $0x0  }
0x1ce: {  	[sflag:s5] =	ssyncadd.s32 $0xFFFFC000  }
0x1cf: {  	_ =	swait.ge [sflag:s31], $0x80  }
0x1d0: {  	[sflag:s31] =	ssyncset.done $0x0  }
0x1d1: {  	s18 =	simm.s32 $0x1E80;
	s17 =	simm.s32 $0x16000;
	[sflag:s31] =	ssyncadd.s32 $0xFFFFFF80  }
0x1d2: {  	[tilespmem:s17], [sflag:$0xD] =	stream.indirect.gather [spmem:s15], $0x80, s18, s20, $0xb8;
	[tilespmem:$0x1A1B8] =	vst v63  }
0x1d3: {  	_ =	swait.ge [sflag:s0], $0x4000  }
0x1d4: {  	s11 =	rddreg [dreg:$0x1f];
	[sflag:s0] =	ssyncset.done $0x0  }
0x1d5: {  	s14 =	simm.s32 $0xE000;
	s18 =	sld [smem:$0x7E5];
	[sflag:s0] =	ssyncadd.s32 $0xFFFFC000  }
0x1d6: {  	[hbm4b:s11+s3] =	stream.linear.scatter [tilespmem:s14], [sflag:$0x11], $0x4000, $0x38;
	[tilespmem:$0x1A1B8] =	vst v63  }
0x1d7: {  	s26 =	simm.s32 $0x1D80  }
0x1d8: {  	[tilespmem:s26], [sflag:$0x5] =	stream.linear.gather [hbm4b:s18+s3], $0x80, $0x38;
	[tilespmem:$0x1A1B8] =	vst v63  }
0x1d9: {  	_ =	swait.ge [sflag:s2], $0x4000  }
0x1da: {  	[sflag:s2] =	ssyncset.done $0x0  }
0x1db: {  	[sflag:s2] =	ssyncadd.s32 $0xFFFFC000  }
0x1dc: {  	_ =	swait.ge [sflag:s21], $0x80  }
0x1dd: {  	[sflag:s21] =	ssyncset.done $0x0  }
0x1de: {  	s30 =	simm.s32 $0x2000;
	s14 =	simm.s32 $0x1C00;
	[sflag:s21] =	ssyncadd.s32 $0xFFFFFF80  }
0x1df: {  	[tilespmem:s30], [sflag:$0x8] =	stream.indirect.gather [spmem:s15], $0x80, s14, s20, $0xb8;
	[tilespmem:$0x1A1B8] =	vst v63  }
0x1e0: {  	_ =	swait.ge [sflag:s12], $0x4000  }
0x1e1: {  	s18 =	sld [smem:$0x7E6]  }
0x1e2: {  	[sflag:s12] =	ssyncset.done $0x0  }
0x1e3: {  	s6 =	simm.s32 $0x12000;
	s14 =	sld [smem:$0x7E7];
	[sflag:s12] =	ssyncadd.s32 $0xFFFFC000  }
0x1e4: {  	[hbm4b:s18+s3] =	stream.linear.scatter [tilespmem:s6], [sflag:$0x12], $0x4000, $0x38;
	[tilespmem:$0x1A1B8] =	vst v63  }
0x1e5: {  	s23 =	simm.s32 $0x1E00  }
0x1e6: {  	[tilespmem:s23], [sflag:$0x6] =	stream.linear.gather [hbm4b:s14+s3], $0x80, $0x38;
	[tilespmem:$0x1A1B8] =	vst v63  }
0x1e7: {  	_ =	swait.ge [sflag:s13], $0x4000  }
0x1e8: {  	[sflag:s13] =	ssyncset.done $0x0  }
0x1e9: {  	[sflag:s13] =	ssyncadd.s32 $0xFFFFC000  }
0x1ea: {  	_ =	swait.ge [sflag:s19], $0x80  }
0x1eb: {  	[sflag:s19] =	ssyncset.done $0x0  }
0x1ec: {  	s23 =	simm.s32 $0x6000;
	s14 =	simm.s32 $0x1C80;
	[sflag:s19] =	ssyncadd.s32 $0xFFFFFF80  }
0x1ed: {  	[tilespmem:s23], [sflag:$0x9] =	stream.indirect.gather [spmem:s15], $0x80, s14, s20, $0xb8;
	[tilespmem:$0x1A1B8] =	vst v63  }
0x1ee: {  	_ =	swait.ge [sflag:s7], $0x4000  }
0x1ef: {  	s18 =	sld [smem:$0x7E8]  }
0x1f0: {  	[sflag:s7] =	ssyncset.done $0x0  }
0x1f1: {  	s16 =	simm.s32 $0x16000;
	s14 =	sld [smem:$0x7E9];
	[sflag:s7] =	ssyncadd.s32 $0xFFFFC000  }
0x1f2: {  	[hbm4b:s18+s3] =	stream.linear.scatter [tilespmem:s16], [sflag:$0x13], $0x4000, $0x38;
	[tilespmem:$0x1A1B8] =	vst v63  }
0x1f3: {  	s17 =	simm.s32 $0x1E80  }
0x1f4: {  	[tilespmem:s17], [sflag:$0x7] =	stream.linear.gather [hbm4b:s14+s3], $0x80, $0x38;
	[tilespmem:$0x1A1B8] =	vst v63  }
0x1f5: {  	_ =	swait.ge [sflag:s8], $0x4000  }
0x1f6: {  	[sflag:s8] =	ssyncset.done $0x0  }
0x1f7: {  	[sflag:s8] =	ssyncadd.s32 $0xFFFFC000  }
0x1f8: {  	_ =	swait.ge [sflag:s22], $0x80  }
0x1f9: {  	[sflag:s22] =	ssyncset.done $0x0  }
0x1fa: {  	s18 =	simm.s32 $0x1D00;
	s14 =	simm.s32 $0xA000;
	[sflag:s22] =	ssyncadd.s32 $0xFFFFFF80  }
0x1fb: {  	[tilespmem:s14], [sflag:$0xA] =	stream.indirect.gather [spmem:s15], $0x80, s18, s20, $0xb8;
	[tilespmem:$0x1A1B8] =	vst v63  }
0x1fc: {  	_ =	swait.ge [sflag:s1], $0x4000  }
0x1fd: {  	s16 =	sld [smem:$0x7EA]  }
0x1fe: {  	[sflag:s1] =	ssyncset.done $0x0  }
0x1ff: {  	s30 =	simm.s32 $0x2000;
	s17 =	sld [smem:$0x7EB];
	[sflag:s1] =	ssyncadd.s32 $0xFFFFC000  }
0x200: {  	[hbm4b:s16+s3] =	stream.linear.scatter [tilespmem:s30], [sflag:$0xE], $0x4000, $0x38;
	[tilespmem:$0x1A1B8] =	vst v63  }
0x201: {  	s26 =	simm.s32 $0x1C00  }
0x202: {  	[tilespmem:s26], [sflag:$0x2] =	stream.linear.gather [hbm4b:s17+s3], $0x80, $0x38;
	[tilespmem:$0x1A1B8] =	vst v63  }
0x203: {  	_ =	swait.ge [sflag:s9], $0x4000  }
0x204: {  	[sflag:s9] =	ssyncset.done $0x0  }
0x205: {  	[sflag:s9] =	ssyncadd.s32 $0xFFFFC000  }
0x206: {  	_ =	swait.ge [sflag:s24], $0x80  }
0x207: {  	[sflag:s24] =	ssyncset.done $0x0  }
0x208: {  	s16 =	simm.s32 $0xE000;
	s17 =	simm.s32 $0x1D80;
	[sflag:s24] =	ssyncadd.s32 $0xFFFFFF80  }
0x209: {  	[tilespmem:s16], [sflag:$0xB] =	stream.indirect.gather [spmem:s15], $0x80, s17, s20, $0xb8;
	[tilespmem:$0x1A1B8] =	vst v63  }
0x20a: {  	_ =	swait.ge [sflag:s25], $0x4000  }
0x20b: {  	s18 =	sld [smem:$0x7EC]  }
0x20c: {  	[sflag:s25] =	ssyncset.done $0x0  }
0x20d: {  	s30 =	sld [smem:$0x7ED];
	[sflag:s25] =	ssyncadd.s32 $0xFFFFC000  }
0x20e: {  	[hbm4b:s18+s3] =	stream.linear.scatter [tilespmem:s23], [sflag:$0xF], $0x4000, $0x38;
	[tilespmem:$0x1A1B8] =	vst v63  }
0x20f: {  	s6 =	simm.s32 $0x1C80  }
0x210: {  	[tilespmem:s6], [sflag:$0x3] =	stream.linear.gather [hbm4b:s30+s3], $0x80, $0x38;
	[tilespmem:$0x1A1B8] =	vst v63  }
0x211: {  	_ =	swait.ge [sflag:s10], $0x4000  }
0x212: {  	[sflag:s10] =	ssyncset.done $0x0  }
0x213: {  	[sflag:s10] =	ssyncadd.s32 $0xFFFFC000  }
0x214: {  	_ =	swait.ge [sflag:s28], $0x80  }
0x215: {  	[sflag:s28] =	ssyncset.done $0x0  }
0x216: {  	s11 =	simm.s32 $0x12000;
	s17 =	simm.s32 $0x1E00;
	[sflag:s28] =	ssyncadd.s32 $0xFFFFFF80  }
0x217: {  	[tilespmem:s11], [sflag:$0xC] =	stream.indirect.gather [spmem:s15], $0x80, s17, s20, $0xb8;
	[tilespmem:$0x1A1B8] =	vst v63  }
0x218: {  	_ =	swait.ge [sflag:s29], $0x4000  }
0x219: {  	s18 =	sld [smem:$0x7EE]  }
0x21a: {  	[sflag:s29] =	ssyncset.done $0x0  }
0x21b: {  	s23 =	sld [smem:$0x7EF];
	[sflag:s29] =	ssyncadd.s32 $0xFFFFC000  }
0x21c: {  	[hbm4b:s18+s3] =	stream.linear.scatter [tilespmem:s14], [sflag:$0x10], $0x4000, $0x38;
	[tilespmem:$0x1A1B8] =	vst v63  }
0x21d: {  	s30 =	simm.s32 $0x1D00  }
0x21e: {  	[tilespmem:s30], [sflag:$0x4] =	stream.linear.gather [hbm4b:s23+s3], $0x80, $0x38;
	[tilespmem:$0x1A1B8] =	vst v63  }
0x21f: {  	_ =	swait.ge [sflag:s5], $0x4000  }
0x220: {  	[sflag:s5] =	ssyncset.done $0x0  }
0x221: {  	[sflag:s5] =	ssyncadd.s32 $0xFFFFC000  }
0x222: {  	_ =	swait.ge [sflag:s31], $0x80  }
0x223: {  	[sflag:s31] =	ssyncset.done $0x0  }
0x224: {  	s14 =	simm.s32 $0x1E80;
	s30 =	simm.s32 $0x16000;
	[sflag:s31] =	ssyncadd.s32 $0xFFFFFF80  }
0x225: {  	[tilespmem:s30], [sflag:$0xD] =	stream.indirect.gather [spmem:s15], $0x80, s14, s20, $0xb8;
	[tilespmem:$0x1A1B8] =	vst v63  }
0x226: {  	_ =	swait.ge [sflag:s0], $0x4000  }
0x227: {  	s18 =	sld [smem:$0x7F0]  }
0x228: {  	[sflag:s0] =	ssyncset.done $0x0  }
0x229: {  	s26 =	simm.s32 $0xE000;
	s23 =	sld [smem:$0x7F1];
	[sflag:s0] =	ssyncadd.s32 $0xFFFFC000  }
0x22a: {  	[hbm4b:s18+s3] =	stream.linear.scatter [tilespmem:s26], [sflag:$0x11], $0x4000, $0x38;
	[tilespmem:$0x1A1B8] =	vst v63  }
0x22b: {  	s16 =	simm.s32 $0x1D80  }
0x22c: {  	[tilespmem:s16], [sflag:$0x5] =	stream.linear.gather [hbm4b:s23+s3], $0x80, $0x38;
	[tilespmem:$0x1A1B8] =	vst v63  }
0x22d: {  	_ =	swait.ge [sflag:s2], $0x4000  }
0x22e: {  	[sflag:s2] =	ssyncset.done $0x0  }
0x22f: {  	[sflag:s2] =	ssyncadd.s32 $0xFFFFC000  }
0x230: {  	_ =	swait.ge [sflag:s21], $0x80  }
0x231: {  	[sflag:s21] =	ssyncset.done $0x0  }
0x232: {  	s26 =	simm.s32 $0x2000;
	s23 =	simm.s32 $0x1C00;
	[sflag:s21] =	ssyncadd.s32 $0xFFFFFF80  }
0x233: {  	[tilespmem:s26], [sflag:$0x8] =	stream.indirect.gather [spmem:s15], $0x80, s23, s20, $0xb8;
	[tilespmem:$0x1A1B8] =	vst v63  }
0x234: {  	_ =	swait.ge [sflag:s12], $0x4000  }
0x235: {  	s11 =	sld [smem:$0x7F2]  }
0x236: {  	[sflag:s12] =	ssyncset.done $0x0  }
0x237: {  	s6 =	simm.s32 $0x12000;
	s18 =	sld [smem:$0x7F3];
	[sflag:s12] =	ssyncadd.s32 $0xFFFFC000  }
0x238: {  	[hbm4b:s11+s3] =	stream.linear.scatter [tilespmem:s6], [sflag:$0x12], $0x4000, $0x38;
	[tilespmem:$0x1A1B8] =	vst v63  }
0x239: {  	s17 =	simm.s32 $0x1E00  }
0x23a: {  	[tilespmem:s17], [sflag:$0x6] =	stream.linear.gather [hbm4b:s18+s3], $0x80, $0x38;
	[tilespmem:$0x1A1B8] =	vst v63  }
0x23b: {  	_ =	swait.ge [sflag:s13], $0x4000  }
0x23c: {  	[sflag:s13] =	ssyncset.done $0x0  }
0x23d: {  	[sflag:s13] =	ssyncadd.s32 $0xFFFFC000  }
0x23e: {  	_ =	swait.ge [sflag:s19], $0x80  }
0x23f: {  	[sflag:s19] =	ssyncset.done $0x0  }
0x240: {  	s6 =	simm.s32 $0x6000;
	s17 =	simm.s32 $0x1C80;
	[sflag:s19] =	ssyncadd.s32 $0xFFFFFF80  }
0x241: {  	[tilespmem:s6], [sflag:$0x9] =	stream.indirect.gather [spmem:s15], $0x80, s17, s20, $0xb8;
	[tilespmem:$0x1A1B8] =	vst v63  }
0x242: {  	_ =	swait.ge [sflag:s7], $0x4000  }
0x243: {  	s18 =	sld [smem:$0x7F4]  }
0x244: {  	[sflag:s7] =	ssyncset.done $0x0  }
0x245: {  	s19 =	sld [smem:$0x7F5];
	[sflag:s7] =	ssyncadd.s32 $0xFFFFC000  }
0x246: {  	[hbm4b:s18+s3] =	stream.linear.scatter [tilespmem:s30], [sflag:$0x13], $0x4000, $0x38;
	[tilespmem:$0x1A1B8] =	vst v63  }
0x247: {  	s14 =	simm.s32 $0x1E80  }
0x248: {  	[tilespmem:s14], [sflag:$0x7] =	stream.linear.gather [hbm4b:s19+s3], $0x80, $0x38;
	[tilespmem:$0x1A1B8] =	vst v63  }
0x249: {  	_ =	swait.ge [sflag:s8], $0x4000  }
0x24a: {  	[sflag:s8] =	ssyncset.done $0x0  }
0x24b: {  	[sflag:s8] =	ssyncadd.s32 $0xFFFFC000  }
0x24c: {  	_ =	swait.ge [sflag:s22], $0x80  }
0x24d: {  	[sflag:s22] =	ssyncset.done $0x0  }
0x24e: {  	s17 =	simm.s32 $0x1D00;
	s14 =	simm.s32 $0xA000;
	[sflag:s22] =	ssyncadd.s32 $0xFFFFFF80  }
0x24f: {  	[tilespmem:s14], [sflag:$0xA] =	stream.indirect.gather [spmem:s15], $0x80, s17, s20, $0xb8;
	[tilespmem:$0x1A1B8] =	vst v63  }
0x250: {  	_ =	swait.ge [sflag:s1], $0x4000  }
0x251: {  	s18 =	sld [smem:$0x7F6]  }
0x252: {  	[sflag:s1] =	ssyncset.done $0x0  }
0x253: {  	s30 =	sld [smem:$0x7F7];
	[sflag:s1] =	ssyncadd.s32 $0xFFFFC000  }
0x254: {  	[hbm4b:s18+s3] =	stream.linear.scatter [tilespmem:s26], [sflag:$0xE], $0x4000, $0x38;
	[tilespmem:$0x1A1B8] =	vst v63  }
0x255: {  	s23 =	simm.s32 $0x1C00  }
0x256: {  	[tilespmem:s23], [sflag:$0x2] =	stream.linear.gather [hbm4b:s30+s3], $0x80, $0x38;
	[tilespmem:$0x1A1B8] =	vst v63  }
0x257: {  	_ =	swait.ge [sflag:s9], $0x4000  }
0x258: {  	[sflag:s9] =	ssyncset.done $0x0  }
0x259: {  	[sflag:s9] =	ssyncadd.s32 $0xFFFFC000  }
0x25a: {  	_ =	swait.ge [sflag:s24], $0x80  }
0x25b: {  	[sflag:s24] =	ssyncset.done $0x0  }
0x25c: {  	s16 =	simm.s32 $0x1D80;
	s17 =	simm.s32 $0xE000;
	[sflag:s24] =	ssyncadd.s32 $0xFFFFFF80  }
0x25d: {  	[tilespmem:s17], [sflag:$0xB] =	stream.indirect.gather [spmem:s15], $0x80, s16, s20, $0xb8;
	[tilespmem:$0x1A1B8] =	vst v63  }
0x25e: {  	_ =	swait.ge [sflag:s25], $0x4000  }
0x25f: {  	s16 =	sld [smem:$0x7F8]  }
0x260: {  	[sflag:s25] =	ssyncset.done $0x0  }
0x261: {  	[sflag:s25] =	ssyncadd.s32 $0xFFFFC000  }
0x262: {  	[hbm4b:s16+s3] =	stream.linear.scatter [tilespmem:s6], [sflag:$0xF], $0x4000, $0x38;
	[tilespmem:$0x1A1B8] =	vst v63  }
0x263: {  	_ =	swait.ge [sflag:s10], $0x4000  }
0x264: {  	[sflag:s10] =	ssyncset.done $0x0  }
0x265: {  	[sflag:s10] =	ssyncadd.s32 $0xFFFFC000  }
0x266: {  	_ =	swait.ge [sflag:s28], $0x80  }
0x267: {  	[sflag:s28] =	ssyncset.done $0x0  }
0x268: {  	s18 =	simm.s32 $0x1E00;
	s16 =	simm.s32 $0x12000;
	[sflag:s28] =	ssyncadd.s32 $0xFFFFFF80  }
0x269: {  	[tilespmem:s16], [sflag:$0xC] =	stream.indirect.gather [spmem:s15], $0x80, s18, s20, $0xb8;
	[tilespmem:$0x1A1B8] =	vst v63  }
0x26a: {  	_ =	swait.ge [sflag:s29], $0x4000  }
0x26b: {  	s26 =	sld [smem:$0x7F9]  }
0x26c: {  	[sflag:s29] =	ssyncset.done $0x0  }
0x26d: {  	s14 =	simm.s32 $0xA000;
	[sflag:s29] =	ssyncadd.s32 $0xFFFFC000  }
0x26e: {  	[hbm4b:s26+s3] =	stream.linear.scatter [tilespmem:s14], [sflag:$0x10], $0x4000, $0x38;
	[tilespmem:$0x1A1B8] =	vst v63  }
0x26f: {  	_ =	swait.ge [sflag:s5], $0x4000  }
0x270: {  	[sflag:s5] =	ssyncset.done $0x0  }
0x271: {  	[sflag:s5] =	ssyncadd.s32 $0xFFFFC000  }
0x272: {  	_ =	swait.ge [sflag:s31], $0x80  }
0x273: {  	[sflag:s31] =	ssyncset.done $0x0  }
0x274: {  	s19 =	simm.s32 $0x1E80;
	s30 =	simm.s32 $0x16000;
	[sflag:s31] =	ssyncadd.s32 $0xFFFFFF80  }
0x275: {  	[tilespmem:s30], [sflag:$0xD] =	stream.indirect.gather [spmem:s15], $0x80, s19, s20, $0xb8;
	[tilespmem:$0x1A1B8] =	vst v63  }
0x276: {  	_ =	swait.ge [sflag:s0], $0x4000  }
0x277: {  	s6 =	sld [smem:$0x7FA]  }
0x278: {  	[sflag:s0] =	ssyncset.done $0x0  }
0x279: {  	[sflag:s0] =	ssyncadd.s32 $0xFFFFC000  }
0x27a: {  	[hbm4b:s6+s3] =	stream.linear.scatter [tilespmem:s17], [sflag:$0x11], $0x4000, $0x38;
	[tilespmem:$0x1A1B8] =	vst v63  }
0x27b: {  	s18 =	sld [smem:$0x7E4];
	_ =	swait.ge [sflag:s2], $0x4000  }
0x27c: {  	[sflag:s2] =	ssyncset.done $0x0  }
0x27d: {  	[sflag:s2] =	ssyncadd.s32 $0xFFFFC000  }
0x27e: {  	_ =	swait.ge [sflag:s21], $0x80  }
0x27f: {  	[sflag:s21] =	ssyncset.done $0x0  }
0x280: {  	s19 =	simm.s32 $0x2000;
	[sflag:s21] =	ssyncadd.s32 $0xFFFFFF80  }
0x281: {  	[tilespmem:s19], [sflag:$0x8] =	stream.indirect.gather [spmem:s15], $0x80, s23, s20, $0xb8;
	[tilespmem:$0x1A1B8] =	vst v63  }
0x282: {  	_ =	swait.ge [sflag:s12], $0x4000  }
0x283: {  	s23 =	sld [smem:$0x7FB]  }
0x284: {  	[sflag:s12] =	ssyncset.done $0x0  }
0x285: {  	[sflag:s12] =	ssyncadd.s32 $0xFFFFC000  }
0x286: {  	[hbm4b:s23+s3] =	stream.linear.scatter [tilespmem:s16], [sflag:$0x12], $0x4000, $0x38;
	[tilespmem:$0x1A1B8] =	vst v63  }
0x287: {  	_ =	swait.ge [sflag:s7], $0x4000  }
0x288: {  	s26 =	sld [smem:$0x7FC]  }
0x289: {  	[sflag:s7] =	ssyncset.done $0x0  }
0x28a: {  	[sflag:s7] =	ssyncadd.s32 $0xFFFFC000  }
0x28b: {  	[hbm4b:s26+s3] =	stream.linear.scatter [tilespmem:s30], [sflag:$0x13], $0x4000, $0x38;
	[tilespmem:$0x1A1B8] =	vst v63  }
0x28c: {  	_ =	swait.ge [sflag:s1], $0x4000  }
0x28d: {  	s30 =	sld [smem:$0x7FD]  }
0x28e: {  	[sflag:s1] =	ssyncset.done $0x0  }
0x28f: {  	[sflag:s1] =	ssyncadd.s32 $0xFFFFC000  }
0x290: {  	[hbm4b:s30+s3] =	stream.linear.scatter [tilespmem:s19], [sflag:$0xE], $0x4000, $0x38;
	[tilespmem:$0x1A1B8] =	vst v63  }
0x291: {  	_ =	swait.ge [sflag:s13], $0x4000  }
0x292: {  	[sflag:s13] =	ssyncset.done $0x0  }
0x293: {  	[sflag:s13] =	ssyncadd.s32 $0xFFFFC000  }
0x294: {  	_ =	swait.ge [sflag:s8], $0x4000  }
0x295: {  	[sflag:s8] =	ssyncset.done $0x0  }
0x296: {  	[sflag:s8] =	ssyncadd.s32 $0xFFFFC000  }
0x297: {  	_ =	swait.ge [sflag:s9], $0x4000  }
0x298: {  	[sflag:s9] =	ssyncset.done $0x0  }
0x299: {  	[sflag:s9] =	ssyncadd.s32 $0xFFFFC000  }
0x29a: {  	_ =	swait.ge [sflag:s10], $0x4000  }
0x29b: {  	[sflag:s10] =	ssyncset.done $0x0  }
0x29c: {  	[sflag:s10] =	ssyncadd.s32 $0xFFFFC000  }
0x29d: {  	p0 =	sne.s32 s18, $0x1;
	_ =	swait.ge [sflag:s5], $0x4000  }
.Ltmp0:
0x29e: {  	[sflag:s5] =	ssyncset.done $0x0;
	(pc) =	sbr.rel @p0 .LBB2_1-.Ltmp0, $4  }
0x29f: {  	[sflag:s5] =	ssyncadd.s32 $0xFFFFC000  }
0x2a0: {  	_ =	swait.ge [sflag:s2], $0x4000  }
0x2a1: {  	[sflag:s2] =	ssyncset.done $0x0  }
0x2a2: {  	s0 =	sadd.s32 $0xFFFFFFFF, s18;
	[sflag:s2] =	ssyncadd.s32 $0xFFFFC000  }
0x2a3: {  	_ =	sfence.sel $0x180000  }
0x2a4: {  	[bflag:$0x0] =	sbarrier.arrive $0xFFFF  }
0x2a5: {  	_ =	strace $0x90000047  }
0x2a6: {  	s0 =	stileid.u32;
	[bflag:$0x2] =	sbarrier.arrive $0xFFFF  }
0x2a7: {  	p0 =	sne.s32 s0, $0x0;
	s0 =	rddreg [dreg:$0x4]  }
0x2a8: {  	s0 =	sadd.s32 @!p0 $0x100000, s0  }
0x2a9: {  	[sflag:s0] =	ssyncadd.tile.s32 @!p0 $0x1;
	_ =	shalt  }
.Lfunc_end2:
_tile_overlayer_lowered:
.L_overlay_start_2:
0x2aa: {  	(tag) =	ssettag $0x2  }
0x2ab: {  	s0 =	rddreg [dreg:$0x0];
	s2 =	stileid.u32  }
0x2ac: {  	s1 =	rddreg [dreg:$0x1];
	p0 =	sne.s32 s2, $0x0  }
0x2ad: {  	s3 =	rddreg [dreg:$0x2];
	[bflag:$0x3] =	sbarrier.arrive $0xFFFF;
	s2 =	simm.s32 @!p0 $0x1C14  }
0x2ae: {  	[timem:s3], [sflag:s2] =	dma.local @!p0 [hbm:s0], s1  }
0x2af: {  	s0 =	simm.s32 @!p0 $0x14  }
0x2b0: {  	_ =	swait.ge @!p0 [sflag:s0], s1  }
0x2b1: {  	s1 =	ssub.s32 @!p0 $0x0, s1;
	[sflag:s0] =	ssyncset.done @!p0 $0x0  }
0x2b2: {  	[sflag:s0] =	ssyncadd.s32 @!p0 s1  }
0x2b3: {  	[bflag:$0x3] =	sbarrier.arrive $0xFFFF  }
0x2b4: {  	_ =	shalt  }

</sc_bundles>
